<compile_context>
chip_gen: v7x
topology: tpu7x:2x2x1
jax: 0.10.2.dev20260603
libtpu: 0.0.44.dev20260713+nightly
codegen_flags: <defaults>
</compile_context>

<pallas_src>
import jax
import jax.numpy as jnp
from jax import lax
from jax.experimental import pallas as pl
from jax.experimental.pallas import tpu as pltpu
from jax.experimental.pallas import tpu_sc as plsc

H = 128
HP = H // 2
N_NODES = 10000
N_EDGES = 320000

NC = 2
NS = 16
NW = NC * NS
EPT = N_EDGES // NW
SUB = 80
CH = 160
NCH = EPT // CH
TAIL = EPT - NCH * CH
ACC_R = 10240
RPT = ACC_R // NS


def _scg_body(snd_hbm, rcv_hbm, ta_hbm, tb_hbm, g_hbm,
              idx_s, idx_r, rows_a, rows_b, rows_g, sem_a, sem_b, sem_w,
              sem_is, sem_ir):
    cid = lax.axis_index("c")
    sid = lax.axis_index("s")
    base = (cid * NS + sid) * EPT

    def issue_idx(i, p):
        off = pl.multiple_of(base + i * CH, 16)
        for k in range(2):
            pltpu.async_copy(snd_hbm.at[pl.ds(off + k * SUB, SUB)],
                             idx_s.at[p, k], sem_is.at[p])
            pltpu.async_copy(rcv_hbm.at[pl.ds(off + k * SUB, SUB)],
                             idx_r.at[p, k], sem_ir.at[p])

    def wait_idx(p):
        for k in range(2):
            pltpu.make_async_copy(snd_hbm.at[pl.ds(0, SUB)], idx_s.at[p, k],
                                  sem_is.at[p]).wait()
            pltpu.make_async_copy(rcv_hbm.at[pl.ds(0, SUB)], idx_r.at[p, k],
                                  sem_ir.at[p]).wait()

    def issue(i, p, b):
        for k in range(2):
            sl = pl.ds(k * SUB, SUB)
            pltpu.async_copy(ta_hbm.at[idx_s.at[p, k]], rows_a.at[b, sl],
                             sem_a.at[b])
            pltpu.async_copy(tb_hbm.at[idx_r.at[p, k]], rows_b.at[b, sl],
                             sem_b.at[b])

    def wait_in(b):
        for k in range(2):
            sl = pl.ds(k * SUB, SUB)
            pltpu.make_async_copy(ta_hbm.at[pl.ds(0, SUB)], rows_a.at[b, sl],
                                  sem_a.at[b]).wait()
            pltpu.make_async_copy(tb_hbm.at[pl.ds(0, SUB)], rows_b.at[b, sl],
                                  sem_b.at[b]).wait()

    def wait_w(b):
        pltpu.make_async_copy(rows_g.at[b], g_hbm.at[pl.ds(0, CH)],
                              sem_w.at[b]).wait()

    half = jnp.int32(0x8000)
    mask = jnp.int32(-65536)

    def add_rows(b, n):
        def add_row(r, c):
            for j in range(HP // 16):
                lo = (rows_a[b, r, pl.ds(j * 16, 16)]
                      + rows_b[b, r, pl.ds(j * 16, 16)])
                hi = (rows_a[b, r, pl.ds(j * 16 + 64, 16)]
                      + rows_b[b, r, pl.ds(j * 16 + 64, 16)])
                lo_i = lax.shift_right_logical(
                    lax.bitcast_convert_type(lo, jnp.int32) + half, 16)
                hi_i = (lax.bitcast_convert_type(hi, jnp.int32) + half) & mask
                rows_g[b, r, pl.ds(j * 16, 16)] = lo_i | hi_i
            return c

        lax.fori_loop(0, n, add_row, 0)

    issue_idx(0, 0)
    issue_idx(1, 1)
    wait_idx(0)
    issue(0, 0, 0)

    def step(s, carry):
        for b in range(2):
            i = s * 2 + b
            nb = 1 - b
            p1 = jnp.bitwise_and(i + 1, 3)
            p2 = jnp.bitwise_and(i + 2, 3)

            wait_in(b)

            @pl.when(i + 2 < NCH)
            def _():
                issue_idx(i + 2, p2)

            @pl.when(i + 1 < NCH)
            def _():
                wait_idx(p1)

                @pl.when(i >= 1)
                def _():
                    wait_w(nb)
                issue(i + 1, p1, nb)

            add_rows(b, CH)
            off = pl.multiple_of(base + i * CH, 16)
            pltpu.async_copy(rows_g.at[b], g_hbm.at[pl.ds(off, CH)],
                             sem_w.at[b])
        return carry

    lax.fori_loop(0, NCH // 2, step, 0)

    toff = pl.multiple_of(base + NCH * CH, 16)
    wait_w(0)
    pltpu.sync_copy(snd_hbm.at[pl.ds(toff, SUB)], idx_s.at[0, 0])
    pltpu.sync_copy(rcv_hbm.at[pl.ds(toff, SUB)], idx_r.at[0, 0])
    tsl = pl.ds(0, SUB)
    pltpu.async_copy(ta_hbm.at[idx_s.at[0, 0]], rows_a.at[0, tsl],
                     sem_a.at[0])
    pltpu.async_copy(tb_hbm.at[idx_r.at[0, 0]], rows_b.at[0, tsl],
                     sem_b.at[0])
    pltpu.make_async_copy(ta_hbm.at[pl.ds(0, SUB)], rows_a.at[0, tsl],
                          sem_a.at[0]).wait()
    pltpu.make_async_copy(tb_hbm.at[pl.ds(0, SUB)], rows_b.at[0, tsl],
                          sem_b.at[0]).wait()
    add_rows(0, TAIL)
    pltpu.sync_copy(rows_g.at[0, tsl], g_hbm.at[pl.ds(toff, SUB)])
    wait_w(1)


_sc_gather = pl.kernel(
    _scg_body,
    mesh=plsc.VectorSubcoreMesh(core_axis_name="c", subcore_axis_name="s"),
    out_type=[jax.ShapeDtypeStruct((N_EDGES, HP), jnp.int32)],
    scratch_types=[
        pltpu.VMEM((4, 2, SUB), jnp.int32),
        pltpu.VMEM((4, 2, SUB), jnp.int32),
        pltpu.VMEM((2, CH, H), jnp.float32),
        pltpu.VMEM((2, CH, H), jnp.float32),
        pltpu.VMEM((2, CH, HP), jnp.int32),
        pltpu.SemaphoreType.DMA((2,)),
        pltpu.SemaphoreType.DMA((2,)),
        pltpu.SemaphoreType.DMA((2,)),
        pltpu.SemaphoreType.DMA((4,)),
        pltpu.SemaphoreType.DMA((4,)),
    ],
)


def _scs_body(rcv_hbm, ef_hbm, zeros_hbm, acc_hbm,
              idx_r, ef_v, acc_sh, sem_e, sem_ir, sem_sc):
    cid = lax.axis_index("c")
    sid = lax.axis_index("s")
    base = (cid * NS + sid) * EPT
    arow = pl.multiple_of(sid * RPT, 8)

    def issue_idx(i, p):
        off = pl.multiple_of(base + i * CH, 16)
        for k in range(2):
            pltpu.async_copy(rcv_hbm.at[pl.ds(off + k * SUB, SUB)],
                             idx_r.at[p, k], sem_ir.at[p])

    def wait_idx(p):
        for k in range(2):
            pltpu.make_async_copy(rcv_hbm.at[pl.ds(0, SUB)], idx_r.at[p, k],
                                  sem_ir.at[p]).wait()

    def issue_ef(i, b):
        off = pl.multiple_of(base + i * CH, 16)
        pltpu.async_copy(ef_hbm.at[pl.ds(off, CH)], ef_v.at[b], sem_e.at[b])

    def wait_ef(b):
        pltpu.make_async_copy(ef_hbm.at[pl.ds(0, CH)], ef_v.at[b],
                              sem_e.at[b]).wait()

    def wait_sc(b):
        for k in range(2):
            pltpu.make_async_copy(ef_hbm.at[pl.ds(0, SUB)],
                                  ef_v.at[b, pl.ds(k * SUB, SUB)],
                                  sem_sc.at[b]).wait()

    issue_idx(0, 0)
    issue_idx(1, 1)
    issue_ef(0, 0)
    pltpu.sync_copy(zeros_hbm.at[pl.ds(arow, RPT)],
                    acc_sh.at[pl.ds(arow, RPT)])
    plsc.subcore_barrier()

    def step(s, carry):
        for b in range(2):
            i = s * 2 + b
            nb = 1 - b
            p = jnp.bitwise_and(i, 3)
            p2 = jnp.bitwise_and(i + 2, 3)

            wait_ef(b)
            wait_idx(p)
            for k in range(2):
                pltpu.async_copy(ef_v.at[b, pl.ds(k * SUB, SUB)],
                                 acc_sh.at[idx_r.at[p, k]],
                                 sem_sc.at[b], add=True)

            @pl.when(i + 2 < NCH)
            def _():
                issue_idx(i + 2, p2)

            @pl.when(i + 1 < NCH)
            def _():
                @pl.when(i >= 1)
                def _():
                    wait_sc(nb)
                issue_ef(i + 1, nb)
        return carry

    lax.fori_loop(0, NCH // 2, step, 0)

    toff = pl.multiple_of(base + NCH * CH, 16)
    wait_sc(0)
    pltpu.sync_copy(rcv_hbm.at[pl.ds(toff, SUB)], idx_r.at[0, 0])
    pltpu.sync_copy(ef_hbm.at[pl.ds(toff, SUB)], ef_v.at[0, pl.ds(0, SUB)])
    pltpu.sync_copy(ef_v.at[0, pl.ds(0, SUB)], acc_sh.at[idx_r.at[0, 0]],
                    add=True)
    wait_sc(1)

    plsc.subcore_barrier()
    pltpu.sync_copy(acc_sh.at[pl.ds(arow, RPT)],
                    acc_hbm.at[cid, pl.ds(arow, RPT)])


_sc_scatter = pl.kernel(
    _scs_body,
    mesh=plsc.VectorSubcoreMesh(core_axis_name="c", subcore_axis_name="s"),
    out_type=[jax.ShapeDtypeStruct((NC, ACC_R, H), jnp.float32)],
    scratch_types=[
        pltpu.VMEM((4, 2, SUB), jnp.int32),
        pltpu.VMEM((2, CH, H), jnp.float32),
        pltpu.VMEM_SHARED((ACC_R, H), jnp.float32),
        pltpu.SemaphoreType.DMA((2,)),
        pltpu.SemaphoreType.DMA((4,)),
        pltpu.SemaphoreType.DMA((2,)),
    ],
)


def _pre_body(nf_ref, wa_ref, wb_ref, a_ref, b_ref):
    x = nf_ref[...]
    a_ref[...] = jnp.dot(x, wa_ref[...], preferred_element_type=jnp.float32)
    b_ref[...] = jnp.dot(x, wb_ref[...], preferred_element_type=jnp.float32)


def _layer_norm(x, g, b):
    m = jnp.mean(x, axis=-1, keepdims=True)
    v = jnp.mean((x - m) * (x - m), axis=-1, keepdims=True)
    return (x - m) * lax.rsqrt(v + 1e-5) * g + b


def _edge_body(g_ref, ef_ref, w1_ref, b1_ref, w2_ref, b2_ref, ge_ref, be_ref,
               out_ref):
    gi = g_ref[...]
    gp = jnp.concatenate(
        [lax.bitcast_convert_type(gi << 16, jnp.float32),
         lax.bitcast_convert_type(gi & jnp.int32(-65536), jnp.float32)],
        axis=1)
    ef = ef_ref[...]
    h = (gp
         + jnp.dot(ef, w1_ref[...], preferred_element_type=jnp.float32))
    h = jnp.maximum(h + b1_ref[...], 0.0)
    eu = jnp.dot(h, w2_ref[...], preferred_element_type=jnp.float32) + b2_ref[...]
    out_ref[...] = ef + _layer_norm(eu, ge_ref[...], be_ref[...])


def _node_body(nf_ref, acc_ref, wa_ref, wb_ref, b1_ref, w2_ref, b2_ref,
               gn_ref, bn_ref, out_ref):
    nf = nf_ref[...]
    acc = (acc_ref[0] + acc_ref[1])[:N_NODES]
    h = (jnp.dot(nf, wa_ref[...], preferred_element_type=jnp.float32)
         + jnp.dot(acc, wb_ref[...], preferred_element_type=jnp.float32))
    h = jnp.maximum(h + b1_ref[...], 0.0)
    nu = jnp.dot(h, w2_ref[...], preferred_element_type=jnp.float32) + b2_ref[...]
    out_ref[...] = nf + _layer_norm(nu, gn_ref[...], bn_ref[...])


RE = 4000


def kernel(edge_idx, node_feats, edge_feats, W1e, b1e, W2e, b2e, ge, be,
           W1n, b1n, W2n, b2n, gn, bn):
    senders = edge_idx[:, 0]
    receivers = edge_idx[:, 1]
    zeros = jnp.zeros((ACC_R, H), jnp.float32)

    tab_a, tab_b = pl.pallas_call(
        _pre_body,
        out_shape=[jax.ShapeDtypeStruct((N_NODES, H), jnp.float32)] * 2,
    )(node_feats, W1e[:H], W1e[H:2 * H])

    (acc2,) = _sc_scatter(receivers, edge_feats, zeros)
    (g,) = _sc_gather(senders, receivers, tab_a, tab_b)

    row = lambda v: v.reshape(1, H)
    edge_out = pl.pallas_call(
        _edge_body,
        grid=(N_EDGES // RE,),
        in_specs=[
            pl.BlockSpec((RE, HP), lambda i: (i, 0)),
            pl.BlockSpec((RE, H), lambda i: (i, 0)),
            pl.BlockSpec((H, H), lambda i: (0, 0)),
            pl.BlockSpec((1, H), lambda i: (0, 0)),
            pl.BlockSpec((H, H), lambda i: (0, 0)),
            pl.BlockSpec((1, H), lambda i: (0, 0)),
            pl.BlockSpec((1, H), lambda i: (0, 0)),
            pl.BlockSpec((1, H), lambda i: (0, 0)),
        ],
        out_specs=pl.BlockSpec((RE, H), lambda i: (i, 0)),
        out_shape=jax.ShapeDtypeStruct((N_EDGES, H), jnp.float32),
    )(g, edge_feats, W1e[2 * H:], row(b1e), W2e, row(b2e), row(ge), row(be))

    node_out = pl.pallas_call(
        _node_body,
        out_shape=jax.ShapeDtypeStruct((N_NODES, H), jnp.float32),
    )(node_feats, acc2, W1n[:H], W1n[H:], row(b1n), W2n, row(b2n),
      row(gn), row(bn))

    return (node_out, edge_out)

# --- scband reference (transcript-rebuilt; emitter-appended) ---
"""Pipeline reference for scband-message-passing-56547539419271 (READ-ONLY COPY).

The authoritative reference and input builder live on the scoring server;
editing this copy changes nothing except your own understanding.
"""

import jax, jax.numpy as jnp
import numpy as np

HID = 128
N = 10000
E = 320000

def layer_norm(x, g, b, eps=1e-5):
    m = jnp.mean(x, axis=-1, keepdims=True)
    v = jnp.var(x, axis=-1, keepdims=True)
    return (x - m) / jnp.sqrt(v + eps) * g + b

def setup_inputs(seed: int = 0) -> dict:
    key = jax.random.key(seed)
    ks = jax.random.split(key, 12)
    edge_idx = jax.random.randint(ks[0], (E, 2), 0, N, dtype=jnp.int32)
    node_feats = jax.random.normal(ks[1], (N, HID), dtype=jnp.float32)
    edge_feats = jax.random.normal(ks[2], (E, HID), dtype=jnp.float32)
    W1e = jax.random.normal(ks[3], (3 * HID, HID), dtype=jnp.float32) * 0.05
    b1e = jnp.zeros((HID,), jnp.float32)
    W2e = jax.random.normal(ks[4], (HID, HID), dtype=jnp.float32) * 0.05
    b2e = jnp.zeros((HID,), jnp.float32)
    ge = jnp.ones((HID,), jnp.float32)
    be = jnp.zeros((HID,), jnp.float32)
    W1n = jax.random.normal(ks[5], (2 * HID, HID), dtype=jnp.float32) * 0.05
    b1n = jnp.zeros((HID,), jnp.float32)
    W2n = jax.random.normal(ks[6], (HID, HID), dtype=jnp.float32) * 0.05
    b2n = jnp.zeros((HID,), jnp.float32)
    gn = jnp.ones((HID,), jnp.float32)
    bn = jnp.zeros((HID,), jnp.float32)
    return {"edge_idx": edge_idx, "node_feats": node_feats, "edge_feats": edge_feats,
            "W1e": W1e, "b1e": b1e, "W2e": W2e, "b2e": b2e, "ge": ge, "be": be,
            "W1n": W1n, "b1n": b1n, "W2n": W2n, "b2n": b2n, "gn": gn, "bn": bn}

def reference(edge_idx, node_feats, edge_feats, W1e, b1e, W2e, b2e, ge, be, W1n, b1n, W2n, b2n, gn, bn):
    senders = edge_idx[:, 0]
    receivers = edge_idx[:, 1]
    edge_update = jnp.concatenate([node_feats[senders], node_feats[receivers], edge_feats], axis=-1)
    edge_update = jax.nn.relu(edge_update @ W1e + b1e) @ W2e + b2e
    edge_update = layer_norm(edge_update, ge, be)
    # Faithful to original: scatter-adds raw edge_feats (not edge_update)
    accumulate_edges = jnp.zeros((node_feats.shape[0], edge_feats.shape[1]), dtype=edge_feats.dtype)
    accumulate_edges = accumulate_edges.at[receivers].add(edge_feats)
    node_update = jnp.concatenate([node_feats, accumulate_edges], axis=-1)
    node_update = jax.nn.relu(node_update @ W1n + b1n) @ W2n + b2n
    node_update = layer_norm(node_update, gn, bn)
    edge_out = edge_feats + edge_update
    node_out = node_feats + node_update
    return (node_out, edge_out)

if __name__ == "__main__":
    import jax
    _d = setup_inputs()
    print(jax.jit(kernel)(*tuple(_d.values())))

</pallas_src>

<mosaic_0001>
#map = affine_map<(d0, d1) -> (0)>
#map1 = affine_map<(d0, d1) -> (0, 0)>
#map2 = affine_map<(d0, d1) -> (0, 0, 0)>
module attributes {stable_mosaic.version = 14 : i64} {
  func.func @_scs_body(%arg0: i32, %arg1: i32, %arg2: memref<320000xi32, #tpu.memory_space<hbm>>, %arg3: memref<320000x128xf32, #tpu.memory_space<hbm>>, %arg4: memref<10240x128xf32, #tpu.memory_space<hbm>>, %arg5: memref<2x10240x128xf32, #tpu.memory_space<hbm>>, %arg6: memref<4x2x80xi32, #tpu.memory_space<vmem>>, %arg7: memref<2x160x128xf32, #tpu.memory_space<vmem>>, %arg8: memref<10240x128xf32, #tpu.memory_space<vmem_shared>>, %arg9: memref<2x!tpu.dma_semaphore, #tpu.memory_space<semaphore_mem>>, %arg10: memref<4x!tpu.dma_semaphore, #tpu.memory_space<semaphore_mem>>, %arg11: memref<2x!tpu.dma_semaphore, #tpu.memory_space<semaphore_mem>>) attributes {dimension_semantics = [#tpu.dimension_semantics<core_parallel>, #tpu.dimension_semantics<subcore_parallel>], iteration_bounds = array<i64: 2, 16>, scalar_prefetch = 0 : i64, scratch_operands = 6 : i64, tpu.core_type = #tpu.core_type<sc_vector_subcore>, window_params = [{transform_indices = #map}, {transform_indices = #map1}, {transform_indices = #map1}, {transform_indices = #map2}]} {
    %mul3A = arith.constant 16 : i32
    %mul3A_0 = arith.muli %arg0, %mul3A : i32
    %add3A = arith.addi %mul3A_0, %arg1 : i32
    %mul3A_1 = arith.constant 10000 : i32
    %mul3A_2 = arith.muli %add3A, %mul3A_1 : i32
    %mul3A_3 = arith.constant 640 : i32
    %mul3A_4 = arith.muli %arg1, %mul3A_3 : i32
    %multiple_of3A = tpu.assume_multiple %mul3A_4, 8 : i32
    %add3A_5 = arith.constant 0 : i32
    %add3A_6 = arith.addi %mul3A_2, %add3A_5 : i32
    %multiple_of3A_7 = tpu.assume_multiple %add3A_6, 16 : i32
    %add3A_8 = arith.constant 0 : i32
    %add3A_9 = arith.addi %multiple_of3A_7, %add3A_8 : i32
    %dma_start3A = arith.constant 0 : i32
    %dma_start3A_10 = arith.constant 0 : i32
    %dma_start3A_11 = arith.constant 0 : i32
    %dma_start3A_12 = arith.constant 0 : i32
    %dma_start3A_13 = tpu.memref_slice %arg6[%dma_start3A, %dma_start3A_10, %dma_start3A_12] : memref<4x2x80xi32, #tpu.memory_space<vmem>> -> memref<1x1x80xi32, #tpu.memory_space<vmem>>
    %dma_start3A_14 = tpu.memref_squeeze %dma_start3A_13 : memref<1x1x80xi32, #tpu.memory_space<vmem>> -> memref<80xi32, #tpu.memory_space<vmem>>
    %dma_start3A_15 = tpu.memref_slice %arg2[%add3A_9] : memref<320000xi32, #tpu.memory_space<hbm>> -> memref<80xi32, #tpu.memory_space<hbm>>
    %dma_start3A_16 = tpu.memref_slice %arg10[%dma_start3A_11] : memref<4x!tpu.dma_semaphore, #tpu.memory_space<semaphore_mem>> -> memref<1x!tpu.dma_semaphore, #tpu.memory_space<semaphore_mem>>
    %dma_start3A_17 = tpu.memref_squeeze %dma_start3A_16 : memref<1x!tpu.dma_semaphore, #tpu.memory_space<semaphore_mem>> -> memref<!tpu.dma_semaphore, #tpu.memory_space<semaphore_mem>>
    %dma_start3A_18 = arith.constant 0 : i32
    %dma_start3A_19 = tpu.memref_slice %arg6[%dma_start3A, %dma_start3A_10, %dma_start3A_18] : memref<4x2x80xi32, #tpu.memory_space<vmem>> -> memref<1x1x80xi32, #tpu.memory_space<vmem>>
    %dma_start3A_20 = tpu.memref_squeeze %dma_start3A_19 : memref<1x1x80xi32, #tpu.memory_space<vmem>> -> memref<80xi32, #tpu.memory_space<vmem>>
    %dma_start3A_21 = tpu.memref_slice %arg2[%add3A_9] : memref<320000xi32, #tpu.memory_space<hbm>> -> memref<80xi32, #tpu.memory_space<hbm>>
    tpu.enqueue_dma source(%dma_start3A_21 : memref<80xi32, #tpu.memory_space<hbm>>) target(%dma_start3A_20 : memref<80xi32, #tpu.memory_space<vmem>>) target_semaphore(%dma_start3A_17 : memref<!tpu.dma_semaphore, #tpu.memory_space<semaphore_mem>>)
    %add3A_22 = arith.constant 80 : i32
    %add3A_23 = arith.addi %multiple_of3A_7, %add3A_22 : i32
    %dma_start3A_24 = arith.constant 0 : i32
    %dma_start3A_25 = arith.constant 1 : i32
    %dma_start3A_26 = arith.constant 0 : i32
    %dma_start3A_27 = arith.constant 0 : i32
    %dma_start3A_28 = tpu.memref_slice %arg6[%dma_start3A_24, %dma_start3A_25, %dma_start3A_27] : memref<4x2x80xi32, #tpu.memory_space<vmem>> -> memref<1x1x80xi32, #tpu.memory_space<vmem>>
    %dma_start3A_29 = tpu.memref_squeeze %dma_start3A_28 : memref<1x1x80xi32, #tpu.memory_space<vmem>> -> memref<80xi32, #tpu.memory_space<vmem>>
    %dma_start3A_30 = tpu.memref_slice %arg2[%add3A_23] : memref<320000xi32, #tpu.memory_space<hbm>> -> memref<80xi32, #tpu.memory_space<hbm>>
    %dma_start3A_31 = tpu.memref_slice %arg10[%dma_start3A_26] : memref<4x!tpu.dma_semaphore, #tpu.memory_space<semaphore_mem>> -> memref<1x!tpu.dma_semaphore, #tpu.memory_space<semaphore_mem>>
    %dma_start3A_32 = tpu.memref_squeeze %dma_start3A_31 : memref<1x!tpu.dma_semaphore, #tpu.memory_space<semaphore_mem>> -> memref<!tpu.dma_semaphore, #tpu.memory_space<semaphore_mem>>
    %dma_start3A_33 = arith.constant 0 : i32
    %dma_start3A_34 = tpu.memref_slice %arg6[%dma_start3A_24, %dma_start3A_25, %dma_start3A_33] : memref<4x2x80xi32, #tpu.memory_space<vmem>> -> memref<1x1x80xi32, #tpu.memory_space<vmem>>
    %dma_start3A_35 = tpu.memref_squeeze %dma_start3A_34 : memref<1x1x80xi32, #tpu.memory_space<vmem>> -> memref<80xi32, #tpu.memory_space<vmem>>
    %dma_start3A_36 = tpu.memref_slice %arg2[%add3A_23] : memref<320000xi32, #tpu.memory_space<hbm>> -> memref<80xi32, #tpu.memory_space<hbm>>
    tpu.enqueue_dma source(%dma_start3A_36 : memref<80xi32, #tpu.memory_space<hbm>>) target(%dma_start3A_35 : memref<80xi32, #tpu.memory_space<vmem>>) target_semaphore(%dma_start3A_32 : memref<!tpu.dma_semaphore, #tpu.memory_space<semaphore_mem>>)
    %add3A_37 = arith.constant 160 : i32
    %add3A_38 = arith.addi %mul3A_2, %add3A_37 : i32
    %multiple_of3A_39 = tpu.assume_multiple %add3A_38, 16 : i32
    %add3A_40 = arith.constant 0 : i32
    %add3A_41 = arith.addi %multiple_of3A_39, %add3A_40 : i32
    %dma_start3A_42 = arith.constant 1 : i32
    %dma_start3A_43 = arith.constant 0 : i32
    %dma_start3A_44 = arith.constant 1 : i32
    %dma_start3A_45 = arith.constant 0 : i32
    %dma_start3A_46 = tpu.memref_slice %arg6[%dma_start3A_42, %dma_start3A_43, %dma_start3A_45] : memref<4x2x80xi32, #tpu.memory_space<vmem>> -> memref<1x1x80xi32, #tpu.memory_space<vmem>>
    %dma_start3A_47 = tpu.memref_squeeze %dma_start3A_46 : memref<1x1x80xi32, #tpu.memory_space<vmem>> -> memref<80xi32, #tpu.memory_space<vmem>>
    %dma_start3A_48 = tpu.memref_slice %arg2[%add3A_41] : memref<320000xi32, #tpu.memory_space<hbm>> -> memref<80xi32, #tpu.memory_space<hbm>>
    %dma_start3A_49 = tpu.memref_slice %arg10[%dma_start3A_44] : memref<4x!tpu.dma_semaphore, #tpu.memory_space<semaphore_mem>> -> memref<1x!tpu.dma_semaphore, #tpu.memory_space<semaphore_mem>>
    %dma_start3A_50 = tpu.memref_squeeze %dma_start3A_49 : memref<1x!tpu.dma_semaphore, #tpu.memory_space<semaphore_mem>> -> memref<!tpu.dma_semaphore, #tpu.memory_space<semaphore_mem>>
    %dma_start3A_51 = arith.constant 0 : i32
    %dma_start3A_52 = tpu.memref_slice %arg6[%dma_start3A_42, %dma_start3A_43, %dma_start3A_51] : memref<4x2x80xi32, #tpu.memory_space<vmem>> -> memref<1x1x80xi32, #tpu.memory_space<vmem>>
    %dma_start3A_53 = tpu.memref_squeeze %dma_start3A_52 : memref<1x1x80xi32, #tpu.memory_space<vmem>> -> memref<80xi32, #tpu.memory_space<vmem>>
    %dma_start3A_54 = tpu.memref_slice %arg2[%add3A_41] : memref<320000xi32, #tpu.memory_space<hbm>> -> memref<80xi32, #tpu.memory_space<hbm>>
    tpu.enqueue_dma source(%dma_start3A_54 : memref<80xi32, #tpu.memory_space<hbm>>) target(%dma_start3A_53 : memref<80xi32, #tpu.memory_space<vmem>>) target_semaphore(%dma_start3A_50 : memref<!tpu.dma_semaphore, #tpu.memory_space<semaphore_mem>>)
    %add3A_55 = arith.constant 80 : i32
    %add3A_56 = arith.addi %multiple_of3A_39, %add3A_55 : i32
    %dma_start3A_57 = arith.constant 1 : i32
    %dma_start3A_58 = arith.constant 1 : i32
    %dma_start3A_59 = arith.constant 1 : i32
    %dma_start3A_60 = arith.constant 0 : i32
    %dma_start3A_61 = tpu.memref_slice %arg6[%dma_start3A_57, %dma_start3A_58, %dma_start3A_60] : memref<4x2x80xi32, #tpu.memory_space<vmem>> -> memref<1x1x80xi32, #tpu.memory_space<vmem>>
    %dma_start3A_62 = tpu.memref_squeeze %dma_start3A_61 : memref<1x1x80xi32, #tpu.memory_space<vmem>> -> memref<80xi32, #tpu.memory_space<vmem>>
    %dma_start3A_63 = tpu.memref_slice %arg2[%add3A_56] : memref<320000xi32, #tpu.memory_space<hbm>> -> memref<80xi32, #tpu.memory_space<hbm>>
    %dma_start3A_64 = tpu.memref_slice %arg10[%dma_start3A_59] : memref<4x!tpu.dma_semaphore, #tpu.memory_space<semaphore_mem>> -> memref<1x!tpu.dma_semaphore, #tpu.memory_space<semaphore_mem>>
    %dma_start3A_65 = tpu.memref_squeeze %dma_start3A_64 : memref<1x!tpu.dma_semaphore, #tpu.memory_space<semaphore_mem>> -> memref<!tpu.dma_semaphore, #tpu.memory_space<semaphore_mem>>
    %dma_start3A_66 = arith.constant 0 : i32
    %dma_start3A_67 = tpu.memref_slice %arg6[%dma_start3A_57, %dma_start3A_58, %dma_start3A_66] : memref<4x2x80xi32, #tpu.memory_space<vmem>> -> memref<1x1x80xi32, #tpu.memory_space<vmem>>
    %dma_start3A_68 = tpu.memref_squeeze %dma_start3A_67 : memref<1x1x80xi32, #tpu.memory_space<vmem>> -> memref<80xi32, #tpu.memory_space<vmem>>
    %dma_start3A_69 = tpu.memref_slice %arg2[%add3A_56] : memref<320000xi32, #tpu.memory_space<hbm>> -> memref<80xi32, #tpu.memory_space<hbm>>
    tpu.enqueue_dma source(%dma_start3A_69 : memref<80xi32, #tpu.memory_space<hbm>>) target(%dma_start3A_68 : memref<80xi32, #tpu.memory_space<vmem>>) target_semaphore(%dma_start3A_65 : memref<!tpu.dma_semaphore, #tpu.memory_space<semaphore_mem>>)
    %add3A_70 = arith.constant 0 : i32
    %add3A_71 = arith.addi %mul3A_2, %add3A_70 : i32
    %multiple_of3A_72 = tpu.assume_multiple %add3A_71, 16 : i32
    %dma_start3A_73 = arith.constant 0 : i32
    %dma_start3A_74 = arith.constant 0 : i32
    %dma_start3A_75 = arith.constant 0 : i32
    %dma_start3A_76 = arith.constant 0 : i32
    %dma_start3A_77 = tpu.memref_slice %arg7[%dma_start3A_73, %dma_start3A_75, %dma_start3A_76] : memref<2x160x128xf32, #tpu.memory_space<vmem>> -> memref<1x160x128xf32, #tpu.memory_space<vmem>>
    %dma_start3A_78 = tpu.memref_squeeze %dma_start3A_77 : memref<1x160x128xf32, #tpu.memory_space<vmem>> -> memref<160x128xf32, #tpu.memory_space<vmem>>
    %dma_start3A_79 = arith.constant 0 : i32
    %dma_start3A_80 = tpu.memref_slice %arg3[%multiple_of3A_72, %dma_start3A_79] : memref<320000x128xf32, #tpu.memory_space<hbm>> -> memref<160x128xf32, #tpu.memory_space<hbm>>
    %dma_start3A_81 = tpu.memref_slice %arg9[%dma_start3A_74] : memref<2x!tpu.dma_semaphore, #tpu.memory_space<semaphore_mem>> -> memref<1x!tpu.dma_semaphore, #tpu.memory_space<semaphore_mem>>
    %dma_start3A_82 = tpu.memref_squeeze %dma_start3A_81 : memref<1x!tpu.dma_semaphore, #tpu.memory_space<semaphore_mem>> -> memref<!tpu.dma_semaphore, #tpu.memory_space<semaphore_mem>>
    %dma_start3A_83 = arith.constant 0 : i32
    %dma_start3A_84 = arith.constant 0 : i32
    %dma_start3A_85 = tpu.memref_slice %arg7[%dma_start3A_73, %dma_start3A_83, %dma_start3A_84] : memref<2x160x128xf32, #tpu.memory_space<vmem>> -> memref<1x160x128xf32, #tpu.memory_space<vmem>>
    %dma_start3A_86 = tpu.memref_squeeze %dma_start3A_85 : memref<1x160x128xf32, #tpu.memory_space<vmem>> -> memref<160x128xf32, #tpu.memory_space<vmem>>
    %dma_start3A_87 = arith.constant 0 : i32
    %dma_start3A_88 = tpu.memref_slice %arg3[%multiple_of3A_72, %dma_start3A_87] : memref<320000x128xf32, #tpu.memory_space<hbm>> -> memref<160x128xf32, #tpu.memory_space<hbm>>
    tpu.enqueue_dma source(%dma_start3A_88 : memref<160x128xf32, #tpu.memory_space<hbm>>) target(%dma_start3A_86 : memref<160x128xf32, #tpu.memory_space<vmem>>) target_semaphore(%dma_start3A_82 : memref<!tpu.dma_semaphore, #tpu.memory_space<semaphore_mem>>)
    "tpu.region"() ({
      %run_scoped3A_174 = tpu.sem_alloc : memref<!tpu.dma_semaphore, #tpu.memory_space<semaphore_mem>>
      %dma_start3A_175 = arith.constant 0 : i32
      %dma_start3A_176 = tpu.memref_slice %arg8[%multiple_of3A, %dma_start3A_175] : memref<10240x128xf32, #tpu.memory_space<vmem_shared>> -> memref<640x128xf32, #tpu.memory_space<vmem_shared>>
      %dma_start3A_177 = arith.constant 0 : i32
      %dma_start3A_178 = tpu.memref_slice %arg4[%multiple_of3A, %dma_start3A_177] : memref<10240x128xf32, #tpu.memory_space<hbm>> -> memref<640x128xf32, #tpu.memory_space<hbm>>
      tpu.enqueue_dma source(%dma_start3A_178 : memref<640x128xf32, #tpu.memory_space<hbm>>) target(%dma_start3A_176 : memref<640x128xf32, #tpu.memory_space<vmem_shared>>) target_semaphore(%run_scoped3A_174 : memref<!tpu.dma_semaphore, #tpu.memory_space<semaphore_mem>>)
      %dma_wait3A_179 = arith.constant 0 : i32
      %dma_wait3A_180 = tpu.memref_slice %arg8[%multiple_of3A, %dma_wait3A_179] : memref<10240x128xf32, #tpu.memory_space<vmem_shared>> -> memref<640x128xf32, #tpu.memory_space<vmem_shared>>
      %dma_wait3A_181 = arith.constant 0 : i32
      %dma_wait3A_182 = tpu.memref_slice %arg4[%multiple_of3A, %dma_wait3A_181] : memref<10240x128xf32, #tpu.memory_space<hbm>> -> memref<640x128xf32, #tpu.memory_space<hbm>>
      tpu.wait_dma2 semaphore(%run_scoped3A_174 : memref<!tpu.dma_semaphore, #tpu.memory_space<semaphore_mem>>) src(%dma_wait3A_182 : memref<640x128xf32, #tpu.memory_space<hbm>>) dst(%dma_wait3A_180 : memref<640x128xf32, #tpu.memory_space<vmem_shared>>)
      tpu.yield
    }) : () -> ()
    %barrier3A = arith.constant 0 : index
    tpu.barrier barrier_id(%barrier3A)
    %scan3A = arith.constant 0 : i32
    %scan3A_89 = arith.constant 0 : i32
    %scan3A_90 = arith.constant 31 : i32
    %scan3A_91 = arith.addi %scan3A_89, %scan3A_90 : i32
    %scan3A_92 = arith.constant 1 : i32
    scf.for %scan3A_174 = %scan3A_89 to %scan3A_91 step %scan3A_92  : i32 {
      %mul3A_175 = arith.constant 2 : i32
      %mul3A_176 = arith.muli %scan3A_174, %mul3A_175 : i32
      %add3A_177 = arith.constant 0 : i32
      %add3A_178 = arith.addi %mul3A_176, %add3A_177 : i32
      %and3A = arith.constant 3 : i32
      %and3A_179 = arith.andi %add3A_178, %and3A : i32
      %add3A_180 = arith.constant 2 : i32
      %add3A_181 = arith.addi %add3A_178, %add3A_180 : i32
      %and3A_182 = arith.constant 3 : i32
      %and3A_183 = arith.andi %add3A_181, %and3A_182 : i32
      %dma_wait3A_184 = arith.constant 0 : i32
      %dma_wait3A_185 = arith.constant 0 : i32
      %dma_wait3A_186 = arith.constant 0 : i32
      %dma_wait3A_187 = arith.constant 0 : i32
      %dma_wait3A_188 = tpu.memref_slice %arg7[%dma_wait3A_184, %dma_wait3A_186, %dma_wait3A_187] : memref<2x160x128xf32, #tpu.memory_space<vmem>> -> memref<1x160x128xf32, #tpu.memory_space<vmem>>
      %dma_wait3A_189 = tpu.memref_squeeze %dma_wait3A_188 : memref<1x160x128xf32, #tpu.memory_space<vmem>> -> memref<160x128xf32, #tpu.memory_space<vmem>>
      %dma_wait3A_190 = arith.constant 0 : i32
      %dma_wait3A_191 = arith.constant 0 : i32
      %dma_wait3A_192 = tpu.memref_slice %arg3[%dma_wait3A_190, %dma_wait3A_191] : memref<320000x128xf32, #tpu.memory_space<hbm>> -> memref<160x128xf32, #tpu.memory_space<hbm>>
      %dma_wait3A_193 = tpu.memref_slice %arg9[%dma_wait3A_185] : memref<2x!tpu.dma_semaphore, #tpu.memory_space<semaphore_mem>> -> memref<1x!tpu.dma_semaphore, #tpu.memory_space<semaphore_mem>>
      %dma_wait3A_194 = tpu.memref_squeeze %dma_wait3A_193 : memref<1x!tpu.dma_semaphore, #tpu.memory_space<semaphore_mem>> -> memref<!tpu.dma_semaphore, #tpu.memory_space<semaphore_mem>>
      %dma_wait3A_195 = arith.constant 0 : i32
      %dma_wait3A_196 = arith.constant 0 : i32
      %dma_wait3A_197 = tpu.memref_slice %arg7[%dma_wait3A_184, %dma_wait3A_195, %dma_wait3A_196] : memref<2x160x128xf32, #tpu.memory_space<vmem>> -> memref<1x160x128xf32, #tpu.memory_space<vmem>>
      %dma_wait3A_198 = tpu.memref_squeeze %dma_wait3A_197 : memref<1x160x128xf32, #tpu.memory_space<vmem>> -> memref<160x128xf32, #tpu.memory_space<vmem>>
      %dma_wait3A_199 = arith.constant 0 : i32
      %dma_wait3A_200 = arith.constant 0 : i32
      %dma_wait3A_201 = tpu.memref_slice %arg3[%dma_wait3A_199, %dma_wait3A_200] : memref<320000x128xf32, #tpu.memory_space<hbm>> -> memref<160x128xf32, #tpu.memory_space<hbm>>
      tpu.wait_dma2 semaphore(%dma_wait3A_194 : memref<!tpu.dma_semaphore, #tpu.memory_space<semaphore_mem>>) src(%dma_wait3A_201 : memref<160x128xf32, #tpu.memory_space<hbm>>) dst(%dma_wait3A_198 : memref<160x128xf32, #tpu.memory_space<vmem>>)
      %dma_wait3A_202 = arith.constant 0 : i32
      %dma_wait3A_203 = arith.constant 0 : i32
      %dma_wait3A_204 = tpu.memref_slice %arg6[%and3A_179, %dma_wait3A_202, %dma_wait3A_203] : memref<4x2x80xi32, #tpu.memory_space<vmem>> -> memref<1x1x80xi32, #tpu.memory_space<vmem>>
      %dma_wait3A_205 = tpu.memref_squeeze %dma_wait3A_204 : memref<1x1x80xi32, #tpu.memory_space<vmem>> -> memref<80xi32, #tpu.memory_space<vmem>>
      %dma_wait3A_206 = arith.constant 0 : i32
      %dma_wait3A_207 = tpu.memref_slice %arg2[%dma_wait3A_206] : memref<320000xi32, #tpu.memory_space<hbm>> -> memref<80xi32, #tpu.memory_space<hbm>>
      %dma_wait3A_208 = tpu.memref_slice %arg10[%and3A_179] : memref<4x!tpu.dma_semaphore, #tpu.memory_space<semaphore_mem>> -> memref<1x!tpu.dma_semaphore, #tpu.memory_space<semaphore_mem>>
      %dma_wait3A_209 = tpu.memref_squeeze %dma_wait3A_208 : memref<1x!tpu.dma_semaphore, #tpu.memory_space<semaphore_mem>> -> memref<!tpu.dma_semaphore, #tpu.memory_space<semaphore_mem>>
      %dma_wait3A_210 = arith.constant 0 : i32
      %dma_wait3A_211 = tpu.memref_slice %arg6[%and3A_179, %dma_wait3A_202, %dma_wait3A_210] : memref<4x2x80xi32, #tpu.memory_space<vmem>> -> memref<1x1x80xi32, #tpu.memory_space<vmem>>
      %dma_wait3A_212 = tpu.memref_squeeze %dma_wait3A_211 : memref<1x1x80xi32, #tpu.memory_space<vmem>> -> memref<80xi32, #tpu.memory_space<vmem>>
      %dma_wait3A_213 = arith.constant 0 : i32
      %dma_wait3A_214 = tpu.memref_slice %arg2[%dma_wait3A_213] : memref<320000xi32, #tpu.memory_space<hbm>> -> memref<80xi32, #tpu.memory_space<hbm>>
      tpu.wait_dma2 semaphore(%dma_wait3A_209 : memref<!tpu.dma_semaphore, #tpu.memory_space<semaphore_mem>>) src(%dma_wait3A_214 : memref<80xi32, #tpu.memory_space<hbm>>) dst(%dma_wait3A_212 : memref<80xi32, #tpu.memory_space<vmem>>)
      %dma_wait3A_215 = arith.constant 1 : i32
      %dma_wait3A_216 = arith.constant 0 : i32
      %dma_wait3A_217 = tpu.memref_slice %arg6[%and3A_179, %dma_wait3A_215, %dma_wait3A_216] : memref<4x2x80xi32, #tpu.memory_space<vmem>> -> memref<1x1x80xi32, #tpu.memory_space<vmem>>
      %dma_wait3A_218 = tpu.memref_squeeze %dma_wait3A_217 : memref<1x1x80xi32, #tpu.memory_space<vmem>> -> memref<80xi32, #tpu.memory_space<vmem>>
      %dma_wait3A_219 = arith.constant 0 : i32
      %dma_wait3A_220 = tpu.memref_slice %arg2[%dma_wait3A_219] : memref<320000xi32, #tpu.memory_space<hbm>> -> memref<80xi32, #tpu.memory_space<hbm>>
      %dma_wait3A_221 = tpu.memref_slice %arg10[%and3A_179] : memref<4x!tpu.dma_semaphore, #tpu.memory_space<semaphore_mem>> -> memref<1x!tpu.dma_semaphore, #tpu.memory_space<semaphore_mem>>
      %dma_wait3A_222 = tpu.memref_squeeze %dma_wait3A_221 : memref<1x!tpu.dma_semaphore, #tpu.memory_space<semaphore_mem>> -> memref<!tpu.dma_semaphore, #tpu.memory_space<semaphore_mem>>
      %dma_wait3A_223 = arith.constant 0 : i32
      %dma_wait3A_224 = tpu.memref_slice %arg6[%and3A_179, %dma_wait3A_215, %dma_wait3A_223] : memref<4x2x80xi32, #tpu.memory_space<vmem>> -> memref<1x1x80xi32, #tpu.memory_space<vmem>>
      %dma_wait3A_225 = tpu.memref_squeeze %dma_wait3A_224 : memref<1x1x80xi32, #tpu.memory_space<vmem>> -> memref<80xi32, #tpu.memory_space<vmem>>
      %dma_wait3A_226 = arith.constant 0 : i32
      %dma_wait3A_227 = tpu.memref_slice %arg2[%dma_wait3A_226] : memref<320000xi32, #tpu.memory_space<hbm>> -> memref<80xi32, #tpu.memory_space<hbm>>
      tpu.wait_dma2 semaphore(%dma_wait3A_222 : memref<!tpu.dma_semaphore, #tpu.memory_space<semaphore_mem>>) src(%dma_wait3A_227 : memref<80xi32, #tpu.memory_space<hbm>>) dst(%dma_wait3A_225 : memref<80xi32, #tpu.memory_space<vmem>>)
      %dma_start3A_228 = arith.constant 0 : i32
      %dma_start3A_229 = arith.constant 0 : i32
      %dma_start3A_230 = arith.constant 0 : i32
      %dma_start3A_231 = arith.constant 0 : i32
      %dma_start3A_232 = arith.constant 0 : i32
      %dma_start3A_233 = tpu.memref_slice %arg7[%dma_start3A_228, %dma_start3A_231, %dma_start3A_232] : memref<2x160x128xf32, #tpu.memory_space<vmem>> -> memref<1x80x128xf32, #tpu.memory_space<vmem>>
      %dma_start3A_234 = tpu.memref_squeeze %dma_start3A_233 : memref<1x80x128xf32, #tpu.memory_space<vmem>> -> memref<80x128xf32, #tpu.memory_space<vmem>>
      %dma_start3A_235 = arith.constant 0 : i32
      %dma_start3A_236 = tpu.memref_slice %arg6[%and3A_179, %dma_start3A_229, %dma_start3A_235] : memref<4x2x80xi32, #tpu.memory_space<vmem>> -> memref<1x1x80xi32, #tpu.memory_space<vmem>>
      %dma_start3A_237 = tpu.memref_squeeze %dma_start3A_236 : memref<1x1x80xi32, #tpu.memory_space<vmem>> -> memref<80xi32, #tpu.memory_space<vmem>>
      %dma_start3A_238 = arith.constant 0 : i32
      %dma_start3A_239 = arith.constant 0 : i32
      %dma_start3A_240 = tpu.memref_slice %arg8[%dma_start3A_238, %dma_start3A_239] : memref<10240x128xf32, #tpu.memory_space<vmem_shared>> -> memref<10240x128xf32, #tpu.memory_space<vmem_shared>>
      %dma_start3A_241 = tpu.memref_slice %arg11[%dma_start3A_230] : memref<2x!tpu.dma_semaphore, #tpu.memory_space<semaphore_mem>> -> memref<1x!tpu.dma_semaphore, #tpu.memory_space<semaphore_mem>>
      %dma_start3A_242 = tpu.memref_squeeze %dma_start3A_241 : memref<1x!tpu.dma_semaphore, #tpu.memory_space<semaphore_mem>> -> memref<!tpu.dma_semaphore, #tpu.memory_space<semaphore_mem>>
      tpu.enqueue_indirect_dma source(%dma_start3A_234 : memref<80x128xf32, #tpu.memory_space<vmem>>) target(%dma_start3A_240 : memref<10240x128xf32, #tpu.memory_space<vmem_shared>>) offsets(%dma_start3A_237 : memref<80xi32, #tpu.memory_space<vmem>>) semaphore(%dma_start3A_242 : memref<!tpu.dma_semaphore, #tpu.memory_space<semaphore_mem>>) {add = true}
      %dma_start3A_243 = arith.constant 0 : i32
      %dma_start3A_244 = arith.constant 1 : i32
      %dma_start3A_245 = arith.constant 0 : i32
      %dma_start3A_246 = arith.constant 80 : i32
      %dma_start3A_247 = arith.constant 0 : i32
      %dma_start3A_248 = tpu.memref_slice %arg7[%dma_start3A_243, %dma_start3A_246, %dma_start3A_247] : memref<2x160x128xf32, #tpu.memory_space<vmem>> -> memref<1x80x128xf32, #tpu.memory_space<vmem>>
      %dma_start3A_249 = tpu.memref_squeeze %dma_start3A_248 : memref<1x80x128xf32, #tpu.memory_space<vmem>> -> memref<80x128xf32, #tpu.memory_space<vmem>>
      %dma_start3A_250 = arith.constant 0 : i32
      %dma_start3A_251 = tpu.memref_slice %arg6[%and3A_179, %dma_start3A_244, %dma_start3A_250] : memref<4x2x80xi32, #tpu.memory_space<vmem>> -> memref<1x1x80xi32, #tpu.memory_space<vmem>>
      %dma_start3A_252 = tpu.memref_squeeze %dma_start3A_251 : memref<1x1x80xi32, #tpu.memory_space<vmem>> -> memref<80xi32, #tpu.memory_space<vmem>>
      %dma_start3A_253 = arith.constant 0 : i32
      %dma_start3A_254 = arith.constant 0 : i32
      %dma_start3A_255 = tpu.memref_slice %arg8[%dma_start3A_253, %dma_start3A_254] : memref<10240x128xf32, #tpu.memory_space<vmem_shared>> -> memref<10240x128xf32, #tpu.memory_space<vmem_shared>>
      %dma_start3A_256 = tpu.memref_slice %arg11[%dma_start3A_245] : memref<2x!tpu.dma_semaphore, #tpu.memory_space<semaphore_mem>> -> memref<1x!tpu.dma_semaphore, #tpu.memory_space<semaphore_mem>>
      %dma_start3A_257 = tpu.memref_squeeze %dma_start3A_256 : memref<1x!tpu.dma_semaphore, #tpu.memory_space<semaphore_mem>> -> memref<!tpu.dma_semaphore, #tpu.memory_space<semaphore_mem>>
      tpu.enqueue_indirect_dma source(%dma_start3A_249 : memref<80x128xf32, #tpu.memory_space<vmem>>) target(%dma_start3A_255 : memref<10240x128xf32, #tpu.memory_space<vmem_shared>>) offsets(%dma_start3A_252 : memref<80xi32, #tpu.memory_space<vmem>>) semaphore(%dma_start3A_257 : memref<!tpu.dma_semaphore, #tpu.memory_space<semaphore_mem>>) {add = true}
      %add3A_258 = arith.constant 2 : i32
      %add3A_259 = arith.addi %add3A_178, %add3A_258 : i32
      %lt3A = arith.constant 62 : i32
      %lt3A_260 = arith.cmpi slt, %add3A_259, %lt3A : i32
      %convert_element_type3A = arith.extui %lt3A_260 : i1 to i32
      %cond3A = arith.constant 0 : i32
      %cond3A_261 = arith.cmpi ne, %convert_element_type3A, %cond3A : i32
      scf.if %cond3A_261 {
        %add3A_367 = arith.constant 2 : i32
        %add3A_368 = arith.addi %add3A_178, %add3A_367 : i32
        %mul3A_369 = arith.constant 160 : i32
        %mul3A_370 = arith.muli %add3A_368, %mul3A_369 : i32
        %add3A_371 = arith.addi %mul3A_2, %mul3A_370 : i32
        %multiple_of3A_372 = tpu.assume_multiple %add3A_371, 16 : i32
        %add3A_373 = arith.constant 0 : i32
        %add3A_374 = arith.addi %multiple_of3A_372, %add3A_373 : i32
        %dma_start3A_375 = arith.constant 0 : i32
        %dma_start3A_376 = arith.constant 0 : i32
        %dma_start3A_377 = tpu.memref_slice %arg6[%and3A_183, %dma_start3A_375, %dma_start3A_376] : memref<4x2x80xi32, #tpu.memory_space<vmem>> -> memref<1x1x80xi32, #tpu.memory_space<vmem>>
        %dma_start3A_378 = tpu.memref_squeeze %dma_start3A_377 : memref<1x1x80xi32, #tpu.memory_space<vmem>> -> memref<80xi32, #tpu.memory_space<vmem>>
        %dma_start3A_379 = tpu.memref_slice %arg2[%add3A_374] : memref<320000xi32, #tpu.memory_space<hbm>> -> memref<80xi32, #tpu.memory_space<hbm>>
        %dma_start3A_380 = tpu.memref_slice %arg10[%and3A_183] : memref<4x!tpu.dma_semaphore, #tpu.memory_space<semaphore_mem>> -> memref<1x!tpu.dma_semaphore, #tpu.memory_space<semaphore_mem>>
        %dma_start3A_381 = tpu.memref_squeeze %dma_start3A_380 : memref<1x!tpu.dma_semaphore, #tpu.memory_space<semaphore_mem>> -> memref<!tpu.dma_semaphore, #tpu.memory_space<semaphore_mem>>
        %dma_start3A_382 = arith.constant 0 : i32
        %dma_start3A_383 = tpu.memref_slice %arg6[%and3A_183, %dma_start3A_375, %dma_start3A_382] : memref<4x2x80xi32, #tpu.memory_space<vmem>> -> memref<1x1x80xi32, #tpu.memory_space<vmem>>
        %dma_start3A_384 = tpu.memref_squeeze %dma_start3A_383 : memref<1x1x80xi32, #tpu.memory_space<vmem>> -> memref<80xi32, #tpu.memory_space<vmem>>
        %dma_start3A_385 = tpu.memref_slice %arg2[%add3A_374] : memref<320000xi32, #tpu.memory_space<hbm>> -> memref<80xi32, #tpu.memory_space<hbm>>
        tpu.enqueue_dma source(%dma_start3A_385 : memref<80xi32, #tpu.memory_space<hbm>>) target(%dma_start3A_384 : memref<80xi32, #tpu.memory_space<vmem>>) target_semaphore(%dma_start3A_381 : memref<!tpu.dma_semaphore, #tpu.memory_space<semaphore_mem>>)
        %add3A_386 = arith.constant 80 : i32
        %add3A_387 = arith.addi %multiple_of3A_372, %add3A_386 : i32
        %dma_start3A_388 = arith.constant 1 : i32
        %dma_start3A_389 = arith.constant 0 : i32
        %dma_start3A_390 = tpu.memref_slice %arg6[%and3A_183, %dma_start3A_388, %dma_start3A_389] : memref<4x2x80xi32, #tpu.memory_space<vmem>> -> memref<1x1x80xi32, #tpu.memory_space<vmem>>
        %dma_start3A_391 = tpu.memref_squeeze %dma_start3A_390 : memref<1x1x80xi32, #tpu.memory_space<vmem>> -> memref<80xi32, #tpu.memory_space<vmem>>
        %dma_start3A_392 = tpu.memref_slice %arg2[%add3A_387] : memref<320000xi32, #tpu.memory_space<hbm>> -> memref<80xi32, #tpu.memory_space<hbm>>
        %dma_start3A_393 = tpu.memref_slice %arg10[%and3A_183] : memref<4x!tpu.dma_semaphore, #tpu.memory_space<semaphore_mem>> -> memref<1x!tpu.dma_semaphore, #tpu.memory_space<semaphore_mem>>
        %dma_start3A_394 = tpu.memref_squeeze %dma_start3A_393 : memref<1x!tpu.dma_semaphore, #tpu.memory_space<semaphore_mem>> -> memref<!tpu.dma_semaphore, #tpu.memory_space<semaphore_mem>>
        %dma_start3A_395 = arith.constant 0 : i32
        %dma_start3A_396 = tpu.memref_slice %arg6[%and3A_183, %dma_start3A_388, %dma_start3A_395] : memref<4x2x80xi32, #tpu.memory_space<vmem>> -> memref<1x1x80xi32, #tpu.memory_space<vmem>>
        %dma_start3A_397 = tpu.memref_squeeze %dma_start3A_396 : memref<1x1x80xi32, #tpu.memory_space<vmem>> -> memref<80xi32, #tpu.memory_space<vmem>>
        %dma_start3A_398 = tpu.memref_slice %arg2[%add3A_387] : memref<320000xi32, #tpu.memory_space<hbm>> -> memref<80xi32, #tpu.memory_space<hbm>>
        tpu.enqueue_dma source(%dma_start3A_398 : memref<80xi32, #tpu.memory_space<hbm>>) target(%dma_start3A_397 : memref<80xi32, #tpu.memory_space<vmem>>) target_semaphore(%dma_start3A_394 : memref<!tpu.dma_semaphore, #tpu.memory_space<semaphore_mem>>)
      } else {
      }
      %add3A_262 = arith.constant 1 : i32
      %add3A_263 = arith.addi %add3A_178, %add3A_262 : i32
      %lt3A_264 = arith.constant 62 : i32
      %lt3A_265 = arith.cmpi slt, %add3A_263, %lt3A_264 : i32
      %convert_element_type3A_266 = arith.extui %lt3A_265 : i1 to i32
      %cond3A_267 = arith.constant 0 : i32
      %cond3A_268 = arith.cmpi ne, %convert_element_type3A_266, %cond3A_267 : i32
      scf.if %cond3A_268 {
        %ge3A = arith.constant 1 : i32
        %ge3A_367 = arith.cmpi sge, %add3A_178, %ge3A : i32
        %convert_element_type3A_368 = arith.extui %ge3A_367 : i1 to i32
        %cond3A_369 = arith.constant 0 : i32
        %cond3A_370 = arith.cmpi ne, %convert_element_type3A_368, %cond3A_369 : i32
        scf.if %cond3A_370 {
          %dma_wait3A_393 = arith.constant 1 : i32
          %dma_wait3A_394 = arith.constant 1 : i32
          %dma_wait3A_395 = arith.constant 0 : i32
          %dma_wait3A_396 = arith.constant 0 : i32
          %dma_wait3A_397 = tpu.memref_slice %arg7[%dma_wait3A_393, %dma_wait3A_395, %dma_wait3A_396] : memref<2x160x128xf32, #tpu.memory_space<vmem>> -> memref<1x80x128xf32, #tpu.memory_space<vmem>>
          %dma_wait3A_398 = tpu.memref_squeeze %dma_wait3A_397 : memref<1x80x128xf32, #tpu.memory_space<vmem>> -> memref<80x128xf32, #tpu.memory_space<vmem>>
          %dma_wait3A_399 = arith.constant 0 : i32
          %dma_wait3A_400 = arith.constant 0 : i32
          %dma_wait3A_401 = tpu.memref_slice %arg3[%dma_wait3A_399, %dma_wait3A_400] : memref<320000x128xf32, #tpu.memory_space<hbm>> -> memref<80x128xf32, #tpu.memory_space<hbm>>
          %dma_wait3A_402 = tpu.memref_slice %arg11[%dma_wait3A_394] : memref<2x!tpu.dma_semaphore, #tpu.memory_space<semaphore_mem>> -> memref<1x!tpu.dma_semaphore, #tpu.memory_space<semaphore_mem>>
          %dma_wait3A_403 = tpu.memref_squeeze %dma_wait3A_402 : memref<1x!tpu.dma_semaphore, #tpu.memory_space<semaphore_mem>> -> memref<!tpu.dma_semaphore, #tpu.memory_space<semaphore_mem>>
          %dma_wait3A_404 = arith.constant 0 : i32
          %dma_wait3A_405 = arith.constant 0 : i32
          %dma_wait3A_406 = tpu.memref_slice %arg7[%dma_wait3A_393, %dma_wait3A_404, %dma_wait3A_405] : memref<2x160x128xf32, #tpu.memory_space<vmem>> -> memref<1x80x128xf32, #tpu.memory_space<vmem>>
          %dma_wait3A_407 = tpu.memref_squeeze %dma_wait3A_406 : memref<1x80x128xf32, #tpu.memory_space<vmem>> -> memref<80x128xf32, #tpu.memory_space<vmem>>
          %dma_wait3A_408 = arith.constant 0 : i32
          %dma_wait3A_409 = arith.constant 0 : i32
          %dma_wait3A_410 = tpu.memref_slice %arg3[%dma_wait3A_408, %dma_wait3A_409] : memref<320000x128xf32, #tpu.memory_space<hbm>> -> memref<80x128xf32, #tpu.memory_space<hbm>>
          tpu.wait_dma2 semaphore(%dma_wait3A_403 : memref<!tpu.dma_semaphore, #tpu.memory_space<semaphore_mem>>) src(%dma_wait3A_410 : memref<80x128xf32, #tpu.memory_space<hbm>>) dst(%dma_wait3A_407 : memref<80x128xf32, #tpu.memory_space<vmem>>)
          %dma_wait3A_411 = arith.constant 1 : i32
          %dma_wait3A_412 = arith.constant 1 : i32
          %dma_wait3A_413 = arith.constant 80 : i32
          %dma_wait3A_414 = arith.constant 0 : i32
          %dma_wait3A_415 = tpu.memref_slice %arg7[%dma_wait3A_411, %dma_wait3A_413, %dma_wait3A_414] : memref<2x160x128xf32, #tpu.memory_space<vmem>> -> memref<1x80x128xf32, #tpu.memory_space<vmem>>
          %dma_wait3A_416 = tpu.memref_squeeze %dma_wait3A_415 : memref<1x80x128xf32, #tpu.memory_space<vmem>> -> memref<80x128xf32, #tpu.memory_space<vmem>>
          %dma_wait3A_417 = arith.constant 0 : i32
          %dma_wait3A_418 = arith.constant 0 : i32
          %dma_wait3A_419 = tpu.memref_slice %arg3[%dma_wait3A_417, %dma_wait3A_418] : memref<320000x128xf32, #tpu.memory_space<hbm>> -> memref<80x128xf32, #tpu.memory_space<hbm>>
          %dma_wait3A_420 = tpu.memref_slice %arg11[%dma_wait3A_412] : memref<2x!tpu.dma_semaphore, #tpu.memory_space<semaphore_mem>> -> memref<1x!tpu.dma_semaphore, #tpu.memory_space<semaphore_mem>>
          %dma_wait3A_421 = tpu.memref_squeeze %dma_wait3A_420 : memref<1x!tpu.dma_semaphore, #tpu.memory_space<semaphore_mem>> -> memref<!tpu.dma_semaphore, #tpu.memory_space<semaphore_mem>>
          %dma_wait3A_422 = arith.constant 80 : i32
          %dma_wait3A_423 = arith.constant 0 : i32
          %dma_wait3A_424 = tpu.memref_slice %arg7[%dma_wait3A_411, %dma_wait3A_422, %dma_wait3A_423] : memref<2x160x128xf32, #tpu.memory_space<vmem>> -> memref<1x80x128xf32, #tpu.memory_space<vmem>>
          %dma_wait3A_425 = tpu.memref_squeeze %dma_wait3A_424 : memref<1x80x128xf32, #tpu.memory_space<vmem>> -> memref<80x128xf32, #tpu.memory_space<vmem>>
          %dma_wait3A_426 = arith.constant 0 : i32
          %dma_wait3A_427 = arith.constant 0 : i32
          %dma_wait3A_428 = tpu.memref_slice %arg3[%dma_wait3A_426, %dma_wait3A_427] : memref<320000x128xf32, #tpu.memory_space<hbm>> -> memref<80x128xf32, #tpu.memory_space<hbm>>
          tpu.wait_dma2 semaphore(%dma_wait3A_421 : memref<!tpu.dma_semaphore, #tpu.memory_space<semaphore_mem>>) src(%dma_wait3A_428 : memref<80x128xf32, #tpu.memory_space<hbm>>) dst(%dma_wait3A_425 : memref<80x128xf32, #tpu.memory_space<vmem>>)
        } else {
        }
        %add3A_371 = arith.constant 1 : i32
        %add3A_372 = arith.addi %add3A_178, %add3A_371 : i32
        %mul3A_373 = arith.constant 160 : i32
        %mul3A_374 = arith.muli %add3A_372, %mul3A_373 : i32
        %add3A_375 = arith.addi %mul3A_2, %mul3A_374 : i32
        %multiple_of3A_376 = tpu.assume_multiple %add3A_375, 16 : i32
        %dma_start3A_377 = arith.constant 1 : i32
        %dma_start3A_378 = arith.constant 1 : i32
        %dma_start3A_379 = arith.constant 0 : i32
        %dma_start3A_380 = arith.constant 0 : i32
        %dma_start3A_381 = tpu.memref_slice %arg7[%dma_start3A_377, %dma_start3A_379, %dma_start3A_380] : memref<2x160x128xf32, #tpu.memory_space<vmem>> -> memref<1x160x128xf32, #tpu.memory_space<vmem>>
        %dma_start3A_382 = tpu.memref_squeeze %dma_start3A_381 : memref<1x160x128xf32, #tpu.memory_space<vmem>> -> memref<160x128xf32, #tpu.memory_space<vmem>>
        %dma_start3A_383 = arith.constant 0 : i32
        %dma_start3A_384 = tpu.memref_slice %arg3[%multiple_of3A_376, %dma_start3A_383] : memref<320000x128xf32, #tpu.memory_space<hbm>> -> memref<160x128xf32, #tpu.memory_space<hbm>>
        %dma_start3A_385 = tpu.memref_slice %arg9[%dma_start3A_378] : memref<2x!tpu.dma_semaphore, #tpu.memory_space<semaphore_mem>> -> memref<1x!tpu.dma_semaphore, #tpu.memory_space<semaphore_mem>>
        %dma_start3A_386 = tpu.memref_squeeze %dma_start3A_385 : memref<1x!tpu.dma_semaphore, #tpu.memory_space<semaphore_mem>> -> memref<!tpu.dma_semaphore, #tpu.memory_space<semaphore_mem>>
        %dma_start3A_387 = arith.constant 0 : i32
        %dma_start3A_388 = arith.constant 0 : i32
        %dma_start3A_389 = tpu.memref_slice %arg7[%dma_start3A_377, %dma_start3A_387, %dma_start3A_388] : memref<2x160x128xf32, #tpu.memory_space<vmem>> -> memref<1x160x128xf32, #tpu.memory_space<vmem>>
        %dma_start3A_390 = tpu.memref_squeeze %dma_start3A_389 : memref<1x160x128xf32, #tpu.memory_space<vmem>> -> memref<160x128xf32, #tpu.memory_space<vmem>>
        %dma_start3A_391 = arith.constant 0 : i32
        %dma_start3A_392 = tpu.memref_slice %arg3[%multiple_of3A_376, %dma_start3A_391] : memref<320000x128xf32, #tpu.memory_space<hbm>> -> memref<160x128xf32, #tpu.memory_space<hbm>>
        tpu.enqueue_dma source(%dma_start3A_392 : memref<160x128xf32, #tpu.memory_space<hbm>>) target(%dma_start3A_390 : memref<160x128xf32, #tpu.memory_space<vmem>>) target_semaphore(%dma_start3A_386 : memref<!tpu.dma_semaphore, #tpu.memory_space<semaphore_mem>>)
      } else {
      }
      %mul3A_269 = arith.constant 2 : i32
      %mul3A_270 = arith.muli %scan3A_174, %mul3A_269 : i32
      %add3A_271 = arith.constant 1 : i32
      %add3A_272 = arith.addi %mul3A_270, %add3A_271 : i32
      %and3A_273 = arith.constant 3 : i32
      %and3A_274 = arith.andi %add3A_272, %and3A_273 : i32
      %add3A_275 = arith.constant 2 : i32
      %add3A_276 = arith.addi %add3A_272, %add3A_275 : i32
      %and3A_277 = arith.constant 3 : i32
      %and3A_278 = arith.andi %add3A_276, %and3A_277 : i32
      %dma_wait3A_279 = arith.constant 1 : i32
      %dma_wait3A_280 = arith.constant 1 : i32
      %dma_wait3A_281 = arith.constant 0 : i32
      %dma_wait3A_282 = arith.constant 0 : i32
      %dma_wait3A_283 = tpu.memref_slice %arg7[%dma_wait3A_279, %dma_wait3A_281, %dma_wait3A_282] : memref<2x160x128xf32, #tpu.memory_space<vmem>> -> memref<1x160x128xf32, #tpu.memory_space<vmem>>
      %dma_wait3A_284 = tpu.memref_squeeze %dma_wait3A_283 : memref<1x160x128xf32, #tpu.memory_space<vmem>> -> memref<160x128xf32, #tpu.memory_space<vmem>>
      %dma_wait3A_285 = arith.constant 0 : i32
      %dma_wait3A_286 = arith.constant 0 : i32
      %dma_wait3A_287 = tpu.memref_slice %arg3[%dma_wait3A_285, %dma_wait3A_286] : memref<320000x128xf32, #tpu.memory_space<hbm>> -> memref<160x128xf32, #tpu.memory_space<hbm>>
      %dma_wait3A_288 = tpu.memref_slice %arg9[%dma_wait3A_280] : memref<2x!tpu.dma_semaphore, #tpu.memory_space<semaphore_mem>> -> memref<1x!tpu.dma_semaphore, #tpu.memory_space<semaphore_mem>>
      %dma_wait3A_289 = tpu.memref_squeeze %dma_wait3A_288 : memref<1x!tpu.dma_semaphore, #tpu.memory_space<semaphore_mem>> -> memref<!tpu.dma_semaphore, #tpu.memory_space<semaphore_mem>>
      %dma_wait3A_290 = arith.constant 0 : i32
      %dma_wait3A_291 = arith.constant 0 : i32
      %dma_wait3A_292 = tpu.memref_slice %arg7[%dma_wait3A_279, %dma_wait3A_290, %dma_wait3A_291] : memref<2x160x128xf32, #tpu.memory_space<vmem>> -> memref<1x160x128xf32, #tpu.memory_space<vmem>>
      %dma_wait3A_293 = tpu.memref_squeeze %dma_wait3A_292 : memref<1x160x128xf32, #tpu.memory_space<vmem>> -> memref<160x128xf32, #tpu.memory_space<vmem>>
      %dma_wait3A_294 = arith.constant 0 : i32
      %dma_wait3A_295 = arith.constant 0 : i32
      %dma_wait3A_296 = tpu.memref_slice %arg3[%dma_wait3A_294, %dma_wait3A_295] : memref<320000x128xf32, #tpu.memory_space<hbm>> -> memref<160x128xf32, #tpu.memory_space<hbm>>
      tpu.wait_dma2 semaphore(%dma_wait3A_289 : memref<!tpu.dma_semaphore, #tpu.memory_space<semaphore_mem>>) src(%dma_wait3A_296 : memref<160x128xf32, #tpu.memory_space<hbm>>) dst(%dma_wait3A_293 : memref<160x128xf32, #tpu.memory_space<vmem>>)
      %dma_wait3A_297 = arith.constant 0 : i32
      %dma_wait3A_298 = arith.constant 0 : i32
      %dma_wait3A_299 = tpu.memref_slice %arg6[%and3A_274, %dma_wait3A_297, %dma_wait3A_298] : memref<4x2x80xi32, #tpu.memory_space<vmem>> -> memref<1x1x80xi32, #tpu.memory_space<vmem>>
      %dma_wait3A_300 = tpu.memref_squeeze %dma_wait3A_299 : memref<1x1x80xi32, #tpu.memory_space<vmem>> -> memref<80xi32, #tpu.memory_space<vmem>>
      %dma_wait3A_301 = arith.constant 0 : i32
      %dma_wait3A_302 = tpu.memref_slice %arg2[%dma_wait3A_301] : memref<320000xi32, #tpu.memory_space<hbm>> -> memref<80xi32, #tpu.memory_space<hbm>>
      %dma_wait3A_303 = tpu.memref_slice %arg10[%and3A_274] : memref<4x!tpu.dma_semaphore, #tpu.memory_space<semaphore_mem>> -> memref<1x!tpu.dma_semaphore, #tpu.memory_space<semaphore_mem>>
      %dma_wait3A_304 = tpu.memref_squeeze %dma_wait3A_303 : memref<1x!tpu.dma_semaphore, #tpu.memory_space<semaphore_mem>> -> memref<!tpu.dma_semaphore, #tpu.memory_space<semaphore_mem>>
      %dma_wait3A_305 = arith.constant 0 : i32
      %dma_wait3A_306 = tpu.memref_slice %arg6[%and3A_274, %dma_wait3A_297, %dma_wait3A_305] : memref<4x2x80xi32, #tpu.memory_space<vmem>> -> memref<1x1x80xi32, #tpu.memory_space<vmem>>
      %dma_wait3A_307 = tpu.memref_squeeze %dma_wait3A_306 : memref<1x1x80xi32, #tpu.memory_space<vmem>> -> memref<80xi32, #tpu.memory_space<vmem>>
      %dma_wait3A_308 = arith.constant 0 : i32
      %dma_wait3A_309 = tpu.memref_slice %arg2[%dma_wait3A_308] : memref<320000xi32, #tpu.memory_space<hbm>> -> memref<80xi32, #tpu.memory_space<hbm>>
      tpu.wait_dma2 semaphore(%dma_wait3A_304 : memref<!tpu.dma_semaphore, #tpu.memory_space<semaphore_mem>>) src(%dma_wait3A_309 : memref<80xi32, #tpu.memory_space<hbm>>) dst(%dma_wait3A_307 : memref<80xi32, #tpu.memory_space<vmem>>)
      %dma_wait3A_310 = arith.constant 1 : i32
      %dma_wait3A_311 = arith.constant 0 : i32
      %dma_wait3A_312 = tpu.memref_slice %arg6[%and3A_274, %dma_wait3A_310, %dma_wait3A_311] : memref<4x2x80xi32, #tpu.memory_space<vmem>> -> memref<1x1x80xi32, #tpu.memory_space<vmem>>
      %dma_wait3A_313 = tpu.memref_squeeze %dma_wait3A_312 : memref<1x1x80xi32, #tpu.memory_space<vmem>> -> memref<80xi32, #tpu.memory_space<vmem>>
      %dma_wait3A_314 = arith.constant 0 : i32
      %dma_wait3A_315 = tpu.memref_slice %arg2[%dma_wait3A_314] : memref<320000xi32, #tpu.memory_space<hbm>> -> memref<80xi32, #tpu.memory_space<hbm>>
      %dma_wait3A_316 = tpu.memref_slice %arg10[%and3A_274] : memref<4x!tpu.dma_semaphore, #tpu.memory_space<semaphore_mem>> -> memref<1x!tpu.dma_semaphore, #tpu.memory_space<semaphore_mem>>
      %dma_wait3A_317 = tpu.memref_squeeze %dma_wait3A_316 : memref<1x!tpu.dma_semaphore, #tpu.memory_space<semaphore_mem>> -> memref<!tpu.dma_semaphore, #tpu.memory_space<semaphore_mem>>
      %dma_wait3A_318 = arith.constant 0 : i32
      %dma_wait3A_319 = tpu.memref_slice %arg6[%and3A_274, %dma_wait3A_310, %dma_wait3A_318] : memref<4x2x80xi32, #tpu.memory_space<vmem>> -> memref<1x1x80xi32, #tpu.memory_space<vmem>>
      %dma_wait3A_320 = tpu.memref_squeeze %dma_wait3A_319 : memref<1x1x80xi32, #tpu.memory_space<vmem>> -> memref<80xi32, #tpu.memory_space<vmem>>
      %dma_wait3A_321 = arith.constant 0 : i32
      %dma_wait3A_322 = tpu.memref_slice %arg2[%dma_wait3A_321] : memref<320000xi32, #tpu.memory_space<hbm>> -> memref<80xi32, #tpu.memory_space<hbm>>
      tpu.wait_dma2 semaphore(%dma_wait3A_317 : memref<!tpu.dma_semaphore, #tpu.memory_space<semaphore_mem>>) src(%dma_wait3A_322 : memref<80xi32, #tpu.memory_space<hbm>>) dst(%dma_wait3A_320 : memref<80xi32, #tpu.memory_space<vmem>>)
      %dma_start3A_323 = arith.constant 1 : i32
      %dma_start3A_324 = arith.constant 0 : i32
      %dma_start3A_325 = arith.constant 1 : i32
      %dma_start3A_326 = arith.constant 0 : i32
      %dma_start3A_327 = arith.constant 0 : i32
      %dma_start3A_328 = tpu.memref_slice %arg7[%dma_start3A_323, %dma_start3A_326, %dma_start3A_327] : memref<2x160x128xf32, #tpu.memory_space<vmem>> -> memref<1x80x128xf32, #tpu.memory_space<vmem>>
      %dma_start3A_329 = tpu.memref_squeeze %dma_start3A_328 : memref<1x80x128xf32, #tpu.memory_space<vmem>> -> memref<80x128xf32, #tpu.memory_space<vmem>>
      %dma_start3A_330 = arith.constant 0 : i32
      %dma_start3A_331 = tpu.memref_slice %arg6[%and3A_274, %dma_start3A_324, %dma_start3A_330] : memref<4x2x80xi32, #tpu.memory_space<vmem>> -> memref<1x1x80xi32, #tpu.memory_space<vmem>>
      %dma_start3A_332 = tpu.memref_squeeze %dma_start3A_331 : memref<1x1x80xi32, #tpu.memory_space<vmem>> -> memref<80xi32, #tpu.memory_space<vmem>>
      %dma_start3A_333 = arith.constant 0 : i32
      %dma_start3A_334 = arith.constant 0 : i32
      %dma_start3A_335 = tpu.memref_slice %arg8[%dma_start3A_333, %dma_start3A_334] : memref<10240x128xf32, #tpu.memory_space<vmem_shared>> -> memref<10240x128xf32, #tpu.memory_space<vmem_shared>>
      %dma_start3A_336 = tpu.memref_slice %arg11[%dma_start3A_325] : memref<2x!tpu.dma_semaphore, #tpu.memory_space<semaphore_mem>> -> memref<1x!tpu.dma_semaphore, #tpu.memory_space<semaphore_mem>>
      %dma_start3A_337 = tpu.memref_squeeze %dma_start3A_336 : memref<1x!tpu.dma_semaphore, #tpu.memory_space<semaphore_mem>> -> memref<!tpu.dma_semaphore, #tpu.memory_space<semaphore_mem>>
      tpu.enqueue_indirect_dma source(%dma_start3A_329 : memref<80x128xf32, #tpu.memory_space<vmem>>) target(%dma_start3A_335 : memref<10240x128xf32, #tpu.memory_space<vmem_shared>>) offsets(%dma_start3A_332 : memref<80xi32, #tpu.memory_space<vmem>>) semaphore(%dma_start3A_337 : memref<!tpu.dma_semaphore, #tpu.memory_space<semaphore_mem>>) {add = true}
      %dma_start3A_338 = arith.constant 1 : i32
      %dma_start3A_339 = arith.constant 1 : i32
      %dma_start3A_340 = arith.constant 1 : i32
      %dma_start3A_341 = arith.constant 80 : i32
      %dma_start3A_342 = arith.constant 0 : i32
      %dma_start3A_343 = tpu.memref_slice %arg7[%dma_start3A_338, %dma_start3A_341, %dma_start3A_342] : memref<2x160x128xf32, #tpu.memory_space<vmem>> -> memref<1x80x128xf32, #tpu.memory_space<vmem>>
      %dma_start3A_344 = tpu.memref_squeeze %dma_start3A_343 : memref<1x80x128xf32, #tpu.memory_space<vmem>> -> memref<80x128xf32, #tpu.memory_space<vmem>>
      %dma_start3A_345 = arith.constant 0 : i32
      %dma_start3A_346 = tpu.memref_slice %arg6[%and3A_274, %dma_start3A_339, %dma_start3A_345] : memref<4x2x80xi32, #tpu.memory_space<vmem>> -> memref<1x1x80xi32, #tpu.memory_space<vmem>>
      %dma_start3A_347 = tpu.memref_squeeze %dma_start3A_346 : memref<1x1x80xi32, #tpu.memory_space<vmem>> -> memref<80xi32, #tpu.memory_space<vmem>>
      %dma_start3A_348 = arith.constant 0 : i32
      %dma_start3A_349 = arith.constant 0 : i32
      %dma_start3A_350 = tpu.memref_slice %arg8[%dma_start3A_348, %dma_start3A_349] : memref<10240x128xf32, #tpu.memory_space<vmem_shared>> -> memref<10240x128xf32, #tpu.memory_space<vmem_shared>>
      %dma_start3A_351 = tpu.memref_slice %arg11[%dma_start3A_340] : memref<2x!tpu.dma_semaphore, #tpu.memory_space<semaphore_mem>> -> memref<1x!tpu.dma_semaphore, #tpu.memory_space<semaphore_mem>>
      %dma_start3A_352 = tpu.memref_squeeze %dma_start3A_351 : memref<1x!tpu.dma_semaphore, #tpu.memory_space<semaphore_mem>> -> memref<!tpu.dma_semaphore, #tpu.memory_space<semaphore_mem>>
      tpu.enqueue_indirect_dma source(%dma_start3A_344 : memref<80x128xf32, #tpu.memory_space<vmem>>) target(%dma_start3A_350 : memref<10240x128xf32, #tpu.memory_space<vmem_shared>>) offsets(%dma_start3A_347 : memref<80xi32, #tpu.memory_space<vmem>>) semaphore(%dma_start3A_352 : memref<!tpu.dma_semaphore, #tpu.memory_space<semaphore_mem>>) {add = true}
      %add3A_353 = arith.constant 2 : i32
      %add3A_354 = arith.addi %add3A_272, %add3A_353 : i32
      %lt3A_355 = arith.constant 62 : i32
      %lt3A_356 = arith.cmpi slt, %add3A_354, %lt3A_355 : i32
      %convert_element_type3A_357 = arith.extui %lt3A_356 : i1 to i32
      %cond3A_358 = arith.constant 0 : i32
      %cond3A_359 = arith.cmpi ne, %convert_element_type3A_357, %cond3A_358 : i32
      scf.if %cond3A_359 {
        %add3A_367 = arith.constant 2 : i32
        %add3A_368 = arith.addi %add3A_272, %add3A_367 : i32
        %mul3A_369 = arith.constant 160 : i32
        %mul3A_370 = arith.muli %add3A_368, %mul3A_369 : i32
        %add3A_371 = arith.addi %mul3A_2, %mul3A_370 : i32
        %multiple_of3A_372 = tpu.assume_multiple %add3A_371, 16 : i32
        %add3A_373 = arith.constant 0 : i32
        %add3A_374 = arith.addi %multiple_of3A_372, %add3A_373 : i32
        %dma_start3A_375 = arith.constant 0 : i32
        %dma_start3A_376 = arith.constant 0 : i32
        %dma_start3A_377 = tpu.memref_slice %arg6[%and3A_278, %dma_start3A_375, %dma_start3A_376] : memref<4x2x80xi32, #tpu.memory_space<vmem>> -> memref<1x1x80xi32, #tpu.memory_space<vmem>>
        %dma_start3A_378 = tpu.memref_squeeze %dma_start3A_377 : memref<1x1x80xi32, #tpu.memory_space<vmem>> -> memref<80xi32, #tpu.memory_space<vmem>>
        %dma_start3A_379 = tpu.memref_slice %arg2[%add3A_374] : memref<320000xi32, #tpu.memory_space<hbm>> -> memref<80xi32, #tpu.memory_space<hbm>>
        %dma_start3A_380 = tpu.memref_slice %arg10[%and3A_278] : memref<4x!tpu.dma_semaphore, #tpu.memory_space<semaphore_mem>> -> memref<1x!tpu.dma_semaphore, #tpu.memory_space<semaphore_mem>>
        %dma_start3A_381 = tpu.memref_squeeze %dma_start3A_380 : memref<1x!tpu.dma_semaphore, #tpu.memory_space<semaphore_mem>> -> memref<!tpu.dma_semaphore, #tpu.memory_space<semaphore_mem>>
        %dma_start3A_382 = arith.constant 0 : i32
        %dma_start3A_383 = tpu.memref_slice %arg6[%and3A_278, %dma_start3A_375, %dma_start3A_382] : memref<4x2x80xi32, #tpu.memory_space<vmem>> -> memref<1x1x80xi32, #tpu.memory_space<vmem>>
        %dma_start3A_384 = tpu.memref_squeeze %dma_start3A_383 : memref<1x1x80xi32, #tpu.memory_space<vmem>> -> memref<80xi32, #tpu.memory_space<vmem>>
        %dma_start3A_385 = tpu.memref_slice %arg2[%add3A_374] : memref<320000xi32, #tpu.memory_space<hbm>> -> memref<80xi32, #tpu.memory_space<hbm>>
        tpu.enqueue_dma source(%dma_start3A_385 : memref<80xi32, #tpu.memory_space<hbm>>) target(%dma_start3A_384 : memref<80xi32, #tpu.memory_space<vmem>>) target_semaphore(%dma_start3A_381 : memref<!tpu.dma_semaphore, #tpu.memory_space<semaphore_mem>>)
        %add3A_386 = arith.constant 80 : i32
        %add3A_387 = arith.addi %multiple_of3A_372, %add3A_386 : i32
        %dma_start3A_388 = arith.constant 1 : i32
        %dma_start3A_389 = arith.constant 0 : i32
        %dma_start3A_390 = tpu.memref_slice %arg6[%and3A_278, %dma_start3A_388, %dma_start3A_389] : memref<4x2x80xi32, #tpu.memory_space<vmem>> -> memref<1x1x80xi32, #tpu.memory_space<vmem>>
        %dma_start3A_391 = tpu.memref_squeeze %dma_start3A_390 : memref<1x1x80xi32, #tpu.memory_space<vmem>> -> memref<80xi32, #tpu.memory_space<vmem>>
        %dma_start3A_392 = tpu.memref_slice %arg2[%add3A_387] : memref<320000xi32, #tpu.memory_space<hbm>> -> memref<80xi32, #tpu.memory_space<hbm>>
        %dma_start3A_393 = tpu.memref_slice %arg10[%and3A_278] : memref<4x!tpu.dma_semaphore, #tpu.memory_space<semaphore_mem>> -> memref<1x!tpu.dma_semaphore, #tpu.memory_space<semaphore_mem>>
        %dma_start3A_394 = tpu.memref_squeeze %dma_start3A_393 : memref<1x!tpu.dma_semaphore, #tpu.memory_space<semaphore_mem>> -> memref<!tpu.dma_semaphore, #tpu.memory_space<semaphore_mem>>
        %dma_start3A_395 = arith.constant 0 : i32
        %dma_start3A_396 = tpu.memref_slice %arg6[%and3A_278, %dma_start3A_388, %dma_start3A_395] : memref<4x2x80xi32, #tpu.memory_space<vmem>> -> memref<1x1x80xi32, #tpu.memory_space<vmem>>
        %dma_start3A_397 = tpu.memref_squeeze %dma_start3A_396 : memref<1x1x80xi32, #tpu.memory_space<vmem>> -> memref<80xi32, #tpu.memory_space<vmem>>
        %dma_start3A_398 = tpu.memref_slice %arg2[%add3A_387] : memref<320000xi32, #tpu.memory_space<hbm>> -> memref<80xi32, #tpu.memory_space<hbm>>
        tpu.enqueue_dma source(%dma_start3A_398 : memref<80xi32, #tpu.memory_space<hbm>>) target(%dma_start3A_397 : memref<80xi32, #tpu.memory_space<vmem>>) target_semaphore(%dma_start3A_394 : memref<!tpu.dma_semaphore, #tpu.memory_space<semaphore_mem>>)
      } else {
      }
      %add3A_360 = arith.constant 1 : i32
      %add3A_361 = arith.addi %add3A_272, %add3A_360 : i32
      %lt3A_362 = arith.constant 62 : i32
      %lt3A_363 = arith.cmpi slt, %add3A_361, %lt3A_362 : i32
      %convert_element_type3A_364 = arith.extui %lt3A_363 : i1 to i32
      %cond3A_365 = arith.constant 0 : i32
      %cond3A_366 = arith.cmpi ne, %convert_element_type3A_364, %cond3A_365 : i32
      scf.if %cond3A_366 {
        %ge3A = arith.constant 1 : i32
        %ge3A_367 = arith.cmpi sge, %add3A_272, %ge3A : i32
        %convert_element_type3A_368 = arith.extui %ge3A_367 : i1 to i32
        %cond3A_369 = arith.constant 0 : i32
        %cond3A_370 = arith.cmpi ne, %convert_element_type3A_368, %cond3A_369 : i32
        scf.if %cond3A_370 {
          %dma_wait3A_393 = arith.constant 0 : i32
          %dma_wait3A_394 = arith.constant 0 : i32
          %dma_wait3A_395 = arith.constant 0 : i32
          %dma_wait3A_396 = arith.constant 0 : i32
          %dma_wait3A_397 = tpu.memref_slice %arg7[%dma_wait3A_393, %dma_wait3A_395, %dma_wait3A_396] : memref<2x160x128xf32, #tpu.memory_space<vmem>> -> memref<1x80x128xf32, #tpu.memory_space<vmem>>
          %dma_wait3A_398 = tpu.memref_squeeze %dma_wait3A_397 : memref<1x80x128xf32, #tpu.memory_space<vmem>> -> memref<80x128xf32, #tpu.memory_space<vmem>>
          %dma_wait3A_399 = arith.constant 0 : i32
          %dma_wait3A_400 = arith.constant 0 : i32
          %dma_wait3A_401 = tpu.memref_slice %arg3[%dma_wait3A_399, %dma_wait3A_400] : memref<320000x128xf32, #tpu.memory_space<hbm>> -> memref<80x128xf32, #tpu.memory_space<hbm>>
          %dma_wait3A_402 = tpu.memref_slice %arg11[%dma_wait3A_394] : memref<2x!tpu.dma_semaphore, #tpu.memory_space<semaphore_mem>> -> memref<1x!tpu.dma_semaphore, #tpu.memory_space<semaphore_mem>>
          %dma_wait3A_403 = tpu.memref_squeeze %dma_wait3A_402 : memref<1x!tpu.dma_semaphore, #tpu.memory_space<semaphore_mem>> -> memref<!tpu.dma_semaphore, #tpu.memory_space<semaphore_mem>>
          %dma_wait3A_404 = arith.constant 0 : i32
          %dma_wait3A_405 = arith.constant 0 : i32
          %dma_wait3A_406 = tpu.memref_slice %arg7[%dma_wait3A_393, %dma_wait3A_404, %dma_wait3A_405] : memref<2x160x128xf32, #tpu.memory_space<vmem>> -> memref<1x80x128xf32, #tpu.memory_space<vmem>>
          %dma_wait3A_407 = tpu.memref_squeeze %dma_wait3A_406 : memref<1x80x128xf32, #tpu.memory_space<vmem>> -> memref<80x128xf32, #tpu.memory_space<vmem>>
          %dma_wait3A_408 = arith.constant 0 : i32
          %dma_wait3A_409 = arith.constant 0 : i32
          %dma_wait3A_410 = tpu.memref_slice %arg3[%dma_wait3A_408, %dma_wait3A_409] : memref<320000x128xf32, #tpu.memory_space<hbm>> -> memref<80x128xf32, #tpu.memory_space<hbm>>
          tpu.wait_dma2 semaphore(%dma_wait3A_403 : memref<!tpu.dma_semaphore, #tpu.memory_space<semaphore_mem>>) src(%dma_wait3A_410 : memref<80x128xf32, #tpu.memory_space<hbm>>) dst(%dma_wait3A_407 : memref<80x128xf32, #tpu.memory_space<vmem>>)
          %dma_wait3A_411 = arith.constant 0 : i32
          %dma_wait3A_412 = arith.constant 0 : i32
          %dma_wait3A_413 = arith.constant 80 : i32
          %dma_wait3A_414 = arith.constant 0 : i32
          %dma_wait3A_415 = tpu.memref_slice %arg7[%dma_wait3A_411, %dma_wait3A_413, %dma_wait3A_414] : memref<2x160x128xf32, #tpu.memory_space<vmem>> -> memref<1x80x128xf32, #tpu.memory_space<vmem>>
          %dma_wait3A_416 = tpu.memref_squeeze %dma_wait3A_415 : memref<1x80x128xf32, #tpu.memory_space<vmem>> -> memref<80x128xf32, #tpu.memory_space<vmem>>
          %dma_wait3A_417 = arith.constant 0 : i32
          %dma_wait3A_418 = arith.constant 0 : i32
          %dma_wait3A_419 = tpu.memref_slice %arg3[%dma_wait3A_417, %dma_wait3A_418] : memref<320000x128xf32, #tpu.memory_space<hbm>> -> memref<80x128xf32, #tpu.memory_space<hbm>>
          %dma_wait3A_420 = tpu.memref_slice %arg11[%dma_wait3A_412] : memref<2x!tpu.dma_semaphore, #tpu.memory_space<semaphore_mem>> -> memref<1x!tpu.dma_semaphore, #tpu.memory_space<semaphore_mem>>
          %dma_wait3A_421 = tpu.memref_squeeze %dma_wait3A_420 : memref<1x!tpu.dma_semaphore, #tpu.memory_space<semaphore_mem>> -> memref<!tpu.dma_semaphore, #tpu.memory_space<semaphore_mem>>
          %dma_wait3A_422 = arith.constant 80 : i32
          %dma_wait3A_423 = arith.constant 0 : i32
          %dma_wait3A_424 = tpu.memref_slice %arg7[%dma_wait3A_411, %dma_wait3A_422, %dma_wait3A_423] : memref<2x160x128xf32, #tpu.memory_space<vmem>> -> memref<1x80x128xf32, #tpu.memory_space<vmem>>
          %dma_wait3A_425 = tpu.memref_squeeze %dma_wait3A_424 : memref<1x80x128xf32, #tpu.memory_space<vmem>> -> memref<80x128xf32, #tpu.memory_space<vmem>>
          %dma_wait3A_426 = arith.constant 0 : i32
          %dma_wait3A_427 = arith.constant 0 : i32
          %dma_wait3A_428 = tpu.memref_slice %arg3[%dma_wait3A_426, %dma_wait3A_427] : memref<320000x128xf32, #tpu.memory_space<hbm>> -> memref<80x128xf32, #tpu.memory_space<hbm>>
          tpu.wait_dma2 semaphore(%dma_wait3A_421 : memref<!tpu.dma_semaphore, #tpu.memory_space<semaphore_mem>>) src(%dma_wait3A_428 : memref<80x128xf32, #tpu.memory_space<hbm>>) dst(%dma_wait3A_425 : memref<80x128xf32, #tpu.memory_space<vmem>>)
        } else {
        }
        %add3A_371 = arith.constant 1 : i32
        %add3A_372 = arith.addi %add3A_272, %add3A_371 : i32
        %mul3A_373 = arith.constant 160 : i32
        %mul3A_374 = arith.muli %add3A_372, %mul3A_373 : i32
        %add3A_375 = arith.addi %mul3A_2, %mul3A_374 : i32
        %multiple_of3A_376 = tpu.assume_multiple %add3A_375, 16 : i32
        %dma_start3A_377 = arith.constant 0 : i32
        %dma_start3A_378 = arith.constant 0 : i32
        %dma_start3A_379 = arith.constant 0 : i32
        %dma_start3A_380 = arith.constant 0 : i32
        %dma_start3A_381 = tpu.memref_slice %arg7[%dma_start3A_377, %dma_start3A_379, %dma_start3A_380] : memref<2x160x128xf32, #tpu.memory_space<vmem>> -> memref<1x160x128xf32, #tpu.memory_space<vmem>>
        %dma_start3A_382 = tpu.memref_squeeze %dma_start3A_381 : memref<1x160x128xf32, #tpu.memory_space<vmem>> -> memref<160x128xf32, #tpu.memory_space<vmem>>
        %dma_start3A_383 = arith.constant 0 : i32
        %dma_start3A_384 = tpu.memref_slice %arg3[%multiple_of3A_376, %dma_start3A_383] : memref<320000x128xf32, #tpu.memory_space<hbm>> -> memref<160x128xf32, #tpu.memory_space<hbm>>
        %dma_start3A_385 = tpu.memref_slice %arg9[%dma_start3A_378] : memref<2x!tpu.dma_semaphore, #tpu.memory_space<semaphore_mem>> -> memref<1x!tpu.dma_semaphore, #tpu.memory_space<semaphore_mem>>
        %dma_start3A_386 = tpu.memref_squeeze %dma_start3A_385 : memref<1x!tpu.dma_semaphore, #tpu.memory_space<semaphore_mem>> -> memref<!tpu.dma_semaphore, #tpu.memory_space<semaphore_mem>>
        %dma_start3A_387 = arith.constant 0 : i32
        %dma_start3A_388 = arith.constant 0 : i32
        %dma_start3A_389 = tpu.memref_slice %arg7[%dma_start3A_377, %dma_start3A_387, %dma_start3A_388] : memref<2x160x128xf32, #tpu.memory_space<vmem>> -> memref<1x160x128xf32, #tpu.memory_space<vmem>>
        %dma_start3A_390 = tpu.memref_squeeze %dma_start3A_389 : memref<1x160x128xf32, #tpu.memory_space<vmem>> -> memref<160x128xf32, #tpu.memory_space<vmem>>
        %dma_start3A_391 = arith.constant 0 : i32
        %dma_start3A_392 = tpu.memref_slice %arg3[%multiple_of3A_376, %dma_start3A_391] : memref<320000x128xf32, #tpu.memory_space<hbm>> -> memref<160x128xf32, #tpu.memory_space<hbm>>
        tpu.enqueue_dma source(%dma_start3A_392 : memref<160x128xf32, #tpu.memory_space<hbm>>) target(%dma_start3A_390 : memref<160x128xf32, #tpu.memory_space<vmem>>) target_semaphore(%dma_start3A_386 : memref<!tpu.dma_semaphore, #tpu.memory_space<semaphore_mem>>)
      } else {
      }
    }
    %scan3A_93 = arith.constant 31 : i32
    %add3A_94 = arith.constant 9920 : i32
    %add3A_95 = arith.addi %mul3A_2, %add3A_94 : i32
    %multiple_of3A_96 = tpu.assume_multiple %add3A_95, 16 : i32
    %dma_wait3A = arith.constant 0 : i32
    %dma_wait3A_97 = arith.constant 0 : i32
    %dma_wait3A_98 = arith.constant 0 : i32
    %dma_wait3A_99 = arith.constant 0 : i32
    %dma_wait3A_100 = tpu.memref_slice %arg7[%dma_wait3A, %dma_wait3A_98, %dma_wait3A_99] : memref<2x160x128xf32, #tpu.memory_space<vmem>> -> memref<1x80x128xf32, #tpu.memory_space<vmem>>
    %dma_wait3A_101 = tpu.memref_squeeze %dma_wait3A_100 : memref<1x80x128xf32, #tpu.memory_space<vmem>> -> memref<80x128xf32, #tpu.memory_space<vmem>>
    %dma_wait3A_102 = arith.constant 0 : i32
    %dma_wait3A_103 = arith.constant 0 : i32
    %dma_wait3A_104 = tpu.memref_slice %arg3[%dma_wait3A_102, %dma_wait3A_103] : memref<320000x128xf32, #tpu.memory_space<hbm>> -> memref<80x128xf32, #tpu.memory_space<hbm>>
    %dma_wait3A_105 = tpu.memref_slice %arg11[%dma_wait3A_97] : memref<2x!tpu.dma_semaphore, #tpu.memory_space<semaphore_mem>> -> memref<1x!tpu.dma_semaphore, #tpu.memory_space<semaphore_mem>>
    %dma_wait3A_106 = tpu.memref_squeeze %dma_wait3A_105 : memref<1x!tpu.dma_semaphore, #tpu.memory_space<semaphore_mem>> -> memref<!tpu.dma_semaphore, #tpu.memory_space<semaphore_mem>>
    %dma_wait3A_107 = arith.constant 0 : i32
    %dma_wait3A_108 = arith.constant 0 : i32
    %dma_wait3A_109 = tpu.memref_slice %arg7[%dma_wait3A, %dma_wait3A_107, %dma_wait3A_108] : memref<2x160x128xf32, #tpu.memory_space<vmem>> -> memref<1x80x128xf32, #tpu.memory_space<vmem>>
    %dma_wait3A_110 = tpu.memref_squeeze %dma_wait3A_109 : memref<1x80x128xf32, #tpu.memory_space<vmem>> -> memref<80x128xf32, #tpu.memory_space<vmem>>
    %dma_wait3A_111 = arith.constant 0 : i32
    %dma_wait3A_112 = arith.constant 0 : i32
    %dma_wait3A_113 = tpu.memref_slice %arg3[%dma_wait3A_111, %dma_wait3A_112] : memref<320000x128xf32, #tpu.memory_space<hbm>> -> memref<80x128xf32, #tpu.memory_space<hbm>>
    tpu.wait_dma2 semaphore(%dma_wait3A_106 : memref<!tpu.dma_semaphore, #tpu.memory_space<semaphore_mem>>) src(%dma_wait3A_113 : memref<80x128xf32, #tpu.memory_space<hbm>>) dst(%dma_wait3A_110 : memref<80x128xf32, #tpu.memory_space<vmem>>)
    %dma_wait3A_114 = arith.constant 0 : i32
    %dma_wait3A_115 = arith.constant 0 : i32
    %dma_wait3A_116 = arith.constant 80 : i32
    %dma_wait3A_117 = arith.constant 0 : i32
    %dma_wait3A_118 = tpu.memref_slice %arg7[%dma_wait3A_114, %dma_wait3A_116, %dma_wait3A_117] : memref<2x160x128xf32, #tpu.memory_space<vmem>> -> memref<1x80x128xf32, #tpu.memory_space<vmem>>
    %dma_wait3A_119 = tpu.memref_squeeze %dma_wait3A_118 : memref<1x80x128xf32, #tpu.memory_space<vmem>> -> memref<80x128xf32, #tpu.memory_space<vmem>>
    %dma_wait3A_120 = arith.constant 0 : i32
    %dma_wait3A_121 = arith.constant 0 : i32
    %dma_wait3A_122 = tpu.memref_slice %arg3[%dma_wait3A_120, %dma_wait3A_121] : memref<320000x128xf32, #tpu.memory_space<hbm>> -> memref<80x128xf32, #tpu.memory_space<hbm>>
    %dma_wait3A_123 = tpu.memref_slice %arg11[%dma_wait3A_115] : memref<2x!tpu.dma_semaphore, #tpu.memory_space<semaphore_mem>> -> memref<1x!tpu.dma_semaphore, #tpu.memory_space<semaphore_mem>>
    %dma_wait3A_124 = tpu.memref_squeeze %dma_wait3A_123 : memref<1x!tpu.dma_semaphore, #tpu.memory_space<semaphore_mem>> -> memref<!tpu.dma_semaphore, #tpu.memory_space<semaphore_mem>>
    %dma_wait3A_125 = arith.constant 80 : i32
    %dma_wait3A_126 = arith.constant 0 : i32
    %dma_wait3A_127 = tpu.memref_slice %arg7[%dma_wait3A_114, %dma_wait3A_125, %dma_wait3A_126] : memref<2x160x128xf32, #tpu.memory_space<vmem>> -> memref<1x80x128xf32, #tpu.memory_space<vmem>>
    %dma_wait3A_128 = tpu.memref_squeeze %dma_wait3A_127 : memref<1x80x128xf32, #tpu.memory_space<vmem>> -> memref<80x128xf32, #tpu.memory_space<vmem>>
    %dma_wait3A_129 = arith.constant 0 : i32
    %dma_wait3A_130 = arith.constant 0 : i32
    %dma_wait3A_131 = tpu.memref_slice %arg3[%dma_wait3A_129, %dma_wait3A_130] : memref<320000x128xf32, #tpu.memory_space<hbm>> -> memref<80x128xf32, #tpu.memory_space<hbm>>
    tpu.wait_dma2 semaphore(%dma_wait3A_124 : memref<!tpu.dma_semaphore, #tpu.memory_space<semaphore_mem>>) src(%dma_wait3A_131 : memref<80x128xf32, #tpu.memory_space<hbm>>) dst(%dma_wait3A_128 : memref<80x128xf32, #tpu.memory_space<vmem>>)
    %run_scoped3A = arith.constant 0 : i32
    %run_scoped3A_132 = arith.constant 0 : i32
    "tpu.region"() ({
      %run_scoped3A_174 = tpu.sem_alloc : memref<!tpu.dma_semaphore, #tpu.memory_space<semaphore_mem>>
      %dma_start3A_175 = arith.constant 0 : i32
      %dma_start3A_176 = tpu.memref_slice %arg6[%run_scoped3A, %run_scoped3A_132, %dma_start3A_175] : memref<4x2x80xi32, #tpu.memory_space<vmem>> -> memref<1x1x80xi32, #tpu.memory_space<vmem>>
      %dma_start3A_177 = tpu.memref_squeeze %dma_start3A_176 : memref<1x1x80xi32, #tpu.memory_space<vmem>> -> memref<80xi32, #tpu.memory_space<vmem>>
      %dma_start3A_178 = tpu.memref_slice %arg2[%multiple_of3A_96] : memref<320000xi32, #tpu.memory_space<hbm>> -> memref<80xi32, #tpu.memory_space<hbm>>
      %dma_start3A_179 = arith.constant 0 : i32
      %dma_start3A_180 = tpu.memref_slice %arg6[%run_scoped3A, %run_scoped3A_132, %dma_start3A_179] : memref<4x2x80xi32, #tpu.memory_space<vmem>> -> memref<1x1x80xi32, #tpu.memory_space<vmem>>
      %dma_start3A_181 = tpu.memref_squeeze %dma_start3A_180 : memref<1x1x80xi32, #tpu.memory_space<vmem>> -> memref<80xi32, #tpu.memory_space<vmem>>
      %dma_start3A_182 = tpu.memref_slice %arg2[%multiple_of3A_96] : memref<320000xi32, #tpu.memory_space<hbm>> -> memref<80xi32, #tpu.memory_space<hbm>>
      tpu.enqueue_dma source(%dma_start3A_182 : memref<80xi32, #tpu.memory_space<hbm>>) target(%dma_start3A_181 : memref<80xi32, #tpu.memory_space<vmem>>) target_semaphore(%run_scoped3A_174 : memref<!tpu.dma_semaphore, #tpu.memory_space<semaphore_mem>>)
      %dma_wait3A_183 = arith.constant 0 : i32
      %dma_wait3A_184 = tpu.memref_slice %arg6[%run_scoped3A, %run_scoped3A_132, %dma_wait3A_183] : memref<4x2x80xi32, #tpu.memory_space<vmem>> -> memref<1x1x80xi32, #tpu.memory_space<vmem>>
      %dma_wait3A_185 = tpu.memref_squeeze %dma_wait3A_184 : memref<1x1x80xi32, #tpu.memory_space<vmem>> -> memref<80xi32, #tpu.memory_space<vmem>>
      %dma_wait3A_186 = tpu.memref_slice %arg2[%multiple_of3A_96] : memref<320000xi32, #tpu.memory_space<hbm>> -> memref<80xi32, #tpu.memory_space<hbm>>
      %dma_wait3A_187 = arith.constant 0 : i32
      %dma_wait3A_188 = tpu.memref_slice %arg6[%run_scoped3A, %run_scoped3A_132, %dma_wait3A_187] : memref<4x2x80xi32, #tpu.memory_space<vmem>> -> memref<1x1x80xi32, #tpu.memory_space<vmem>>
      %dma_wait3A_189 = tpu.memref_squeeze %dma_wait3A_188 : memref<1x1x80xi32, #tpu.memory_space<vmem>> -> memref<80xi32, #tpu.memory_space<vmem>>
      %dma_wait3A_190 = tpu.memref_slice %arg2[%multiple_of3A_96] : memref<320000xi32, #tpu.memory_space<hbm>> -> memref<80xi32, #tpu.memory_space<hbm>>
      tpu.wait_dma2 semaphore(%run_scoped3A_174 : memref<!tpu.dma_semaphore, #tpu.memory_space<semaphore_mem>>) src(%dma_wait3A_190 : memref<80xi32, #tpu.memory_space<hbm>>) dst(%dma_wait3A_189 : memref<80xi32, #tpu.memory_space<vmem>>)
      tpu.yield
    }) : () -> ()
    %run_scoped3A_133 = arith.constant 0 : i32
    "tpu.region"() ({
      %run_scoped3A_174 = tpu.sem_alloc : memref<!tpu.dma_semaphore, #tpu.memory_space<semaphore_mem>>
      %dma_start3A_175 = arith.constant 0 : i32
      %dma_start3A_176 = arith.constant 0 : i32
      %dma_start3A_177 = tpu.memref_slice %arg7[%run_scoped3A_133, %dma_start3A_175, %dma_start3A_176] : memref<2x160x128xf32, #tpu.memory_space<vmem>> -> memref<1x80x128xf32, #tpu.memory_space<vmem>>
      %dma_start3A_178 = tpu.memref_squeeze %dma_start3A_177 : memref<1x80x128xf32, #tpu.memory_space<vmem>> -> memref<80x128xf32, #tpu.memory_space<vmem>>
      %dma_start3A_179 = arith.constant 0 : i32
      %dma_start3A_180 = tpu.memref_slice %arg3[%multiple_of3A_96, %dma_start3A_179] : memref<320000x128xf32, #tpu.memory_space<hbm>> -> memref<80x128xf32, #tpu.memory_space<hbm>>
      %dma_start3A_181 = arith.constant 0 : i32
      %dma_start3A_182 = arith.constant 0 : i32
      %dma_start3A_183 = tpu.memref_slice %arg7[%run_scoped3A_133, %dma_start3A_181, %dma_start3A_182] : memref<2x160x128xf32, #tpu.memory_space<vmem>> -> memref<1x80x128xf32, #tpu.memory_space<vmem>>
      %dma_start3A_184 = tpu.memref_squeeze %dma_start3A_183 : memref<1x80x128xf32, #tpu.memory_space<vmem>> -> memref<80x128xf32, #tpu.memory_space<vmem>>
      %dma_start3A_185 = arith.constant 0 : i32
      %dma_start3A_186 = tpu.memref_slice %arg3[%multiple_of3A_96, %dma_start3A_185] : memref<320000x128xf32, #tpu.memory_space<hbm>> -> memref<80x128xf32, #tpu.memory_space<hbm>>
      tpu.enqueue_dma source(%dma_start3A_186 : memref<80x128xf32, #tpu.memory_space<hbm>>) target(%dma_start3A_184 : memref<80x128xf32, #tpu.memory_space<vmem>>) target_semaphore(%run_scoped3A_174 : memref<!tpu.dma_semaphore, #tpu.memory_space<semaphore_mem>>)
      %dma_wait3A_187 = arith.constant 0 : i32
      %dma_wait3A_188 = arith.constant 0 : i32
      %dma_wait3A_189 = tpu.memref_slice %arg7[%run_scoped3A_133, %dma_wait3A_187, %dma_wait3A_188] : memref<2x160x128xf32, #tpu.memory_space<vmem>> -> memref<1x80x128xf32, #tpu.memory_space<vmem>>
      %dma_wait3A_190 = tpu.memref_squeeze %dma_wait3A_189 : memref<1x80x128xf32, #tpu.memory_space<vmem>> -> memref<80x128xf32, #tpu.memory_space<vmem>>
      %dma_wait3A_191 = arith.constant 0 : i32
      %dma_wait3A_192 = tpu.memref_slice %arg3[%multiple_of3A_96, %dma_wait3A_191] : memref<320000x128xf32, #tpu.memory_space<hbm>> -> memref<80x128xf32, #tpu.memory_space<hbm>>
      %dma_wait3A_193 = arith.constant 0 : i32
      %dma_wait3A_194 = arith.constant 0 : i32
      %dma_wait3A_195 = tpu.memref_slice %arg7[%run_scoped3A_133, %dma_wait3A_193, %dma_wait3A_194] : memref<2x160x128xf32, #tpu.memory_space<vmem>> -> memref<1x80x128xf32, #tpu.memory_space<vmem>>
      %dma_wait3A_196 = tpu.memref_squeeze %dma_wait3A_195 : memref<1x80x128xf32, #tpu.memory_space<vmem>> -> memref<80x128xf32, #tpu.memory_space<vmem>>
      %dma_wait3A_197 = arith.constant 0 : i32
      %dma_wait3A_198 = tpu.memref_slice %arg3[%multiple_of3A_96, %dma_wait3A_197] : memref<320000x128xf32, #tpu.memory_space<hbm>> -> memref<80x128xf32, #tpu.memory_space<hbm>>
      tpu.wait_dma2 semaphore(%run_scoped3A_174 : memref<!tpu.dma_semaphore, #tpu.memory_space<semaphore_mem>>) src(%dma_wait3A_198 : memref<80x128xf32, #tpu.memory_space<hbm>>) dst(%dma_wait3A_196 : memref<80x128xf32, #tpu.memory_space<vmem>>)
      tpu.yield
    }) : () -> ()
    %run_scoped3A_134 = arith.constant 0 : i32
    %run_scoped3A_135 = arith.constant 0 : i32
    %run_scoped3A_136 = arith.constant 0 : i32
    "tpu.region"() ({
      %run_scoped3A_174 = tpu.sem_alloc : memref<!tpu.dma_semaphore, #tpu.memory_space<semaphore_mem>>
      %dma_start3A_175 = arith.constant 0 : i32
      %dma_start3A_176 = arith.constant 0 : i32
      %dma_start3A_177 = tpu.memref_slice %arg7[%run_scoped3A_134, %dma_start3A_175, %dma_start3A_176] : memref<2x160x128xf32, #tpu.memory_space<vmem>> -> memref<1x80x128xf32, #tpu.memory_space<vmem>>
      %dma_start3A_178 = tpu.memref_squeeze %dma_start3A_177 : memref<1x80x128xf32, #tpu.memory_space<vmem>> -> memref<80x128xf32, #tpu.memory_space<vmem>>
      %dma_start3A_179 = arith.constant 0 : i32
      %dma_start3A_180 = tpu.memref_slice %arg6[%run_scoped3A_135, %run_scoped3A_136, %dma_start3A_179] : memref<4x2x80xi32, #tpu.memory_space<vmem>> -> memref<1x1x80xi32, #tpu.memory_space<vmem>>
      %dma_start3A_181 = tpu.memref_squeeze %dma_start3A_180 : memref<1x1x80xi32, #tpu.memory_space<vmem>> -> memref<80xi32, #tpu.memory_space<vmem>>
      %dma_start3A_182 = arith.constant 0 : i32
      %dma_start3A_183 = arith.constant 0 : i32
      %dma_start3A_184 = tpu.memref_slice %arg8[%dma_start3A_182, %dma_start3A_183] : memref<10240x128xf32, #tpu.memory_space<vmem_shared>> -> memref<10240x128xf32, #tpu.memory_space<vmem_shared>>
      tpu.enqueue_indirect_dma source(%dma_start3A_178 : memref<80x128xf32, #tpu.memory_space<vmem>>) target(%dma_start3A_184 : memref<10240x128xf32, #tpu.memory_space<vmem_shared>>) offsets(%dma_start3A_181 : memref<80xi32, #tpu.memory_space<vmem>>) semaphore(%run_scoped3A_174 : memref<!tpu.dma_semaphore, #tpu.memory_space<semaphore_mem>>) {add = true}
      %dma_wait3A_185 = arith.constant 0 : i32
      %dma_wait3A_186 = arith.constant 0 : i32
      %dma_wait3A_187 = tpu.memref_slice %arg7[%run_scoped3A_134, %dma_wait3A_185, %dma_wait3A_186] : memref<2x160x128xf32, #tpu.memory_space<vmem>> -> memref<1x80x128xf32, #tpu.memory_space<vmem>>
      %dma_wait3A_188 = tpu.memref_squeeze %dma_wait3A_187 : memref<1x80x128xf32, #tpu.memory_space<vmem>> -> memref<80x128xf32, #tpu.memory_space<vmem>>
      %dma_wait3A_189 = arith.constant 0 : i32
      %dma_wait3A_190 = tpu.memref_slice %arg6[%run_scoped3A_135, %run_scoped3A_136, %dma_wait3A_189] : memref<4x2x80xi32, #tpu.memory_space<vmem>> -> memref<1x1x80xi32, #tpu.memory_space<vmem>>
      %dma_wait3A_191 = tpu.memref_squeeze %dma_wait3A_190 : memref<1x1x80xi32, #tpu.memory_space<vmem>> -> memref<80xi32, #tpu.memory_space<vmem>>
      %dma_wait3A_192 = arith.constant 0 : i32
      %dma_wait3A_193 = arith.constant 0 : i32
      %dma_wait3A_194 = tpu.memref_slice %arg8[%dma_wait3A_192, %dma_wait3A_193] : memref<10240x128xf32, #tpu.memory_space<vmem_shared>> -> memref<10240x128xf32, #tpu.memory_space<vmem_shared>>
      tpu.wait_indirect_dma semaphore(%run_scoped3A_174 : memref<!tpu.dma_semaphore, #tpu.memory_space<semaphore_mem>>) src(%dma_wait3A_188 : memref<80x128xf32, #tpu.memory_space<vmem>>) dst(%dma_wait3A_194 : memref<10240x128xf32, #tpu.memory_space<vmem_shared>>)
      tpu.yield
    }) : () -> ()
    %dma_wait3A_137 = arith.constant 1 : i32
    %dma_wait3A_138 = arith.constant 1 : i32
    %dma_wait3A_139 = arith.constant 0 : i32
    %dma_wait3A_140 = arith.constant 0 : i32
    %dma_wait3A_141 = tpu.memref_slice %arg7[%dma_wait3A_137, %dma_wait3A_139, %dma_wait3A_140] : memref<2x160x128xf32, #tpu.memory_space<vmem>> -> memref<1x80x128xf32, #tpu.memory_space<vmem>>
    %dma_wait3A_142 = tpu.memref_squeeze %dma_wait3A_141 : memref<1x80x128xf32, #tpu.memory_space<vmem>> -> memref<80x128xf32, #tpu.memory_space<vmem>>
    %dma_wait3A_143 = arith.constant 0 : i32
    %dma_wait3A_144 = arith.constant 0 : i32
    %dma_wait3A_145 = tpu.memref_slice %arg3[%dma_wait3A_143, %dma_wait3A_144] : memref<320000x128xf32, #tpu.memory_space<hbm>> -> memref<80x128xf32, #tpu.memory_space<hbm>>
    %dma_wait3A_146 = tpu.memref_slice %arg11[%dma_wait3A_138] : memref<2x!tpu.dma_semaphore, #tpu.memory_space<semaphore_mem>> -> memref<1x!tpu.dma_semaphore, #tpu.memory_space<semaphore_mem>>
    %dma_wait3A_147 = tpu.memref_squeeze %dma_wait3A_146 : memref<1x!tpu.dma_semaphore, #tpu.memory_space<semaphore_mem>> -> memref<!tpu.dma_semaphore, #tpu.memory_space<semaphore_mem>>
    %dma_wait3A_148 = arith.constant 0 : i32
    %dma_wait3A_149 = arith.constant 0 : i32
    %dma_wait3A_150 = tpu.memref_slice %arg7[%dma_wait3A_137, %dma_wait3A_148, %dma_wait3A_149] : memref<2x160x128xf32, #tpu.memory_space<vmem>> -> memref<1x80x128xf32, #tpu.memory_space<vmem>>
    %dma_wait3A_151 = tpu.memref_squeeze %dma_wait3A_150 : memref<1x80x128xf32, #tpu.memory_space<vmem>> -> memref<80x128xf32, #tpu.memory_space<vmem>>
    %dma_wait3A_152 = arith.constant 0 : i32
    %dma_wait3A_153 = arith.constant 0 : i32
    %dma_wait3A_154 = tpu.memref_slice %arg3[%dma_wait3A_152, %dma_wait3A_153] : memref<320000x128xf32, #tpu.memory_space<hbm>> -> memref<80x128xf32, #tpu.memory_space<hbm>>
    tpu.wait_dma2 semaphore(%dma_wait3A_147 : memref<!tpu.dma_semaphore, #tpu.memory_space<semaphore_mem>>) src(%dma_wait3A_154 : memref<80x128xf32, #tpu.memory_space<hbm>>) dst(%dma_wait3A_151 : memref<80x128xf32, #tpu.memory_space<vmem>>)
    %dma_wait3A_155 = arith.constant 1 : i32
    %dma_wait3A_156 = arith.constant 1 : i32
    %dma_wait3A_157 = arith.constant 80 : i32
    %dma_wait3A_158 = arith.constant 0 : i32
    %dma_wait3A_159 = tpu.memref_slice %arg7[%dma_wait3A_155, %dma_wait3A_157, %dma_wait3A_158] : memref<2x160x128xf32, #tpu.memory_space<vmem>> -> memref<1x80x128xf32, #tpu.memory_space<vmem>>
    %dma_wait3A_160 = tpu.memref_squeeze %dma_wait3A_159 : memref<1x80x128xf32, #tpu.memory_space<vmem>> -> memref<80x128xf32, #tpu.memory_space<vmem>>
    %dma_wait3A_161 = arith.constant 0 : i32
    %dma_wait3A_162 = arith.constant 0 : i32
    %dma_wait3A_163 = tpu.memref_slice %arg3[%dma_wait3A_161, %dma_wait3A_162] : memref<320000x128xf32, #tpu.memory_space<hbm>> -> memref<80x128xf32, #tpu.memory_space<hbm>>
    %dma_wait3A_164 = tpu.memref_slice %arg11[%dma_wait3A_156] : memref<2x!tpu.dma_semaphore, #tpu.memory_space<semaphore_mem>> -> memref<1x!tpu.dma_semaphore, #tpu.memory_space<semaphore_mem>>
    %dma_wait3A_165 = tpu.memref_squeeze %dma_wait3A_164 : memref<1x!tpu.dma_semaphore, #tpu.memory_space<semaphore_mem>> -> memref<!tpu.dma_semaphore, #tpu.memory_space<semaphore_mem>>
    %dma_wait3A_166 = arith.constant 80 : i32
    %dma_wait3A_167 = arith.constant 0 : i32
    %dma_wait3A_168 = tpu.memref_slice %arg7[%dma_wait3A_155, %dma_wait3A_166, %dma_wait3A_167] : memref<2x160x128xf32, #tpu.memory_space<vmem>> -> memref<1x80x128xf32, #tpu.memory_space<vmem>>
    %dma_wait3A_169 = tpu.memref_squeeze %dma_wait3A_168 : memref<1x80x128xf32, #tpu.memory_space<vmem>> -> memref<80x128xf32, #tpu.memory_space<vmem>>
    %dma_wait3A_170 = arith.constant 0 : i32
    %dma_wait3A_171 = arith.constant 0 : i32
    %dma_wait3A_172 = tpu.memref_slice %arg3[%dma_wait3A_170, %dma_wait3A_171] : memref<320000x128xf32, #tpu.memory_space<hbm>> -> memref<80x128xf32, #tpu.memory_space<hbm>>
    tpu.wait_dma2 semaphore(%dma_wait3A_165 : memref<!tpu.dma_semaphore, #tpu.memory_space<semaphore_mem>>) src(%dma_wait3A_172 : memref<80x128xf32, #tpu.memory_space<hbm>>) dst(%dma_wait3A_169 : memref<80x128xf32, #tpu.memory_space<vmem>>)
    %barrier3A_173 = arith.constant 0 : index
    tpu.barrier barrier_id(%barrier3A_173)
    "tpu.region"() ({
      %run_scoped3A_174 = tpu.sem_alloc : memref<!tpu.dma_semaphore, #tpu.memory_space<semaphore_mem>>
      %dma_start3A_175 = arith.constant 0 : i32
      %dma_start3A_176 = tpu.memref_slice %arg5[%arg0, %multiple_of3A, %dma_start3A_175] : memref<2x10240x128xf32, #tpu.memory_space<hbm>> -> memref<1x640x128xf32, #tpu.memory_space<hbm>>
      %dma_start3A_177 = tpu.memref_squeeze %dma_start3A_176 : memref<1x640x128xf32, #tpu.memory_space<hbm>> -> memref<640x128xf32, #tpu.memory_space<hbm>>
      %dma_start3A_178 = arith.constant 0 : i32
      %dma_start3A_179 = tpu.memref_slice %arg8[%multiple_of3A, %dma_start3A_178] : memref<10240x128xf32, #tpu.memory_space<vmem_shared>> -> memref<640x128xf32, #tpu.memory_space<vmem_shared>>
      tpu.enqueue_dma source(%dma_start3A_179 : memref<640x128xf32, #tpu.memory_space<vmem_shared>>) target(%dma_start3A_177 : memref<640x128xf32, #tpu.memory_space<hbm>>) target_semaphore(%run_scoped3A_174 : memref<!tpu.dma_semaphore, #tpu.memory_space<semaphore_mem>>)
      %dma_wait3A_180 = arith.constant 0 : i32
      %dma_wait3A_181 = tpu.memref_slice %arg5[%arg0, %multiple_of3A, %dma_wait3A_180] : memref<2x10240x128xf32, #tpu.memory_space<hbm>> -> memref<1x640x128xf32, #tpu.memory_space<hbm>>
      %dma_wait3A_182 = tpu.memref_squeeze %dma_wait3A_181 : memref<1x640x128xf32, #tpu.memory_space<hbm>> -> memref<640x128xf32, #tpu.memory_space<hbm>>
      %dma_wait3A_183 = arith.constant 0 : i32
      %dma_wait3A_184 = tpu.memref_slice %arg8[%multiple_of3A, %dma_wait3A_183] : memref<10240x128xf32, #tpu.memory_space<vmem_shared>> -> memref<640x128xf32, #tpu.memory_space<vmem_shared>>
      tpu.wait_dma2 semaphore(%run_scoped3A_174 : memref<!tpu.dma_semaphore, #tpu.memory_space<semaphore_mem>>) src(%dma_wait3A_184 : memref<640x128xf32, #tpu.memory_space<vmem_shared>>) dst(%dma_wait3A_182 : memref<640x128xf32, #tpu.memory_space<hbm>>)
      tpu.yield
    }) : () -> ()
    return
  }
}

#map = affine_map<(d0, d1) -> (0)>
#map1 = affine_map<(d0, d1) -> (0, 0)>
module attributes {stable_mosaic.version = 14 : i64} {
  func.func @_scg_body(%arg0: i32, %arg1: i32, %arg2: memref<320000xi32, #tpu.memory_space<hbm>>, %arg3: memref<320000xi32, #tpu.memory_space<hbm>>, %arg4: memref<10000x128xf32, #tpu.memory_space<hbm>>, %arg5: memref<10000x128xf32, #tpu.memory_space<hbm>>, %arg6: memref<320000x64xi32, #tpu.memory_space<hbm>>, %arg7: memref<4x2x80xi32, #tpu.memory_space<vmem>>, %arg8: memref<4x2x80xi32, #tpu.memory_space<vmem>>, %arg9: memref<2x160x128xf32, #tpu.memory_space<vmem>>, %arg10: memref<2x160x128xf32, #tpu.memory_space<vmem>>, %arg11: memref<2x160x64xi32, #tpu.memory_space<vmem>>, %arg12: memref<2x!tpu.dma_semaphore, #tpu.memory_space<semaphore_mem>>, %arg13: memref<2x!tpu.dma_semaphore, #tpu.memory_space<semaphore_mem>>, %arg14: memref<2x!tpu.dma_semaphore, #tpu.memory_space<semaphore_mem>>, %arg15: memref<4x!tpu.dma_semaphore, #tpu.memory_space<semaphore_mem>>, %arg16: memref<4x!tpu.dma_semaphore, #tpu.memory_space<semaphore_mem>>) attributes {dimension_semantics = [#tpu.dimension_semantics<core_parallel>, #tpu.dimension_semantics<subcore_parallel>], iteration_bounds = array<i64: 2, 16>, scalar_prefetch = 0 : i64, scratch_operands = 10 : i64, tpu.core_type = #tpu.core_type<sc_vector_subcore>, window_params = [{transform_indices = #map}, {transform_indices = #map}, {transform_indices = #map1}, {transform_indices = #map1}, {transform_indices = #map1}]} {
    %mul3A = arith.constant 16 : i32
    %mul3A_0 = arith.muli %arg0, %mul3A : i32
    %add3A = arith.addi %mul3A_0, %arg1 : i32
    %mul3A_1 = arith.constant 10000 : i32
    %mul3A_2 = arith.muli %add3A, %mul3A_1 : i32
    %add3A_3 = arith.constant 0 : i32
    %add3A_4 = arith.addi %mul3A_2, %add3A_3 : i32
    %multiple_of3A = tpu.assume_multiple %add3A_4, 16 : i32
    %add3A_5 = arith.constant 0 : i32
    %add3A_6 = arith.addi %multiple_of3A, %add3A_5 : i32
    %dma_start3A = arith.constant 0 : i32
    %dma_start3A_7 = arith.constant 0 : i32
    %dma_start3A_8 = arith.constant 0 : i32
    %dma_start3A_9 = arith.constant 0 : i32
    %dma_start3A_10 = tpu.memref_slice %arg7[%dma_start3A, %dma_start3A_7, %dma_start3A_9] : memref<4x2x80xi32, #tpu.memory_space<vmem>> -> memref<1x1x80xi32, #tpu.memory_space<vmem>>
    %dma_start3A_11 = tpu.memref_squeeze %dma_start3A_10 : memref<1x1x80xi32, #tpu.memory_space<vmem>> -> memref<80xi32, #tpu.memory_space<vmem>>
    %dma_start3A_12 = tpu.memref_slice %arg2[%add3A_6] : memref<320000xi32, #tpu.memory_space<hbm>> -> memref<80xi32, #tpu.memory_space<hbm>>
    %dma_start3A_13 = tpu.memref_slice %arg15[%dma_start3A_8] : memref<4x!tpu.dma_semaphore, #tpu.memory_space<semaphore_mem>> -> memref<1x!tpu.dma_semaphore, #tpu.memory_space<semaphore_mem>>
    %dma_start3A_14 = tpu.memref_squeeze %dma_start3A_13 : memref<1x!tpu.dma_semaphore, #tpu.memory_space<semaphore_mem>> -> memref<!tpu.dma_semaphore, #tpu.memory_space<semaphore_mem>>
    %dma_start3A_15 = arith.constant 0 : i32
    %dma_start3A_16 = tpu.memref_slice %arg7[%dma_start3A, %dma_start3A_7, %dma_start3A_15] : memref<4x2x80xi32, #tpu.memory_space<vmem>> -> memref<1x1x80xi32, #tpu.memory_space<vmem>>
    %dma_start3A_17 = tpu.memref_squeeze %dma_start3A_16 : memref<1x1x80xi32, #tpu.memory_space<vmem>> -> memref<80xi32, #tpu.memory_space<vmem>>
    %dma_start3A_18 = tpu.memref_slice %arg2[%add3A_6] : memref<320000xi32, #tpu.memory_space<hbm>> -> memref<80xi32, #tpu.memory_space<hbm>>
    tpu.enqueue_dma source(%dma_start3A_18 : memref<80xi32, #tpu.memory_space<hbm>>) target(%dma_start3A_17 : memref<80xi32, #tpu.memory_space<vmem>>) target_semaphore(%dma_start3A_14 : memref<!tpu.dma_semaphore, #tpu.memory_space<semaphore_mem>>)
    %add3A_19 = arith.constant 0 : i32
    %add3A_20 = arith.addi %multiple_of3A, %add3A_19 : i32
    %dma_start3A_21 = arith.constant 0 : i32
    %dma_start3A_22 = arith.constant 0 : i32
    %dma_start3A_23 = arith.constant 0 : i32
    %dma_start3A_24 = arith.constant 0 : i32
    %dma_start3A_25 = tpu.memref_slice %arg8[%dma_start3A_21, %dma_start3A_22, %dma_start3A_24] : memref<4x2x80xi32, #tpu.memory_space<vmem>> -> memref<1x1x80xi32, #tpu.memory_space<vmem>>
    %dma_start3A_26 = tpu.memref_squeeze %dma_start3A_25 : memref<1x1x80xi32, #tpu.memory_space<vmem>> -> memref<80xi32, #tpu.memory_space<vmem>>
    %dma_start3A_27 = tpu.memref_slice %arg3[%add3A_20] : memref<320000xi32, #tpu.memory_space<hbm>> -> memref<80xi32, #tpu.memory_space<hbm>>
    %dma_start3A_28 = tpu.memref_slice %arg16[%dma_start3A_23] : memref<4x!tpu.dma_semaphore, #tpu.memory_space<semaphore_mem>> -> memref<1x!tpu.dma_semaphore, #tpu.memory_space<semaphore_mem>>
    %dma_start3A_29 = tpu.memref_squeeze %dma_start3A_28 : memref<1x!tpu.dma_semaphore, #tpu.memory_space<semaphore_mem>> -> memref<!tpu.dma_semaphore, #tpu.memory_space<semaphore_mem>>
    %dma_start3A_30 = arith.constant 0 : i32
    %dma_start3A_31 = tpu.memref_slice %arg8[%dma_start3A_21, %dma_start3A_22, %dma_start3A_30] : memref<4x2x80xi32, #tpu.memory_space<vmem>> -> memref<1x1x80xi32, #tpu.memory_space<vmem>>
    %dma_start3A_32 = tpu.memref_squeeze %dma_start3A_31 : memref<1x1x80xi32, #tpu.memory_space<vmem>> -> memref<80xi32, #tpu.memory_space<vmem>>
    %dma_start3A_33 = tpu.memref_slice %arg3[%add3A_20] : memref<320000xi32, #tpu.memory_space<hbm>> -> memref<80xi32, #tpu.memory_space<hbm>>
    tpu.enqueue_dma source(%dma_start3A_33 : memref<80xi32, #tpu.memory_space<hbm>>) target(%dma_start3A_32 : memref<80xi32, #tpu.memory_space<vmem>>) target_semaphore(%dma_start3A_29 : memref<!tpu.dma_semaphore, #tpu.memory_space<semaphore_mem>>)
    %add3A_34 = arith.constant 80 : i32
    %add3A_35 = arith.addi %multiple_of3A, %add3A_34 : i32
    %dma_start3A_36 = arith.constant 0 : i32
    %dma_start3A_37 = arith.constant 1 : i32
    %dma_start3A_38 = arith.constant 0 : i32
    %dma_start3A_39 = arith.constant 0 : i32
    %dma_start3A_40 = tpu.memref_slice %arg7[%dma_start3A_36, %dma_start3A_37, %dma_start3A_39] : memref<4x2x80xi32, #tpu.memory_space<vmem>> -> memref<1x1x80xi32, #tpu.memory_space<vmem>>
    %dma_start3A_41 = tpu.memref_squeeze %dma_start3A_40 : memref<1x1x80xi32, #tpu.memory_space<vmem>> -> memref<80xi32, #tpu.memory_space<vmem>>
    %dma_start3A_42 = tpu.memref_slice %arg2[%add3A_35] : memref<320000xi32, #tpu.memory_space<hbm>> -> memref<80xi32, #tpu.memory_space<hbm>>
    %dma_start3A_43 = tpu.memref_slice %arg15[%dma_start3A_38] : memref<4x!tpu.dma_semaphore, #tpu.memory_space<semaphore_mem>> -> memref<1x!tpu.dma_semaphore, #tpu.memory_space<semaphore_mem>>
    %dma_start3A_44 = tpu.memref_squeeze %dma_start3A_43 : memref<1x!tpu.dma_semaphore, #tpu.memory_space<semaphore_mem>> -> memref<!tpu.dma_semaphore, #tpu.memory_space<semaphore_mem>>
    %dma_start3A_45 = arith.constant 0 : i32
    %dma_start3A_46 = tpu.memref_slice %arg7[%dma_start3A_36, %dma_start3A_37, %dma_start3A_45] : memref<4x2x80xi32, #tpu.memory_space<vmem>> -> memref<1x1x80xi32, #tpu.memory_space<vmem>>
    %dma_start3A_47 = tpu.memref_squeeze %dma_start3A_46 : memref<1x1x80xi32, #tpu.memory_space<vmem>> -> memref<80xi32, #tpu.memory_space<vmem>>
    %dma_start3A_48 = tpu.memref_slice %arg2[%add3A_35] : memref<320000xi32, #tpu.memory_space<hbm>> -> memref<80xi32, #tpu.memory_space<hbm>>
    tpu.enqueue_dma source(%dma_start3A_48 : memref<80xi32, #tpu.memory_space<hbm>>) target(%dma_start3A_47 : memref<80xi32, #tpu.memory_space<vmem>>) target_semaphore(%dma_start3A_44 : memref<!tpu.dma_semaphore, #tpu.memory_space<semaphore_mem>>)
    %add3A_49 = arith.constant 80 : i32
    %add3A_50 = arith.addi %multiple_of3A, %add3A_49 : i32
    %dma_start3A_51 = arith.constant 0 : i32
    %dma_start3A_52 = arith.constant 1 : i32
    %dma_start3A_53 = arith.constant 0 : i32
    %dma_start3A_54 = arith.constant 0 : i32
    %dma_start3A_55 = tpu.memref_slice %arg8[%dma_start3A_51, %dma_start3A_52, %dma_start3A_54] : memref<4x2x80xi32, #tpu.memory_space<vmem>> -> memref<1x1x80xi32, #tpu.memory_space<vmem>>
    %dma_start3A_56 = tpu.memref_squeeze %dma_start3A_55 : memref<1x1x80xi32, #tpu.memory_space<vmem>> -> memref<80xi32, #tpu.memory_space<vmem>>
    %dma_start3A_57 = tpu.memref_slice %arg3[%add3A_50] : memref<320000xi32, #tpu.memory_space<hbm>> -> memref<80xi32, #tpu.memory_space<hbm>>
    %dma_start3A_58 = tpu.memref_slice %arg16[%dma_start3A_53] : memref<4x!tpu.dma_semaphore, #tpu.memory_space<semaphore_mem>> -> memref<1x!tpu.dma_semaphore, #tpu.memory_space<semaphore_mem>>
    %dma_start3A_59 = tpu.memref_squeeze %dma_start3A_58 : memref<1x!tpu.dma_semaphore, #tpu.memory_space<semaphore_mem>> -> memref<!tpu.dma_semaphore, #tpu.memory_space<semaphore_mem>>
    %dma_start3A_60 = arith.constant 0 : i32
    %dma_start3A_61 = tpu.memref_slice %arg8[%dma_start3A_51, %dma_start3A_52, %dma_start3A_60] : memref<4x2x80xi32, #tpu.memory_space<vmem>> -> memref<1x1x80xi32, #tpu.memory_space<vmem>>
    %dma_start3A_62 = tpu.memref_squeeze %dma_start3A_61 : memref<1x1x80xi32, #tpu.memory_space<vmem>> -> memref<80xi32, #tpu.memory_space<vmem>>
    %dma_start3A_63 = tpu.memref_slice %arg3[%add3A_50] : memref<320000xi32, #tpu.memory_space<hbm>> -> memref<80xi32, #tpu.memory_space<hbm>>
    tpu.enqueue_dma source(%dma_start3A_63 : memref<80xi32, #tpu.memory_space<hbm>>) target(%dma_start3A_62 : memref<80xi32, #tpu.memory_space<vmem>>) target_semaphore(%dma_start3A_59 : memref<!tpu.dma_semaphore, #tpu.memory_space<semaphore_mem>>)
    %add3A_64 = arith.constant 160 : i32
    %add3A_65 = arith.addi %mul3A_2, %add3A_64 : i32
    %multiple_of3A_66 = tpu.assume_multiple %add3A_65, 16 : i32
    %add3A_67 = arith.constant 0 : i32
    %add3A_68 = arith.addi %multiple_of3A_66, %add3A_67 : i32
    %dma_start3A_69 = arith.constant 1 : i32
    %dma_start3A_70 = arith.constant 0 : i32
    %dma_start3A_71 = arith.constant 1 : i32
    %dma_start3A_72 = arith.constant 0 : i32
    %dma_start3A_73 = tpu.memref_slice %arg7[%dma_start3A_69, %dma_start3A_70, %dma_start3A_72] : memref<4x2x80xi32, #tpu.memory_space<vmem>> -> memref<1x1x80xi32, #tpu.memory_space<vmem>>
    %dma_start3A_74 = tpu.memref_squeeze %dma_start3A_73 : memref<1x1x80xi32, #tpu.memory_space<vmem>> -> memref<80xi32, #tpu.memory_space<vmem>>
    %dma_start3A_75 = tpu.memref_slice %arg2[%add3A_68] : memref<320000xi32, #tpu.memory_space<hbm>> -> memref<80xi32, #tpu.memory_space<hbm>>
    %dma_start3A_76 = tpu.memref_slice %arg15[%dma_start3A_71] : memref<4x!tpu.dma_semaphore, #tpu.memory_space<semaphore_mem>> -> memref<1x!tpu.dma_semaphore, #tpu.memory_space<semaphore_mem>>
    %dma_start3A_77 = tpu.memref_squeeze %dma_start3A_76 : memref<1x!tpu.dma_semaphore, #tpu.memory_space<semaphore_mem>> -> memref<!tpu.dma_semaphore, #tpu.memory_space<semaphore_mem>>
    %dma_start3A_78 = arith.constant 0 : i32
    %dma_start3A_79 = tpu.memref_slice %arg7[%dma_start3A_69, %dma_start3A_70, %dma_start3A_78] : memref<4x2x80xi32, #tpu.memory_space<vmem>> -> memref<1x1x80xi32, #tpu.memory_space<vmem>>
    %dma_start3A_80 = tpu.memref_squeeze %dma_start3A_79 : memref<1x1x80xi32, #tpu.memory_space<vmem>> -> memref<80xi32, #tpu.memory_space<vmem>>
    %dma_start3A_81 = tpu.memref_slice %arg2[%add3A_68] : memref<320000xi32, #tpu.memory_space<hbm>> -> memref<80xi32, #tpu.memory_space<hbm>>
    tpu.enqueue_dma source(%dma_start3A_81 : memref<80xi32, #tpu.memory_space<hbm>>) target(%dma_start3A_80 : memref<80xi32, #tpu.memory_space<vmem>>) target_semaphore(%dma_start3A_77 : memref<!tpu.dma_semaphore, #tpu.memory_space<semaphore_mem>>)
    %add3A_82 = arith.constant 0 : i32
    %add3A_83 = arith.addi %multiple_of3A_66, %add3A_82 : i32
    %dma_start3A_84 = arith.constant 1 : i32
    %dma_start3A_85 = arith.constant 0 : i32
    %dma_start3A_86 = arith.constant 1 : i32
    %dma_start3A_87 = arith.constant 0 : i32
    %dma_start3A_88 = tpu.memref_slice %arg8[%dma_start3A_84, %dma_start3A_85, %dma_start3A_87] : memref<4x2x80xi32, #tpu.memory_space<vmem>> -> memref<1x1x80xi32, #tpu.memory_space<vmem>>
    %dma_start3A_89 = tpu.memref_squeeze %dma_start3A_88 : memref<1x1x80xi32, #tpu.memory_space<vmem>> -> memref<80xi32, #tpu.memory_space<vmem>>
    %dma_start3A_90 = tpu.memref_slice %arg3[%add3A_83] : memref<320000xi32, #tpu.memory_space<hbm>> -> memref<80xi32, #tpu.memory_space<hbm>>
    %dma_start3A_91 = tpu.memref_slice %arg16[%dma_start3A_86] : memref<4x!tpu.dma_semaphore, #tpu.memory_space<semaphore_mem>> -> memref<1x!tpu.dma_semaphore, #tpu.memory_space<semaphore_mem>>
    %dma_start3A_92 = tpu.memref_squeeze %dma_start3A_91 : memref<1x!tpu.dma_semaphore, #tpu.memory_space<semaphore_mem>> -> memref<!tpu.dma_semaphore, #tpu.memory_space<semaphore_mem>>
    %dma_start3A_93 = arith.constant 0 : i32
    %dma_start3A_94 = tpu.memref_slice %arg8[%dma_start3A_84, %dma_start3A_85, %dma_start3A_93] : memref<4x2x80xi32, #tpu.memory_space<vmem>> -> memref<1x1x80xi32, #tpu.memory_space<vmem>>
    %dma_start3A_95 = tpu.memref_squeeze %dma_start3A_94 : memref<1x1x80xi32, #tpu.memory_space<vmem>> -> memref<80xi32, #tpu.memory_space<vmem>>
    %dma_start3A_96 = tpu.memref_slice %arg3[%add3A_83] : memref<320000xi32, #tpu.memory_space<hbm>> -> memref<80xi32, #tpu.memory_space<hbm>>
    tpu.enqueue_dma source(%dma_start3A_96 : memref<80xi32, #tpu.memory_space<hbm>>) target(%dma_start3A_95 : memref<80xi32, #tpu.memory_space<vmem>>) target_semaphore(%dma_start3A_92 : memref<!tpu.dma_semaphore, #tpu.memory_space<semaphore_mem>>)
    %add3A_97 = arith.constant 80 : i32
    %add3A_98 = arith.addi %multiple_of3A_66, %add3A_97 : i32
    %dma_start3A_99 = arith.constant 1 : i32
    %dma_start3A_100 = arith.constant 1 : i32
    %dma_start3A_101 = arith.constant 1 : i32
    %dma_start3A_102 = arith.constant 0 : i32
    %dma_start3A_103 = tpu.memref_slice %arg7[%dma_start3A_99, %dma_start3A_100, %dma_start3A_102] : memref<4x2x80xi32, #tpu.memory_space<vmem>> -> memref<1x1x80xi32, #tpu.memory_space<vmem>>
    %dma_start3A_104 = tpu.memref_squeeze %dma_start3A_103 : memref<1x1x80xi32, #tpu.memory_space<vmem>> -> memref<80xi32, #tpu.memory_space<vmem>>
    %dma_start3A_105 = tpu.memref_slice %arg2[%add3A_98] : memref<320000xi32, #tpu.memory_space<hbm>> -> memref<80xi32, #tpu.memory_space<hbm>>
    %dma_start3A_106 = tpu.memref_slice %arg15[%dma_start3A_101] : memref<4x!tpu.dma_semaphore, #tpu.memory_space<semaphore_mem>> -> memref<1x!tpu.dma_semaphore, #tpu.memory_space<semaphore_mem>>
    %dma_start3A_107 = tpu.memref_squeeze %dma_start3A_106 : memref<1x!tpu.dma_semaphore, #tpu.memory_space<semaphore_mem>> -> memref<!tpu.dma_semaphore, #tpu.memory_space<semaphore_mem>>
    %dma_start3A_108 = arith.constant 0 : i32
    %dma_start3A_109 = tpu.memref_slice %arg7[%dma_start3A_99, %dma_start3A_100, %dma_start3A_108] : memref<4x2x80xi32, #tpu.memory_space<vmem>> -> memref<1x1x80xi32, #tpu.memory_space<vmem>>
    %dma_start3A_110 = tpu.memref_squeeze %dma_start3A_109 : memref<1x1x80xi32, #tpu.memory_space<vmem>> -> memref<80xi32, #tpu.memory_space<vmem>>
    %dma_start3A_111 = tpu.memref_slice %arg2[%add3A_98] : memref<320000xi32, #tpu.memory_space<hbm>> -> memref<80xi32, #tpu.memory_space<hbm>>
    tpu.enqueue_dma source(%dma_start3A_111 : memref<80xi32, #tpu.memory_space<hbm>>) target(%dma_start3A_110 : memref<80xi32, #tpu.memory_space<vmem>>) target_semaphore(%dma_start3A_107 : memref<!tpu.dma_semaphore, #tpu.memory_space<semaphore_mem>>)
    %add3A_112 = arith.constant 80 : i32
    %add3A_113 = arith.addi %multiple_of3A_66, %add3A_112 : i32
    %dma_start3A_114 = arith.constant 1 : i32
    %dma_start3A_115 = arith.constant 1 : i32
    %dma_start3A_116 = arith.constant 1 : i32
    %dma_start3A_117 = arith.constant 0 : i32
    %dma_start3A_118 = tpu.memref_slice %arg8[%dma_start3A_114, %dma_start3A_115, %dma_start3A_117] : memref<4x2x80xi32, #tpu.memory_space<vmem>> -> memref<1x1x80xi32, #tpu.memory_space<vmem>>
    %dma_start3A_119 = tpu.memref_squeeze %dma_start3A_118 : memref<1x1x80xi32, #tpu.memory_space<vmem>> -> memref<80xi32, #tpu.memory_space<vmem>>
    %dma_start3A_120 = tpu.memref_slice %arg3[%add3A_113] : memref<320000xi32, #tpu.memory_space<hbm>> -> memref<80xi32, #tpu.memory_space<hbm>>
    %dma_start3A_121 = tpu.memref_slice %arg16[%dma_start3A_116] : memref<4x!tpu.dma_semaphore, #tpu.memory_space<semaphore_mem>> -> memref<1x!tpu.dma_semaphore, #tpu.memory_space<semaphore_mem>>
    %dma_start3A_122 = tpu.memref_squeeze %dma_start3A_121 : memref<1x!tpu.dma_semaphore, #tpu.memory_space<semaphore_mem>> -> memref<!tpu.dma_semaphore, #tpu.memory_space<semaphore_mem>>
    %dma_start3A_123 = arith.constant 0 : i32
    %dma_start3A_124 = tpu.memref_slice %arg8[%dma_start3A_114, %dma_start3A_115, %dma_start3A_123] : memref<4x2x80xi32, #tpu.memory_space<vmem>> -> memref<1x1x80xi32, #tpu.memory_space<vmem>>
    %dma_start3A_125 = tpu.memref_squeeze %dma_start3A_124 : memref<1x1x80xi32, #tpu.memory_space<vmem>> -> memref<80xi32, #tpu.memory_space<vmem>>
    %dma_start3A_126 = tpu.memref_slice %arg3[%add3A_113] : memref<320000xi32, #tpu.memory_space<hbm>> -> memref<80xi32, #tpu.memory_space<hbm>>
    tpu.enqueue_dma source(%dma_start3A_126 : memref<80xi32, #tpu.memory_space<hbm>>) target(%dma_start3A_125 : memref<80xi32, #tpu.memory_space<vmem>>) target_semaphore(%dma_start3A_122 : memref<!tpu.dma_semaphore, #tpu.memory_space<semaphore_mem>>)
    %dma_wait3A = arith.constant 0 : i32
    %dma_wait3A_127 = arith.constant 0 : i32
    %dma_wait3A_128 = arith.constant 0 : i32
    %dma_wait3A_129 = arith.constant 0 : i32
    %dma_wait3A_130 = tpu.memref_slice %arg7[%dma_wait3A, %dma_wait3A_127, %dma_wait3A_129] : memref<4x2x80xi32, #tpu.memory_space<vmem>> -> memref<1x1x80xi32, #tpu.memory_space<vmem>>
    %dma_wait3A_131 = tpu.memref_squeeze %dma_wait3A_130 : memref<1x1x80xi32, #tpu.memory_space<vmem>> -> memref<80xi32, #tpu.memory_space<vmem>>
    %dma_wait3A_132 = arith.constant 0 : i32
    %dma_wait3A_133 = tpu.memref_slice %arg2[%dma_wait3A_132] : memref<320000xi32, #tpu.memory_space<hbm>> -> memref<80xi32, #tpu.memory_space<hbm>>
    %dma_wait3A_134 = tpu.memref_slice %arg15[%dma_wait3A_128] : memref<4x!tpu.dma_semaphore, #tpu.memory_space<semaphore_mem>> -> memref<1x!tpu.dma_semaphore, #tpu.memory_space<semaphore_mem>>
    %dma_wait3A_135 = tpu.memref_squeeze %dma_wait3A_134 : memref<1x!tpu.dma_semaphore, #tpu.memory_space<semaphore_mem>> -> memref<!tpu.dma_semaphore, #tpu.memory_space<semaphore_mem>>
    %dma_wait3A_136 = arith.constant 0 : i32
    %dma_wait3A_137 = tpu.memref_slice %arg7[%dma_wait3A, %dma_wait3A_127, %dma_wait3A_136] : memref<4x2x80xi32, #tpu.memory_space<vmem>> -> memref<1x1x80xi32, #tpu.memory_space<vmem>>
    %dma_wait3A_138 = tpu.memref_squeeze %dma_wait3A_137 : memref<1x1x80xi32, #tpu.memory_space<vmem>> -> memref<80xi32, #tpu.memory_space<vmem>>
    %dma_wait3A_139 = arith.constant 0 : i32
    %dma_wait3A_140 = tpu.memref_slice %arg2[%dma_wait3A_139] : memref<320000xi32, #tpu.memory_space<hbm>> -> memref<80xi32, #tpu.memory_space<hbm>>
    tpu.wait_dma2 semaphore(%dma_wait3A_135 : memref<!tpu.dma_semaphore, #tpu.memory_space<semaphore_mem>>) src(%dma_wait3A_140 : memref<80xi32, #tpu.memory_space<hbm>>) dst(%dma_wait3A_138 : memref<80xi32, #tpu.memory_space<vmem>>)
    %dma_wait3A_141 = arith.constant 0 : i32
    %dma_wait3A_142 = arith.constant 0 : i32
    %dma_wait3A_143 = arith.constant 0 : i32
    %dma_wait3A_144 = arith.constant 0 : i32
    %dma_wait3A_145 = tpu.memref_slice %arg8[%dma_wait3A_141, %dma_wait3A_142, %dma_wait3A_144] : memref<4x2x80xi32, #tpu.memory_space<vmem>> -> memref<1x1x80xi32, #tpu.memory_space<vmem>>
    %dma_wait3A_146 = tpu.memref_squeeze %dma_wait3A_145 : memref<1x1x80xi32, #tpu.memory_space<vmem>> -> memref<80xi32, #tpu.memory_space<vmem>>
    %dma_wait3A_147 = arith.constant 0 : i32
    %dma_wait3A_148 = tpu.memref_slice %arg3[%dma_wait3A_147] : memref<320000xi32, #tpu.memory_space<hbm>> -> memref<80xi32, #tpu.memory_space<hbm>>
    %dma_wait3A_149 = tpu.memref_slice %arg16[%dma_wait3A_143] : memref<4x!tpu.dma_semaphore, #tpu.memory_space<semaphore_mem>> -> memref<1x!tpu.dma_semaphore, #tpu.memory_space<semaphore_mem>>
    %dma_wait3A_150 = tpu.memref_squeeze %dma_wait3A_149 : memref<1x!tpu.dma_semaphore, #tpu.memory_space<semaphore_mem>> -> memref<!tpu.dma_semaphore, #tpu.memory_space<semaphore_mem>>
    %dma_wait3A_151 = arith.constant 0 : i32
    %dma_wait3A_152 = tpu.memref_slice %arg8[%dma_wait3A_141, %dma_wait3A_142, %dma_wait3A_151] : memref<4x2x80xi32, #tpu.memory_space<vmem>> -> memref<1x1x80xi32, #tpu.memory_space<vmem>>
    %dma_wait3A_153 = tpu.memref_squeeze %dma_wait3A_152 : memref<1x1x80xi32, #tpu.memory_space<vmem>> -> memref<80xi32, #tpu.memory_space<vmem>>
    %dma_wait3A_154 = arith.constant 0 : i32
    %dma_wait3A_155 = tpu.memref_slice %arg3[%dma_wait3A_154] : memref<320000xi32, #tpu.memory_space<hbm>> -> memref<80xi32, #tpu.memory_space<hbm>>
    tpu.wait_dma2 semaphore(%dma_wait3A_150 : memref<!tpu.dma_semaphore, #tpu.memory_space<semaphore_mem>>) src(%dma_wait3A_155 : memref<80xi32, #tpu.memory_space<hbm>>) dst(%dma_wait3A_153 : memref<80xi32, #tpu.memory_space<vmem>>)
    %dma_wait3A_156 = arith.constant 0 : i32
    %dma_wait3A_157 = arith.constant 1 : i32
    %dma_wait3A_158 = arith.constant 0 : i32
    %dma_wait3A_159 = arith.constant 0 : i32
    %dma_wait3A_160 = tpu.memref_slice %arg7[%dma_wait3A_156, %dma_wait3A_157, %dma_wait3A_159] : memref<4x2x80xi32, #tpu.memory_space<vmem>> -> memref<1x1x80xi32, #tpu.memory_space<vmem>>
    %dma_wait3A_161 = tpu.memref_squeeze %dma_wait3A_160 : memref<1x1x80xi32, #tpu.memory_space<vmem>> -> memref<80xi32, #tpu.memory_space<vmem>>
    %dma_wait3A_162 = arith.constant 0 : i32
    %dma_wait3A_163 = tpu.memref_slice %arg2[%dma_wait3A_162] : memref<320000xi32, #tpu.memory_space<hbm>> -> memref<80xi32, #tpu.memory_space<hbm>>
    %dma_wait3A_164 = tpu.memref_slice %arg15[%dma_wait3A_158] : memref<4x!tpu.dma_semaphore, #tpu.memory_space<semaphore_mem>> -> memref<1x!tpu.dma_semaphore, #tpu.memory_space<semaphore_mem>>
    %dma_wait3A_165 = tpu.memref_squeeze %dma_wait3A_164 : memref<1x!tpu.dma_semaphore, #tpu.memory_space<semaphore_mem>> -> memref<!tpu.dma_semaphore, #tpu.memory_space<semaphore_mem>>
    %dma_wait3A_166 = arith.constant 0 : i32
    %dma_wait3A_167 = tpu.memref_slice %arg7[%dma_wait3A_156, %dma_wait3A_157, %dma_wait3A_166] : memref<4x2x80xi32, #tpu.memory_space<vmem>> -> memref<1x1x80xi32, #tpu.memory_space<vmem>>
    %dma_wait3A_168 = tpu.memref_squeeze %dma_wait3A_167 : memref<1x1x80xi32, #tpu.memory_space<vmem>> -> memref<80xi32, #tpu.memory_space<vmem>>
    %dma_wait3A_169 = arith.constant 0 : i32
    %dma_wait3A_170 = tpu.memref_slice %arg2[%dma_wait3A_169] : memref<320000xi32, #tpu.memory_space<hbm>> -> memref<80xi32, #tpu.memory_space<hbm>>
    tpu.wait_dma2 semaphore(%dma_wait3A_165 : memref<!tpu.dma_semaphore, #tpu.memory_space<semaphore_mem>>) src(%dma_wait3A_170 : memref<80xi32, #tpu.memory_space<hbm>>) dst(%dma_wait3A_168 : memref<80xi32, #tpu.memory_space<vmem>>)
    %dma_wait3A_171 = arith.constant 0 : i32
    %dma_wait3A_172 = arith.constant 1 : i32
    %dma_wait3A_173 = arith.constant 0 : i32
    %dma_wait3A_174 = arith.constant 0 : i32
    %dma_wait3A_175 = tpu.memref_slice %arg8[%dma_wait3A_171, %dma_wait3A_172, %dma_wait3A_174] : memref<4x2x80xi32, #tpu.memory_space<vmem>> -> memref<1x1x80xi32, #tpu.memory_space<vmem>>
    %dma_wait3A_176 = tpu.memref_squeeze %dma_wait3A_175 : memref<1x1x80xi32, #tpu.memory_space<vmem>> -> memref<80xi32, #tpu.memory_space<vmem>>
    %dma_wait3A_177 = arith.constant 0 : i32
    %dma_wait3A_178 = tpu.memref_slice %arg3[%dma_wait3A_177] : memref<320000xi32, #tpu.memory_space<hbm>> -> memref<80xi32, #tpu.memory_space<hbm>>
    %dma_wait3A_179 = tpu.memref_slice %arg16[%dma_wait3A_173] : memref<4x!tpu.dma_semaphore, #tpu.memory_space<semaphore_mem>> -> memref<1x!tpu.dma_semaphore, #tpu.memory_space<semaphore_mem>>
    %dma_wait3A_180 = tpu.memref_squeeze %dma_wait3A_179 : memref<1x!tpu.dma_semaphore, #tpu.memory_space<semaphore_mem>> -> memref<!tpu.dma_semaphore, #tpu.memory_space<semaphore_mem>>
    %dma_wait3A_181 = arith.constant 0 : i32
    %dma_wait3A_182 = tpu.memref_slice %arg8[%dma_wait3A_171, %dma_wait3A_172, %dma_wait3A_181] : memref<4x2x80xi32, #tpu.memory_space<vmem>> -> memref<1x1x80xi32, #tpu.memory_space<vmem>>
    %dma_wait3A_183 = tpu.memref_squeeze %dma_wait3A_182 : memref<1x1x80xi32, #tpu.memory_space<vmem>> -> memref<80xi32, #tpu.memory_space<vmem>>
    %dma_wait3A_184 = arith.constant 0 : i32
    %dma_wait3A_185 = tpu.memref_slice %arg3[%dma_wait3A_184] : memref<320000xi32, #tpu.memory_space<hbm>> -> memref<80xi32, #tpu.memory_space<hbm>>
    tpu.wait_dma2 semaphore(%dma_wait3A_180 : memref<!tpu.dma_semaphore, #tpu.memory_space<semaphore_mem>>) src(%dma_wait3A_185 : memref<80xi32, #tpu.memory_space<hbm>>) dst(%dma_wait3A_183 : memref<80xi32, #tpu.memory_space<vmem>>)
    %dma_start3A_186 = arith.constant 0 : i32
    %dma_start3A_187 = arith.constant 0 : i32
    %dma_start3A_188 = arith.constant 0 : i32
    %dma_start3A_189 = arith.constant 0 : i32
    %dma_start3A_190 = arith.constant 0 : i32
    %dma_start3A_191 = arith.constant 0 : i32
    %dma_start3A_192 = tpu.memref_slice %arg9[%dma_start3A_188, %dma_start3A_190, %dma_start3A_191] : memref<2x160x128xf32, #tpu.memory_space<vmem>> -> memref<1x80x128xf32, #tpu.memory_space<vmem>>
    %dma_start3A_193 = tpu.memref_squeeze %dma_start3A_192 : memref<1x80x128xf32, #tpu.memory_space<vmem>> -> memref<80x128xf32, #tpu.memory_space<vmem>>
    %dma_start3A_194 = arith.constant 0 : i32
    %dma_start3A_195 = tpu.memref_slice %arg7[%dma_start3A_186, %dma_start3A_187, %dma_start3A_194] : memref<4x2x80xi32, #tpu.memory_space<vmem>> -> memref<1x1x80xi32, #tpu.memory_space<vmem>>
    %dma_start3A_196 = tpu.memref_squeeze %dma_start3A_195 : memref<1x1x80xi32, #tpu.memory_space<vmem>> -> memref<80xi32, #tpu.memory_space<vmem>>
    %dma_start3A_197 = arith.constant 0 : i32
    %dma_start3A_198 = arith.constant 0 : i32
    %dma_start3A_199 = tpu.memref_slice %arg4[%dma_start3A_197, %dma_start3A_198] : memref<10000x128xf32, #tpu.memory_space<hbm>> -> memref<10000x128xf32, #tpu.memory_space<hbm>>
    %dma_start3A_200 = tpu.memref_slice %arg12[%dma_start3A_189] : memref<2x!tpu.dma_semaphore, #tpu.memory_space<semaphore_mem>> -> memref<1x!tpu.dma_semaphore, #tpu.memory_space<semaphore_mem>>
    %dma_start3A_201 = tpu.memref_squeeze %dma_start3A_200 : memref<1x!tpu.dma_semaphore, #tpu.memory_space<semaphore_mem>> -> memref<!tpu.dma_semaphore, #tpu.memory_space<semaphore_mem>>
    tpu.enqueue_indirect_dma source(%dma_start3A_199 : memref<10000x128xf32, #tpu.memory_space<hbm>>) target(%dma_start3A_193 : memref<80x128xf32, #tpu.memory_space<vmem>>) offsets(%dma_start3A_196 : memref<80xi32, #tpu.memory_space<vmem>>) semaphore(%dma_start3A_201 : memref<!tpu.dma_semaphore, #tpu.memory_space<semaphore_mem>>)
    %dma_start3A_202 = arith.constant 0 : i32
    %dma_start3A_203 = arith.constant 0 : i32
    %dma_start3A_204 = arith.constant 0 : i32
    %dma_start3A_205 = arith.constant 0 : i32
    %dma_start3A_206 = arith.constant 0 : i32
    %dma_start3A_207 = arith.constant 0 : i32
    %dma_start3A_208 = tpu.memref_slice %arg10[%dma_start3A_204, %dma_start3A_206, %dma_start3A_207] : memref<2x160x128xf32, #tpu.memory_space<vmem>> -> memref<1x80x128xf32, #tpu.memory_space<vmem>>
    %dma_start3A_209 = tpu.memref_squeeze %dma_start3A_208 : memref<1x80x128xf32, #tpu.memory_space<vmem>> -> memref<80x128xf32, #tpu.memory_space<vmem>>
    %dma_start3A_210 = arith.constant 0 : i32
    %dma_start3A_211 = tpu.memref_slice %arg8[%dma_start3A_202, %dma_start3A_203, %dma_start3A_210] : memref<4x2x80xi32, #tpu.memory_space<vmem>> -> memref<1x1x80xi32, #tpu.memory_space<vmem>>
    %dma_start3A_212 = tpu.memref_squeeze %dma_start3A_211 : memref<1x1x80xi32, #tpu.memory_space<vmem>> -> memref<80xi32, #tpu.memory_space<vmem>>
    %dma_start3A_213 = arith.constant 0 : i32
    %dma_start3A_214 = arith.constant 0 : i32
    %dma_start3A_215 = tpu.memref_slice %arg5[%dma_start3A_213, %dma_start3A_214] : memref<10000x128xf32, #tpu.memory_space<hbm>> -> memref<10000x128xf32, #tpu.memory_space<hbm>>
    %dma_start3A_216 = tpu.memref_slice %arg13[%dma_start3A_205] : memref<2x!tpu.dma_semaphore, #tpu.memory_space<semaphore_mem>> -> memref<1x!tpu.dma_semaphore, #tpu.memory_space<semaphore_mem>>
    %dma_start3A_217 = tpu.memref_squeeze %dma_start3A_216 : memref<1x!tpu.dma_semaphore, #tpu.memory_space<semaphore_mem>> -> memref<!tpu.dma_semaphore, #tpu.memory_space<semaphore_mem>>
    tpu.enqueue_indirect_dma source(%dma_start3A_215 : memref<10000x128xf32, #tpu.memory_space<hbm>>) target(%dma_start3A_209 : memref<80x128xf32, #tpu.memory_space<vmem>>) offsets(%dma_start3A_212 : memref<80xi32, #tpu.memory_space<vmem>>) semaphore(%dma_start3A_217 : memref<!tpu.dma_semaphore, #tpu.memory_space<semaphore_mem>>)
    %dma_start3A_218 = arith.constant 0 : i32
    %dma_start3A_219 = arith.constant 1 : i32
    %dma_start3A_220 = arith.constant 0 : i32
    %dma_start3A_221 = arith.constant 0 : i32
    %dma_start3A_222 = arith.constant 80 : i32
    %dma_start3A_223 = arith.constant 0 : i32
    %dma_start3A_224 = tpu.memref_slice %arg9[%dma_start3A_220, %dma_start3A_222, %dma_start3A_223] : memref<2x160x128xf32, #tpu.memory_space<vmem>> -> memref<1x80x128xf32, #tpu.memory_space<vmem>>
    %dma_start3A_225 = tpu.memref_squeeze %dma_start3A_224 : memref<1x80x128xf32, #tpu.memory_space<vmem>> -> memref<80x128xf32, #tpu.memory_space<vmem>>
    %dma_start3A_226 = arith.constant 0 : i32
    %dma_start3A_227 = tpu.memref_slice %arg7[%dma_start3A_218, %dma_start3A_219, %dma_start3A_226] : memref<4x2x80xi32, #tpu.memory_space<vmem>> -> memref<1x1x80xi32, #tpu.memory_space<vmem>>
    %dma_start3A_228 = tpu.memref_squeeze %dma_start3A_227 : memref<1x1x80xi32, #tpu.memory_space<vmem>> -> memref<80xi32, #tpu.memory_space<vmem>>
    %dma_start3A_229 = arith.constant 0 : i32
    %dma_start3A_230 = arith.constant 0 : i32
    %dma_start3A_231 = tpu.memref_slice %arg4[%dma_start3A_229, %dma_start3A_230] : memref<10000x128xf32, #tpu.memory_space<hbm>> -> memref<10000x128xf32, #tpu.memory_space<hbm>>
    %dma_start3A_232 = tpu.memref_slice %arg12[%dma_start3A_221] : memref<2x!tpu.dma_semaphore, #tpu.memory_space<semaphore_mem>> -> memref<1x!tpu.dma_semaphore, #tpu.memory_space<semaphore_mem>>
    %dma_start3A_233 = tpu.memref_squeeze %dma_start3A_232 : memref<1x!tpu.dma_semaphore, #tpu.memory_space<semaphore_mem>> -> memref<!tpu.dma_semaphore, #tpu.memory_space<semaphore_mem>>
    tpu.enqueue_indirect_dma source(%dma_start3A_231 : memref<10000x128xf32, #tpu.memory_space<hbm>>) target(%dma_start3A_225 : memref<80x128xf32, #tpu.memory_space<vmem>>) offsets(%dma_start3A_228 : memref<80xi32, #tpu.memory_space<vmem>>) semaphore(%dma_start3A_233 : memref<!tpu.dma_semaphore, #tpu.memory_space<semaphore_mem>>)
    %dma_start3A_234 = arith.constant 0 : i32
    %dma_start3A_235 = arith.constant 1 : i32
    %dma_start3A_236 = arith.constant 0 : i32
    %dma_start3A_237 = arith.constant 0 : i32
    %dma_start3A_238 = arith.constant 80 : i32
    %dma_start3A_239 = arith.constant 0 : i32
    %dma_start3A_240 = tpu.memref_slice %arg10[%dma_start3A_236, %dma_start3A_238, %dma_start3A_239] : memref<2x160x128xf32, #tpu.memory_space<vmem>> -> memref<1x80x128xf32, #tpu.memory_space<vmem>>
    %dma_start3A_241 = tpu.memref_squeeze %dma_start3A_240 : memref<1x80x128xf32, #tpu.memory_space<vmem>> -> memref<80x128xf32, #tpu.memory_space<vmem>>
    %dma_start3A_242 = arith.constant 0 : i32
    %dma_start3A_243 = tpu.memref_slice %arg8[%dma_start3A_234, %dma_start3A_235, %dma_start3A_242] : memref<4x2x80xi32, #tpu.memory_space<vmem>> -> memref<1x1x80xi32, #tpu.memory_space<vmem>>
    %dma_start3A_244 = tpu.memref_squeeze %dma_start3A_243 : memref<1x1x80xi32, #tpu.memory_space<vmem>> -> memref<80xi32, #tpu.memory_space<vmem>>
    %dma_start3A_245 = arith.constant 0 : i32
    %dma_start3A_246 = arith.constant 0 : i32
    %dma_start3A_247 = tpu.memref_slice %arg5[%dma_start3A_245, %dma_start3A_246] : memref<10000x128xf32, #tpu.memory_space<hbm>> -> memref<10000x128xf32, #tpu.memory_space<hbm>>
    %dma_start3A_248 = tpu.memref_slice %arg13[%dma_start3A_237] : memref<2x!tpu.dma_semaphore, #tpu.memory_space<semaphore_mem>> -> memref<1x!tpu.dma_semaphore, #tpu.memory_space<semaphore_mem>>
    %dma_start3A_249 = tpu.memref_squeeze %dma_start3A_248 : memref<1x!tpu.dma_semaphore, #tpu.memory_space<semaphore_mem>> -> memref<!tpu.dma_semaphore, #tpu.memory_space<semaphore_mem>>
    tpu.enqueue_indirect_dma source(%dma_start3A_247 : memref<10000x128xf32, #tpu.memory_space<hbm>>) target(%dma_start3A_241 : memref<80x128xf32, #tpu.memory_space<vmem>>) offsets(%dma_start3A_244 : memref<80xi32, #tpu.memory_space<vmem>>) semaphore(%dma_start3A_249 : memref<!tpu.dma_semaphore, #tpu.memory_space<semaphore_mem>>)
    %scan3A = arith.constant 0 : i32
    %scan3A_250 = arith.constant 32768 : i32
    %scan3A_251 = arith.constant -65536 : i32
    %scan3A_252 = arith.constant 0 : i32
    %scan3A_253 = arith.constant 31 : i32
    %scan3A_254 = arith.addi %scan3A_252, %scan3A_253 : i32
    %scan3A_255 = arith.constant 1 : i32
    scf.for %scan3A_376 = %scan3A_252 to %scan3A_254 step %scan3A_255  : i32 {
      %mul3A_377 = arith.constant 2 : i32
      %mul3A_378 = arith.muli %scan3A_376, %mul3A_377 : i32
      %add3A_379 = arith.constant 0 : i32
      %add3A_380 = arith.addi %mul3A_378, %add3A_379 : i32
      %add3A_381 = arith.constant 1 : i32
      %add3A_382 = arith.addi %add3A_380, %add3A_381 : i32
      %and3A = arith.constant 3 : i32
      %and3A_383 = arith.andi %add3A_382, %and3A : i32
      %add3A_384 = arith.constant 2 : i32
      %add3A_385 = arith.addi %add3A_380, %add3A_384 : i32
      %and3A_386 = arith.constant 3 : i32
      %and3A_387 = arith.andi %add3A_385, %and3A_386 : i32
      %dma_wait3A_388 = arith.constant 0 : i32
      %dma_wait3A_389 = arith.constant 0 : i32
      %dma_wait3A_390 = arith.constant 0 : i32
      %dma_wait3A_391 = arith.constant 0 : i32
      %dma_wait3A_392 = tpu.memref_slice %arg9[%dma_wait3A_388, %dma_wait3A_390, %dma_wait3A_391] : memref<2x160x128xf32, #tpu.memory_space<vmem>> -> memref<1x80x128xf32, #tpu.memory_space<vmem>>
      %dma_wait3A_393 = tpu.memref_squeeze %dma_wait3A_392 : memref<1x80x128xf32, #tpu.memory_space<vmem>> -> memref<80x128xf32, #tpu.memory_space<vmem>>
      %dma_wait3A_394 = arith.constant 0 : i32
      %dma_wait3A_395 = arith.constant 0 : i32
      %dma_wait3A_396 = tpu.memref_slice %arg4[%dma_wait3A_394, %dma_wait3A_395] : memref<10000x128xf32, #tpu.memory_space<hbm>> -> memref<80x128xf32, #tpu.memory_space<hbm>>
      %dma_wait3A_397 = tpu.memref_slice %arg12[%dma_wait3A_389] : memref<2x!tpu.dma_semaphore, #tpu.memory_space<semaphore_mem>> -> memref<1x!tpu.dma_semaphore, #tpu.memory_space<semaphore_mem>>
      %dma_wait3A_398 = tpu.memref_squeeze %dma_wait3A_397 : memref<1x!tpu.dma_semaphore, #tpu.memory_space<semaphore_mem>> -> memref<!tpu.dma_semaphore, #tpu.memory_space<semaphore_mem>>
      %dma_wait3A_399 = arith.constant 0 : i32
      %dma_wait3A_400 = arith.constant 0 : i32
      %dma_wait3A_401 = tpu.memref_slice %arg9[%dma_wait3A_388, %dma_wait3A_399, %dma_wait3A_400] : memref<2x160x128xf32, #tpu.memory_space<vmem>> -> memref<1x80x128xf32, #tpu.memory_space<vmem>>
      %dma_wait3A_402 = tpu.memref_squeeze %dma_wait3A_401 : memref<1x80x128xf32, #tpu.memory_space<vmem>> -> memref<80x128xf32, #tpu.memory_space<vmem>>
      %dma_wait3A_403 = arith.constant 0 : i32
      %dma_wait3A_404 = arith.constant 0 : i32
      %dma_wait3A_405 = tpu.memref_slice %arg4[%dma_wait3A_403, %dma_wait3A_404] : memref<10000x128xf32, #tpu.memory_space<hbm>> -> memref<80x128xf32, #tpu.memory_space<hbm>>
      tpu.wait_dma2 semaphore(%dma_wait3A_398 : memref<!tpu.dma_semaphore, #tpu.memory_space<semaphore_mem>>) src(%dma_wait3A_405 : memref<80x128xf32, #tpu.memory_space<hbm>>) dst(%dma_wait3A_402 : memref<80x128xf32, #tpu.memory_space<vmem>>)
      %dma_wait3A_406 = arith.constant 0 : i32
      %dma_wait3A_407 = arith.constant 0 : i32
      %dma_wait3A_408 = arith.constant 0 : i32
      %dma_wait3A_409 = arith.constant 0 : i32
      %dma_wait3A_410 = tpu.memref_slice %arg10[%dma_wait3A_406, %dma_wait3A_408, %dma_wait3A_409] : memref<2x160x128xf32, #tpu.memory_space<vmem>> -> memref<1x80x128xf32, #tpu.memory_space<vmem>>
      %dma_wait3A_411 = tpu.memref_squeeze %dma_wait3A_410 : memref<1x80x128xf32, #tpu.memory_space<vmem>> -> memref<80x128xf32, #tpu.memory_space<vmem>>
      %dma_wait3A_412 = arith.constant 0 : i32
      %dma_wait3A_413 = arith.constant 0 : i32
      %dma_wait3A_414 = tpu.memref_slice %arg5[%dma_wait3A_412, %dma_wait3A_413] : memref<10000x128xf32, #tpu.memory_space<hbm>> -> memref<80x128xf32, #tpu.memory_space<hbm>>
      %dma_wait3A_415 = tpu.memref_slice %arg13[%dma_wait3A_407] : memref<2x!tpu.dma_semaphore, #tpu.memory_space<semaphore_mem>> -> memref<1x!tpu.dma_semaphore, #tpu.memory_space<semaphore_mem>>
      %dma_wait3A_416 = tpu.memref_squeeze %dma_wait3A_415 : memref<1x!tpu.dma_semaphore, #tpu.memory_space<semaphore_mem>> -> memref<!tpu.dma_semaphore, #tpu.memory_space<semaphore_mem>>
      %dma_wait3A_417 = arith.constant 0 : i32
      %dma_wait3A_418 = arith.constant 0 : i32
      %dma_wait3A_419 = tpu.memref_slice %arg10[%dma_wait3A_406, %dma_wait3A_417, %dma_wait3A_418] : memref<2x160x128xf32, #tpu.memory_space<vmem>> -> memref<1x80x128xf32, #tpu.memory_space<vmem>>
      %dma_wait3A_420 = tpu.memref_squeeze %dma_wait3A_419 : memref<1x80x128xf32, #tpu.memory_space<vmem>> -> memref<80x128xf32, #tpu.memory_space<vmem>>
      %dma_wait3A_421 = arith.constant 0 : i32
      %dma_wait3A_422 = arith.constant 0 : i32
      %dma_wait3A_423 = tpu.memref_slice %arg5[%dma_wait3A_421, %dma_wait3A_422] : memref<10000x128xf32, #tpu.memory_space<hbm>> -> memref<80x128xf32, #tpu.memory_space<hbm>>
      tpu.wait_dma2 semaphore(%dma_wait3A_416 : memref<!tpu.dma_semaphore, #tpu.memory_space<semaphore_mem>>) src(%dma_wait3A_423 : memref<80x128xf32, #tpu.memory_space<hbm>>) dst(%dma_wait3A_420 : memref<80x128xf32, #tpu.memory_space<vmem>>)
      %dma_wait3A_424 = arith.constant 0 : i32
      %dma_wait3A_425 = arith.constant 0 : i32
      %dma_wait3A_426 = arith.constant 80 : i32
      %dma_wait3A_427 = arith.constant 0 : i32
      %dma_wait3A_428 = tpu.memref_slice %arg9[%dma_wait3A_424, %dma_wait3A_426, %dma_wait3A_427] : memref<2x160x128xf32, #tpu.memory_space<vmem>> -> memref<1x80x128xf32, #tpu.memory_space<vmem>>
      %dma_wait3A_429 = tpu.memref_squeeze %dma_wait3A_428 : memref<1x80x128xf32, #tpu.memory_space<vmem>> -> memref<80x128xf32, #tpu.memory_space<vmem>>
      %dma_wait3A_430 = arith.constant 0 : i32
      %dma_wait3A_431 = arith.constant 0 : i32
      %dma_wait3A_432 = tpu.memref_slice %arg4[%dma_wait3A_430, %dma_wait3A_431] : memref<10000x128xf32, #tpu.memory_space<hbm>> -> memref<80x128xf32, #tpu.memory_space<hbm>>
      %dma_wait3A_433 = tpu.memref_slice %arg12[%dma_wait3A_425] : memref<2x!tpu.dma_semaphore, #tpu.memory_space<semaphore_mem>> -> memref<1x!tpu.dma_semaphore, #tpu.memory_space<semaphore_mem>>
      %dma_wait3A_434 = tpu.memref_squeeze %dma_wait3A_433 : memref<1x!tpu.dma_semaphore, #tpu.memory_space<semaphore_mem>> -> memref<!tpu.dma_semaphore, #tpu.memory_space<semaphore_mem>>
      %dma_wait3A_435 = arith.constant 80 : i32
      %dma_wait3A_436 = arith.constant 0 : i32
      %dma_wait3A_437 = tpu.memref_slice %arg9[%dma_wait3A_424, %dma_wait3A_435, %dma_wait3A_436] : memref<2x160x128xf32, #tpu.memory_space<vmem>> -> memref<1x80x128xf32, #tpu.memory_space<vmem>>
      %dma_wait3A_438 = tpu.memref_squeeze %dma_wait3A_437 : memref<1x80x128xf32, #tpu.memory_space<vmem>> -> memref<80x128xf32, #tpu.memory_space<vmem>>
      %dma_wait3A_439 = arith.constant 0 : i32
      %dma_wait3A_440 = arith.constant 0 : i32
      %dma_wait3A_441 = tpu.memref_slice %arg4[%dma_wait3A_439, %dma_wait3A_440] : memref<10000x128xf32, #tpu.memory_space<hbm>> -> memref<80x128xf32, #tpu.memory_space<hbm>>
      tpu.wait_dma2 semaphore(%dma_wait3A_434 : memref<!tpu.dma_semaphore, #tpu.memory_space<semaphore_mem>>) src(%dma_wait3A_441 : memref<80x128xf32, #tpu.memory_space<hbm>>) dst(%dma_wait3A_438 : memref<80x128xf32, #tpu.memory_space<vmem>>)
      %dma_wait3A_442 = arith.constant 0 : i32
      %dma_wait3A_443 = arith.constant 0 : i32
      %dma_wait3A_444 = arith.constant 80 : i32
      %dma_wait3A_445 = arith.constant 0 : i32
      %dma_wait3A_446 = tpu.memref_slice %arg10[%dma_wait3A_442, %dma_wait3A_444, %dma_wait3A_445] : memref<2x160x128xf32, #tpu.memory_space<vmem>> -> memref<1x80x128xf32, #tpu.memory_space<vmem>>
      %dma_wait3A_447 = tpu.memref_squeeze %dma_wait3A_446 : memref<1x80x128xf32, #tpu.memory_space<vmem>> -> memref<80x128xf32, #tpu.memory_space<vmem>>
      %dma_wait3A_448 = arith.constant 0 : i32
      %dma_wait3A_449 = arith.constant 0 : i32
      %dma_wait3A_450 = tpu.memref_slice %arg5[%dma_wait3A_448, %dma_wait3A_449] : memref<10000x128xf32, #tpu.memory_space<hbm>> -> memref<80x128xf32, #tpu.memory_space<hbm>>
      %dma_wait3A_451 = tpu.memref_slice %arg13[%dma_wait3A_443] : memref<2x!tpu.dma_semaphore, #tpu.memory_space<semaphore_mem>> -> memref<1x!tpu.dma_semaphore, #tpu.memory_space<semaphore_mem>>
      %dma_wait3A_452 = tpu.memref_squeeze %dma_wait3A_451 : memref<1x!tpu.dma_semaphore, #tpu.memory_space<semaphore_mem>> -> memref<!tpu.dma_semaphore, #tpu.memory_space<semaphore_mem>>
      %dma_wait3A_453 = arith.constant 80 : i32
      %dma_wait3A_454 = arith.constant 0 : i32
      %dma_wait3A_455 = tpu.memref_slice %arg10[%dma_wait3A_442, %dma_wait3A_453, %dma_wait3A_454] : memref<2x160x128xf32, #tpu.memory_space<vmem>> -> memref<1x80x128xf32, #tpu.memory_space<vmem>>
      %dma_wait3A_456 = tpu.memref_squeeze %dma_wait3A_455 : memref<1x80x128xf32, #tpu.memory_space<vmem>> -> memref<80x128xf32, #tpu.memory_space<vmem>>
      %dma_wait3A_457 = arith.constant 0 : i32
      %dma_wait3A_458 = arith.constant 0 : i32
      %dma_wait3A_459 = tpu.memref_slice %arg5[%dma_wait3A_457, %dma_wait3A_458] : memref<10000x128xf32, #tpu.memory_space<hbm>> -> memref<80x128xf32, #tpu.memory_space<hbm>>
      tpu.wait_dma2 semaphore(%dma_wait3A_452 : memref<!tpu.dma_semaphore, #tpu.memory_space<semaphore_mem>>) src(%dma_wait3A_459 : memref<80x128xf32, #tpu.memory_space<hbm>>) dst(%dma_wait3A_456 : memref<80x128xf32, #tpu.memory_space<vmem>>)
      %add3A_460 = arith.constant 2 : i32
      %add3A_461 = arith.addi %add3A_380, %add3A_460 : i32
      %lt3A = arith.constant 62 : i32
      %lt3A_462 = arith.cmpi slt, %add3A_461, %lt3A : i32
      %convert_element_type3A = arith.extui %lt3A_462 : i1 to i32
      %cond3A = arith.constant 0 : i32
      %cond3A_463 = arith.cmpi ne, %convert_element_type3A, %cond3A : i32
      scf.if %cond3A_463 {
        %add3A_621 = arith.constant 2 : i32
        %add3A_622 = arith.addi %add3A_380, %add3A_621 : i32
        %mul3A_623 = arith.constant 160 : i32
        %mul3A_624 = arith.muli %add3A_622, %mul3A_623 : i32
        %add3A_625 = arith.addi %mul3A_2, %mul3A_624 : i32
        %multiple_of3A_626 = tpu.assume_multiple %add3A_625, 16 : i32
        %add3A_627 = arith.constant 0 : i32
        %add3A_628 = arith.addi %multiple_of3A_626, %add3A_627 : i32
        %dma_start3A_629 = arith.constant 0 : i32
        %dma_start3A_630 = arith.constant 0 : i32
        %dma_start3A_631 = tpu.memref_slice %arg7[%and3A_387, %dma_start3A_629, %dma_start3A_630] : memref<4x2x80xi32, #tpu.memory_space<vmem>> -> memref<1x1x80xi32, #tpu.memory_space<vmem>>
        %dma_start3A_632 = tpu.memref_squeeze %dma_start3A_631 : memref<1x1x80xi32, #tpu.memory_space<vmem>> -> memref<80xi32, #tpu.memory_space<vmem>>
        %dma_start3A_633 = tpu.memref_slice %arg2[%add3A_628] : memref<320000xi32, #tpu.memory_space<hbm>> -> memref<80xi32, #tpu.memory_space<hbm>>
        %dma_start3A_634 = tpu.memref_slice %arg15[%and3A_387] : memref<4x!tpu.dma_semaphore, #tpu.memory_space<semaphore_mem>> -> memref<1x!tpu.dma_semaphore, #tpu.memory_space<semaphore_mem>>
        %dma_start3A_635 = tpu.memref_squeeze %dma_start3A_634 : memref<1x!tpu.dma_semaphore, #tpu.memory_space<semaphore_mem>> -> memref<!tpu.dma_semaphore, #tpu.memory_space<semaphore_mem>>
        %dma_start3A_636 = arith.constant 0 : i32
        %dma_start3A_637 = tpu.memref_slice %arg7[%and3A_387, %dma_start3A_629, %dma_start3A_636] : memref<4x2x80xi32, #tpu.memory_space<vmem>> -> memref<1x1x80xi32, #tpu.memory_space<vmem>>
        %dma_start3A_638 = tpu.memref_squeeze %dma_start3A_637 : memref<1x1x80xi32, #tpu.memory_space<vmem>> -> memref<80xi32, #tpu.memory_space<vmem>>
        %dma_start3A_639 = tpu.memref_slice %arg2[%add3A_628] : memref<320000xi32, #tpu.memory_space<hbm>> -> memref<80xi32, #tpu.memory_space<hbm>>
        tpu.enqueue_dma source(%dma_start3A_639 : memref<80xi32, #tpu.memory_space<hbm>>) target(%dma_start3A_638 : memref<80xi32, #tpu.memory_space<vmem>>) target_semaphore(%dma_start3A_635 : memref<!tpu.dma_semaphore, #tpu.memory_space<semaphore_mem>>)
        %add3A_640 = arith.constant 0 : i32
        %add3A_641 = arith.addi %multiple_of3A_626, %add3A_640 : i32
        %dma_start3A_642 = arith.constant 0 : i32
        %dma_start3A_643 = arith.constant 0 : i32
        %dma_start3A_644 = tpu.memref_slice %arg8[%and3A_387, %dma_start3A_642, %dma_start3A_643] : memref<4x2x80xi32, #tpu.memory_space<vmem>> -> memref<1x1x80xi32, #tpu.memory_space<vmem>>
        %dma_start3A_645 = tpu.memref_squeeze %dma_start3A_644 : memref<1x1x80xi32, #tpu.memory_space<vmem>> -> memref<80xi32, #tpu.memory_space<vmem>>
        %dma_start3A_646 = tpu.memref_slice %arg3[%add3A_641] : memref<320000xi32, #tpu.memory_space<hbm>> -> memref<80xi32, #tpu.memory_space<hbm>>
        %dma_start3A_647 = tpu.memref_slice %arg16[%and3A_387] : memref<4x!tpu.dma_semaphore, #tpu.memory_space<semaphore_mem>> -> memref<1x!tpu.dma_semaphore, #tpu.memory_space<semaphore_mem>>
        %dma_start3A_648 = tpu.memref_squeeze %dma_start3A_647 : memref<1x!tpu.dma_semaphore, #tpu.memory_space<semaphore_mem>> -> memref<!tpu.dma_semaphore, #tpu.memory_space<semaphore_mem>>
        %dma_start3A_649 = arith.constant 0 : i32
        %dma_start3A_650 = tpu.memref_slice %arg8[%and3A_387, %dma_start3A_642, %dma_start3A_649] : memref<4x2x80xi32, #tpu.memory_space<vmem>> -> memref<1x1x80xi32, #tpu.memory_space<vmem>>
        %dma_start3A_651 = tpu.memref_squeeze %dma_start3A_650 : memref<1x1x80xi32, #tpu.memory_space<vmem>> -> memref<80xi32, #tpu.memory_space<vmem>>
        %dma_start3A_652 = tpu.memref_slice %arg3[%add3A_641] : memref<320000xi32, #tpu.memory_space<hbm>> -> memref<80xi32, #tpu.memory_space<hbm>>
        tpu.enqueue_dma source(%dma_start3A_652 : memref<80xi32, #tpu.memory_space<hbm>>) target(%dma_start3A_651 : memref<80xi32, #tpu.memory_space<vmem>>) target_semaphore(%dma_start3A_648 : memref<!tpu.dma_semaphore, #tpu.memory_space<semaphore_mem>>)
        %add3A_653 = arith.constant 80 : i32
        %add3A_654 = arith.addi %multiple_of3A_626, %add3A_653 : i32
        %dma_start3A_655 = arith.constant 1 : i32
        %dma_start3A_656 = arith.constant 0 : i32
        %dma_start3A_657 = tpu.memref_slice %arg7[%and3A_387, %dma_start3A_655, %dma_start3A_656] : memref<4x2x80xi32, #tpu.memory_space<vmem>> -> memref<1x1x80xi32, #tpu.memory_space<vmem>>
        %dma_start3A_658 = tpu.memref_squeeze %dma_start3A_657 : memref<1x1x80xi32, #tpu.memory_space<vmem>> -> memref<80xi32, #tpu.memory_space<vmem>>
        %dma_start3A_659 = tpu.memref_slice %arg2[%add3A_654] : memref<320000xi32, #tpu.memory_space<hbm>> -> memref<80xi32, #tpu.memory_space<hbm>>
        %dma_start3A_660 = tpu.memref_slice %arg15[%and3A_387] : memref<4x!tpu.dma_semaphore, #tpu.memory_space<semaphore_mem>> -> memref<1x!tpu.dma_semaphore, #tpu.memory_space<semaphore_mem>>
        %dma_start3A_661 = tpu.memref_squeeze %dma_start3A_660 : memref<1x!tpu.dma_semaphore, #tpu.memory_space<semaphore_mem>> -> memref<!tpu.dma_semaphore, #tpu.memory_space<semaphore_mem>>
        %dma_start3A_662 = arith.constant 0 : i32
        %dma_start3A_663 = tpu.memref_slice %arg7[%and3A_387, %dma_start3A_655, %dma_start3A_662] : memref<4x2x80xi32, #tpu.memory_space<vmem>> -> memref<1x1x80xi32, #tpu.memory_space<vmem>>
        %dma_start3A_664 = tpu.memref_squeeze %dma_start3A_663 : memref<1x1x80xi32, #tpu.memory_space<vmem>> -> memref<80xi32, #tpu.memory_space<vmem>>
        %dma_start3A_665 = tpu.memref_slice %arg2[%add3A_654] : memref<320000xi32, #tpu.memory_space<hbm>> -> memref<80xi32, #tpu.memory_space<hbm>>
        tpu.enqueue_dma source(%dma_start3A_665 : memref<80xi32, #tpu.memory_space<hbm>>) target(%dma_start3A_664 : memref<80xi32, #tpu.memory_space<vmem>>) target_semaphore(%dma_start3A_661 : memref<!tpu.dma_semaphore, #tpu.memory_space<semaphore_mem>>)
        %add3A_666 = arith.constant 80 : i32
        %add3A_667 = arith.addi %multiple_of3A_626, %add3A_666 : i32
        %dma_start3A_668 = arith.constant 1 : i32
        %dma_start3A_669 = arith.constant 0 : i32
        %dma_start3A_670 = tpu.memref_slice %arg8[%and3A_387, %dma_start3A_668, %dma_start3A_669] : memref<4x2x80xi32, #tpu.memory_space<vmem>> -> memref<1x1x80xi32, #tpu.memory_space<vmem>>
        %dma_start3A_671 = tpu.memref_squeeze %dma_start3A_670 : memref<1x1x80xi32, #tpu.memory_space<vmem>> -> memref<80xi32, #tpu.memory_space<vmem>>
        %dma_start3A_672 = tpu.memref_slice %arg3[%add3A_667] : memref<320000xi32, #tpu.memory_space<hbm>> -> memref<80xi32, #tpu.memory_space<hbm>>
        %dma_start3A_673 = tpu.memref_slice %arg16[%and3A_387] : memref<4x!tpu.dma_semaphore, #tpu.memory_space<semaphore_mem>> -> memref<1x!tpu.dma_semaphore, #tpu.memory_space<semaphore_mem>>
        %dma_start3A_674 = tpu.memref_squeeze %dma_start3A_673 : memref<1x!tpu.dma_semaphore, #tpu.memory_space<semaphore_mem>> -> memref<!tpu.dma_semaphore, #tpu.memory_space<semaphore_mem>>
        %dma_start3A_675 = arith.constant 0 : i32
        %dma_start3A_676 = tpu.memref_slice %arg8[%and3A_387, %dma_start3A_668, %dma_start3A_675] : memref<4x2x80xi32, #tpu.memory_space<vmem>> -> memref<1x1x80xi32, #tpu.memory_space<vmem>>
        %dma_start3A_677 = tpu.memref_squeeze %dma_start3A_676 : memref<1x1x80xi32, #tpu.memory_space<vmem>> -> memref<80xi32, #tpu.memory_space<vmem>>
        %dma_start3A_678 = tpu.memref_slice %arg3[%add3A_667] : memref<320000xi32, #tpu.memory_space<hbm>> -> memref<80xi32, #tpu.memory_space<hbm>>
        tpu.enqueue_dma source(%dma_start3A_678 : memref<80xi32, #tpu.memory_space<hbm>>) target(%dma_start3A_677 : memref<80xi32, #tpu.memory_space<vmem>>) target_semaphore(%dma_start3A_674 : memref<!tpu.dma_semaphore, #tpu.memory_space<semaphore_mem>>)
      } else {
      }
      %add3A_464 = arith.constant 1 : i32
      %add3A_465 = arith.addi %add3A_380, %add3A_464 : i32
      %lt3A_466 = arith.constant 62 : i32
      %lt3A_467 = arith.cmpi slt, %add3A_465, %lt3A_466 : i32
      %convert_element_type3A_468 = arith.extui %lt3A_467 : i1 to i32
      %cond3A_469 = arith.constant 0 : i32
      %cond3A_470 = arith.cmpi ne, %convert_element_type3A_468, %cond3A_469 : i32
      scf.if %cond3A_470 {
        %dma_wait3A_621 = arith.constant 0 : i32
        %dma_wait3A_622 = arith.constant 0 : i32
        %dma_wait3A_623 = tpu.memref_slice %arg7[%and3A_383, %dma_wait3A_621, %dma_wait3A_622] : memref<4x2x80xi32, #tpu.memory_space<vmem>> -> memref<1x1x80xi32, #tpu.memory_space<vmem>>
        %dma_wait3A_624 = tpu.memref_squeeze %dma_wait3A_623 : memref<1x1x80xi32, #tpu.memory_space<vmem>> -> memref<80xi32, #tpu.memory_space<vmem>>
        %dma_wait3A_625 = arith.constant 0 : i32
        %dma_wait3A_626 = tpu.memref_slice %arg2[%dma_wait3A_625] : memref<320000xi32, #tpu.memory_space<hbm>> -> memref<80xi32, #tpu.memory_space<hbm>>
        %dma_wait3A_627 = tpu.memref_slice %arg15[%and3A_383] : memref<4x!tpu.dma_semaphore, #tpu.memory_space<semaphore_mem>> -> memref<1x!tpu.dma_semaphore, #tpu.memory_space<semaphore_mem>>
        %dma_wait3A_628 = tpu.memref_squeeze %dma_wait3A_627 : memref<1x!tpu.dma_semaphore, #tpu.memory_space<semaphore_mem>> -> memref<!tpu.dma_semaphore, #tpu.memory_space<semaphore_mem>>
        %dma_wait3A_629 = arith.constant 0 : i32
        %dma_wait3A_630 = tpu.memref_slice %arg7[%and3A_383, %dma_wait3A_621, %dma_wait3A_629] : memref<4x2x80xi32, #tpu.memory_space<vmem>> -> memref<1x1x80xi32, #tpu.memory_space<vmem>>
        %dma_wait3A_631 = tpu.memref_squeeze %dma_wait3A_630 : memref<1x1x80xi32, #tpu.memory_space<vmem>> -> memref<80xi32, #tpu.memory_space<vmem>>
        %dma_wait3A_632 = arith.constant 0 : i32
        %dma_wait3A_633 = tpu.memref_slice %arg2[%dma_wait3A_632] : memref<320000xi32, #tpu.memory_space<hbm>> -> memref<80xi32, #tpu.memory_space<hbm>>
        tpu.wait_dma2 semaphore(%dma_wait3A_628 : memref<!tpu.dma_semaphore, #tpu.memory_space<semaphore_mem>>) src(%dma_wait3A_633 : memref<80xi32, #tpu.memory_space<hbm>>) dst(%dma_wait3A_631 : memref<80xi32, #tpu.memory_space<vmem>>)
        %dma_wait3A_634 = arith.constant 0 : i32
        %dma_wait3A_635 = arith.constant 0 : i32
        %dma_wait3A_636 = tpu.memref_slice %arg8[%and3A_383, %dma_wait3A_634, %dma_wait3A_635] : memref<4x2x80xi32, #tpu.memory_space<vmem>> -> memref<1x1x80xi32, #tpu.memory_space<vmem>>
        %dma_wait3A_637 = tpu.memref_squeeze %dma_wait3A_636 : memref<1x1x80xi32, #tpu.memory_space<vmem>> -> memref<80xi32, #tpu.memory_space<vmem>>
        %dma_wait3A_638 = arith.constant 0 : i32
        %dma_wait3A_639 = tpu.memref_slice %arg3[%dma_wait3A_638] : memref<320000xi32, #tpu.memory_space<hbm>> -> memref<80xi32, #tpu.memory_space<hbm>>
        %dma_wait3A_640 = tpu.memref_slice %arg16[%and3A_383] : memref<4x!tpu.dma_semaphore, #tpu.memory_space<semaphore_mem>> -> memref<1x!tpu.dma_semaphore, #tpu.memory_space<semaphore_mem>>
        %dma_wait3A_641 = tpu.memref_squeeze %dma_wait3A_640 : memref<1x!tpu.dma_semaphore, #tpu.memory_space<semaphore_mem>> -> memref<!tpu.dma_semaphore, #tpu.memory_space<semaphore_mem>>
        %dma_wait3A_642 = arith.constant 0 : i32
        %dma_wait3A_643 = tpu.memref_slice %arg8[%and3A_383, %dma_wait3A_634, %dma_wait3A_642] : memref<4x2x80xi32, #tpu.memory_space<vmem>> -> memref<1x1x80xi32, #tpu.memory_space<vmem>>
        %dma_wait3A_644 = tpu.memref_squeeze %dma_wait3A_643 : memref<1x1x80xi32, #tpu.memory_space<vmem>> -> memref<80xi32, #tpu.memory_space<vmem>>
        %dma_wait3A_645 = arith.constant 0 : i32
        %dma_wait3A_646 = tpu.memref_slice %arg3[%dma_wait3A_645] : memref<320000xi32, #tpu.memory_space<hbm>> -> memref<80xi32, #tpu.memory_space<hbm>>
        tpu.wait_dma2 semaphore(%dma_wait3A_641 : memref<!tpu.dma_semaphore, #tpu.memory_space<semaphore_mem>>) src(%dma_wait3A_646 : memref<80xi32, #tpu.memory_space<hbm>>) dst(%dma_wait3A_644 : memref<80xi32, #tpu.memory_space<vmem>>)
        %dma_wait3A_647 = arith.constant 1 : i32
        %dma_wait3A_648 = arith.constant 0 : i32
        %dma_wait3A_649 = tpu.memref_slice %arg7[%and3A_383, %dma_wait3A_647, %dma_wait3A_648] : memref<4x2x80xi32, #tpu.memory_space<vmem>> -> memref<1x1x80xi32, #tpu.memory_space<vmem>>
        %dma_wait3A_650 = tpu.memref_squeeze %dma_wait3A_649 : memref<1x1x80xi32, #tpu.memory_space<vmem>> -> memref<80xi32, #tpu.memory_space<vmem>>
        %dma_wait3A_651 = arith.constant 0 : i32
        %dma_wait3A_652 = tpu.memref_slice %arg2[%dma_wait3A_651] : memref<320000xi32, #tpu.memory_space<hbm>> -> memref<80xi32, #tpu.memory_space<hbm>>
        %dma_wait3A_653 = tpu.memref_slice %arg15[%and3A_383] : memref<4x!tpu.dma_semaphore, #tpu.memory_space<semaphore_mem>> -> memref<1x!tpu.dma_semaphore, #tpu.memory_space<semaphore_mem>>
        %dma_wait3A_654 = tpu.memref_squeeze %dma_wait3A_653 : memref<1x!tpu.dma_semaphore, #tpu.memory_space<semaphore_mem>> -> memref<!tpu.dma_semaphore, #tpu.memory_space<semaphore_mem>>
        %dma_wait3A_655 = arith.constant 0 : i32
        %dma_wait3A_656 = tpu.memref_slice %arg7[%and3A_383, %dma_wait3A_647, %dma_wait3A_655] : memref<4x2x80xi32, #tpu.memory_space<vmem>> -> memref<1x1x80xi32, #tpu.memory_space<vmem>>
        %dma_wait3A_657 = tpu.memref_squeeze %dma_wait3A_656 : memref<1x1x80xi32, #tpu.memory_space<vmem>> -> memref<80xi32, #tpu.memory_space<vmem>>
        %dma_wait3A_658 = arith.constant 0 : i32
        %dma_wait3A_659 = tpu.memref_slice %arg2[%dma_wait3A_658] : memref<320000xi32, #tpu.memory_space<hbm>> -> memref<80xi32, #tpu.memory_space<hbm>>
        tpu.wait_dma2 semaphore(%dma_wait3A_654 : memref<!tpu.dma_semaphore, #tpu.memory_space<semaphore_mem>>) src(%dma_wait3A_659 : memref<80xi32, #tpu.memory_space<hbm>>) dst(%dma_wait3A_657 : memref<80xi32, #tpu.memory_space<vmem>>)
        %dma_wait3A_660 = arith.constant 1 : i32
        %dma_wait3A_661 = arith.constant 0 : i32
        %dma_wait3A_662 = tpu.memref_slice %arg8[%and3A_383, %dma_wait3A_660, %dma_wait3A_661] : memref<4x2x80xi32, #tpu.memory_space<vmem>> -> memref<1x1x80xi32, #tpu.memory_space<vmem>>
        %dma_wait3A_663 = tpu.memref_squeeze %dma_wait3A_662 : memref<1x1x80xi32, #tpu.memory_space<vmem>> -> memref<80xi32, #tpu.memory_space<vmem>>
        %dma_wait3A_664 = arith.constant 0 : i32
        %dma_wait3A_665 = tpu.memref_slice %arg3[%dma_wait3A_664] : memref<320000xi32, #tpu.memory_space<hbm>> -> memref<80xi32, #tpu.memory_space<hbm>>
        %dma_wait3A_666 = tpu.memref_slice %arg16[%and3A_383] : memref<4x!tpu.dma_semaphore, #tpu.memory_space<semaphore_mem>> -> memref<1x!tpu.dma_semaphore, #tpu.memory_space<semaphore_mem>>
        %dma_wait3A_667 = tpu.memref_squeeze %dma_wait3A_666 : memref<1x!tpu.dma_semaphore, #tpu.memory_space<semaphore_mem>> -> memref<!tpu.dma_semaphore, #tpu.memory_space<semaphore_mem>>
        %dma_wait3A_668 = arith.constant 0 : i32
        %dma_wait3A_669 = tpu.memref_slice %arg8[%and3A_383, %dma_wait3A_660, %dma_wait3A_668] : memref<4x2x80xi32, #tpu.memory_space<vmem>> -> memref<1x1x80xi32, #tpu.memory_space<vmem>>
        %dma_wait3A_670 = tpu.memref_squeeze %dma_wait3A_669 : memref<1x1x80xi32, #tpu.memory_space<vmem>> -> memref<80xi32, #tpu.memory_space<vmem>>
        %dma_wait3A_671 = arith.constant 0 : i32
        %dma_wait3A_672 = tpu.memref_slice %arg3[%dma_wait3A_671] : memref<320000xi32, #tpu.memory_space<hbm>> -> memref<80xi32, #tpu.memory_space<hbm>>
        tpu.wait_dma2 semaphore(%dma_wait3A_667 : memref<!tpu.dma_semaphore, #tpu.memory_space<semaphore_mem>>) src(%dma_wait3A_672 : memref<80xi32, #tpu.memory_space<hbm>>) dst(%dma_wait3A_670 : memref<80xi32, #tpu.memory_space<vmem>>)
        %ge3A = arith.constant 1 : i32
        %ge3A_673 = arith.cmpi sge, %add3A_380, %ge3A : i32
        %convert_element_type3A_674 = arith.extui %ge3A_673 : i1 to i32
        %cond3A_675 = arith.constant 0 : i32
        %cond3A_676 = arith.cmpi ne, %convert_element_type3A_674, %cond3A_675 : i32
        scf.if %cond3A_676 {
          %dma_wait3A_739 = arith.constant 1 : i32
          %dma_wait3A_740 = arith.constant 1 : i32
          %dma_wait3A_741 = arith.constant 0 : i32
          %dma_wait3A_742 = arith.constant 0 : i32
          %dma_wait3A_743 = tpu.memref_slice %arg11[%dma_wait3A_739, %dma_wait3A_741, %dma_wait3A_742] : memref<2x160x64xi32, #tpu.memory_space<vmem>> -> memref<1x160x64xi32, #tpu.memory_space<vmem>>
          %dma_wait3A_744 = tpu.memref_squeeze %dma_wait3A_743 : memref<1x160x64xi32, #tpu.memory_space<vmem>> -> memref<160x64xi32, #tpu.memory_space<vmem>>
          %dma_wait3A_745 = arith.constant 0 : i32
          %dma_wait3A_746 = arith.constant 0 : i32
          %dma_wait3A_747 = tpu.memref_slice %arg6[%dma_wait3A_745, %dma_wait3A_746] : memref<320000x64xi32, #tpu.memory_space<hbm>> -> memref<160x64xi32, #tpu.memory_space<hbm>>
          %dma_wait3A_748 = tpu.memref_slice %arg14[%dma_wait3A_740] : memref<2x!tpu.dma_semaphore, #tpu.memory_space<semaphore_mem>> -> memref<1x!tpu.dma_semaphore, #tpu.memory_space<semaphore_mem>>
          %dma_wait3A_749 = tpu.memref_squeeze %dma_wait3A_748 : memref<1x!tpu.dma_semaphore, #tpu.memory_space<semaphore_mem>> -> memref<!tpu.dma_semaphore, #tpu.memory_space<semaphore_mem>>
          %dma_wait3A_750 = arith.constant 0 : i32
          %dma_wait3A_751 = arith.constant 0 : i32
          %dma_wait3A_752 = tpu.memref_slice %arg6[%dma_wait3A_750, %dma_wait3A_751] : memref<320000x64xi32, #tpu.memory_space<hbm>> -> memref<160x64xi32, #tpu.memory_space<hbm>>
          %dma_wait3A_753 = arith.constant 0 : i32
          %dma_wait3A_754 = arith.constant 0 : i32
          %dma_wait3A_755 = tpu.memref_slice %arg11[%dma_wait3A_739, %dma_wait3A_753, %dma_wait3A_754] : memref<2x160x64xi32, #tpu.memory_space<vmem>> -> memref<1x160x64xi32, #tpu.memory_space<vmem>>
          %dma_wait3A_756 = tpu.memref_squeeze %dma_wait3A_755 : memref<1x160x64xi32, #tpu.memory_space<vmem>> -> memref<160x64xi32, #tpu.memory_space<vmem>>
          tpu.wait_dma2 semaphore(%dma_wait3A_749 : memref<!tpu.dma_semaphore, #tpu.memory_space<semaphore_mem>>) src(%dma_wait3A_756 : memref<160x64xi32, #tpu.memory_space<vmem>>) dst(%dma_wait3A_752 : memref<160x64xi32, #tpu.memory_space<hbm>>)
        } else {
        }
        %add3A_677 = arith.constant 1 : i32
        %add3A_678 = arith.addi %add3A_380, %add3A_677 : i32
        %dma_start3A_679 = arith.constant 0 : i32
        %dma_start3A_680 = arith.constant 1 : i32
        %dma_start3A_681 = arith.constant 1 : i32
        %dma_start3A_682 = arith.constant 0 : i32
        %dma_start3A_683 = arith.constant 0 : i32
        %dma_start3A_684 = tpu.memref_slice %arg9[%dma_start3A_680, %dma_start3A_682, %dma_start3A_683] : memref<2x160x128xf32, #tpu.memory_space<vmem>> -> memref<1x80x128xf32, #tpu.memory_space<vmem>>
        %dma_start3A_685 = tpu.memref_squeeze %dma_start3A_684 : memref<1x80x128xf32, #tpu.memory_space<vmem>> -> memref<80x128xf32, #tpu.memory_space<vmem>>
        %dma_start3A_686 = arith.constant 0 : i32
        %dma_start3A_687 = tpu.memref_slice %arg7[%and3A_383, %dma_start3A_679, %dma_start3A_686] : memref<4x2x80xi32, #tpu.memory_space<vmem>> -> memref<1x1x80xi32, #tpu.memory_space<vmem>>
        %dma_start3A_688 = tpu.memref_squeeze %dma_start3A_687 : memref<1x1x80xi32, #tpu.memory_space<vmem>> -> memref<80xi32, #tpu.memory_space<vmem>>
        %dma_start3A_689 = arith.constant 0 : i32
        %dma_start3A_690 = arith.constant 0 : i32
        %dma_start3A_691 = tpu.memref_slice %arg4[%dma_start3A_689, %dma_start3A_690] : memref<10000x128xf32, #tpu.memory_space<hbm>> -> memref<10000x128xf32, #tpu.memory_space<hbm>>
        %dma_start3A_692 = tpu.memref_slice %arg12[%dma_start3A_681] : memref<2x!tpu.dma_semaphore, #tpu.memory_space<semaphore_mem>> -> memref<1x!tpu.dma_semaphore, #tpu.memory_space<semaphore_mem>>
        %dma_start3A_693 = tpu.memref_squeeze %dma_start3A_692 : memref<1x!tpu.dma_semaphore, #tpu.memory_space<semaphore_mem>> -> memref<!tpu.dma_semaphore, #tpu.memory_space<semaphore_mem>>
        tpu.enqueue_indirect_dma source(%dma_start3A_691 : memref<10000x128xf32, #tpu.memory_space<hbm>>) target(%dma_start3A_685 : memref<80x128xf32, #tpu.memory_space<vmem>>) offsets(%dma_start3A_688 : memref<80xi32, #tpu.memory_space<vmem>>) semaphore(%dma_start3A_693 : memref<!tpu.dma_semaphore, #tpu.memory_space<semaphore_mem>>)
        %dma_start3A_694 = arith.constant 0 : i32
        %dma_start3A_695 = arith.constant 1 : i32
        %dma_start3A_696 = arith.constant 1 : i32
        %dma_start3A_697 = arith.constant 0 : i32
        %dma_start3A_698 = arith.constant 0 : i32
        %dma_start3A_699 = tpu.memref_slice %arg10[%dma_start3A_695, %dma_start3A_697, %dma_start3A_698] : memref<2x160x128xf32, #tpu.memory_space<vmem>> -> memref<1x80x128xf32, #tpu.memory_space<vmem>>
        %dma_start3A_700 = tpu.memref_squeeze %dma_start3A_699 : memref<1x80x128xf32, #tpu.memory_space<vmem>> -> memref<80x128xf32, #tpu.memory_space<vmem>>
        %dma_start3A_701 = arith.constant 0 : i32
        %dma_start3A_702 = tpu.memref_slice %arg8[%and3A_383, %dma_start3A_694, %dma_start3A_701] : memref<4x2x80xi32, #tpu.memory_space<vmem>> -> memref<1x1x80xi32, #tpu.memory_space<vmem>>
        %dma_start3A_703 = tpu.memref_squeeze %dma_start3A_702 : memref<1x1x80xi32, #tpu.memory_space<vmem>> -> memref<80xi32, #tpu.memory_space<vmem>>
        %dma_start3A_704 = arith.constant 0 : i32
        %dma_start3A_705 = arith.constant 0 : i32
        %dma_start3A_706 = tpu.memref_slice %arg5[%dma_start3A_704, %dma_start3A_705] : memref<10000x128xf32, #tpu.memory_space<hbm>> -> memref<10000x128xf32, #tpu.memory_space<hbm>>
        %dma_start3A_707 = tpu.memref_slice %arg13[%dma_start3A_696] : memref<2x!tpu.dma_semaphore, #tpu.memory_space<semaphore_mem>> -> memref<1x!tpu.dma_semaphore, #tpu.memory_space<semaphore_mem>>
        %dma_start3A_708 = tpu.memref_squeeze %dma_start3A_707 : memref<1x!tpu.dma_semaphore, #tpu.memory_space<semaphore_mem>> -> memref<!tpu.dma_semaphore, #tpu.memory_space<semaphore_mem>>
        tpu.enqueue_indirect_dma source(%dma_start3A_706 : memref<10000x128xf32, #tpu.memory_space<hbm>>) target(%dma_start3A_700 : memref<80x128xf32, #tpu.memory_space<vmem>>) offsets(%dma_start3A_703 : memref<80xi32, #tpu.memory_space<vmem>>) semaphore(%dma_start3A_708 : memref<!tpu.dma_semaphore, #tpu.memory_space<semaphore_mem>>)
        %dma_start3A_709 = arith.constant 1 : i32
        %dma_start3A_710 = arith.constant 1 : i32
        %dma_start3A_711 = arith.constant 1 : i32
        %dma_start3A_712 = arith.constant 80 : i32
        %dma_start3A_713 = arith.constant 0 : i32
        %dma_start3A_714 = tpu.memref_slice %arg9[%dma_start3A_710, %dma_start3A_712, %dma_start3A_713] : memref<2x160x128xf32, #tpu.memory_space<vmem>> -> memref<1x80x128xf32, #tpu.memory_space<vmem>>
        %dma_start3A_715 = tpu.memref_squeeze %dma_start3A_714 : memref<1x80x128xf32, #tpu.memory_space<vmem>> -> memref<80x128xf32, #tpu.memory_space<vmem>>
        %dma_start3A_716 = arith.constant 0 : i32
        %dma_start3A_717 = tpu.memref_slice %arg7[%and3A_383, %dma_start3A_709, %dma_start3A_716] : memref<4x2x80xi32, #tpu.memory_space<vmem>> -> memref<1x1x80xi32, #tpu.memory_space<vmem>>
        %dma_start3A_718 = tpu.memref_squeeze %dma_start3A_717 : memref<1x1x80xi32, #tpu.memory_space<vmem>> -> memref<80xi32, #tpu.memory_space<vmem>>
        %dma_start3A_719 = arith.constant 0 : i32
        %dma_start3A_720 = arith.constant 0 : i32
        %dma_start3A_721 = tpu.memref_slice %arg4[%dma_start3A_719, %dma_start3A_720] : memref<10000x128xf32, #tpu.memory_space<hbm>> -> memref<10000x128xf32, #tpu.memory_space<hbm>>
        %dma_start3A_722 = tpu.memref_slice %arg12[%dma_start3A_711] : memref<2x!tpu.dma_semaphore, #tpu.memory_space<semaphore_mem>> -> memref<1x!tpu.dma_semaphore, #tpu.memory_space<semaphore_mem>>
        %dma_start3A_723 = tpu.memref_squeeze %dma_start3A_722 : memref<1x!tpu.dma_semaphore, #tpu.memory_space<semaphore_mem>> -> memref<!tpu.dma_semaphore, #tpu.memory_space<semaphore_mem>>
        tpu.enqueue_indirect_dma source(%dma_start3A_721 : memref<10000x128xf32, #tpu.memory_space<hbm>>) target(%dma_start3A_715 : memref<80x128xf32, #tpu.memory_space<vmem>>) offsets(%dma_start3A_718 : memref<80xi32, #tpu.memory_space<vmem>>) semaphore(%dma_start3A_723 : memref<!tpu.dma_semaphore, #tpu.memory_space<semaphore_mem>>)
        %dma_start3A_724 = arith.constant 1 : i32
        %dma_start3A_725 = arith.constant 1 : i32
        %dma_start3A_726 = arith.constant 1 : i32
        %dma_start3A_727 = arith.constant 80 : i32
        %dma_start3A_728 = arith.constant 0 : i32
        %dma_start3A_729 = tpu.memref_slice %arg10[%dma_start3A_725, %dma_start3A_727, %dma_start3A_728] : memref<2x160x128xf32, #tpu.memory_space<vmem>> -> memref<1x80x128xf32, #tpu.memory_space<vmem>>
        %dma_start3A_730 = tpu.memref_squeeze %dma_start3A_729 : memref<1x80x128xf32, #tpu.memory_space<vmem>> -> memref<80x128xf32, #tpu.memory_space<vmem>>
        %dma_start3A_731 = arith.constant 0 : i32
        %dma_start3A_732 = tpu.memref_slice %arg8[%and3A_383, %dma_start3A_724, %dma_start3A_731] : memref<4x2x80xi32, #tpu.memory_space<vmem>> -> memref<1x1x80xi32, #tpu.memory_space<vmem>>
        %dma_start3A_733 = tpu.memref_squeeze %dma_start3A_732 : memref<1x1x80xi32, #tpu.memory_space<vmem>> -> memref<80xi32, #tpu.memory_space<vmem>>
        %dma_start3A_734 = arith.constant 0 : i32
        %dma_start3A_735 = arith.constant 0 : i32
        %dma_start3A_736 = tpu.memref_slice %arg5[%dma_start3A_734, %dma_start3A_735] : memref<10000x128xf32, #tpu.memory_space<hbm>> -> memref<10000x128xf32, #tpu.memory_space<hbm>>
        %dma_start3A_737 = tpu.memref_slice %arg13[%dma_start3A_726] : memref<2x!tpu.dma_semaphore, #tpu.memory_space<semaphore_mem>> -> memref<1x!tpu.dma_semaphore, #tpu.memory_space<semaphore_mem>>
        %dma_start3A_738 = tpu.memref_squeeze %dma_start3A_737 : memref<1x!tpu.dma_semaphore, #tpu.memory_space<semaphore_mem>> -> memref<!tpu.dma_semaphore, #tpu.memory_space<semaphore_mem>>
        tpu.enqueue_indirect_dma source(%dma_start3A_736 : memref<10000x128xf32, #tpu.memory_space<hbm>>) target(%dma_start3A_730 : memref<80x128xf32, #tpu.memory_space<vmem>>) offsets(%dma_start3A_733 : memref<80xi32, #tpu.memory_space<vmem>>) semaphore(%dma_start3A_738 : memref<!tpu.dma_semaphore, #tpu.memory_space<semaphore_mem>>)
      } else {
      }
      %scan3A_471 = arith.constant 0 : i32
      %scan3A_472 = arith.constant 0 : i32
      %scan3A_473 = arith.constant 160 : i32
      %scan3A_474 = arith.addi %scan3A_472, %scan3A_473 : i32
      %scan3A_475 = arith.constant 1 : i32
      scf.for %scan3A_621 = %scan3A_472 to %scan3A_474 step %scan3A_475  : i32 {
        %get3A = arith.constant 0 : i32
        %get3A_622 = arith.index_cast %get3A : i32 to index
        %get3A_623 = arith.index_cast %scan3A_621 : i32 to index
        %get3A_624 = arith.constant 0 : index
        %get3A_625 = tpu.vector_load %arg9[%get3A_622, %get3A_623, %get3A_624] {strides = array<i32>} : memref<2x160x128xf32, #tpu.memory_space<vmem>>, vector<1x1x16xf32>,
        %get3A_626 = vector.shape_cast %get3A_625 : vector<1x1x16xf32> to vector<16xf32>
        %get3A_627 = arith.constant 0 : i32
        %get3A_628 = arith.index_cast %get3A_627 : i32 to index
        %get3A_629 = arith.index_cast %scan3A_621 : i32 to index
        %get3A_630 = arith.constant 0 : index
        %get3A_631 = tpu.vector_load %arg10[%get3A_628, %get3A_629, %get3A_630] {strides = array<i32>} : memref<2x160x128xf32, #tpu.memory_space<vmem>>, vector<1x1x16xf32>,
        %get3A_632 = vector.shape_cast %get3A_631 : vector<1x1x16xf32> to vector<16xf32>
        %add3A_633 = arith.addf %get3A_626, %get3A_632 : vector<16xf32>
        %get3A_634 = arith.constant 0 : i32
        %get3A_635 = arith.index_cast %get3A_634 : i32 to index
        %get3A_636 = arith.index_cast %scan3A_621 : i32 to index
        %get3A_637 = arith.constant 64 : index
        %get3A_638 = tpu.vector_load %arg9[%get3A_635, %get3A_636, %get3A_637] {strides = array<i32>} : memref<2x160x128xf32, #tpu.memory_space<vmem>>, vector<1x1x16xf32>,
        %get3A_639 = vector.shape_cast %get3A_638 : vector<1x1x16xf32> to vector<16xf32>
        %get3A_640 = arith.constant 0 : i32
        %get3A_641 = arith.index_cast %get3A_640 : i32 to index
        %get3A_642 = arith.index_cast %scan3A_621 : i32 to index
        %get3A_643 = arith.constant 64 : index
        %get3A_644 = tpu.vector_load %arg10[%get3A_641, %get3A_642, %get3A_643] {strides = array<i32>} : memref<2x160x128xf32, #tpu.memory_space<vmem>>, vector<1x1x16xf32>,
        %get3A_645 = vector.shape_cast %get3A_644 : vector<1x1x16xf32> to vector<16xf32>
        %add3A_646 = arith.addf %get3A_639, %get3A_645 : vector<16xf32>
        %bitcast_convert_type3A = tpu.bitcast %add3A_633 : vector<16xf32> -> vector<16xi32>
        %add3A_647 = vector.broadcast %scan3A_250 : i32 to vector<16xi32>
        %add3A_648 = arith.addi %bitcast_convert_type3A, %add3A_647 : vector<16xi32>
        %shift_right_logical3A = arith.constant 16 : i32
        %shift_right_logical3A_649 = vector.broadcast %shift_right_logical3A : i32 to vector<16xi32>
        %shift_right_logical3A_650 = arith.shrui %add3A_648, %shift_right_logical3A_649 : vector<16xi32>
        %bitcast_convert_type3A_651 = tpu.bitcast %add3A_646 : vector<16xf32> -> vector<16xi32>
        %add3A_652 = vector.broadcast %scan3A_250 : i32 to vector<16xi32>
        %add3A_653 = arith.addi %bitcast_convert_type3A_651, %add3A_652 : vector<16xi32>
        %and3A_654 = vector.broadcast %scan3A_251 : i32 to vector<16xi32>
        %and3A_655 = arith.andi %add3A_653, %and3A_654 : vector<16xi32>
        %or3A = arith.ori %shift_right_logical3A_650, %and3A_655 : vector<16xi32>
        %swap3A = arith.constant 0 : i32
        %swap3A_656 = arith.index_cast %swap3A : i32 to index
        %swap3A_657 = arith.index_cast %scan3A_621 : i32 to index
        %swap3A_658 = arith.constant 0 : index
        %swap3A_659 = tpu.vector_load %arg11[%swap3A_656, %swap3A_657, %swap3A_658] {strides = array<i32>} : memref<2x160x64xi32, #tpu.memory_space<vmem>>, vector<1x1x16xi32>,
        %swap3A_660 = vector.shape_cast %swap3A_659 : vector<1x1x16xi32> to vector<16xi32>
        %swap3A_661 = vector.shape_cast %or3A : vector<16xi32> to vector<1x1x16xi32>
        tpu.vector_store %arg11[%swap3A_656, %swap3A_657, %swap3A_658], %swap3A_661 {strides = array<i32>} : memref<2x160x64xi32, #tpu.memory_space<vmem>>, vector<1x1x16xi32>,
        %get3A_662 = arith.constant 0 : i32
        %get3A_663 = arith.index_cast %get3A_662 : i32 to index
        %get3A_664 = arith.index_cast %scan3A_621 : i32 to index
        %get3A_665 = arith.constant 16 : index
        %get3A_666 = tpu.vector_load %arg9[%get3A_663, %get3A_664, %get3A_665] {strides = array<i32>} : memref<2x160x128xf32, #tpu.memory_space<vmem>>, vector<1x1x16xf32>,
        %get3A_667 = vector.shape_cast %get3A_666 : vector<1x1x16xf32> to vector<16xf32>
        %get3A_668 = arith.constant 0 : i32
        %get3A_669 = arith.index_cast %get3A_668 : i32 to index
        %get3A_670 = arith.index_cast %scan3A_621 : i32 to index
        %get3A_671 = arith.constant 16 : index
        %get3A_672 = tpu.vector_load %arg10[%get3A_669, %get3A_670, %get3A_671] {strides = array<i32>} : memref<2x160x128xf32, #tpu.memory_space<vmem>>, vector<1x1x16xf32>,
        %get3A_673 = vector.shape_cast %get3A_672 : vector<1x1x16xf32> to vector<16xf32>
        %add3A_674 = arith.addf %get3A_667, %get3A_673 : vector<16xf32>
        %get3A_675 = arith.constant 0 : i32
        %get3A_676 = arith.index_cast %get3A_675 : i32 to index
        %get3A_677 = arith.index_cast %scan3A_621 : i32 to index
        %get3A_678 = arith.constant 80 : index
        %get3A_679 = tpu.vector_load %arg9[%get3A_676, %get3A_677, %get3A_678] {strides = array<i32>} : memref<2x160x128xf32, #tpu.memory_space<vmem>>, vector<1x1x16xf32>,
        %get3A_680 = vector.shape_cast %get3A_679 : vector<1x1x16xf32> to vector<16xf32>
        %get3A_681 = arith.constant 0 : i32
        %get3A_682 = arith.index_cast %get3A_681 : i32 to index
        %get3A_683 = arith.index_cast %scan3A_621 : i32 to index
        %get3A_684 = arith.constant 80 : index
        %get3A_685 = tpu.vector_load %arg10[%get3A_682, %get3A_683, %get3A_684] {strides = array<i32>} : memref<2x160x128xf32, #tpu.memory_space<vmem>>, vector<1x1x16xf32>,
        %get3A_686 = vector.shape_cast %get3A_685 : vector<1x1x16xf32> to vector<16xf32>
        %add3A_687 = arith.addf %get3A_680, %get3A_686 : vector<16xf32>
        %bitcast_convert_type3A_688 = tpu.bitcast %add3A_674 : vector<16xf32> -> vector<16xi32>
        %add3A_689 = vector.broadcast %scan3A_250 : i32 to vector<16xi32>
        %add3A_690 = arith.addi %bitcast_convert_type3A_688, %add3A_689 : vector<16xi32>
        %shift_right_logical3A_691 = arith.constant 16 : i32
        %shift_right_logical3A_692 = vector.broadcast %shift_right_logical3A_691 : i32 to vector<16xi32>
        %shift_right_logical3A_693 = arith.shrui %add3A_690, %shift_right_logical3A_692 : vector<16xi32>
        %bitcast_convert_type3A_694 = tpu.bitcast %add3A_687 : vector<16xf32> -> vector<16xi32>
        %add3A_695 = vector.broadcast %scan3A_250 : i32 to vector<16xi32>
        %add3A_696 = arith.addi %bitcast_convert_type3A_694, %add3A_695 : vector<16xi32>
        %and3A_697 = vector.broadcast %scan3A_251 : i32 to vector<16xi32>
        %and3A_698 = arith.andi %add3A_696, %and3A_697 : vector<16xi32>
        %or3A_699 = arith.ori %shift_right_logical3A_693, %and3A_698 : vector<16xi32>
        %swap3A_700 = arith.constant 0 : i32
        %swap3A_701 = arith.index_cast %swap3A_700 : i32 to index
        %swap3A_702 = arith.index_cast %scan3A_621 : i32 to index
        %swap3A_703 = arith.constant 16 : index
        %swap3A_704 = tpu.vector_load %arg11[%swap3A_701, %swap3A_702, %swap3A_703] {strides = array<i32>} : memref<2x160x64xi32, #tpu.memory_space<vmem>>, vector<1x1x16xi32>,
        %swap3A_705 = vector.shape_cast %swap3A_704 : vector<1x1x16xi32> to vector<16xi32>
        %swap3A_706 = vector.shape_cast %or3A_699 : vector<16xi32> to vector<1x1x16xi32>
        tpu.vector_store %arg11[%swap3A_701, %swap3A_702, %swap3A_703], %swap3A_706 {strides = array<i32>} : memref<2x160x64xi32, #tpu.memory_space<vmem>>, vector<1x1x16xi32>,
        %get3A_707 = arith.constant 0 : i32
        %get3A_708 = arith.index_cast %get3A_707 : i32 to index
        %get3A_709 = arith.index_cast %scan3A_621 : i32 to index
        %get3A_710 = arith.constant 32 : index
        %get3A_711 = tpu.vector_load %arg9[%get3A_708, %get3A_709, %get3A_710] {strides = array<i32>} : memref<2x160x128xf32, #tpu.memory_space<vmem>>, vector<1x1x16xf32>,
        %get3A_712 = vector.shape_cast %get3A_711 : vector<1x1x16xf32> to vector<16xf32>
        %get3A_713 = arith.constant 0 : i32
        %get3A_714 = arith.index_cast %get3A_713 : i32 to index
        %get3A_715 = arith.index_cast %scan3A_621 : i32 to index
        %get3A_716 = arith.constant 32 : index
        %get3A_717 = tpu.vector_load %arg10[%get3A_714, %get3A_715, %get3A_716] {strides = array<i32>} : memref<2x160x128xf32, #tpu.memory_space<vmem>>, vector<1x1x16xf32>,
        %get3A_718 = vector.shape_cast %get3A_717 : vector<1x1x16xf32> to vector<16xf32>
        %add3A_719 = arith.addf %get3A_712, %get3A_718 : vector<16xf32>
        %get3A_720 = arith.constant 0 : i32
        %get3A_721 = arith.index_cast %get3A_720 : i32 to index
        %get3A_722 = arith.index_cast %scan3A_621 : i32 to index
        %get3A_723 = arith.constant 96 : index
        %get3A_724 = tpu.vector_load %arg9[%get3A_721, %get3A_722, %get3A_723] {strides = array<i32>} : memref<2x160x128xf32, #tpu.memory_space<vmem>>, vector<1x1x16xf32>,
        %get3A_725 = vector.shape_cast %get3A_724 : vector<1x1x16xf32> to vector<16xf32>
        %get3A_726 = arith.constant 0 : i32
        %get3A_727 = arith.index_cast %get3A_726 : i32 to index
        %get3A_728 = arith.index_cast %scan3A_621 : i32 to index
        %get3A_729 = arith.constant 96 : index
        %get3A_730 = tpu.vector_load %arg10[%get3A_727, %get3A_728, %get3A_729] {strides = array<i32>} : memref<2x160x128xf32, #tpu.memory_space<vmem>>, vector<1x1x16xf32>,
        %get3A_731 = vector.shape_cast %get3A_730 : vector<1x1x16xf32> to vector<16xf32>
        %add3A_732 = arith.addf %get3A_725, %get3A_731 : vector<16xf32>
        %bitcast_convert_type3A_733 = tpu.bitcast %add3A_719 : vector<16xf32> -> vector<16xi32>
        %add3A_734 = vector.broadcast %scan3A_250 : i32 to vector<16xi32>
        %add3A_735 = arith.addi %bitcast_convert_type3A_733, %add3A_734 : vector<16xi32>
        %shift_right_logical3A_736 = arith.constant 16 : i32
        %shift_right_logical3A_737 = vector.broadcast %shift_right_logical3A_736 : i32 to vector<16xi32>
        %shift_right_logical3A_738 = arith.shrui %add3A_735, %shift_right_logical3A_737 : vector<16xi32>
        %bitcast_convert_type3A_739 = tpu.bitcast %add3A_732 : vector<16xf32> -> vector<16xi32>
        %add3A_740 = vector.broadcast %scan3A_250 : i32 to vector<16xi32>
        %add3A_741 = arith.addi %bitcast_convert_type3A_739, %add3A_740 : vector<16xi32>
        %and3A_742 = vector.broadcast %scan3A_251 : i32 to vector<16xi32>
        %and3A_743 = arith.andi %add3A_741, %and3A_742 : vector<16xi32>
        %or3A_744 = arith.ori %shift_right_logical3A_738, %and3A_743 : vector<16xi32>
        %swap3A_745 = arith.constant 0 : i32
        %swap3A_746 = arith.index_cast %swap3A_745 : i32 to index
        %swap3A_747 = arith.index_cast %scan3A_621 : i32 to index
        %swap3A_748 = arith.constant 32 : index
        %swap3A_749 = tpu.vector_load %arg11[%swap3A_746, %swap3A_747, %swap3A_748] {strides = array<i32>} : memref<2x160x64xi32, #tpu.memory_space<vmem>>, vector<1x1x16xi32>,
        %swap3A_750 = vector.shape_cast %swap3A_749 : vector<1x1x16xi32> to vector<16xi32>
        %swap3A_751 = vector.shape_cast %or3A_744 : vector<16xi32> to vector<1x1x16xi32>
        tpu.vector_store %arg11[%swap3A_746, %swap3A_747, %swap3A_748], %swap3A_751 {strides = array<i32>} : memref<2x160x64xi32, #tpu.memory_space<vmem>>, vector<1x1x16xi32>,
        %get3A_752 = arith.constant 0 : i32
        %get3A_753 = arith.index_cast %get3A_752 : i32 to index
        %get3A_754 = arith.index_cast %scan3A_621 : i32 to index
        %get3A_755 = arith.constant 48 : index
        %get3A_756 = tpu.vector_load %arg9[%get3A_753, %get3A_754, %get3A_755] {strides = array<i32>} : memref<2x160x128xf32, #tpu.memory_space<vmem>>, vector<1x1x16xf32>,
        %get3A_757 = vector.shape_cast %get3A_756 : vector<1x1x16xf32> to vector<16xf32>
        %get3A_758 = arith.constant 0 : i32
        %get3A_759 = arith.index_cast %get3A_758 : i32 to index
        %get3A_760 = arith.index_cast %scan3A_621 : i32 to index
        %get3A_761 = arith.constant 48 : index
        %get3A_762 = tpu.vector_load %arg10[%get3A_759, %get3A_760, %get3A_761] {strides = array<i32>} : memref<2x160x128xf32, #tpu.memory_space<vmem>>, vector<1x1x16xf32>,
        %get3A_763 = vector.shape_cast %get3A_762 : vector<1x1x16xf32> to vector<16xf32>
        %add3A_764 = arith.addf %get3A_757, %get3A_763 : vector<16xf32>
        %get3A_765 = arith.constant 0 : i32
        %get3A_766 = arith.index_cast %get3A_765 : i32 to index
        %get3A_767 = arith.index_cast %scan3A_621 : i32 to index
        %get3A_768 = arith.constant 112 : index
        %get3A_769 = tpu.vector_load %arg9[%get3A_766, %get3A_767, %get3A_768] {strides = array<i32>} : memref<2x160x128xf32, #tpu.memory_space<vmem>>, vector<1x1x16xf32>,
        %get3A_770 = vector.shape_cast %get3A_769 : vector<1x1x16xf32> to vector<16xf32>
        %get3A_771 = arith.constant 0 : i32
        %get3A_772 = arith.index_cast %get3A_771 : i32 to index
        %get3A_773 = arith.index_cast %scan3A_621 : i32 to index
        %get3A_774 = arith.constant 112 : index
        %get3A_775 = tpu.vector_load %arg10[%get3A_772, %get3A_773, %get3A_774] {strides = array<i32>} : memref<2x160x128xf32, #tpu.memory_space<vmem>>, vector<1x1x16xf32>,
        %get3A_776 = vector.shape_cast %get3A_775 : vector<1x1x16xf32> to vector<16xf32>
        %add3A_777 = arith.addf %get3A_770, %get3A_776 : vector<16xf32>
        %bitcast_convert_type3A_778 = tpu.bitcast %add3A_764 : vector<16xf32> -> vector<16xi32>
        %add3A_779 = vector.broadcast %scan3A_250 : i32 to vector<16xi32>
        %add3A_780 = arith.addi %bitcast_convert_type3A_778, %add3A_779 : vector<16xi32>
        %shift_right_logical3A_781 = arith.constant 16 : i32
        %shift_right_logical3A_782 = vector.broadcast %shift_right_logical3A_781 : i32 to vector<16xi32>
        %shift_right_logical3A_783 = arith.shrui %add3A_780, %shift_right_logical3A_782 : vector<16xi32>
        %bitcast_convert_type3A_784 = tpu.bitcast %add3A_777 : vector<16xf32> -> vector<16xi32>
        %add3A_785 = vector.broadcast %scan3A_250 : i32 to vector<16xi32>
        %add3A_786 = arith.addi %bitcast_convert_type3A_784, %add3A_785 : vector<16xi32>
        %and3A_787 = vector.broadcast %scan3A_251 : i32 to vector<16xi32>
        %and3A_788 = arith.andi %add3A_786, %and3A_787 : vector<16xi32>
        %or3A_789 = arith.ori %shift_right_logical3A_783, %and3A_788 : vector<16xi32>
        %swap3A_790 = arith.constant 0 : i32
        %swap3A_791 = arith.index_cast %swap3A_790 : i32 to index
        %swap3A_792 = arith.index_cast %scan3A_621 : i32 to index
        %swap3A_793 = arith.constant 48 : index
        %swap3A_794 = tpu.vector_load %arg11[%swap3A_791, %swap3A_792, %swap3A_793] {strides = array<i32>} : memref<2x160x64xi32, #tpu.memory_space<vmem>>, vector<1x1x16xi32>,
        %swap3A_795 = vector.shape_cast %swap3A_794 : vector<1x1x16xi32> to vector<16xi32>
        %swap3A_796 = vector.shape_cast %or3A_789 : vector<16xi32> to vector<1x1x16xi32>
        tpu.vector_store %arg11[%swap3A_791, %swap3A_792, %swap3A_793], %swap3A_796 {strides = array<i32>} : memref<2x160x64xi32, #tpu.memory_space<vmem>>, vector<1x1x16xi32>,
      }
      %scan3A_476 = arith.constant 160 : i32
      %mul3A_477 = arith.constant 160 : i32
      %mul3A_478 = arith.muli %add3A_380, %mul3A_477 : i32
      %add3A_479 = arith.addi %mul3A_2, %mul3A_478 : i32
      %multiple_of3A_480 = tpu.assume_multiple %add3A_479, 16 : i32
      %dma_start3A_481 = arith.constant 0 : i32
      %dma_start3A_482 = arith.constant 0 : i32
      %dma_start3A_483 = arith.constant 0 : i32
      %dma_start3A_484 = arith.constant 0 : i32
      %dma_start3A_485 = tpu.memref_slice %arg11[%dma_start3A_481, %dma_start3A_483, %dma_start3A_484] : memref<2x160x64xi32, #tpu.memory_space<vmem>> -> memref<1x160x64xi32, #tpu.memory_space<vmem>>
      %dma_start3A_486 = tpu.memref_squeeze %dma_start3A_485 : memref<1x160x64xi32, #tpu.memory_space<vmem>> -> memref<160x64xi32, #tpu.memory_space<vmem>>
      %dma_start3A_487 = arith.constant 0 : i32
      %dma_start3A_488 = tpu.memref_slice %arg6[%multiple_of3A_480, %dma_start3A_487] : memref<320000x64xi32, #tpu.memory_space<hbm>> -> memref<160x64xi32, #tpu.memory_space<hbm>>
      %dma_start3A_489 = tpu.memref_slice %arg14[%dma_start3A_482] : memref<2x!tpu.dma_semaphore, #tpu.memory_space<semaphore_mem>> -> memref<1x!tpu.dma_semaphore, #tpu.memory_space<semaphore_mem>>
      %dma_start3A_490 = tpu.memref_squeeze %dma_start3A_489 : memref<1x!tpu.dma_semaphore, #tpu.memory_space<semaphore_mem>> -> memref<!tpu.dma_semaphore, #tpu.memory_space<semaphore_mem>>
      %dma_start3A_491 = arith.constant 0 : i32
      %dma_start3A_492 = tpu.memref_slice %arg6[%multiple_of3A_480, %dma_start3A_491] : memref<320000x64xi32, #tpu.memory_space<hbm>> -> memref<160x64xi32, #tpu.memory_space<hbm>>
      %dma_start3A_493 = arith.constant 0 : i32
      %dma_start3A_494 = arith.constant 0 : i32
      %dma_start3A_495 = tpu.memref_slice %arg11[%dma_start3A_481, %dma_start3A_493, %dma_start3A_494] : memref<2x160x64xi32, #tpu.memory_space<vmem>> -> memref<1x160x64xi32, #tpu.memory_space<vmem>>
      %dma_start3A_496 = tpu.memref_squeeze %dma_start3A_495 : memref<1x160x64xi32, #tpu.memory_space<vmem>> -> memref<160x64xi32, #tpu.memory_space<vmem>>
      tpu.enqueue_dma source(%dma_start3A_496 : memref<160x64xi32, #tpu.memory_space<vmem>>) target(%dma_start3A_492 : memref<160x64xi32, #tpu.memory_space<hbm>>) target_semaphore(%dma_start3A_490 : memref<!tpu.dma_semaphore, #tpu.memory_space<semaphore_mem>>)
      %mul3A_497 = arith.constant 2 : i32
      %mul3A_498 = arith.muli %scan3A_376, %mul3A_497 : i32
      %add3A_499 = arith.constant 1 : i32
      %add3A_500 = arith.addi %mul3A_498, %add3A_499 : i32
      %add3A_501 = arith.constant 1 : i32
      %add3A_502 = arith.addi %add3A_500, %add3A_501 : i32
      %and3A_503 = arith.constant 3 : i32
      %and3A_504 = arith.andi %add3A_502, %and3A_503 : i32
      %add3A_505 = arith.constant 2 : i32
      %add3A_506 = arith.addi %add3A_500, %add3A_505 : i32
      %and3A_507 = arith.constant 3 : i32
      %and3A_508 = arith.andi %add3A_506, %and3A_507 : i32
      %dma_wait3A_509 = arith.constant 1 : i32
      %dma_wait3A_510 = arith.constant 1 : i32
      %dma_wait3A_511 = arith.constant 0 : i32
      %dma_wait3A_512 = arith.constant 0 : i32
      %dma_wait3A_513 = tpu.memref_slice %arg9[%dma_wait3A_509, %dma_wait3A_511, %dma_wait3A_512] : memref<2x160x128xf32, #tpu.memory_space<vmem>> -> memref<1x80x128xf32, #tpu.memory_space<vmem>>
      %dma_wait3A_514 = tpu.memref_squeeze %dma_wait3A_513 : memref<1x80x128xf32, #tpu.memory_space<vmem>> -> memref<80x128xf32, #tpu.memory_space<vmem>>
      %dma_wait3A_515 = arith.constant 0 : i32
      %dma_wait3A_516 = arith.constant 0 : i32
      %dma_wait3A_517 = tpu.memref_slice %arg4[%dma_wait3A_515, %dma_wait3A_516] : memref<10000x128xf32, #tpu.memory_space<hbm>> -> memref<80x128xf32, #tpu.memory_space<hbm>>
      %dma_wait3A_518 = tpu.memref_slice %arg12[%dma_wait3A_510] : memref<2x!tpu.dma_semaphore, #tpu.memory_space<semaphore_mem>> -> memref<1x!tpu.dma_semaphore, #tpu.memory_space<semaphore_mem>>
      %dma_wait3A_519 = tpu.memref_squeeze %dma_wait3A_518 : memref<1x!tpu.dma_semaphore, #tpu.memory_space<semaphore_mem>> -> memref<!tpu.dma_semaphore, #tpu.memory_space<semaphore_mem>>
      %dma_wait3A_520 = arith.constant 0 : i32
      %dma_wait3A_521 = arith.constant 0 : i32
      %dma_wait3A_522 = tpu.memref_slice %arg9[%dma_wait3A_509, %dma_wait3A_520, %dma_wait3A_521] : memref<2x160x128xf32, #tpu.memory_space<vmem>> -> memref<1x80x128xf32, #tpu.memory_space<vmem>>
      %dma_wait3A_523 = tpu.memref_squeeze %dma_wait3A_522 : memref<1x80x128xf32, #tpu.memory_space<vmem>> -> memref<80x128xf32, #tpu.memory_space<vmem>>
      %dma_wait3A_524 = arith.constant 0 : i32
      %dma_wait3A_525 = arith.constant 0 : i32
      %dma_wait3A_526 = tpu.memref_slice %arg4[%dma_wait3A_524, %dma_wait3A_525] : memref<10000x128xf32, #tpu.memory_space<hbm>> -> memref<80x128xf32, #tpu.memory_space<hbm>>
      tpu.wait_dma2 semaphore(%dma_wait3A_519 : memref<!tpu.dma_semaphore, #tpu.memory_space<semaphore_mem>>) src(%dma_wait3A_526 : memref<80x128xf32, #tpu.memory_space<hbm>>) dst(%dma_wait3A_523 : memref<80x128xf32, #tpu.memory_space<vmem>>)
      %dma_wait3A_527 = arith.constant 1 : i32
      %dma_wait3A_528 = arith.constant 1 : i32
      %dma_wait3A_529 = arith.constant 0 : i32
      %dma_wait3A_530 = arith.constant 0 : i32
      %dma_wait3A_531 = tpu.memref_slice %arg10[%dma_wait3A_527, %dma_wait3A_529, %dma_wait3A_530] : memref<2x160x128xf32, #tpu.memory_space<vmem>> -> memref<1x80x128xf32, #tpu.memory_space<vmem>>
      %dma_wait3A_532 = tpu.memref_squeeze %dma_wait3A_531 : memref<1x80x128xf32, #tpu.memory_space<vmem>> -> memref<80x128xf32, #tpu.memory_space<vmem>>
      %dma_wait3A_533 = arith.constant 0 : i32
      %dma_wait3A_534 = arith.constant 0 : i32
      %dma_wait3A_535 = tpu.memref_slice %arg5[%dma_wait3A_533, %dma_wait3A_534] : memref<10000x128xf32, #tpu.memory_space<hbm>> -> memref<80x128xf32, #tpu.memory_space<hbm>>
      %dma_wait3A_536 = tpu.memref_slice %arg13[%dma_wait3A_528] : memref<2x!tpu.dma_semaphore, #tpu.memory_space<semaphore_mem>> -> memref<1x!tpu.dma_semaphore, #tpu.memory_space<semaphore_mem>>
      %dma_wait3A_537 = tpu.memref_squeeze %dma_wait3A_536 : memref<1x!tpu.dma_semaphore, #tpu.memory_space<semaphore_mem>> -> memref<!tpu.dma_semaphore, #tpu.memory_space<semaphore_mem>>
      %dma_wait3A_538 = arith.constant 0 : i32
      %dma_wait3A_539 = arith.constant 0 : i32
      %dma_wait3A_540 = tpu.memref_slice %arg10[%dma_wait3A_527, %dma_wait3A_538, %dma_wait3A_539] : memref<2x160x128xf32, #tpu.memory_space<vmem>> -> memref<1x80x128xf32, #tpu.memory_space<vmem>>
      %dma_wait3A_541 = tpu.memref_squeeze %dma_wait3A_540 : memref<1x80x128xf32, #tpu.memory_space<vmem>> -> memref<80x128xf32, #tpu.memory_space<vmem>>
      %dma_wait3A_542 = arith.constant 0 : i32
      %dma_wait3A_543 = arith.constant 0 : i32
      %dma_wait3A_544 = tpu.memref_slice %arg5[%dma_wait3A_542, %dma_wait3A_543] : memref<10000x128xf32, #tpu.memory_space<hbm>> -> memref<80x128xf32, #tpu.memory_space<hbm>>
      tpu.wait_dma2 semaphore(%dma_wait3A_537 : memref<!tpu.dma_semaphore, #tpu.memory_space<semaphore_mem>>) src(%dma_wait3A_544 : memref<80x128xf32, #tpu.memory_space<hbm>>) dst(%dma_wait3A_541 : memref<80x128xf32, #tpu.memory_space<vmem>>)
      %dma_wait3A_545 = arith.constant 1 : i32
      %dma_wait3A_546 = arith.constant 1 : i32
      %dma_wait3A_547 = arith.constant 80 : i32
      %dma_wait3A_548 = arith.constant 0 : i32
      %dma_wait3A_549 = tpu.memref_slice %arg9[%dma_wait3A_545, %dma_wait3A_547, %dma_wait3A_548] : memref<2x160x128xf32, #tpu.memory_space<vmem>> -> memref<1x80x128xf32, #tpu.memory_space<vmem>>
      %dma_wait3A_550 = tpu.memref_squeeze %dma_wait3A_549 : memref<1x80x128xf32, #tpu.memory_space<vmem>> -> memref<80x128xf32, #tpu.memory_space<vmem>>
      %dma_wait3A_551 = arith.constant 0 : i32
      %dma_wait3A_552 = arith.constant 0 : i32
      %dma_wait3A_553 = tpu.memref_slice %arg4[%dma_wait3A_551, %dma_wait3A_552] : memref<10000x128xf32, #tpu.memory_space<hbm>> -> memref<80x128xf32, #tpu.memory_space<hbm>>
      %dma_wait3A_554 = tpu.memref_slice %arg12[%dma_wait3A_546] : memref<2x!tpu.dma_semaphore, #tpu.memory_space<semaphore_mem>> -> memref<1x!tpu.dma_semaphore, #tpu.memory_space<semaphore_mem>>
      %dma_wait3A_555 = tpu.memref_squeeze %dma_wait3A_554 : memref<1x!tpu.dma_semaphore, #tpu.memory_space<semaphore_mem>> -> memref<!tpu.dma_semaphore, #tpu.memory_space<semaphore_mem>>
      %dma_wait3A_556 = arith.constant 80 : i32
      %dma_wait3A_557 = arith.constant 0 : i32
      %dma_wait3A_558 = tpu.memref_slice %arg9[%dma_wait3A_545, %dma_wait3A_556, %dma_wait3A_557] : memref<2x160x128xf32, #tpu.memory_space<vmem>> -> memref<1x80x128xf32, #tpu.memory_space<vmem>>
      %dma_wait3A_559 = tpu.memref_squeeze %dma_wait3A_558 : memref<1x80x128xf32, #tpu.memory_space<vmem>> -> memref<80x128xf32, #tpu.memory_space<vmem>>
      %dma_wait3A_560 = arith.constant 0 : i32
      %dma_wait3A_561 = arith.constant 0 : i32
      %dma_wait3A_562 = tpu.memref_slice %arg4[%dma_wait3A_560, %dma_wait3A_561] : memref<10000x128xf32, #tpu.memory_space<hbm>> -> memref<80x128xf32, #tpu.memory_space<hbm>>
      tpu.wait_dma2 semaphore(%dma_wait3A_555 : memref<!tpu.dma_semaphore, #tpu.memory_space<semaphore_mem>>) src(%dma_wait3A_562 : memref<80x128xf32, #tpu.memory_space<hbm>>) dst(%dma_wait3A_559 : memref<80x128xf32, #tpu.memory_space<vmem>>)
      %dma_wait3A_563 = arith.constant 1 : i32
      %dma_wait3A_564 = arith.constant 1 : i32
      %dma_wait3A_565 = arith.constant 80 : i32
      %dma_wait3A_566 = arith.constant 0 : i32
      %dma_wait3A_567 = tpu.memref_slice %arg10[%dma_wait3A_563, %dma_wait3A_565, %dma_wait3A_566] : memref<2x160x128xf32, #tpu.memory_space<vmem>> -> memref<1x80x128xf32, #tpu.memory_space<vmem>>
      %dma_wait3A_568 = tpu.memref_squeeze %dma_wait3A_567 : memref<1x80x128xf32, #tpu.memory_space<vmem>> -> memref<80x128xf32, #tpu.memory_space<vmem>>
      %dma_wait3A_569 = arith.constant 0 : i32
      %dma_wait3A_570 = arith.constant 0 : i32
      %dma_wait3A_571 = tpu.memref_slice %arg5[%dma_wait3A_569, %dma_wait3A_570] : memref<10000x128xf32, #tpu.memory_space<hbm>> -> memref<80x128xf32, #tpu.memory_space<hbm>>
      %dma_wait3A_572 = tpu.memref_slice %arg13[%dma_wait3A_564] : memref<2x!tpu.dma_semaphore, #tpu.memory_space<semaphore_mem>> -> memref<1x!tpu.dma_semaphore, #tpu.memory_space<semaphore_mem>>
      %dma_wait3A_573 = tpu.memref_squeeze %dma_wait3A_572 : memref<1x!tpu.dma_semaphore, #tpu.memory_space<semaphore_mem>> -> memref<!tpu.dma_semaphore, #tpu.memory_space<semaphore_mem>>
      %dma_wait3A_574 = arith.constant 80 : i32
      %dma_wait3A_575 = arith.constant 0 : i32
      %dma_wait3A_576 = tpu.memref_slice %arg10[%dma_wait3A_563, %dma_wait3A_574, %dma_wait3A_575] : memref<2x160x128xf32, #tpu.memory_space<vmem>> -> memref<1x80x128xf32, #tpu.memory_space<vmem>>
      %dma_wait3A_577 = tpu.memref_squeeze %dma_wait3A_576 : memref<1x80x128xf32, #tpu.memory_space<vmem>> -> memref<80x128xf32, #tpu.memory_space<vmem>>
      %dma_wait3A_578 = arith.constant 0 : i32
      %dma_wait3A_579 = arith.constant 0 : i32
      %dma_wait3A_580 = tpu.memref_slice %arg5[%dma_wait3A_578, %dma_wait3A_579] : memref<10000x128xf32, #tpu.memory_space<hbm>> -> memref<80x128xf32, #tpu.memory_space<hbm>>
      tpu.wait_dma2 semaphore(%dma_wait3A_573 : memref<!tpu.dma_semaphore, #tpu.memory_space<semaphore_mem>>) src(%dma_wait3A_580 : memref<80x128xf32, #tpu.memory_space<hbm>>) dst(%dma_wait3A_577 : memref<80x128xf32, #tpu.memory_space<vmem>>)
      %add3A_581 = arith.constant 2 : i32
      %add3A_582 = arith.addi %add3A_500, %add3A_581 : i32
      %lt3A_583 = arith.constant 62 : i32
      %lt3A_584 = arith.cmpi slt, %add3A_582, %lt3A_583 : i32
      %convert_element_type3A_585 = arith.extui %lt3A_584 : i1 to i32
      %cond3A_586 = arith.constant 0 : i32
      %cond3A_587 = arith.cmpi ne, %convert_element_type3A_585, %cond3A_586 : i32
      scf.if %cond3A_587 {
        %add3A_621 = arith.constant 2 : i32
        %add3A_622 = arith.addi %add3A_500, %add3A_621 : i32
        %mul3A_623 = arith.constant 160 : i32
        %mul3A_624 = arith.muli %add3A_622, %mul3A_623 : i32
        %add3A_625 = arith.addi %mul3A_2, %mul3A_624 : i32
        %multiple_of3A_626 = tpu.assume_multiple %add3A_625, 16 : i32
        %add3A_627 = arith.constant 0 : i32
        %add3A_628 = arith.addi %multiple_of3A_626, %add3A_627 : i32
        %dma_start3A_629 = arith.constant 0 : i32
        %dma_start3A_630 = arith.constant 0 : i32
        %dma_start3A_631 = tpu.memref_slice %arg7[%and3A_508, %dma_start3A_629, %dma_start3A_630] : memref<4x2x80xi32, #tpu.memory_space<vmem>> -> memref<1x1x80xi32, #tpu.memory_space<vmem>>
        %dma_start3A_632 = tpu.memref_squeeze %dma_start3A_631 : memref<1x1x80xi32, #tpu.memory_space<vmem>> -> memref<80xi32, #tpu.memory_space<vmem>>
        %dma_start3A_633 = tpu.memref_slice %arg2[%add3A_628] : memref<320000xi32, #tpu.memory_space<hbm>> -> memref<80xi32, #tpu.memory_space<hbm>>
        %dma_start3A_634 = tpu.memref_slice %arg15[%and3A_508] : memref<4x!tpu.dma_semaphore, #tpu.memory_space<semaphore_mem>> -> memref<1x!tpu.dma_semaphore, #tpu.memory_space<semaphore_mem>>
        %dma_start3A_635 = tpu.memref_squeeze %dma_start3A_634 : memref<1x!tpu.dma_semaphore, #tpu.memory_space<semaphore_mem>> -> memref<!tpu.dma_semaphore, #tpu.memory_space<semaphore_mem>>
        %dma_start3A_636 = arith.constant 0 : i32
        %dma_start3A_637 = tpu.memref_slice %arg7[%and3A_508, %dma_start3A_629, %dma_start3A_636] : memref<4x2x80xi32, #tpu.memory_space<vmem>> -> memref<1x1x80xi32, #tpu.memory_space<vmem>>
        %dma_start3A_638 = tpu.memref_squeeze %dma_start3A_637 : memref<1x1x80xi32, #tpu.memory_space<vmem>> -> memref<80xi32, #tpu.memory_space<vmem>>
        %dma_start3A_639 = tpu.memref_slice %arg2[%add3A_628] : memref<320000xi32, #tpu.memory_space<hbm>> -> memref<80xi32, #tpu.memory_space<hbm>>
        tpu.enqueue_dma source(%dma_start3A_639 : memref<80xi32, #tpu.memory_space<hbm>>) target(%dma_start3A_638 : memref<80xi32, #tpu.memory_space<vmem>>) target_semaphore(%dma_start3A_635 : memref<!tpu.dma_semaphore, #tpu.memory_space<semaphore_mem>>)
        %add3A_640 = arith.constant 0 : i32
        %add3A_641 = arith.addi %multiple_of3A_626, %add3A_640 : i32
        %dma_start3A_642 = arith.constant 0 : i32
        %dma_start3A_643 = arith.constant 0 : i32
        %dma_start3A_644 = tpu.memref_slice %arg8[%and3A_508, %dma_start3A_642, %dma_start3A_643] : memref<4x2x80xi32, #tpu.memory_space<vmem>> -> memref<1x1x80xi32, #tpu.memory_space<vmem>>
        %dma_start3A_645 = tpu.memref_squeeze %dma_start3A_644 : memref<1x1x80xi32, #tpu.memory_space<vmem>> -> memref<80xi32, #tpu.memory_space<vmem>>
        %dma_start3A_646 = tpu.memref_slice %arg3[%add3A_641] : memref<320000xi32, #tpu.memory_space<hbm>> -> memref<80xi32, #tpu.memory_space<hbm>>
        %dma_start3A_647 = tpu.memref_slice %arg16[%and3A_508] : memref<4x!tpu.dma_semaphore, #tpu.memory_space<semaphore_mem>> -> memref<1x!tpu.dma_semaphore, #tpu.memory_space<semaphore_mem>>
        %dma_start3A_648 = tpu.memref_squeeze %dma_start3A_647 : memref<1x!tpu.dma_semaphore, #tpu.memory_space<semaphore_mem>> -> memref<!tpu.dma_semaphore, #tpu.memory_space<semaphore_mem>>
        %dma_start3A_649 = arith.constant 0 : i32
        %dma_start3A_650 = tpu.memref_slice %arg8[%and3A_508, %dma_start3A_642, %dma_start3A_649] : memref<4x2x80xi32, #tpu.memory_space<vmem>> -> memref<1x1x80xi32, #tpu.memory_space<vmem>>
        %dma_start3A_651 = tpu.memref_squeeze %dma_start3A_650 : memref<1x1x80xi32, #tpu.memory_space<vmem>> -> memref<80xi32, #tpu.memory_space<vmem>>
        %dma_start3A_652 = tpu.memref_slice %arg3[%add3A_641] : memref<320000xi32, #tpu.memory_space<hbm>> -> memref<80xi32, #tpu.memory_space<hbm>>
        tpu.enqueue_dma source(%dma_start3A_652 : memref<80xi32, #tpu.memory_space<hbm>>) target(%dma_start3A_651 : memref<80xi32, #tpu.memory_space<vmem>>) target_semaphore(%dma_start3A_648 : memref<!tpu.dma_semaphore, #tpu.memory_space<semaphore_mem>>)
        %add3A_653 = arith.constant 80 : i32
        %add3A_654 = arith.addi %multiple_of3A_626, %add3A_653 : i32
        %dma_start3A_655 = arith.constant 1 : i32
        %dma_start3A_656 = arith.constant 0 : i32
        %dma_start3A_657 = tpu.memref_slice %arg7[%and3A_508, %dma_start3A_655, %dma_start3A_656] : memref<4x2x80xi32, #tpu.memory_space<vmem>> -> memref<1x1x80xi32, #tpu.memory_space<vmem>>
        %dma_start3A_658 = tpu.memref_squeeze %dma_start3A_657 : memref<1x1x80xi32, #tpu.memory_space<vmem>> -> memref<80xi32, #tpu.memory_space<vmem>>
        %dma_start3A_659 = tpu.memref_slice %arg2[%add3A_654] : memref<320000xi32, #tpu.memory_space<hbm>> -> memref<80xi32, #tpu.memory_space<hbm>>
        %dma_start3A_660 = tpu.memref_slice %arg15[%and3A_508] : memref<4x!tpu.dma_semaphore, #tpu.memory_space<semaphore_mem>> -> memref<1x!tpu.dma_semaphore, #tpu.memory_space<semaphore_mem>>
        %dma_start3A_661 = tpu.memref_squeeze %dma_start3A_660 : memref<1x!tpu.dma_semaphore, #tpu.memory_space<semaphore_mem>> -> memref<!tpu.dma_semaphore, #tpu.memory_space<semaphore_mem>>
        %dma_start3A_662 = arith.constant 0 : i32
        %dma_start3A_663 = tpu.memref_slice %arg7[%and3A_508, %dma_start3A_655, %dma_start3A_662] : memref<4x2x80xi32, #tpu.memory_space<vmem>> -> memref<1x1x80xi32, #tpu.memory_space<vmem>>
        %dma_start3A_664 = tpu.memref_squeeze %dma_start3A_663 : memref<1x1x80xi32, #tpu.memory_space<vmem>> -> memref<80xi32, #tpu.memory_space<vmem>>
        %dma_start3A_665 = tpu.memref_slice %arg2[%add3A_654] : memref<320000xi32, #tpu.memory_space<hbm>> -> memref<80xi32, #tpu.memory_space<hbm>>
        tpu.enqueue_dma source(%dma_start3A_665 : memref<80xi32, #tpu.memory_space<hbm>>) target(%dma_start3A_664 : memref<80xi32, #tpu.memory_space<vmem>>) target_semaphore(%dma_start3A_661 : memref<!tpu.dma_semaphore, #tpu.memory_space<semaphore_mem>>)
        %add3A_666 = arith.constant 80 : i32
        %add3A_667 = arith.addi %multiple_of3A_626, %add3A_666 : i32
        %dma_start3A_668 = arith.constant 1 : i32
        %dma_start3A_669 = arith.constant 0 : i32
        %dma_start3A_670 = tpu.memref_slice %arg8[%and3A_508, %dma_start3A_668, %dma_start3A_669] : memref<4x2x80xi32, #tpu.memory_space<vmem>> -> memref<1x1x80xi32, #tpu.memory_space<vmem>>
        %dma_start3A_671 = tpu.memref_squeeze %dma_start3A_670 : memref<1x1x80xi32, #tpu.memory_space<vmem>> -> memref<80xi32, #tpu.memory_space<vmem>>
        %dma_start3A_672 = tpu.memref_slice %arg3[%add3A_667] : memref<320000xi32, #tpu.memory_space<hbm>> -> memref<80xi32, #tpu.memory_space<hbm>>
        %dma_start3A_673 = tpu.memref_slice %arg16[%and3A_508] : memref<4x!tpu.dma_semaphore, #tpu.memory_space<semaphore_mem>> -> memref<1x!tpu.dma_semaphore, #tpu.memory_space<semaphore_mem>>
        %dma_start3A_674 = tpu.memref_squeeze %dma_start3A_673 : memref<1x!tpu.dma_semaphore, #tpu.memory_space<semaphore_mem>> -> memref<!tpu.dma_semaphore, #tpu.memory_space<semaphore_mem>>
        %dma_start3A_675 = arith.constant 0 : i32
        %dma_start3A_676 = tpu.memref_slice %arg8[%and3A_508, %dma_start3A_668, %dma_start3A_675] : memref<4x2x80xi32, #tpu.memory_space<vmem>> -> memref<1x1x80xi32, #tpu.memory_space<vmem>>
        %dma_start3A_677 = tpu.memref_squeeze %dma_start3A_676 : memref<1x1x80xi32, #tpu.memory_space<vmem>> -> memref<80xi32, #tpu.memory_space<vmem>>
        %dma_start3A_678 = tpu.memref_slice %arg3[%add3A_667] : memref<320000xi32, #tpu.memory_space<hbm>> -> memref<80xi32, #tpu.memory_space<hbm>>
        tpu.enqueue_dma source(%dma_start3A_678 : memref<80xi32, #tpu.memory_space<hbm>>) target(%dma_start3A_677 : memref<80xi32, #tpu.memory_space<vmem>>) target_semaphore(%dma_start3A_674 : memref<!tpu.dma_semaphore, #tpu.memory_space<semaphore_mem>>)
      } else {
      }
      %add3A_588 = arith.constant 1 : i32
      %add3A_589 = arith.addi %add3A_500, %add3A_588 : i32
      %lt3A_590 = arith.constant 62 : i32
      %lt3A_591 = arith.cmpi slt, %add3A_589, %lt3A_590 : i32
      %convert_element_type3A_592 = arith.extui %lt3A_591 : i1 to i32
      %cond3A_593 = arith.constant 0 : i32
      %cond3A_594 = arith.cmpi ne, %convert_element_type3A_592, %cond3A_593 : i32
      scf.if %cond3A_594 {
        %dma_wait3A_621 = arith.constant 0 : i32
        %dma_wait3A_622 = arith.constant 0 : i32
        %dma_wait3A_623 = tpu.memref_slice %arg7[%and3A_504, %dma_wait3A_621, %dma_wait3A_622] : memref<4x2x80xi32, #tpu.memory_space<vmem>> -> memref<1x1x80xi32, #tpu.memory_space<vmem>>
        %dma_wait3A_624 = tpu.memref_squeeze %dma_wait3A_623 : memref<1x1x80xi32, #tpu.memory_space<vmem>> -> memref<80xi32, #tpu.memory_space<vmem>>
        %dma_wait3A_625 = arith.constant 0 : i32
        %dma_wait3A_626 = tpu.memref_slice %arg2[%dma_wait3A_625] : memref<320000xi32, #tpu.memory_space<hbm>> -> memref<80xi32, #tpu.memory_space<hbm>>
        %dma_wait3A_627 = tpu.memref_slice %arg15[%and3A_504] : memref<4x!tpu.dma_semaphore, #tpu.memory_space<semaphore_mem>> -> memref<1x!tpu.dma_semaphore, #tpu.memory_space<semaphore_mem>>
        %dma_wait3A_628 = tpu.memref_squeeze %dma_wait3A_627 : memref<1x!tpu.dma_semaphore, #tpu.memory_space<semaphore_mem>> -> memref<!tpu.dma_semaphore, #tpu.memory_space<semaphore_mem>>
        %dma_wait3A_629 = arith.constant 0 : i32
        %dma_wait3A_630 = tpu.memref_slice %arg7[%and3A_504, %dma_wait3A_621, %dma_wait3A_629] : memref<4x2x80xi32, #tpu.memory_space<vmem>> -> memref<1x1x80xi32, #tpu.memory_space<vmem>>
        %dma_wait3A_631 = tpu.memref_squeeze %dma_wait3A_630 : memref<1x1x80xi32, #tpu.memory_space<vmem>> -> memref<80xi32, #tpu.memory_space<vmem>>
        %dma_wait3A_632 = arith.constant 0 : i32
        %dma_wait3A_633 = tpu.memref_slice %arg2[%dma_wait3A_632] : memref<320000xi32, #tpu.memory_space<hbm>> -> memref<80xi32, #tpu.memory_space<hbm>>
        tpu.wait_dma2 semaphore(%dma_wait3A_628 : memref<!tpu.dma_semaphore, #tpu.memory_space<semaphore_mem>>) src(%dma_wait3A_633 : memref<80xi32, #tpu.memory_space<hbm>>) dst(%dma_wait3A_631 : memref<80xi32, #tpu.memory_space<vmem>>)
        %dma_wait3A_634 = arith.constant 0 : i32
        %dma_wait3A_635 = arith.constant 0 : i32
        %dma_wait3A_636 = tpu.memref_slice %arg8[%and3A_504, %dma_wait3A_634, %dma_wait3A_635] : memref<4x2x80xi32, #tpu.memory_space<vmem>> -> memref<1x1x80xi32, #tpu.memory_space<vmem>>
        %dma_wait3A_637 = tpu.memref_squeeze %dma_wait3A_636 : memref<1x1x80xi32, #tpu.memory_space<vmem>> -> memref<80xi32, #tpu.memory_space<vmem>>
        %dma_wait3A_638 = arith.constant 0 : i32
        %dma_wait3A_639 = tpu.memref_slice %arg3[%dma_wait3A_638] : memref<320000xi32, #tpu.memory_space<hbm>> -> memref<80xi32, #tpu.memory_space<hbm>>
        %dma_wait3A_640 = tpu.memref_slice %arg16[%and3A_504] : memref<4x!tpu.dma_semaphore, #tpu.memory_space<semaphore_mem>> -> memref<1x!tpu.dma_semaphore, #tpu.memory_space<semaphore_mem>>
        %dma_wait3A_641 = tpu.memref_squeeze %dma_wait3A_640 : memref<1x!tpu.dma_semaphore, #tpu.memory_space<semaphore_mem>> -> memref<!tpu.dma_semaphore, #tpu.memory_space<semaphore_mem>>
        %dma_wait3A_642 = arith.constant 0 : i32
        %dma_wait3A_643 = tpu.memref_slice %arg8[%and3A_504, %dma_wait3A_634, %dma_wait3A_642] : memref<4x2x80xi32, #tpu.memory_space<vmem>> -> memref<1x1x80xi32, #tpu.memory_space<vmem>>
        %dma_wait3A_644 = tpu.memref_squeeze %dma_wait3A_643 : memref<1x1x80xi32, #tpu.memory_space<vmem>> -> memref<80xi32, #tpu.memory_space<vmem>>
        %dma_wait3A_645 = arith.constant 0 : i32
        %dma_wait3A_646 = tpu.memref_slice %arg3[%dma_wait3A_645] : memref<320000xi32, #tpu.memory_space<hbm>> -> memref<80xi32, #tpu.memory_space<hbm>>
        tpu.wait_dma2 semaphore(%dma_wait3A_641 : memref<!tpu.dma_semaphore, #tpu.memory_space<semaphore_mem>>) src(%dma_wait3A_646 : memref<80xi32, #tpu.memory_space<hbm>>) dst(%dma_wait3A_644 : memref<80xi32, #tpu.memory_space<vmem>>)
        %dma_wait3A_647 = arith.constant 1 : i32
        %dma_wait3A_648 = arith.constant 0 : i32
        %dma_wait3A_649 = tpu.memref_slice %arg7[%and3A_504, %dma_wait3A_647, %dma_wait3A_648] : memref<4x2x80xi32, #tpu.memory_space<vmem>> -> memref<1x1x80xi32, #tpu.memory_space<vmem>>
        %dma_wait3A_650 = tpu.memref_squeeze %dma_wait3A_649 : memref<1x1x80xi32, #tpu.memory_space<vmem>> -> memref<80xi32, #tpu.memory_space<vmem>>
        %dma_wait3A_651 = arith.constant 0 : i32
        %dma_wait3A_652 = tpu.memref_slice %arg2[%dma_wait3A_651] : memref<320000xi32, #tpu.memory_space<hbm>> -> memref<80xi32, #tpu.memory_space<hbm>>
        %dma_wait3A_653 = tpu.memref_slice %arg15[%and3A_504] : memref<4x!tpu.dma_semaphore, #tpu.memory_space<semaphore_mem>> -> memref<1x!tpu.dma_semaphore, #tpu.memory_space<semaphore_mem>>
        %dma_wait3A_654 = tpu.memref_squeeze %dma_wait3A_653 : memref<1x!tpu.dma_semaphore, #tpu.memory_space<semaphore_mem>> -> memref<!tpu.dma_semaphore, #tpu.memory_space<semaphore_mem>>
        %dma_wait3A_655 = arith.constant 0 : i32
        %dma_wait3A_656 = tpu.memref_slice %arg7[%and3A_504, %dma_wait3A_647, %dma_wait3A_655] : memref<4x2x80xi32, #tpu.memory_space<vmem>> -> memref<1x1x80xi32, #tpu.memory_space<vmem>>
        %dma_wait3A_657 = tpu.memref_squeeze %dma_wait3A_656 : memref<1x1x80xi32, #tpu.memory_space<vmem>> -> memref<80xi32, #tpu.memory_space<vmem>>
        %dma_wait3A_658 = arith.constant 0 : i32
        %dma_wait3A_659 = tpu.memref_slice %arg2[%dma_wait3A_658] : memref<320000xi32, #tpu.memory_space<hbm>> -> memref<80xi32, #tpu.memory_space<hbm>>
        tpu.wait_dma2 semaphore(%dma_wait3A_654 : memref<!tpu.dma_semaphore, #tpu.memory_space<semaphore_mem>>) src(%dma_wait3A_659 : memref<80xi32, #tpu.memory_space<hbm>>) dst(%dma_wait3A_657 : memref<80xi32, #tpu.memory_space<vmem>>)
        %dma_wait3A_660 = arith.constant 1 : i32
        %dma_wait3A_661 = arith.constant 0 : i32
        %dma_wait3A_662 = tpu.memref_slice %arg8[%and3A_504, %dma_wait3A_660, %dma_wait3A_661] : memref<4x2x80xi32, #tpu.memory_space<vmem>> -> memref<1x1x80xi32, #tpu.memory_space<vmem>>
        %dma_wait3A_663 = tpu.memref_squeeze %dma_wait3A_662 : memref<1x1x80xi32, #tpu.memory_space<vmem>> -> memref<80xi32, #tpu.memory_space<vmem>>
        %dma_wait3A_664 = arith.constant 0 : i32
        %dma_wait3A_665 = tpu.memref_slice %arg3[%dma_wait3A_664] : memref<320000xi32, #tpu.memory_space<hbm>> -> memref<80xi32, #tpu.memory_space<hbm>>
        %dma_wait3A_666 = tpu.memref_slice %arg16[%and3A_504] : memref<4x!tpu.dma_semaphore, #tpu.memory_space<semaphore_mem>> -> memref<1x!tpu.dma_semaphore, #tpu.memory_space<semaphore_mem>>
        %dma_wait3A_667 = tpu.memref_squeeze %dma_wait3A_666 : memref<1x!tpu.dma_semaphore, #tpu.memory_space<semaphore_mem>> -> memref<!tpu.dma_semaphore, #tpu.memory_space<semaphore_mem>>
        %dma_wait3A_668 = arith.constant 0 : i32
        %dma_wait3A_669 = tpu.memref_slice %arg8[%and3A_504, %dma_wait3A_660, %dma_wait3A_668] : memref<4x2x80xi32, #tpu.memory_space<vmem>> -> memref<1x1x80xi32, #tpu.memory_space<vmem>>
        %dma_wait3A_670 = tpu.memref_squeeze %dma_wait3A_669 : memref<1x1x80xi32, #tpu.memory_space<vmem>> -> memref<80xi32, #tpu.memory_space<vmem>>
        %dma_wait3A_671 = arith.constant 0 : i32
        %dma_wait3A_672 = tpu.memref_slice %arg3[%dma_wait3A_671] : memref<320000xi32, #tpu.memory_space<hbm>> -> memref<80xi32, #tpu.memory_space<hbm>>
        tpu.wait_dma2 semaphore(%dma_wait3A_667 : memref<!tpu.dma_semaphore, #tpu.memory_space<semaphore_mem>>) src(%dma_wait3A_672 : memref<80xi32, #tpu.memory_space<hbm>>) dst(%dma_wait3A_670 : memref<80xi32, #tpu.memory_space<vmem>>)
        %ge3A = arith.constant 1 : i32
        %ge3A_673 = arith.cmpi sge, %add3A_500, %ge3A : i32
        %convert_element_type3A_674 = arith.extui %ge3A_673 : i1 to i32
        %cond3A_675 = arith.constant 0 : i32
        %cond3A_676 = arith.cmpi ne, %convert_element_type3A_674, %cond3A_675 : i32
        scf.if %cond3A_676 {
          %dma_wait3A_739 = arith.constant 0 : i32
          %dma_wait3A_740 = arith.constant 0 : i32
          %dma_wait3A_741 = arith.constant 0 : i32
          %dma_wait3A_742 = arith.constant 0 : i32
          %dma_wait3A_743 = tpu.memref_slice %arg11[%dma_wait3A_739, %dma_wait3A_741, %dma_wait3A_742] : memref<2x160x64xi32, #tpu.memory_space<vmem>> -> memref<1x160x64xi32, #tpu.memory_space<vmem>>
          %dma_wait3A_744 = tpu.memref_squeeze %dma_wait3A_743 : memref<1x160x64xi32, #tpu.memory_space<vmem>> -> memref<160x64xi32, #tpu.memory_space<vmem>>
          %dma_wait3A_745 = arith.constant 0 : i32
          %dma_wait3A_746 = arith.constant 0 : i32
          %dma_wait3A_747 = tpu.memref_slice %arg6[%dma_wait3A_745, %dma_wait3A_746] : memref<320000x64xi32, #tpu.memory_space<hbm>> -> memref<160x64xi32, #tpu.memory_space<hbm>>
          %dma_wait3A_748 = tpu.memref_slice %arg14[%dma_wait3A_740] : memref<2x!tpu.dma_semaphore, #tpu.memory_space<semaphore_mem>> -> memref<1x!tpu.dma_semaphore, #tpu.memory_space<semaphore_mem>>
          %dma_wait3A_749 = tpu.memref_squeeze %dma_wait3A_748 : memref<1x!tpu.dma_semaphore, #tpu.memory_space<semaphore_mem>> -> memref<!tpu.dma_semaphore, #tpu.memory_space<semaphore_mem>>
          %dma_wait3A_750 = arith.constant 0 : i32
          %dma_wait3A_751 = arith.constant 0 : i32
          %dma_wait3A_752 = tpu.memref_slice %arg6[%dma_wait3A_750, %dma_wait3A_751] : memref<320000x64xi32, #tpu.memory_space<hbm>> -> memref<160x64xi32, #tpu.memory_space<hbm>>
          %dma_wait3A_753 = arith.constant 0 : i32
          %dma_wait3A_754 = arith.constant 0 : i32
          %dma_wait3A_755 = tpu.memref_slice %arg11[%dma_wait3A_739, %dma_wait3A_753, %dma_wait3A_754] : memref<2x160x64xi32, #tpu.memory_space<vmem>> -> memref<1x160x64xi32, #tpu.memory_space<vmem>>
          %dma_wait3A_756 = tpu.memref_squeeze %dma_wait3A_755 : memref<1x160x64xi32, #tpu.memory_space<vmem>> -> memref<160x64xi32, #tpu.memory_space<vmem>>
          tpu.wait_dma2 semaphore(%dma_wait3A_749 : memref<!tpu.dma_semaphore, #tpu.memory_space<semaphore_mem>>) src(%dma_wait3A_756 : memref<160x64xi32, #tpu.memory_space<vmem>>) dst(%dma_wait3A_752 : memref<160x64xi32, #tpu.memory_space<hbm>>)
        } else {
        }
        %add3A_677 = arith.constant 1 : i32
        %add3A_678 = arith.addi %add3A_500, %add3A_677 : i32
        %dma_start3A_679 = arith.constant 0 : i32
        %dma_start3A_680 = arith.constant 0 : i32
        %dma_start3A_681 = arith.constant 0 : i32
        %dma_start3A_682 = arith.constant 0 : i32
        %dma_start3A_683 = arith.constant 0 : i32
        %dma_start3A_684 = tpu.memref_slice %arg9[%dma_start3A_680, %dma_start3A_682, %dma_start3A_683] : memref<2x160x128xf32, #tpu.memory_space<vmem>> -> memref<1x80x128xf32, #tpu.memory_space<vmem>>
        %dma_start3A_685 = tpu.memref_squeeze %dma_start3A_684 : memref<1x80x128xf32, #tpu.memory_space<vmem>> -> memref<80x128xf32, #tpu.memory_space<vmem>>
        %dma_start3A_686 = arith.constant 0 : i32
        %dma_start3A_687 = tpu.memref_slice %arg7[%and3A_504, %dma_start3A_679, %dma_start3A_686] : memref<4x2x80xi32, #tpu.memory_space<vmem>> -> memref<1x1x80xi32, #tpu.memory_space<vmem>>
        %dma_start3A_688 = tpu.memref_squeeze %dma_start3A_687 : memref<1x1x80xi32, #tpu.memory_space<vmem>> -> memref<80xi32, #tpu.memory_space<vmem>>
        %dma_start3A_689 = arith.constant 0 : i32
        %dma_start3A_690 = arith.constant 0 : i32
        %dma_start3A_691 = tpu.memref_slice %arg4[%dma_start3A_689, %dma_start3A_690] : memref<10000x128xf32, #tpu.memory_space<hbm>> -> memref<10000x128xf32, #tpu.memory_space<hbm>>
        %dma_start3A_692 = tpu.memref_slice %arg12[%dma_start3A_681] : memref<2x!tpu.dma_semaphore, #tpu.memory_space<semaphore_mem>> -> memref<1x!tpu.dma_semaphore, #tpu.memory_space<semaphore_mem>>
        %dma_start3A_693 = tpu.memref_squeeze %dma_start3A_692 : memref<1x!tpu.dma_semaphore, #tpu.memory_space<semaphore_mem>> -> memref<!tpu.dma_semaphore, #tpu.memory_space<semaphore_mem>>
        tpu.enqueue_indirect_dma source(%dma_start3A_691 : memref<10000x128xf32, #tpu.memory_space<hbm>>) target(%dma_start3A_685 : memref<80x128xf32, #tpu.memory_space<vmem>>) offsets(%dma_start3A_688 : memref<80xi32, #tpu.memory_space<vmem>>) semaphore(%dma_start3A_693 : memref<!tpu.dma_semaphore, #tpu.memory_space<semaphore_mem>>)
        %dma_start3A_694 = arith.constant 0 : i32
        %dma_start3A_695 = arith.constant 0 : i32
        %dma_start3A_696 = arith.constant 0 : i32
        %dma_start3A_697 = arith.constant 0 : i32
        %dma_start3A_698 = arith.constant 0 : i32
        %dma_start3A_699 = tpu.memref_slice %arg10[%dma_start3A_695, %dma_start3A_697, %dma_start3A_698] : memref<2x160x128xf32, #tpu.memory_space<vmem>> -> memref<1x80x128xf32, #tpu.memory_space<vmem>>
        %dma_start3A_700 = tpu.memref_squeeze %dma_start3A_699 : memref<1x80x128xf32, #tpu.memory_space<vmem>> -> memref<80x128xf32, #tpu.memory_space<vmem>>
        %dma_start3A_701 = arith.constant 0 : i32
        %dma_start3A_702 = tpu.memref_slice %arg8[%and3A_504, %dma_start3A_694, %dma_start3A_701] : memref<4x2x80xi32, #tpu.memory_space<vmem>> -> memref<1x1x80xi32, #tpu.memory_space<vmem>>
        %dma_start3A_703 = tpu.memref_squeeze %dma_start3A_702 : memref<1x1x80xi32, #tpu.memory_space<vmem>> -> memref<80xi32, #tpu.memory_space<vmem>>
        %dma_start3A_704 = arith.constant 0 : i32
        %dma_start3A_705 = arith.constant 0 : i32
        %dma_start3A_706 = tpu.memref_slice %arg5[%dma_start3A_704, %dma_start3A_705] : memref<10000x128xf32, #tpu.memory_space<hbm>> -> memref<10000x128xf32, #tpu.memory_space<hbm>>
        %dma_start3A_707 = tpu.memref_slice %arg13[%dma_start3A_696] : memref<2x!tpu.dma_semaphore, #tpu.memory_space<semaphore_mem>> -> memref<1x!tpu.dma_semaphore, #tpu.memory_space<semaphore_mem>>
        %dma_start3A_708 = tpu.memref_squeeze %dma_start3A_707 : memref<1x!tpu.dma_semaphore, #tpu.memory_space<semaphore_mem>> -> memref<!tpu.dma_semaphore, #tpu.memory_space<semaphore_mem>>
        tpu.enqueue_indirect_dma source(%dma_start3A_706 : memref<10000x128xf32, #tpu.memory_space<hbm>>) target(%dma_start3A_700 : memref<80x128xf32, #tpu.memory_space<vmem>>) offsets(%dma_start3A_703 : memref<80xi32, #tpu.memory_space<vmem>>) semaphore(%dma_start3A_708 : memref<!tpu.dma_semaphore, #tpu.memory_space<semaphore_mem>>)
        %dma_start3A_709 = arith.constant 1 : i32
        %dma_start3A_710 = arith.constant 0 : i32
        %dma_start3A_711 = arith.constant 0 : i32
        %dma_start3A_712 = arith.constant 80 : i32
        %dma_start3A_713 = arith.constant 0 : i32
        %dma_start3A_714 = tpu.memref_slice %arg9[%dma_start3A_710, %dma_start3A_712, %dma_start3A_713] : memref<2x160x128xf32, #tpu.memory_space<vmem>> -> memref<1x80x128xf32, #tpu.memory_space<vmem>>
        %dma_start3A_715 = tpu.memref_squeeze %dma_start3A_714 : memref<1x80x128xf32, #tpu.memory_space<vmem>> -> memref<80x128xf32, #tpu.memory_space<vmem>>
        %dma_start3A_716 = arith.constant 0 : i32
        %dma_start3A_717 = tpu.memref_slice %arg7[%and3A_504, %dma_start3A_709, %dma_start3A_716] : memref<4x2x80xi32, #tpu.memory_space<vmem>> -> memref<1x1x80xi32, #tpu.memory_space<vmem>>
        %dma_start3A_718 = tpu.memref_squeeze %dma_start3A_717 : memref<1x1x80xi32, #tpu.memory_space<vmem>> -> memref<80xi32, #tpu.memory_space<vmem>>
        %dma_start3A_719 = arith.constant 0 : i32
        %dma_start3A_720 = arith.constant 0 : i32
        %dma_start3A_721 = tpu.memref_slice %arg4[%dma_start3A_719, %dma_start3A_720] : memref<10000x128xf32, #tpu.memory_space<hbm>> -> memref<10000x128xf32, #tpu.memory_space<hbm>>
        %dma_start3A_722 = tpu.memref_slice %arg12[%dma_start3A_711] : memref<2x!tpu.dma_semaphore, #tpu.memory_space<semaphore_mem>> -> memref<1x!tpu.dma_semaphore, #tpu.memory_space<semaphore_mem>>
        %dma_start3A_723 = tpu.memref_squeeze %dma_start3A_722 : memref<1x!tpu.dma_semaphore, #tpu.memory_space<semaphore_mem>> -> memref<!tpu.dma_semaphore, #tpu.memory_space<semaphore_mem>>
        tpu.enqueue_indirect_dma source(%dma_start3A_721 : memref<10000x128xf32, #tpu.memory_space<hbm>>) target(%dma_start3A_715 : memref<80x128xf32, #tpu.memory_space<vmem>>) offsets(%dma_start3A_718 : memref<80xi32, #tpu.memory_space<vmem>>) semaphore(%dma_start3A_723 : memref<!tpu.dma_semaphore, #tpu.memory_space<semaphore_mem>>)
        %dma_start3A_724 = arith.constant 1 : i32
        %dma_start3A_725 = arith.constant 0 : i32
        %dma_start3A_726 = arith.constant 0 : i32
        %dma_start3A_727 = arith.constant 80 : i32
        %dma_start3A_728 = arith.constant 0 : i32
        %dma_start3A_729 = tpu.memref_slice %arg10[%dma_start3A_725, %dma_start3A_727, %dma_start3A_728] : memref<2x160x128xf32, #tpu.memory_space<vmem>> -> memref<1x80x128xf32, #tpu.memory_space<vmem>>
        %dma_start3A_730 = tpu.memref_squeeze %dma_start3A_729 : memref<1x80x128xf32, #tpu.memory_space<vmem>> -> memref<80x128xf32, #tpu.memory_space<vmem>>
        %dma_start3A_731 = arith.constant 0 : i32
        %dma_start3A_732 = tpu.memref_slice %arg8[%and3A_504, %dma_start3A_724, %dma_start3A_731] : memref<4x2x80xi32, #tpu.memory_space<vmem>> -> memref<1x1x80xi32, #tpu.memory_space<vmem>>
        %dma_start3A_733 = tpu.memref_squeeze %dma_start3A_732 : memref<1x1x80xi32, #tpu.memory_space<vmem>> -> memref<80xi32, #tpu.memory_space<vmem>>
        %dma_start3A_734 = arith.constant 0 : i32
        %dma_start3A_735 = arith.constant 0 : i32
        %dma_start3A_736 = tpu.memref_slice %arg5[%dma_start3A_734, %dma_start3A_735] : memref<10000x128xf32, #tpu.memory_space<hbm>> -> memref<10000x128xf32, #tpu.memory_space<hbm>>
        %dma_start3A_737 = tpu.memref_slice %arg13[%dma_start3A_726] : memref<2x!tpu.dma_semaphore, #tpu.memory_space<semaphore_mem>> -> memref<1x!tpu.dma_semaphore, #tpu.memory_space<semaphore_mem>>
        %dma_start3A_738 = tpu.memref_squeeze %dma_start3A_737 : memref<1x!tpu.dma_semaphore, #tpu.memory_space<semaphore_mem>> -> memref<!tpu.dma_semaphore, #tpu.memory_space<semaphore_mem>>
        tpu.enqueue_indirect_dma source(%dma_start3A_736 : memref<10000x128xf32, #tpu.memory_space<hbm>>) target(%dma_start3A_730 : memref<80x128xf32, #tpu.memory_space<vmem>>) offsets(%dma_start3A_733 : memref<80xi32, #tpu.memory_space<vmem>>) semaphore(%dma_start3A_738 : memref<!tpu.dma_semaphore, #tpu.memory_space<semaphore_mem>>)
      } else {
      }
      %scan3A_595 = arith.constant 0 : i32
      %scan3A_596 = arith.constant 0 : i32
      %scan3A_597 = arith.constant 160 : i32
      %scan3A_598 = arith.addi %scan3A_596, %scan3A_597 : i32
      %scan3A_599 = arith.constant 1 : i32
      scf.for %scan3A_621 = %scan3A_596 to %scan3A_598 step %scan3A_599  : i32 {
        %get3A = arith.constant 1 : i32
        %get3A_622 = arith.index_cast %get3A : i32 to index
        %get3A_623 = arith.index_cast %scan3A_621 : i32 to index
        %get3A_624 = arith.constant 0 : index
        %get3A_625 = tpu.vector_load %arg9[%get3A_622, %get3A_623, %get3A_624] {strides = array<i32>} : memref<2x160x128xf32, #tpu.memory_space<vmem>>, vector<1x1x16xf32>,
        %get3A_626 = vector.shape_cast %get3A_625 : vector<1x1x16xf32> to vector<16xf32>
        %get3A_627 = arith.constant 1 : i32
        %get3A_628 = arith.index_cast %get3A_627 : i32 to index
        %get3A_629 = arith.index_cast %scan3A_621 : i32 to index
        %get3A_630 = arith.constant 0 : index
        %get3A_631 = tpu.vector_load %arg10[%get3A_628, %get3A_629, %get3A_630] {strides = array<i32>} : memref<2x160x128xf32, #tpu.memory_space<vmem>>, vector<1x1x16xf32>,
        %get3A_632 = vector.shape_cast %get3A_631 : vector<1x1x16xf32> to vector<16xf32>
        %add3A_633 = arith.addf %get3A_626, %get3A_632 : vector<16xf32>
        %get3A_634 = arith.constant 1 : i32
        %get3A_635 = arith.index_cast %get3A_634 : i32 to index
        %get3A_636 = arith.index_cast %scan3A_621 : i32 to index
        %get3A_637 = arith.constant 64 : index
        %get3A_638 = tpu.vector_load %arg9[%get3A_635, %get3A_636, %get3A_637] {strides = array<i32>} : memref<2x160x128xf32, #tpu.memory_space<vmem>>, vector<1x1x16xf32>,
        %get3A_639 = vector.shape_cast %get3A_638 : vector<1x1x16xf32> to vector<16xf32>
        %get3A_640 = arith.constant 1 : i32
        %get3A_641 = arith.index_cast %get3A_640 : i32 to index
        %get3A_642 = arith.index_cast %scan3A_621 : i32 to index
        %get3A_643 = arith.constant 64 : index
        %get3A_644 = tpu.vector_load %arg10[%get3A_641, %get3A_642, %get3A_643] {strides = array<i32>} : memref<2x160x128xf32, #tpu.memory_space<vmem>>, vector<1x1x16xf32>,
        %get3A_645 = vector.shape_cast %get3A_644 : vector<1x1x16xf32> to vector<16xf32>
        %add3A_646 = arith.addf %get3A_639, %get3A_645 : vector<16xf32>
        %bitcast_convert_type3A = tpu.bitcast %add3A_633 : vector<16xf32> -> vector<16xi32>
        %add3A_647 = vector.broadcast %scan3A_250 : i32 to vector<16xi32>
        %add3A_648 = arith.addi %bitcast_convert_type3A, %add3A_647 : vector<16xi32>
        %shift_right_logical3A = arith.constant 16 : i32
        %shift_right_logical3A_649 = vector.broadcast %shift_right_logical3A : i32 to vector<16xi32>
        %shift_right_logical3A_650 = arith.shrui %add3A_648, %shift_right_logical3A_649 : vector<16xi32>
        %bitcast_convert_type3A_651 = tpu.bitcast %add3A_646 : vector<16xf32> -> vector<16xi32>
        %add3A_652 = vector.broadcast %scan3A_250 : i32 to vector<16xi32>
        %add3A_653 = arith.addi %bitcast_convert_type3A_651, %add3A_652 : vector<16xi32>
        %and3A_654 = vector.broadcast %scan3A_251 : i32 to vector<16xi32>
        %and3A_655 = arith.andi %add3A_653, %and3A_654 : vector<16xi32>
        %or3A = arith.ori %shift_right_logical3A_650, %and3A_655 : vector<16xi32>
        %swap3A = arith.constant 1 : i32
        %swap3A_656 = arith.index_cast %swap3A : i32 to index
        %swap3A_657 = arith.index_cast %scan3A_621 : i32 to index
        %swap3A_658 = arith.constant 0 : index
        %swap3A_659 = tpu.vector_load %arg11[%swap3A_656, %swap3A_657, %swap3A_658] {strides = array<i32>} : memref<2x160x64xi32, #tpu.memory_space<vmem>>, vector<1x1x16xi32>,
        %swap3A_660 = vector.shape_cast %swap3A_659 : vector<1x1x16xi32> to vector<16xi32>
        %swap3A_661 = vector.shape_cast %or3A : vector<16xi32> to vector<1x1x16xi32>
        tpu.vector_store %arg11[%swap3A_656, %swap3A_657, %swap3A_658], %swap3A_661 {strides = array<i32>} : memref<2x160x64xi32, #tpu.memory_space<vmem>>, vector<1x1x16xi32>,
        %get3A_662 = arith.constant 1 : i32
        %get3A_663 = arith.index_cast %get3A_662 : i32 to index
        %get3A_664 = arith.index_cast %scan3A_621 : i32 to index
        %get3A_665 = arith.constant 16 : index
        %get3A_666 = tpu.vector_load %arg9[%get3A_663, %get3A_664, %get3A_665] {strides = array<i32>} : memref<2x160x128xf32, #tpu.memory_space<vmem>>, vector<1x1x16xf32>,
        %get3A_667 = vector.shape_cast %get3A_666 : vector<1x1x16xf32> to vector<16xf32>
        %get3A_668 = arith.constant 1 : i32
        %get3A_669 = arith.index_cast %get3A_668 : i32 to index
        %get3A_670 = arith.index_cast %scan3A_621 : i32 to index
        %get3A_671 = arith.constant 16 : index
        %get3A_672 = tpu.vector_load %arg10[%get3A_669, %get3A_670, %get3A_671] {strides = array<i32>} : memref<2x160x128xf32, #tpu.memory_space<vmem>>, vector<1x1x16xf32>,
        %get3A_673 = vector.shape_cast %get3A_672 : vector<1x1x16xf32> to vector<16xf32>
        %add3A_674 = arith.addf %get3A_667, %get3A_673 : vector<16xf32>
        %get3A_675 = arith.constant 1 : i32
        %get3A_676 = arith.index_cast %get3A_675 : i32 to index
        %get3A_677 = arith.index_cast %scan3A_621 : i32 to index
        %get3A_678 = arith.constant 80 : index
        %get3A_679 = tpu.vector_load %arg9[%get3A_676, %get3A_677, %get3A_678] {strides = array<i32>} : memref<2x160x128xf32, #tpu.memory_space<vmem>>, vector<1x1x16xf32>,
        %get3A_680 = vector.shape_cast %get3A_679 : vector<1x1x16xf32> to vector<16xf32>
        %get3A_681 = arith.constant 1 : i32
        %get3A_682 = arith.index_cast %get3A_681 : i32 to index
        %get3A_683 = arith.index_cast %scan3A_621 : i32 to index
        %get3A_684 = arith.constant 80 : index
        %get3A_685 = tpu.vector_load %arg10[%get3A_682, %get3A_683, %get3A_684] {strides = array<i32>} : memref<2x160x128xf32, #tpu.memory_space<vmem>>, vector<1x1x16xf32>,
        %get3A_686 = vector.shape_cast %get3A_685 : vector<1x1x16xf32> to vector<16xf32>
        %add3A_687 = arith.addf %get3A_680, %get3A_686 : vector<16xf32>
        %bitcast_convert_type3A_688 = tpu.bitcast %add3A_674 : vector<16xf32> -> vector<16xi32>
        %add3A_689 = vector.broadcast %scan3A_250 : i32 to vector<16xi32>
        %add3A_690 = arith.addi %bitcast_convert_type3A_688, %add3A_689 : vector<16xi32>
        %shift_right_logical3A_691 = arith.constant 16 : i32
        %shift_right_logical3A_692 = vector.broadcast %shift_right_logical3A_691 : i32 to vector<16xi32>
        %shift_right_logical3A_693 = arith.shrui %add3A_690, %shift_right_logical3A_692 : vector<16xi32>
        %bitcast_convert_type3A_694 = tpu.bitcast %add3A_687 : vector<16xf32> -> vector<16xi32>
        %add3A_695 = vector.broadcast %scan3A_250 : i32 to vector<16xi32>
        %add3A_696 = arith.addi %bitcast_convert_type3A_694, %add3A_695 : vector<16xi32>
        %and3A_697 = vector.broadcast %scan3A_251 : i32 to vector<16xi32>
        %and3A_698 = arith.andi %add3A_696, %and3A_697 : vector<16xi32>
        %or3A_699 = arith.ori %shift_right_logical3A_693, %and3A_698 : vector<16xi32>
        %swap3A_700 = arith.constant 1 : i32
        %swap3A_701 = arith.index_cast %swap3A_700 : i32 to index
        %swap3A_702 = arith.index_cast %scan3A_621 : i32 to index
        %swap3A_703 = arith.constant 16 : index
        %swap3A_704 = tpu.vector_load %arg11[%swap3A_701, %swap3A_702, %swap3A_703] {strides = array<i32>} : memref<2x160x64xi32, #tpu.memory_space<vmem>>, vector<1x1x16xi32>,
        %swap3A_705 = vector.shape_cast %swap3A_704 : vector<1x1x16xi32> to vector<16xi32>
        %swap3A_706 = vector.shape_cast %or3A_699 : vector<16xi32> to vector<1x1x16xi32>
        tpu.vector_store %arg11[%swap3A_701, %swap3A_702, %swap3A_703], %swap3A_706 {strides = array<i32>} : memref<2x160x64xi32, #tpu.memory_space<vmem>>, vector<1x1x16xi32>,
        %get3A_707 = arith.constant 1 : i32
        %get3A_708 = arith.index_cast %get3A_707 : i32 to index
        %get3A_709 = arith.index_cast %scan3A_621 : i32 to index
        %get3A_710 = arith.constant 32 : index
        %get3A_711 = tpu.vector_load %arg9[%get3A_708, %get3A_709, %get3A_710] {strides = array<i32>} : memref<2x160x128xf32, #tpu.memory_space<vmem>>, vector<1x1x16xf32>,
        %get3A_712 = vector.shape_cast %get3A_711 : vector<1x1x16xf32> to vector<16xf32>
        %get3A_713 = arith.constant 1 : i32
        %get3A_714 = arith.index_cast %get3A_713 : i32 to index
        %get3A_715 = arith.index_cast %scan3A_621 : i32 to index
        %get3A_716 = arith.constant 32 : index
        %get3A_717 = tpu.vector_load %arg10[%get3A_714, %get3A_715, %get3A_716] {strides = array<i32>} : memref<2x160x128xf32, #tpu.memory_space<vmem>>, vector<1x1x16xf32>,
        %get3A_718 = vector.shape_cast %get3A_717 : vector<1x1x16xf32> to vector<16xf32>
        %add3A_719 = arith.addf %get3A_712, %get3A_718 : vector<16xf32>
        %get3A_720 = arith.constant 1 : i32
        %get3A_721 = arith.index_cast %get3A_720 : i32 to index
        %get3A_722 = arith.index_cast %scan3A_621 : i32 to index
        %get3A_723 = arith.constant 96 : index
        %get3A_724 = tpu.vector_load %arg9[%get3A_721, %get3A_722, %get3A_723] {strides = array<i32>} : memref<2x160x128xf32, #tpu.memory_space<vmem>>, vector<1x1x16xf32>,
        %get3A_725 = vector.shape_cast %get3A_724 : vector<1x1x16xf32> to vector<16xf32>
        %get3A_726 = arith.constant 1 : i32
        %get3A_727 = arith.index_cast %get3A_726 : i32 to index
        %get3A_728 = arith.index_cast %scan3A_621 : i32 to index
        %get3A_729 = arith.constant 96 : index
        %get3A_730 = tpu.vector_load %arg10[%get3A_727, %get3A_728, %get3A_729] {strides = array<i32>} : memref<2x160x128xf32, #tpu.memory_space<vmem>>, vector<1x1x16xf32>,
        %get3A_731 = vector.shape_cast %get3A_730 : vector<1x1x16xf32> to vector<16xf32>
        %add3A_732 = arith.addf %get3A_725, %get3A_731 : vector<16xf32>
        %bitcast_convert_type3A_733 = tpu.bitcast %add3A_719 : vector<16xf32> -> vector<16xi32>
        %add3A_734 = vector.broadcast %scan3A_250 : i32 to vector<16xi32>
        %add3A_735 = arith.addi %bitcast_convert_type3A_733, %add3A_734 : vector<16xi32>
        %shift_right_logical3A_736 = arith.constant 16 : i32
        %shift_right_logical3A_737 = vector.broadcast %shift_right_logical3A_736 : i32 to vector<16xi32>
        %shift_right_logical3A_738 = arith.shrui %add3A_735, %shift_right_logical3A_737 : vector<16xi32>
        %bitcast_convert_type3A_739 = tpu.bitcast %add3A_732 : vector<16xf32> -> vector<16xi32>
        %add3A_740 = vector.broadcast %scan3A_250 : i32 to vector<16xi32>
        %add3A_741 = arith.addi %bitcast_convert_type3A_739, %add3A_740 : vector<16xi32>
        %and3A_742 = vector.broadcast %scan3A_251 : i32 to vector<16xi32>
        %and3A_743 = arith.andi %add3A_741, %and3A_742 : vector<16xi32>
        %or3A_744 = arith.ori %shift_right_logical3A_738, %and3A_743 : vector<16xi32>
        %swap3A_745 = arith.constant 1 : i32
        %swap3A_746 = arith.index_cast %swap3A_745 : i32 to index
        %swap3A_747 = arith.index_cast %scan3A_621 : i32 to index
        %swap3A_748 = arith.constant 32 : index
        %swap3A_749 = tpu.vector_load %arg11[%swap3A_746, %swap3A_747, %swap3A_748] {strides = array<i32>} : memref<2x160x64xi32, #tpu.memory_space<vmem>>, vector<1x1x16xi32>,
        %swap3A_750 = vector.shape_cast %swap3A_749 : vector<1x1x16xi32> to vector<16xi32>
        %swap3A_751 = vector.shape_cast %or3A_744 : vector<16xi32> to vector<1x1x16xi32>
        tpu.vector_store %arg11[%swap3A_746, %swap3A_747, %swap3A_748], %swap3A_751 {strides = array<i32>} : memref<2x160x64xi32, #tpu.memory_space<vmem>>, vector<1x1x16xi32>,
        %get3A_752 = arith.constant 1 : i32
        %get3A_753 = arith.index_cast %get3A_752 : i32 to index
        %get3A_754 = arith.index_cast %scan3A_621 : i32 to index
        %get3A_755 = arith.constant 48 : index
        %get3A_756 = tpu.vector_load %arg9[%get3A_753, %get3A_754, %get3A_755] {strides = array<i32>} : memref<2x160x128xf32, #tpu.memory_space<vmem>>, vector<1x1x16xf32>,
        %get3A_757 = vector.shape_cast %get3A_756 : vector<1x1x16xf32> to vector<16xf32>
        %get3A_758 = arith.constant 1 : i32
        %get3A_759 = arith.index_cast %get3A_758 : i32 to index
        %get3A_760 = arith.index_cast %scan3A_621 : i32 to index
        %get3A_761 = arith.constant 48 : index
        %get3A_762 = tpu.vector_load %arg10[%get3A_759, %get3A_760, %get3A_761] {strides = array<i32>} : memref<2x160x128xf32, #tpu.memory_space<vmem>>, vector<1x1x16xf32>,
        %get3A_763 = vector.shape_cast %get3A_762 : vector<1x1x16xf32> to vector<16xf32>
        %add3A_764 = arith.addf %get3A_757, %get3A_763 : vector<16xf32>
        %get3A_765 = arith.constant 1 : i32
        %get3A_766 = arith.index_cast %get3A_765 : i32 to index
        %get3A_767 = arith.index_cast %scan3A_621 : i32 to index
        %get3A_768 = arith.constant 112 : index
        %get3A_769 = tpu.vector_load %arg9[%get3A_766, %get3A_767, %get3A_768] {strides = array<i32>} : memref<2x160x128xf32, #tpu.memory_space<vmem>>, vector<1x1x16xf32>,
        %get3A_770 = vector.shape_cast %get3A_769 : vector<1x1x16xf32> to vector<16xf32>
        %get3A_771 = arith.constant 1 : i32
        %get3A_772 = arith.index_cast %get3A_771 : i32 to index
        %get3A_773 = arith.index_cast %scan3A_621 : i32 to index
        %get3A_774 = arith.constant 112 : index
        %get3A_775 = tpu.vector_load %arg10[%get3A_772, %get3A_773, %get3A_774] {strides = array<i32>} : memref<2x160x128xf32, #tpu.memory_space<vmem>>, vector<1x1x16xf32>,
        %get3A_776 = vector.shape_cast %get3A_775 : vector<1x1x16xf32> to vector<16xf32>
        %add3A_777 = arith.addf %get3A_770, %get3A_776 : vector<16xf32>
        %bitcast_convert_type3A_778 = tpu.bitcast %add3A_764 : vector<16xf32> -> vector<16xi32>
        %add3A_779 = vector.broadcast %scan3A_250 : i32 to vector<16xi32>
        %add3A_780 = arith.addi %bitcast_convert_type3A_778, %add3A_779 : vector<16xi32>
        %shift_right_logical3A_781 = arith.constant 16 : i32
        %shift_right_logical3A_782 = vector.broadcast %shift_right_logical3A_781 : i32 to vector<16xi32>
        %shift_right_logical3A_783 = arith.shrui %add3A_780, %shift_right_logical3A_782 : vector<16xi32>
        %bitcast_convert_type3A_784 = tpu.bitcast %add3A_777 : vector<16xf32> -> vector<16xi32>
        %add3A_785 = vector.broadcast %scan3A_250 : i32 to vector<16xi32>
        %add3A_786 = arith.addi %bitcast_convert_type3A_784, %add3A_785 : vector<16xi32>
        %and3A_787 = vector.broadcast %scan3A_251 : i32 to vector<16xi32>
        %and3A_788 = arith.andi %add3A_786, %and3A_787 : vector<16xi32>
        %or3A_789 = arith.ori %shift_right_logical3A_783, %and3A_788 : vector<16xi32>
        %swap3A_790 = arith.constant 1 : i32
        %swap3A_791 = arith.index_cast %swap3A_790 : i32 to index
        %swap3A_792 = arith.index_cast %scan3A_621 : i32 to index
        %swap3A_793 = arith.constant 48 : index
        %swap3A_794 = tpu.vector_load %arg11[%swap3A_791, %swap3A_792, %swap3A_793] {strides = array<i32>} : memref<2x160x64xi32, #tpu.memory_space<vmem>>, vector<1x1x16xi32>,
        %swap3A_795 = vector.shape_cast %swap3A_794 : vector<1x1x16xi32> to vector<16xi32>
        %swap3A_796 = vector.shape_cast %or3A_789 : vector<16xi32> to vector<1x1x16xi32>
        tpu.vector_store %arg11[%swap3A_791, %swap3A_792, %swap3A_793], %swap3A_796 {strides = array<i32>} : memref<2x160x64xi32, #tpu.memory_space<vmem>>, vector<1x1x16xi32>,
      }
      %scan3A_600 = arith.constant 160 : i32
      %mul3A_601 = arith.constant 160 : i32
      %mul3A_602 = arith.muli %add3A_500, %mul3A_601 : i32
      %add3A_603 = arith.addi %mul3A_2, %mul3A_602 : i32
      %multiple_of3A_604 = tpu.assume_multiple %add3A_603, 16 : i32
      %dma_start3A_605 = arith.constant 1 : i32
      %dma_start3A_606 = arith.constant 1 : i32
      %dma_start3A_607 = arith.constant 0 : i32
      %dma_start3A_608 = arith.constant 0 : i32
      %dma_start3A_609 = tpu.memref_slice %arg11[%dma_start3A_605, %dma_start3A_607, %dma_start3A_608] : memref<2x160x64xi32, #tpu.memory_space<vmem>> -> memref<1x160x64xi32, #tpu.memory_space<vmem>>
      %dma_start3A_610 = tpu.memref_squeeze %dma_start3A_609 : memref<1x160x64xi32, #tpu.memory_space<vmem>> -> memref<160x64xi32, #tpu.memory_space<vmem>>
      %dma_start3A_611 = arith.constant 0 : i32
      %dma_start3A_612 = tpu.memref_slice %arg6[%multiple_of3A_604, %dma_start3A_611] : memref<320000x64xi32, #tpu.memory_space<hbm>> -> memref<160x64xi32, #tpu.memory_space<hbm>>
      %dma_start3A_613 = tpu.memref_slice %arg14[%dma_start3A_606] : memref<2x!tpu.dma_semaphore, #tpu.memory_space<semaphore_mem>> -> memref<1x!tpu.dma_semaphore, #tpu.memory_space<semaphore_mem>>
      %dma_start3A_614 = tpu.memref_squeeze %dma_start3A_613 : memref<1x!tpu.dma_semaphore, #tpu.memory_space<semaphore_mem>> -> memref<!tpu.dma_semaphore, #tpu.memory_space<semaphore_mem>>
      %dma_start3A_615 = arith.constant 0 : i32
      %dma_start3A_616 = tpu.memref_slice %arg6[%multiple_of3A_604, %dma_start3A_615] : memref<320000x64xi32, #tpu.memory_space<hbm>> -> memref<160x64xi32, #tpu.memory_space<hbm>>
      %dma_start3A_617 = arith.constant 0 : i32
      %dma_start3A_618 = arith.constant 0 : i32
      %dma_start3A_619 = tpu.memref_slice %arg11[%dma_start3A_605, %dma_start3A_617, %dma_start3A_618] : memref<2x160x64xi32, #tpu.memory_space<vmem>> -> memref<1x160x64xi32, #tpu.memory_space<vmem>>
      %dma_start3A_620 = tpu.memref_squeeze %dma_start3A_619 : memref<1x160x64xi32, #tpu.memory_space<vmem>> -> memref<160x64xi32, #tpu.memory_space<vmem>>
      tpu.enqueue_dma source(%dma_start3A_620 : memref<160x64xi32, #tpu.memory_space<vmem>>) target(%dma_start3A_616 : memref<160x64xi32, #tpu.memory_space<hbm>>) target_semaphore(%dma_start3A_614 : memref<!tpu.dma_semaphore, #tpu.memory_space<semaphore_mem>>)
    }
    %scan3A_256 = arith.constant 31 : i32
    %add3A_257 = arith.constant 9920 : i32
    %add3A_258 = arith.addi %mul3A_2, %add3A_257 : i32
    %multiple_of3A_259 = tpu.assume_multiple %add3A_258, 16 : i32
    %dma_wait3A_260 = arith.constant 0 : i32
    %dma_wait3A_261 = arith.constant 0 : i32
    %dma_wait3A_262 = arith.constant 0 : i32
    %dma_wait3A_263 = arith.constant 0 : i32
    %dma_wait3A_264 = tpu.memref_slice %arg11[%dma_wait3A_260, %dma_wait3A_262, %dma_wait3A_263] : memref<2x160x64xi32, #tpu.memory_space<vmem>> -> memref<1x160x64xi32, #tpu.memory_space<vmem>>
    %dma_wait3A_265 = tpu.memref_squeeze %dma_wait3A_264 : memref<1x160x64xi32, #tpu.memory_space<vmem>> -> memref<160x64xi32, #tpu.memory_space<vmem>>
    %dma_wait3A_266 = arith.constant 0 : i32
    %dma_wait3A_267 = arith.constant 0 : i32
    %dma_wait3A_268 = tpu.memref_slice %arg6[%dma_wait3A_266, %dma_wait3A_267] : memref<320000x64xi32, #tpu.memory_space<hbm>> -> memref<160x64xi32, #tpu.memory_space<hbm>>
    %dma_wait3A_269 = tpu.memref_slice %arg14[%dma_wait3A_261] : memref<2x!tpu.dma_semaphore, #tpu.memory_space<semaphore_mem>> -> memref<1x!tpu.dma_semaphore, #tpu.memory_space<semaphore_mem>>
    %dma_wait3A_270 = tpu.memref_squeeze %dma_wait3A_269 : memref<1x!tpu.dma_semaphore, #tpu.memory_space<semaphore_mem>> -> memref<!tpu.dma_semaphore, #tpu.memory_space<semaphore_mem>>
    %dma_wait3A_271 = arith.constant 0 : i32
    %dma_wait3A_272 = arith.constant 0 : i32
    %dma_wait3A_273 = tpu.memref_slice %arg6[%dma_wait3A_271, %dma_wait3A_272] : memref<320000x64xi32, #tpu.memory_space<hbm>> -> memref<160x64xi32, #tpu.memory_space<hbm>>
    %dma_wait3A_274 = arith.constant 0 : i32
    %dma_wait3A_275 = arith.constant 0 : i32
    %dma_wait3A_276 = tpu.memref_slice %arg11[%dma_wait3A_260, %dma_wait3A_274, %dma_wait3A_275] : memref<2x160x64xi32, #tpu.memory_space<vmem>> -> memref<1x160x64xi32, #tpu.memory_space<vmem>>
    %dma_wait3A_277 = tpu.memref_squeeze %dma_wait3A_276 : memref<1x160x64xi32, #tpu.memory_space<vmem>> -> memref<160x64xi32, #tpu.memory_space<vmem>>
    tpu.wait_dma2 semaphore(%dma_wait3A_270 : memref<!tpu.dma_semaphore, #tpu.memory_space<semaphore_mem>>) src(%dma_wait3A_277 : memref<160x64xi32, #tpu.memory_space<vmem>>) dst(%dma_wait3A_273 : memref<160x64xi32, #tpu.memory_space<hbm>>)
    %run_scoped3A = arith.constant 0 : i32
    %run_scoped3A_278 = arith.constant 0 : i32
    "tpu.region"() ({
      %run_scoped3A_376 = tpu.sem_alloc : memref<!tpu.dma_semaphore, #tpu.memory_space<semaphore_mem>>
      %dma_start3A_377 = arith.constant 0 : i32
      %dma_start3A_378 = tpu.memref_slice %arg7[%run_scoped3A, %run_scoped3A_278, %dma_start3A_377] : memref<4x2x80xi32, #tpu.memory_space<vmem>> -> memref<1x1x80xi32, #tpu.memory_space<vmem>>
      %dma_start3A_379 = tpu.memref_squeeze %dma_start3A_378 : memref<1x1x80xi32, #tpu.memory_space<vmem>> -> memref<80xi32, #tpu.memory_space<vmem>>
      %dma_start3A_380 = tpu.memref_slice %arg2[%multiple_of3A_259] : memref<320000xi32, #tpu.memory_space<hbm>> -> memref<80xi32, #tpu.memory_space<hbm>>
      %dma_start3A_381 = arith.constant 0 : i32
      %dma_start3A_382 = tpu.memref_slice %arg7[%run_scoped3A, %run_scoped3A_278, %dma_start3A_381] : memref<4x2x80xi32, #tpu.memory_space<vmem>> -> memref<1x1x80xi32, #tpu.memory_space<vmem>>
      %dma_start3A_383 = tpu.memref_squeeze %dma_start3A_382 : memref<1x1x80xi32, #tpu.memory_space<vmem>> -> memref<80xi32, #tpu.memory_space<vmem>>
      %dma_start3A_384 = tpu.memref_slice %arg2[%multiple_of3A_259] : memref<320000xi32, #tpu.memory_space<hbm>> -> memref<80xi32, #tpu.memory_space<hbm>>
      tpu.enqueue_dma source(%dma_start3A_384 : memref<80xi32, #tpu.memory_space<hbm>>) target(%dma_start3A_383 : memref<80xi32, #tpu.memory_space<vmem>>) target_semaphore(%run_scoped3A_376 : memref<!tpu.dma_semaphore, #tpu.memory_space<semaphore_mem>>)
      %dma_wait3A_385 = arith.constant 0 : i32
      %dma_wait3A_386 = tpu.memref_slice %arg7[%run_scoped3A, %run_scoped3A_278, %dma_wait3A_385] : memref<4x2x80xi32, #tpu.memory_space<vmem>> -> memref<1x1x80xi32, #tpu.memory_space<vmem>>
      %dma_wait3A_387 = tpu.memref_squeeze %dma_wait3A_386 : memref<1x1x80xi32, #tpu.memory_space<vmem>> -> memref<80xi32, #tpu.memory_space<vmem>>
      %dma_wait3A_388 = tpu.memref_slice %arg2[%multiple_of3A_259] : memref<320000xi32, #tpu.memory_space<hbm>> -> memref<80xi32, #tpu.memory_space<hbm>>
      %dma_wait3A_389 = arith.constant 0 : i32
      %dma_wait3A_390 = tpu.memref_slice %arg7[%run_scoped3A, %run_scoped3A_278, %dma_wait3A_389] : memref<4x2x80xi32, #tpu.memory_space<vmem>> -> memref<1x1x80xi32, #tpu.memory_space<vmem>>
      %dma_wait3A_391 = tpu.memref_squeeze %dma_wait3A_390 : memref<1x1x80xi32, #tpu.memory_space<vmem>> -> memref<80xi32, #tpu.memory_space<vmem>>
      %dma_wait3A_392 = tpu.memref_slice %arg2[%multiple_of3A_259] : memref<320000xi32, #tpu.memory_space<hbm>> -> memref<80xi32, #tpu.memory_space<hbm>>
      tpu.wait_dma2 semaphore(%run_scoped3A_376 : memref<!tpu.dma_semaphore, #tpu.memory_space<semaphore_mem>>) src(%dma_wait3A_392 : memref<80xi32, #tpu.memory_space<hbm>>) dst(%dma_wait3A_391 : memref<80xi32, #tpu.memory_space<vmem>>)
      tpu.yield
    }) : () -> ()
    %run_scoped3A_279 = arith.constant 0 : i32
    %run_scoped3A_280 = arith.constant 0 : i32
    "tpu.region"() ({
      %run_scoped3A_376 = tpu.sem_alloc : memref<!tpu.dma_semaphore, #tpu.memory_space<semaphore_mem>>
      %dma_start3A_377 = arith.constant 0 : i32
      %dma_start3A_378 = tpu.memref_slice %arg8[%run_scoped3A_279, %run_scoped3A_280, %dma_start3A_377] : memref<4x2x80xi32, #tpu.memory_space<vmem>> -> memref<1x1x80xi32, #tpu.memory_space<vmem>>
      %dma_start3A_379 = tpu.memref_squeeze %dma_start3A_378 : memref<1x1x80xi32, #tpu.memory_space<vmem>> -> memref<80xi32, #tpu.memory_space<vmem>>
      %dma_start3A_380 = tpu.memref_slice %arg3[%multiple_of3A_259] : memref<320000xi32, #tpu.memory_space<hbm>> -> memref<80xi32, #tpu.memory_space<hbm>>
      %dma_start3A_381 = arith.constant 0 : i32
      %dma_start3A_382 = tpu.memref_slice %arg8[%run_scoped3A_279, %run_scoped3A_280, %dma_start3A_381] : memref<4x2x80xi32, #tpu.memory_space<vmem>> -> memref<1x1x80xi32, #tpu.memory_space<vmem>>
      %dma_start3A_383 = tpu.memref_squeeze %dma_start3A_382 : memref<1x1x80xi32, #tpu.memory_space<vmem>> -> memref<80xi32, #tpu.memory_space<vmem>>
      %dma_start3A_384 = tpu.memref_slice %arg3[%multiple_of3A_259] : memref<320000xi32, #tpu.memory_space<hbm>> -> memref<80xi32, #tpu.memory_space<hbm>>
      tpu.enqueue_dma source(%dma_start3A_384 : memref<80xi32, #tpu.memory_space<hbm>>) target(%dma_start3A_383 : memref<80xi32, #tpu.memory_space<vmem>>) target_semaphore(%run_scoped3A_376 : memref<!tpu.dma_semaphore, #tpu.memory_space<semaphore_mem>>)
      %dma_wait3A_385 = arith.constant 0 : i32
      %dma_wait3A_386 = tpu.memref_slice %arg8[%run_scoped3A_279, %run_scoped3A_280, %dma_wait3A_385] : memref<4x2x80xi32, #tpu.memory_space<vmem>> -> memref<1x1x80xi32, #tpu.memory_space<vmem>>
      %dma_wait3A_387 = tpu.memref_squeeze %dma_wait3A_386 : memref<1x1x80xi32, #tpu.memory_space<vmem>> -> memref<80xi32, #tpu.memory_space<vmem>>
      %dma_wait3A_388 = tpu.memref_slice %arg3[%multiple_of3A_259] : memref<320000xi32, #tpu.memory_space<hbm>> -> memref<80xi32, #tpu.memory_space<hbm>>
      %dma_wait3A_389 = arith.constant 0 : i32
      %dma_wait3A_390 = tpu.memref_slice %arg8[%run_scoped3A_279, %run_scoped3A_280, %dma_wait3A_389] : memref<4x2x80xi32, #tpu.memory_space<vmem>> -> memref<1x1x80xi32, #tpu.memory_space<vmem>>
      %dma_wait3A_391 = tpu.memref_squeeze %dma_wait3A_390 : memref<1x1x80xi32, #tpu.memory_space<vmem>> -> memref<80xi32, #tpu.memory_space<vmem>>
      %dma_wait3A_392 = tpu.memref_slice %arg3[%multiple_of3A_259] : memref<320000xi32, #tpu.memory_space<hbm>> -> memref<80xi32, #tpu.memory_space<hbm>>
      tpu.wait_dma2 semaphore(%run_scoped3A_376 : memref<!tpu.dma_semaphore, #tpu.memory_space<semaphore_mem>>) src(%dma_wait3A_392 : memref<80xi32, #tpu.memory_space<hbm>>) dst(%dma_wait3A_391 : memref<80xi32, #tpu.memory_space<vmem>>)
      tpu.yield
    }) : () -> ()
    %dma_start3A_281 = arith.constant 0 : i32
    %dma_start3A_282 = arith.constant 0 : i32
    %dma_start3A_283 = arith.constant 0 : i32
    %dma_start3A_284 = arith.constant 0 : i32
    %dma_start3A_285 = arith.constant 0 : i32
    %dma_start3A_286 = arith.constant 0 : i32
    %dma_start3A_287 = tpu.memref_slice %arg9[%dma_start3A_283, %dma_start3A_285, %dma_start3A_286] : memref<2x160x128xf32, #tpu.memory_space<vmem>> -> memref<1x80x128xf32, #tpu.memory_space<vmem>>
    %dma_start3A_288 = tpu.memref_squeeze %dma_start3A_287 : memref<1x80x128xf32, #tpu.memory_space<vmem>> -> memref<80x128xf32, #tpu.memory_space<vmem>>
    %dma_start3A_289 = arith.constant 0 : i32
    %dma_start3A_290 = tpu.memref_slice %arg7[%dma_start3A_281, %dma_start3A_282, %dma_start3A_289] : memref<4x2x80xi32, #tpu.memory_space<vmem>> -> memref<1x1x80xi32, #tpu.memory_space<vmem>>
    %dma_start3A_291 = tpu.memref_squeeze %dma_start3A_290 : memref<1x1x80xi32, #tpu.memory_space<vmem>> -> memref<80xi32, #tpu.memory_space<vmem>>
    %dma_start3A_292 = arith.constant 0 : i32
    %dma_start3A_293 = arith.constant 0 : i32
    %dma_start3A_294 = tpu.memref_slice %arg4[%dma_start3A_292, %dma_start3A_293] : memref<10000x128xf32, #tpu.memory_space<hbm>> -> memref<10000x128xf32, #tpu.memory_space<hbm>>
    %dma_start3A_295 = tpu.memref_slice %arg12[%dma_start3A_284] : memref<2x!tpu.dma_semaphore, #tpu.memory_space<semaphore_mem>> -> memref<1x!tpu.dma_semaphore, #tpu.memory_space<semaphore_mem>>
    %dma_start3A_296 = tpu.memref_squeeze %dma_start3A_295 : memref<1x!tpu.dma_semaphore, #tpu.memory_space<semaphore_mem>> -> memref<!tpu.dma_semaphore, #tpu.memory_space<semaphore_mem>>
    tpu.enqueue_indirect_dma source(%dma_start3A_294 : memref<10000x128xf32, #tpu.memory_space<hbm>>) target(%dma_start3A_288 : memref<80x128xf32, #tpu.memory_space<vmem>>) offsets(%dma_start3A_291 : memref<80xi32, #tpu.memory_space<vmem>>) semaphore(%dma_start3A_296 : memref<!tpu.dma_semaphore, #tpu.memory_space<semaphore_mem>>)
    %dma_start3A_297 = arith.constant 0 : i32
    %dma_start3A_298 = arith.constant 0 : i32
    %dma_start3A_299 = arith.constant 0 : i32
    %dma_start3A_300 = arith.constant 0 : i32
    %dma_start3A_301 = arith.constant 0 : i32
    %dma_start3A_302 = arith.constant 0 : i32
    %dma_start3A_303 = tpu.memref_slice %arg10[%dma_start3A_299, %dma_start3A_301, %dma_start3A_302] : memref<2x160x128xf32, #tpu.memory_space<vmem>> -> memref<1x80x128xf32, #tpu.memory_space<vmem>>
    %dma_start3A_304 = tpu.memref_squeeze %dma_start3A_303 : memref<1x80x128xf32, #tpu.memory_space<vmem>> -> memref<80x128xf32, #tpu.memory_space<vmem>>
    %dma_start3A_305 = arith.constant 0 : i32
    %dma_start3A_306 = tpu.memref_slice %arg8[%dma_start3A_297, %dma_start3A_298, %dma_start3A_305] : memref<4x2x80xi32, #tpu.memory_space<vmem>> -> memref<1x1x80xi32, #tpu.memory_space<vmem>>
    %dma_start3A_307 = tpu.memref_squeeze %dma_start3A_306 : memref<1x1x80xi32, #tpu.memory_space<vmem>> -> memref<80xi32, #tpu.memory_space<vmem>>
    %dma_start3A_308 = arith.constant 0 : i32
    %dma_start3A_309 = arith.constant 0 : i32
    %dma_start3A_310 = tpu.memref_slice %arg5[%dma_start3A_308, %dma_start3A_309] : memref<10000x128xf32, #tpu.memory_space<hbm>> -> memref<10000x128xf32, #tpu.memory_space<hbm>>
    %dma_start3A_311 = tpu.memref_slice %arg13[%dma_start3A_300] : memref<2x!tpu.dma_semaphore, #tpu.memory_space<semaphore_mem>> -> memref<1x!tpu.dma_semaphore, #tpu.memory_space<semaphore_mem>>
    %dma_start3A_312 = tpu.memref_squeeze %dma_start3A_311 : memref<1x!tpu.dma_semaphore, #tpu.memory_space<semaphore_mem>> -> memref<!tpu.dma_semaphore, #tpu.memory_space<semaphore_mem>>
    tpu.enqueue_indirect_dma source(%dma_start3A_310 : memref<10000x128xf32, #tpu.memory_space<hbm>>) target(%dma_start3A_304 : memref<80x128xf32, #tpu.memory_space<vmem>>) offsets(%dma_start3A_307 : memref<80xi32, #tpu.memory_space<vmem>>) semaphore(%dma_start3A_312 : memref<!tpu.dma_semaphore, #tpu.memory_space<semaphore_mem>>)
    %dma_wait3A_313 = arith.constant 0 : i32
    %dma_wait3A_314 = arith.constant 0 : i32
    %dma_wait3A_315 = arith.constant 0 : i32
    %dma_wait3A_316 = arith.constant 0 : i32
    %dma_wait3A_317 = tpu.memref_slice %arg9[%dma_wait3A_313, %dma_wait3A_315, %dma_wait3A_316] : memref<2x160x128xf32, #tpu.memory_space<vmem>> -> memref<1x80x128xf32, #tpu.memory_space<vmem>>
    %dma_wait3A_318 = tpu.memref_squeeze %dma_wait3A_317 : memref<1x80x128xf32, #tpu.memory_space<vmem>> -> memref<80x128xf32, #tpu.memory_space<vmem>>
    %dma_wait3A_319 = arith.constant 0 : i32
    %dma_wait3A_320 = arith.constant 0 : i32
    %dma_wait3A_321 = tpu.memref_slice %arg4[%dma_wait3A_319, %dma_wait3A_320] : memref<10000x128xf32, #tpu.memory_space<hbm>> -> memref<80x128xf32, #tpu.memory_space<hbm>>
    %dma_wait3A_322 = tpu.memref_slice %arg12[%dma_wait3A_314] : memref<2x!tpu.dma_semaphore, #tpu.memory_space<semaphore_mem>> -> memref<1x!tpu.dma_semaphore, #tpu.memory_space<semaphore_mem>>
    %dma_wait3A_323 = tpu.memref_squeeze %dma_wait3A_322 : memref<1x!tpu.dma_semaphore, #tpu.memory_space<semaphore_mem>> -> memref<!tpu.dma_semaphore, #tpu.memory_space<semaphore_mem>>
    %dma_wait3A_324 = arith.constant 0 : i32
    %dma_wait3A_325 = arith.constant 0 : i32
    %dma_wait3A_326 = tpu.memref_slice %arg9[%dma_wait3A_313, %dma_wait3A_324, %dma_wait3A_325] : memref<2x160x128xf32, #tpu.memory_space<vmem>> -> memref<1x80x128xf32, #tpu.memory_space<vmem>>
    %dma_wait3A_327 = tpu.memref_squeeze %dma_wait3A_326 : memref<1x80x128xf32, #tpu.memory_space<vmem>> -> memref<80x128xf32, #tpu.memory_space<vmem>>
    %dma_wait3A_328 = arith.constant 0 : i32
    %dma_wait3A_329 = arith.constant 0 : i32
    %dma_wait3A_330 = tpu.memref_slice %arg4[%dma_wait3A_328, %dma_wait3A_329] : memref<10000x128xf32, #tpu.memory_space<hbm>> -> memref<80x128xf32, #tpu.memory_space<hbm>>
    tpu.wait_dma2 semaphore(%dma_wait3A_323 : memref<!tpu.dma_semaphore, #tpu.memory_space<semaphore_mem>>) src(%dma_wait3A_330 : memref<80x128xf32, #tpu.memory_space<hbm>>) dst(%dma_wait3A_327 : memref<80x128xf32, #tpu.memory_space<vmem>>)
    %dma_wait3A_331 = arith.constant 0 : i32
    %dma_wait3A_332 = arith.constant 0 : i32
    %dma_wait3A_333 = arith.constant 0 : i32
    %dma_wait3A_334 = arith.constant 0 : i32
    %dma_wait3A_335 = tpu.memref_slice %arg10[%dma_wait3A_331, %dma_wait3A_333, %dma_wait3A_334] : memref<2x160x128xf32, #tpu.memory_space<vmem>> -> memref<1x80x128xf32, #tpu.memory_space<vmem>>
    %dma_wait3A_336 = tpu.memref_squeeze %dma_wait3A_335 : memref<1x80x128xf32, #tpu.memory_space<vmem>> -> memref<80x128xf32, #tpu.memory_space<vmem>>
    %dma_wait3A_337 = arith.constant 0 : i32
    %dma_wait3A_338 = arith.constant 0 : i32
    %dma_wait3A_339 = tpu.memref_slice %arg5[%dma_wait3A_337, %dma_wait3A_338] : memref<10000x128xf32, #tpu.memory_space<hbm>> -> memref<80x128xf32, #tpu.memory_space<hbm>>
    %dma_wait3A_340 = tpu.memref_slice %arg13[%dma_wait3A_332] : memref<2x!tpu.dma_semaphore, #tpu.memory_space<semaphore_mem>> -> memref<1x!tpu.dma_semaphore, #tpu.memory_space<semaphore_mem>>
    %dma_wait3A_341 = tpu.memref_squeeze %dma_wait3A_340 : memref<1x!tpu.dma_semaphore, #tpu.memory_space<semaphore_mem>> -> memref<!tpu.dma_semaphore, #tpu.memory_space<semaphore_mem>>
    %dma_wait3A_342 = arith.constant 0 : i32
    %dma_wait3A_343 = arith.constant 0 : i32
    %dma_wait3A_344 = tpu.memref_slice %arg10[%dma_wait3A_331, %dma_wait3A_342, %dma_wait3A_343] : memref<2x160x128xf32, #tpu.memory_space<vmem>> -> memref<1x80x128xf32, #tpu.memory_space<vmem>>
    %dma_wait3A_345 = tpu.memref_squeeze %dma_wait3A_344 : memref<1x80x128xf32, #tpu.memory_space<vmem>> -> memref<80x128xf32, #tpu.memory_space<vmem>>
    %dma_wait3A_346 = arith.constant 0 : i32
    %dma_wait3A_347 = arith.constant 0 : i32
    %dma_wait3A_348 = tpu.memref_slice %arg5[%dma_wait3A_346, %dma_wait3A_347] : memref<10000x128xf32, #tpu.memory_space<hbm>> -> memref<80x128xf32, #tpu.memory_space<hbm>>
    tpu.wait_dma2 semaphore(%dma_wait3A_341 : memref<!tpu.dma_semaphore, #tpu.memory_space<semaphore_mem>>) src(%dma_wait3A_348 : memref<80x128xf32, #tpu.memory_space<hbm>>) dst(%dma_wait3A_345 : memref<80x128xf32, #tpu.memory_space<vmem>>)
    %scan3A_349 = arith.constant 0 : i32
    %scan3A_350 = arith.constant 32768 : i32
    %scan3A_351 = arith.constant -65536 : i32
    %scan3A_352 = arith.constant 0 : i32
    %scan3A_353 = arith.constant 80 : i32
    %scan3A_354 = arith.addi %scan3A_352, %scan3A_353 : i32
    %scan3A_355 = arith.constant 1 : i32
    scf.for %scan3A_376 = %scan3A_352 to %scan3A_354 step %scan3A_355  : i32 {
      %get3A = arith.constant 0 : i32
      %get3A_377 = arith.index_cast %get3A : i32 to index
      %get3A_378 = arith.index_cast %scan3A_376 : i32 to index
      %get3A_379 = arith.constant 0 : index
      %get3A_380 = tpu.vector_load %arg9[%get3A_377, %get3A_378, %get3A_379] {strides = array<i32>} : memref<2x160x128xf32, #tpu.memory_space<vmem>>, vector<1x1x16xf32>,
      %get3A_381 = vector.shape_cast %get3A_380 : vector<1x1x16xf32> to vector<16xf32>
      %get3A_382 = arith.constant 0 : i32
      %get3A_383 = arith.index_cast %get3A_382 : i32 to index
      %get3A_384 = arith.index_cast %scan3A_376 : i32 to index
      %get3A_385 = arith.constant 0 : index
      %get3A_386 = tpu.vector_load %arg10[%get3A_383, %get3A_384, %get3A_385] {strides = array<i32>} : memref<2x160x128xf32, #tpu.memory_space<vmem>>, vector<1x1x16xf32>,
      %get3A_387 = vector.shape_cast %get3A_386 : vector<1x1x16xf32> to vector<16xf32>
      %add3A_388 = arith.addf %get3A_381, %get3A_387 : vector<16xf32>
      %get3A_389 = arith.constant 0 : i32
      %get3A_390 = arith.index_cast %get3A_389 : i32 to index
      %get3A_391 = arith.index_cast %scan3A_376 : i32 to index
      %get3A_392 = arith.constant 64 : index
      %get3A_393 = tpu.vector_load %arg9[%get3A_390, %get3A_391, %get3A_392] {strides = array<i32>} : memref<2x160x128xf32, #tpu.memory_space<vmem>>, vector<1x1x16xf32>,
      %get3A_394 = vector.shape_cast %get3A_393 : vector<1x1x16xf32> to vector<16xf32>
      %get3A_395 = arith.constant 0 : i32
      %get3A_396 = arith.index_cast %get3A_395 : i32 to index
      %get3A_397 = arith.index_cast %scan3A_376 : i32 to index
      %get3A_398 = arith.constant 64 : index
      %get3A_399 = tpu.vector_load %arg10[%get3A_396, %get3A_397, %get3A_398] {strides = array<i32>} : memref<2x160x128xf32, #tpu.memory_space<vmem>>, vector<1x1x16xf32>,
      %get3A_400 = vector.shape_cast %get3A_399 : vector<1x1x16xf32> to vector<16xf32>
      %add3A_401 = arith.addf %get3A_394, %get3A_400 : vector<16xf32>
      %bitcast_convert_type3A = tpu.bitcast %add3A_388 : vector<16xf32> -> vector<16xi32>
      %add3A_402 = vector.broadcast %scan3A_350 : i32 to vector<16xi32>
      %add3A_403 = arith.addi %bitcast_convert_type3A, %add3A_402 : vector<16xi32>
      %shift_right_logical3A = arith.constant 16 : i32
      %shift_right_logical3A_404 = vector.broadcast %shift_right_logical3A : i32 to vector<16xi32>
      %shift_right_logical3A_405 = arith.shrui %add3A_403, %shift_right_logical3A_404 : vector<16xi32>
      %bitcast_convert_type3A_406 = tpu.bitcast %add3A_401 : vector<16xf32> -> vector<16xi32>
      %add3A_407 = vector.broadcast %scan3A_350 : i32 to vector<16xi32>
      %add3A_408 = arith.addi %bitcast_convert_type3A_406, %add3A_407 : vector<16xi32>
      %and3A = vector.broadcast %scan3A_351 : i32 to vector<16xi32>
      %and3A_409 = arith.andi %add3A_408, %and3A : vector<16xi32>
      %or3A = arith.ori %shift_right_logical3A_405, %and3A_409 : vector<16xi32>
      %swap3A = arith.constant 0 : i32
      %swap3A_410 = arith.index_cast %swap3A : i32 to index
      %swap3A_411 = arith.index_cast %scan3A_376 : i32 to index
      %swap3A_412 = arith.constant 0 : index
      %swap3A_413 = tpu.vector_load %arg11[%swap3A_410, %swap3A_411, %swap3A_412] {strides = array<i32>} : memref<2x160x64xi32, #tpu.memory_space<vmem>>, vector<1x1x16xi32>,
      %swap3A_414 = vector.shape_cast %swap3A_413 : vector<1x1x16xi32> to vector<16xi32>
      %swap3A_415 = vector.shape_cast %or3A : vector<16xi32> to vector<1x1x16xi32>
      tpu.vector_store %arg11[%swap3A_410, %swap3A_411, %swap3A_412], %swap3A_415 {strides = array<i32>} : memref<2x160x64xi32, #tpu.memory_space<vmem>>, vector<1x1x16xi32>,
      %get3A_416 = arith.constant 0 : i32
      %get3A_417 = arith.index_cast %get3A_416 : i32 to index
      %get3A_418 = arith.index_cast %scan3A_376 : i32 to index
      %get3A_419 = arith.constant 16 : index
      %get3A_420 = tpu.vector_load %arg9[%get3A_417, %get3A_418, %get3A_419] {strides = array<i32>} : memref<2x160x128xf32, #tpu.memory_space<vmem>>, vector<1x1x16xf32>,
      %get3A_421 = vector.shape_cast %get3A_420 : vector<1x1x16xf32> to vector<16xf32>
      %get3A_422 = arith.constant 0 : i32
      %get3A_423 = arith.index_cast %get3A_422 : i32 to index
      %get3A_424 = arith.index_cast %scan3A_376 : i32 to index
      %get3A_425 = arith.constant 16 : index
      %get3A_426 = tpu.vector_load %arg10[%get3A_423, %get3A_424, %get3A_425] {strides = array<i32>} : memref<2x160x128xf32, #tpu.memory_space<vmem>>, vector<1x1x16xf32>,
      %get3A_427 = vector.shape_cast %get3A_426 : vector<1x1x16xf32> to vector<16xf32>
      %add3A_428 = arith.addf %get3A_421, %get3A_427 : vector<16xf32>
      %get3A_429 = arith.constant 0 : i32
      %get3A_430 = arith.index_cast %get3A_429 : i32 to index
      %get3A_431 = arith.index_cast %scan3A_376 : i32 to index
      %get3A_432 = arith.constant 80 : index
      %get3A_433 = tpu.vector_load %arg9[%get3A_430, %get3A_431, %get3A_432] {strides = array<i32>} : memref<2x160x128xf32, #tpu.memory_space<vmem>>, vector<1x1x16xf32>,
      %get3A_434 = vector.shape_cast %get3A_433 : vector<1x1x16xf32> to vector<16xf32>
      %get3A_435 = arith.constant 0 : i32
      %get3A_436 = arith.index_cast %get3A_435 : i32 to index
      %get3A_437 = arith.index_cast %scan3A_376 : i32 to index
      %get3A_438 = arith.constant 80 : index
      %get3A_439 = tpu.vector_load %arg10[%get3A_436, %get3A_437, %get3A_438] {strides = array<i32>} : memref<2x160x128xf32, #tpu.memory_space<vmem>>, vector<1x1x16xf32>,
      %get3A_440 = vector.shape_cast %get3A_439 : vector<1x1x16xf32> to vector<16xf32>
      %add3A_441 = arith.addf %get3A_434, %get3A_440 : vector<16xf32>
      %bitcast_convert_type3A_442 = tpu.bitcast %add3A_428 : vector<16xf32> -> vector<16xi32>
      %add3A_443 = vector.broadcast %scan3A_350 : i32 to vector<16xi32>
      %add3A_444 = arith.addi %bitcast_convert_type3A_442, %add3A_443 : vector<16xi32>
      %shift_right_logical3A_445 = arith.constant 16 : i32
      %shift_right_logical3A_446 = vector.broadcast %shift_right_logical3A_445 : i32 to vector<16xi32>
      %shift_right_logical3A_447 = arith.shrui %add3A_444, %shift_right_logical3A_446 : vector<16xi32>
      %bitcast_convert_type3A_448 = tpu.bitcast %add3A_441 : vector<16xf32> -> vector<16xi32>
      %add3A_449 = vector.broadcast %scan3A_350 : i32 to vector<16xi32>
      %add3A_450 = arith.addi %bitcast_convert_type3A_448, %add3A_449 : vector<16xi32>
      %and3A_451 = vector.broadcast %scan3A_351 : i32 to vector<16xi32>
      %and3A_452 = arith.andi %add3A_450, %and3A_451 : vector<16xi32>
      %or3A_453 = arith.ori %shift_right_logical3A_447, %and3A_452 : vector<16xi32>
      %swap3A_454 = arith.constant 0 : i32
      %swap3A_455 = arith.index_cast %swap3A_454 : i32 to index
      %swap3A_456 = arith.index_cast %scan3A_376 : i32 to index
      %swap3A_457 = arith.constant 16 : index
      %swap3A_458 = tpu.vector_load %arg11[%swap3A_455, %swap3A_456, %swap3A_457] {strides = array<i32>} : memref<2x160x64xi32, #tpu.memory_space<vmem>>, vector<1x1x16xi32>,
      %swap3A_459 = vector.shape_cast %swap3A_458 : vector<1x1x16xi32> to vector<16xi32>
      %swap3A_460 = vector.shape_cast %or3A_453 : vector<16xi32> to vector<1x1x16xi32>
      tpu.vector_store %arg11[%swap3A_455, %swap3A_456, %swap3A_457], %swap3A_460 {strides = array<i32>} : memref<2x160x64xi32, #tpu.memory_space<vmem>>, vector<1x1x16xi32>,
      %get3A_461 = arith.constant 0 : i32
      %get3A_462 = arith.index_cast %get3A_461 : i32 to index
      %get3A_463 = arith.index_cast %scan3A_376 : i32 to index
      %get3A_464 = arith.constant 32 : index
      %get3A_465 = tpu.vector_load %arg9[%get3A_462, %get3A_463, %get3A_464] {strides = array<i32>} : memref<2x160x128xf32, #tpu.memory_space<vmem>>, vector<1x1x16xf32>,
      %get3A_466 = vector.shape_cast %get3A_465 : vector<1x1x16xf32> to vector<16xf32>
      %get3A_467 = arith.constant 0 : i32
      %get3A_468 = arith.index_cast %get3A_467 : i32 to index
      %get3A_469 = arith.index_cast %scan3A_376 : i32 to index
      %get3A_470 = arith.constant 32 : index
      %get3A_471 = tpu.vector_load %arg10[%get3A_468, %get3A_469, %get3A_470] {strides = array<i32>} : memref<2x160x128xf32, #tpu.memory_space<vmem>>, vector<1x1x16xf32>,
      %get3A_472 = vector.shape_cast %get3A_471 : vector<1x1x16xf32> to vector<16xf32>
      %add3A_473 = arith.addf %get3A_466, %get3A_472 : vector<16xf32>
      %get3A_474 = arith.constant 0 : i32
      %get3A_475 = arith.index_cast %get3A_474 : i32 to index
      %get3A_476 = arith.index_cast %scan3A_376 : i32 to index
      %get3A_477 = arith.constant 96 : index
      %get3A_478 = tpu.vector_load %arg9[%get3A_475, %get3A_476, %get3A_477] {strides = array<i32>} : memref<2x160x128xf32, #tpu.memory_space<vmem>>, vector<1x1x16xf32>,
      %get3A_479 = vector.shape_cast %get3A_478 : vector<1x1x16xf32> to vector<16xf32>
      %get3A_480 = arith.constant 0 : i32
      %get3A_481 = arith.index_cast %get3A_480 : i32 to index
      %get3A_482 = arith.index_cast %scan3A_376 : i32 to index
      %get3A_483 = arith.constant 96 : index
      %get3A_484 = tpu.vector_load %arg10[%get3A_481, %get3A_482, %get3A_483] {strides = array<i32>} : memref<2x160x128xf32, #tpu.memory_space<vmem>>, vector<1x1x16xf32>,
      %get3A_485 = vector.shape_cast %get3A_484 : vector<1x1x16xf32> to vector<16xf32>
      %add3A_486 = arith.addf %get3A_479, %get3A_485 : vector<16xf32>
      %bitcast_convert_type3A_487 = tpu.bitcast %add3A_473 : vector<16xf32> -> vector<16xi32>
      %add3A_488 = vector.broadcast %scan3A_350 : i32 to vector<16xi32>
      %add3A_489 = arith.addi %bitcast_convert_type3A_487, %add3A_488 : vector<16xi32>
      %shift_right_logical3A_490 = arith.constant 16 : i32
      %shift_right_logical3A_491 = vector.broadcast %shift_right_logical3A_490 : i32 to vector<16xi32>
      %shift_right_logical3A_492 = arith.shrui %add3A_489, %shift_right_logical3A_491 : vector<16xi32>
      %bitcast_convert_type3A_493 = tpu.bitcast %add3A_486 : vector<16xf32> -> vector<16xi32>
      %add3A_494 = vector.broadcast %scan3A_350 : i32 to vector<16xi32>
      %add3A_495 = arith.addi %bitcast_convert_type3A_493, %add3A_494 : vector<16xi32>
      %and3A_496 = vector.broadcast %scan3A_351 : i32 to vector<16xi32>
      %and3A_497 = arith.andi %add3A_495, %and3A_496 : vector<16xi32>
      %or3A_498 = arith.ori %shift_right_logical3A_492, %and3A_497 : vector<16xi32>
      %swap3A_499 = arith.constant 0 : i32
      %swap3A_500 = arith.index_cast %swap3A_499 : i32 to index
      %swap3A_501 = arith.index_cast %scan3A_376 : i32 to index
      %swap3A_502 = arith.constant 32 : index
      %swap3A_503 = tpu.vector_load %arg11[%swap3A_500, %swap3A_501, %swap3A_502] {strides = array<i32>} : memref<2x160x64xi32, #tpu.memory_space<vmem>>, vector<1x1x16xi32>,
      %swap3A_504 = vector.shape_cast %swap3A_503 : vector<1x1x16xi32> to vector<16xi32>
      %swap3A_505 = vector.shape_cast %or3A_498 : vector<16xi32> to vector<1x1x16xi32>
      tpu.vector_store %arg11[%swap3A_500, %swap3A_501, %swap3A_502], %swap3A_505 {strides = array<i32>} : memref<2x160x64xi32, #tpu.memory_space<vmem>>, vector<1x1x16xi32>,
      %get3A_506 = arith.constant 0 : i32
      %get3A_507 = arith.index_cast %get3A_506 : i32 to index
      %get3A_508 = arith.index_cast %scan3A_376 : i32 to index
      %get3A_509 = arith.constant 48 : index
      %get3A_510 = tpu.vector_load %arg9[%get3A_507, %get3A_508, %get3A_509] {strides = array<i32>} : memref<2x160x128xf32, #tpu.memory_space<vmem>>, vector<1x1x16xf32>,
      %get3A_511 = vector.shape_cast %get3A_510 : vector<1x1x16xf32> to vector<16xf32>
      %get3A_512 = arith.constant 0 : i32
      %get3A_513 = arith.index_cast %get3A_512 : i32 to index
      %get3A_514 = arith.index_cast %scan3A_376 : i32 to index
      %get3A_515 = arith.constant 48 : index
      %get3A_516 = tpu.vector_load %arg10[%get3A_513, %get3A_514, %get3A_515] {strides = array<i32>} : memref<2x160x128xf32, #tpu.memory_space<vmem>>, vector<1x1x16xf32>,
      %get3A_517 = vector.shape_cast %get3A_516 : vector<1x1x16xf32> to vector<16xf32>
      %add3A_518 = arith.addf %get3A_511, %get3A_517 : vector<16xf32>
      %get3A_519 = arith.constant 0 : i32
      %get3A_520 = arith.index_cast %get3A_519 : i32 to index
      %get3A_521 = arith.index_cast %scan3A_376 : i32 to index
      %get3A_522 = arith.constant 112 : index
      %get3A_523 = tpu.vector_load %arg9[%get3A_520, %get3A_521, %get3A_522] {strides = array<i32>} : memref<2x160x128xf32, #tpu.memory_space<vmem>>, vector<1x1x16xf32>,
      %get3A_524 = vector.shape_cast %get3A_523 : vector<1x1x16xf32> to vector<16xf32>
      %get3A_525 = arith.constant 0 : i32
      %get3A_526 = arith.index_cast %get3A_525 : i32 to index
      %get3A_527 = arith.index_cast %scan3A_376 : i32 to index
      %get3A_528 = arith.constant 112 : index
      %get3A_529 = tpu.vector_load %arg10[%get3A_526, %get3A_527, %get3A_528] {strides = array<i32>} : memref<2x160x128xf32, #tpu.memory_space<vmem>>, vector<1x1x16xf32>,
      %get3A_530 = vector.shape_cast %get3A_529 : vector<1x1x16xf32> to vector<16xf32>
      %add3A_531 = arith.addf %get3A_524, %get3A_530 : vector<16xf32>
      %bitcast_convert_type3A_532 = tpu.bitcast %add3A_518 : vector<16xf32> -> vector<16xi32>
      %add3A_533 = vector.broadcast %scan3A_350 : i32 to vector<16xi32>
      %add3A_534 = arith.addi %bitcast_convert_type3A_532, %add3A_533 : vector<16xi32>
      %shift_right_logical3A_535 = arith.constant 16 : i32
      %shift_right_logical3A_536 = vector.broadcast %shift_right_logical3A_535 : i32 to vector<16xi32>
      %shift_right_logical3A_537 = arith.shrui %add3A_534, %shift_right_logical3A_536 : vector<16xi32>
      %bitcast_convert_type3A_538 = tpu.bitcast %add3A_531 : vector<16xf32> -> vector<16xi32>
      %add3A_539 = vector.broadcast %scan3A_350 : i32 to vector<16xi32>
      %add3A_540 = arith.addi %bitcast_convert_type3A_538, %add3A_539 : vector<16xi32>
      %and3A_541 = vector.broadcast %scan3A_351 : i32 to vector<16xi32>
      %and3A_542 = arith.andi %add3A_540, %and3A_541 : vector<16xi32>
      %or3A_543 = arith.ori %shift_right_logical3A_537, %and3A_542 : vector<16xi32>
      %swap3A_544 = arith.constant 0 : i32
      %swap3A_545 = arith.index_cast %swap3A_544 : i32 to index
      %swap3A_546 = arith.index_cast %scan3A_376 : i32 to index
      %swap3A_547 = arith.constant 48 : index
      %swap3A_548 = tpu.vector_load %arg11[%swap3A_545, %swap3A_546, %swap3A_547] {strides = array<i32>} : memref<2x160x64xi32, #tpu.memory_space<vmem>>, vector<1x1x16xi32>,
      %swap3A_549 = vector.shape_cast %swap3A_548 : vector<1x1x16xi32> to vector<16xi32>
      %swap3A_550 = vector.shape_cast %or3A_543 : vector<16xi32> to vector<1x1x16xi32>
      tpu.vector_store %arg11[%swap3A_545, %swap3A_546, %swap3A_547], %swap3A_550 {strides = array<i32>} : memref<2x160x64xi32, #tpu.memory_space<vmem>>, vector<1x1x16xi32>,
    }
    %scan3A_356 = arith.constant 80 : i32
    %run_scoped3A_357 = arith.constant 0 : i32
    "tpu.region"() ({
      %run_scoped3A_376 = tpu.sem_alloc : memref<!tpu.dma_semaphore, #tpu.memory_space<semaphore_mem>>
      %dma_start3A_377 = arith.constant 0 : i32
      %dma_start3A_378 = arith.constant 0 : i32
      %dma_start3A_379 = tpu.memref_slice %arg11[%run_scoped3A_357, %dma_start3A_377, %dma_start3A_378] : memref<2x160x64xi32, #tpu.memory_space<vmem>> -> memref<1x80x64xi32, #tpu.memory_space<vmem>>
      %dma_start3A_380 = tpu.memref_squeeze %dma_start3A_379 : memref<1x80x64xi32, #tpu.memory_space<vmem>> -> memref<80x64xi32, #tpu.memory_space<vmem>>
      %dma_start3A_381 = arith.constant 0 : i32
      %dma_start3A_382 = tpu.memref_slice %arg6[%multiple_of3A_259, %dma_start3A_381] : memref<320000x64xi32, #tpu.memory_space<hbm>> -> memref<80x64xi32, #tpu.memory_space<hbm>>
      %dma_start3A_383 = arith.constant 0 : i32
      %dma_start3A_384 = tpu.memref_slice %arg6[%multiple_of3A_259, %dma_start3A_383] : memref<320000x64xi32, #tpu.memory_space<hbm>> -> memref<80x64xi32, #tpu.memory_space<hbm>>
      %dma_start3A_385 = arith.constant 0 : i32
      %dma_start3A_386 = arith.constant 0 : i32
      %dma_start3A_387 = tpu.memref_slice %arg11[%run_scoped3A_357, %dma_start3A_385, %dma_start3A_386] : memref<2x160x64xi32, #tpu.memory_space<vmem>> -> memref<1x80x64xi32, #tpu.memory_space<vmem>>
      %dma_start3A_388 = tpu.memref_squeeze %dma_start3A_387 : memref<1x80x64xi32, #tpu.memory_space<vmem>> -> memref<80x64xi32, #tpu.memory_space<vmem>>
      tpu.enqueue_dma source(%dma_start3A_388 : memref<80x64xi32, #tpu.memory_space<vmem>>) target(%dma_start3A_384 : memref<80x64xi32, #tpu.memory_space<hbm>>) target_semaphore(%run_scoped3A_376 : memref<!tpu.dma_semaphore, #tpu.memory_space<semaphore_mem>>)
      %dma_wait3A_389 = arith.constant 0 : i32
      %dma_wait3A_390 = arith.constant 0 : i32
      %dma_wait3A_391 = tpu.memref_slice %arg11[%run_scoped3A_357, %dma_wait3A_389, %dma_wait3A_390] : memref<2x160x64xi32, #tpu.memory_space<vmem>> -> memref<1x80x64xi32, #tpu.memory_space<vmem>>
      %dma_wait3A_392 = tpu.memref_squeeze %dma_wait3A_391 : memref<1x80x64xi32, #tpu.memory_space<vmem>> -> memref<80x64xi32, #tpu.memory_space<vmem>>
      %dma_wait3A_393 = arith.constant 0 : i32
      %dma_wait3A_394 = tpu.memref_slice %arg6[%multiple_of3A_259, %dma_wait3A_393] : memref<320000x64xi32, #tpu.memory_space<hbm>> -> memref<80x64xi32, #tpu.memory_space<hbm>>
      %dma_wait3A_395 = arith.constant 0 : i32
      %dma_wait3A_396 = tpu.memref_slice %arg6[%multiple_of3A_259, %dma_wait3A_395] : memref<320000x64xi32, #tpu.memory_space<hbm>> -> memref<80x64xi32, #tpu.memory_space<hbm>>
      %dma_wait3A_397 = arith.constant 0 : i32
      %dma_wait3A_398 = arith.constant 0 : i32
      %dma_wait3A_399 = tpu.memref_slice %arg11[%run_scoped3A_357, %dma_wait3A_397, %dma_wait3A_398] : memref<2x160x64xi32, #tpu.memory_space<vmem>> -> memref<1x80x64xi32, #tpu.memory_space<vmem>>
      %dma_wait3A_400 = tpu.memref_squeeze %dma_wait3A_399 : memref<1x80x64xi32, #tpu.memory_space<vmem>> -> memref<80x64xi32, #tpu.memory_space<vmem>>
      tpu.wait_dma2 semaphore(%run_scoped3A_376 : memref<!tpu.dma_semaphore, #tpu.memory_space<semaphore_mem>>) src(%dma_wait3A_400 : memref<80x64xi32, #tpu.memory_space<vmem>>) dst(%dma_wait3A_396 : memref<80x64xi32, #tpu.memory_space<hbm>>)
      tpu.yield
    }) : () -> ()
    %dma_wait3A_358 = arith.constant 1 : i32
    %dma_wait3A_359 = arith.constant 1 : i32
    %dma_wait3A_360 = arith.constant 0 : i32
    %dma_wait3A_361 = arith.constant 0 : i32
    %dma_wait3A_362 = tpu.memref_slice %arg11[%dma_wait3A_358, %dma_wait3A_360, %dma_wait3A_361] : memref<2x160x64xi32, #tpu.memory_space<vmem>> -> memref<1x160x64xi32, #tpu.memory_space<vmem>>
    %dma_wait3A_363 = tpu.memref_squeeze %dma_wait3A_362 : memref<1x160x64xi32, #tpu.memory_space<vmem>> -> memref<160x64xi32, #tpu.memory_space<vmem>>
    %dma_wait3A_364 = arith.constant 0 : i32
    %dma_wait3A_365 = arith.constant 0 : i32
    %dma_wait3A_366 = tpu.memref_slice %arg6[%dma_wait3A_364, %dma_wait3A_365] : memref<320000x64xi32, #tpu.memory_space<hbm>> -> memref<160x64xi32, #tpu.memory_space<hbm>>
    %dma_wait3A_367 = tpu.memref_slice %arg14[%dma_wait3A_359] : memref<2x!tpu.dma_semaphore, #tpu.memory_space<semaphore_mem>> -> memref<1x!tpu.dma_semaphore, #tpu.memory_space<semaphore_mem>>
    %dma_wait3A_368 = tpu.memref_squeeze %dma_wait3A_367 : memref<1x!tpu.dma_semaphore, #tpu.memory_space<semaphore_mem>> -> memref<!tpu.dma_semaphore, #tpu.memory_space<semaphore_mem>>
    %dma_wait3A_369 = arith.constant 0 : i32
    %dma_wait3A_370 = arith.constant 0 : i32
    %dma_wait3A_371 = tpu.memref_slice %arg6[%dma_wait3A_369, %dma_wait3A_370] : memref<320000x64xi32, #tpu.memory_space<hbm>> -> memref<160x64xi32, #tpu.memory_space<hbm>>
    %dma_wait3A_372 = arith.constant 0 : i32
    %dma_wait3A_373 = arith.constant 0 : i32
    %dma_wait3A_374 = tpu.memref_slice %arg11[%dma_wait3A_358, %dma_wait3A_372, %dma_wait3A_373] : memref<2x160x64xi32, #tpu.memory_space<vmem>> -> memref<1x160x64xi32, #tpu.memory_space<vmem>>
    %dma_wait3A_375 = tpu.memref_squeeze %dma_wait3A_374 : memref<1x160x64xi32, #tpu.memory_space<vmem>> -> memref<160x64xi32, #tpu.memory_space<vmem>>
    tpu.wait_dma2 semaphore(%dma_wait3A_368 : memref<!tpu.dma_semaphore, #tpu.memory_space<semaphore_mem>>) src(%dma_wait3A_375 : memref<160x64xi32, #tpu.memory_space<vmem>>) dst(%dma_wait3A_371 : memref<160x64xi32, #tpu.memory_space<hbm>>)
    return
  }
}

module attributes {stable_mosaic.version = 14 : i64} {
  func.func @_pre_body(%arg0: memref<10000x128xf32, #tpu.memory_space<vmem>>, %arg1: memref<128x128xf32, #tpu.memory_space<vmem>>, %arg2: memref<128x128xf32, #tpu.memory_space<vmem>>, %arg3: memref<10000x128xf32, #tpu.memory_space<vmem>>, %arg4: memref<10000x128xf32, #tpu.memory_space<vmem>>) attributes {dimension_semantics = [], scalar_prefetch = 0 : i64, scratch_operands = 0 : i64, tpu.core_type = #tpu.core_type<tc>} {
    %get3A = arith.constant 0 : index
    %get3A_0 = arith.constant 0 : index
    %get3A_1 = vector.load %arg0[%get3A, %get3A_0] : memref<10000x128xf32, #tpu.memory_space<vmem>>, vector<10000x128xf32>
    %get3A_2 = arith.constant 0 : index
    %get3A_3 = arith.constant 0 : index
    %get3A_4 = vector.load %arg1[%get3A_2, %get3A_3] : memref<128x128xf32, #tpu.memory_space<vmem>>, vector<128x128xf32>
    %dot_general3A = arith.constant dense<0.000000e+00> : vector<10000x128xf32>
    %dot_general3A_5 = tpu.matmul %get3A_1, %get3A_4, %dot_general3A {dimension_numbers = #tpu.dot_dimension_numbers<[1], [0], [0], [1], [0, 0, 1, 1], [], []>, transpose_lhs_hint = false} : vector<10000x128xf32>, vector<128x128xf32>, vector<10000x128xf32> -> vector<10000x128xf32>
    %swap3A = arith.constant 0 : index
    %swap3A_6 = arith.constant 0 : index
    %swap3A_7 = vector.load %arg3[%swap3A, %swap3A_6] : memref<10000x128xf32, #tpu.memory_space<vmem>>, vector<10000x128xf32>
    tpu.vector_store %arg3[%swap3A, %swap3A_6], %dot_general3A_5 {strides = array<i32>} : memref<10000x128xf32, #tpu.memory_space<vmem>>, vector<10000x128xf32>,
    %get3A_8 = arith.constant 0 : index
    %get3A_9 = arith.constant 0 : index
    %get3A_10 = vector.load %arg2[%get3A_8, %get3A_9] : memref<128x128xf32, #tpu.memory_space<vmem>>, vector<128x128xf32>
    %dot_general3A_11 = arith.constant dense<0.000000e+00> : vector<10000x128xf32>
    %dot_general3A_12 = tpu.matmul %get3A_1, %get3A_10, %dot_general3A_11 {dimension_numbers = #tpu.dot_dimension_numbers<[1], [0], [0], [1], [0, 0, 1, 1], [], []>, transpose_lhs_hint = false} : vector<10000x128xf32>, vector<128x128xf32>, vector<10000x128xf32> -> vector<10000x128xf32>
    %swap3A_13 = arith.constant 0 : index
    %swap3A_14 = arith.constant 0 : index
    %swap3A_15 = vector.load %arg4[%swap3A_13, %swap3A_14] : memref<10000x128xf32, #tpu.memory_space<vmem>>, vector<10000x128xf32>
    tpu.vector_store %arg4[%swap3A_13, %swap3A_14], %dot_general3A_12 {strides = array<i32>} : memref<10000x128xf32, #tpu.memory_space<vmem>>, vector<10000x128xf32>,
    return
  }
}

module attributes {stable_mosaic.version = 14 : i64} {
  func.func @_edge_body(%arg0: i32, %arg1: memref<4000x64xi32, #tpu.memory_space<vmem>>, %arg2: memref<4000x128xf32, #tpu.memory_space<vmem>>, %arg3: memref<128x128xf32, #tpu.memory_space<vmem>>, %arg4: memref<1x128xf32, #tpu.memory_space<vmem>>, %arg5: memref<128x128xf32, #tpu.memory_space<vmem>>, %arg6: memref<1x128xf32, #tpu.memory_space<vmem>>, %arg7: memref<1x128xf32, #tpu.memory_space<vmem>>, %arg8: memref<1x128xf32, #tpu.memory_space<vmem>>, %arg9: memref<4000x128xf32, #tpu.memory_space<vmem>>) attributes {dimension_semantics = [#tpu.dimension_semantics<arbitrary>], iteration_bounds = array<i64: 80>, scalar_prefetch = 0 : i64, scratch_operands = 0 : i64, tpu.core_type = #tpu.core_type<tc>, window_params = [{transform_indices = @transform_0, window_bounds = array<i64: 4000, 64>}, {transform_indices = @transform_1, window_bounds = array<i64: 4000, 128>}, {pipeline_mode = #tpu.pipeline_mode<synchronous>, transform_indices = @transform_2, window_bounds = array<i64: 128, 128>}, {pipeline_mode = #tpu.pipeline_mode<synchronous>, transform_indices = @transform_3, window_bounds = array<i64: 1, 128>}, {pipeline_mode = #tpu.pipeline_mode<synchronous>, transform_indices = @transform_4, window_bounds = array<i64: 128, 128>}, {pipeline_mode = #tpu.pipeline_mode<synchronous>, transform_indices = @transform_5, window_bounds = array<i64: 1, 128>}, {pipeline_mode = #tpu.pipeline_mode<synchronous>, transform_indices = @transform_6, window_bounds = array<i64: 1, 128>}, {pipeline_mode = #tpu.pipeline_mode<synchronous>, transform_indices = @transform_7, window_bounds = array<i64: 1, 128>}, {transform_indices = @transform_8, window_bounds = array<i64: 4000, 128>}]} {
    %get3A = arith.constant 0 : index
    %get3A_0 = arith.constant 0 : index
    %get3A_1 = vector.load %arg1[%get3A, %get3A_0] : memref<4000x64xi32, #tpu.memory_space<vmem>>, vector<4000x64xi32>
    %shift_left3A = arith.constant 16 : i32
    %shift_left3A_2 = vector.broadcast %shift_left3A : i32 to vector<4000x64xi32>
    %shift_left3A_3 = arith.shli %get3A_1, %shift_left3A_2 : vector<4000x64xi32>
    %bitcast_convert_type3A = tpu.bitcast %shift_left3A_3 : vector<4000x64xi32> -> vector<4000x64xf32>
    %and3A = arith.constant -65536 : i32
    %and3A_4 = vector.broadcast %and3A : i32 to vector<4000x64xi32>
    %and3A_5 = arith.andi %get3A_1, %and3A_4 : vector<4000x64xi32>
    %bitcast_convert_type3A_6 = tpu.bitcast %and3A_5 : vector<4000x64xi32> -> vector<4000x64xf32>
    %concatenate3A = tpu.concatenate %bitcast_convert_type3A, %bitcast_convert_type3A_6 in 1 : vector<4000x64xf32>, vector<4000x64xf32> -> vector<4000x128xf32>
    %get3A_7 = arith.constant 0 : index
    %get3A_8 = arith.constant 0 : index
    %get3A_9 = vector.load %arg2[%get3A_7, %get3A_8] : memref<4000x128xf32, #tpu.memory_space<vmem>>, vector<4000x128xf32>
    %get3A_10 = arith.constant 0 : index
    %get3A_11 = arith.constant 0 : index
    %get3A_12 = vector.load %arg3[%get3A_10, %get3A_11] : memref<128x128xf32, #tpu.memory_space<vmem>>, vector<128x128xf32>
    %dot_general3A = arith.constant dense<0.000000e+00> : vector<4000x128xf32>
    %dot_general3A_13 = tpu.matmul %get3A_9, %get3A_12, %dot_general3A {dimension_numbers = #tpu.dot_dimension_numbers<[1], [0], [0], [1], [0, 0, 1, 1], [], []>, transpose_lhs_hint = false} : vector<4000x128xf32>, vector<128x128xf32>, vector<4000x128xf32> -> vector<4000x128xf32>
    %add3A = arith.addf %concatenate3A, %dot_general3A_13 : vector<4000x128xf32>
    %get3A_14 = arith.constant 0 : index
    %get3A_15 = arith.constant 0 : index
    %get3A_16 = vector.load %arg4[%get3A_14, %get3A_15] : memref<1x128xf32, #tpu.memory_space<vmem>>, vector<1x128xf32>
    %add3A_17 = vector.broadcast %get3A_16 : vector<1x128xf32> to vector<4000x128xf32>
    %add3A_18 = arith.addf %add3A, %add3A_17 : vector<4000x128xf32>
    %max3A = arith.constant 0.000000e+00 : f32
    %max3A_19 = vector.broadcast %max3A : f32 to vector<4000x128xf32>
    %max3A_20 = arith.maximumf %add3A_18, %max3A_19 : vector<4000x128xf32>
    %get3A_21 = arith.constant 0 : index
    %get3A_22 = arith.constant 0 : index
    %get3A_23 = vector.load %arg5[%get3A_21, %get3A_22] : memref<128x128xf32, #tpu.memory_space<vmem>>, vector<128x128xf32>
    %dot_general3A_24 = arith.constant dense<0.000000e+00> : vector<4000x128xf32>
    %dot_general3A_25 = tpu.matmul %max3A_20, %get3A_23, %dot_general3A_24 {dimension_numbers = #tpu.dot_dimension_numbers<[1], [0], [0], [1], [0, 0, 1, 1], [], []>, transpose_lhs_hint = false} : vector<4000x128xf32>, vector<128x128xf32>, vector<4000x128xf32> -> vector<4000x128xf32>
    %get3A_26 = arith.constant 0 : index
    %get3A_27 = arith.constant 0 : index
    %get3A_28 = vector.load %arg6[%get3A_26, %get3A_27] : memref<1x128xf32, #tpu.memory_space<vmem>>, vector<1x128xf32>
    %add3A_29 = vector.broadcast %get3A_28 : vector<1x128xf32> to vector<4000x128xf32>
    %add3A_30 = arith.addf %dot_general3A_25, %add3A_29 : vector<4000x128xf32>
    %get3A_31 = arith.constant 0 : index
    %get3A_32 = arith.constant 0 : index
    %get3A_33 = vector.load %arg7[%get3A_31, %get3A_32] : memref<1x128xf32, #tpu.memory_space<vmem>>, vector<1x128xf32>
    %get3A_34 = arith.constant 0 : index
    %get3A_35 = arith.constant 0 : index
    %get3A_36 = vector.load %arg8[%get3A_34, %get3A_35] : memref<1x128xf32, #tpu.memory_space<vmem>>, vector<1x128xf32>
    %reduce_sum3A = arith.constant dense<0.000000e+00> : vector<4000xf32>
    %reduce_sum3A_37 = vector.multi_reduction <add>, %add3A_30, %reduce_sum3A [1] : vector<4000x128xf32> to vector<4000xf32>
    %broadcast_in_dim3A = vector.shape_cast %reduce_sum3A_37 : vector<4000xf32> to vector<4000x1xf32>
    %div3A = arith.constant 1.280000e+02 : f32
    %div3A_38 = vector.broadcast %div3A : f32 to vector<4000x1xf32>
    %div3A_39 = arith.divf %broadcast_in_dim3A, %div3A_38 : vector<4000x1xf32>
    %sub3A = vector.broadcast %div3A_39 : vector<4000x1xf32> to vector<4000x128xf32>
    %sub3A_40 = arith.subf %add3A_30, %sub3A : vector<4000x128xf32>
    %sub3A_41 = vector.broadcast %div3A_39 : vector<4000x1xf32> to vector<4000x128xf32>
    %sub3A_42 = arith.subf %add3A_30, %sub3A_41 : vector<4000x128xf32>
    %mul3A = arith.mulf %sub3A_40, %sub3A_42 : vector<4000x128xf32>
    %reduce_sum3A_43 = arith.constant dense<0.000000e+00> : vector<4000xf32>
    %reduce_sum3A_44 = vector.multi_reduction <add>, %mul3A, %reduce_sum3A_43 [1] : vector<4000x128xf32> to vector<4000xf32>
    %broadcast_in_dim3A_45 = vector.shape_cast %reduce_sum3A_44 : vector<4000xf32> to vector<4000x1xf32>
    %div3A_46 = arith.constant 1.280000e+02 : f32
    %div3A_47 = vector.broadcast %div3A_46 : f32 to vector<4000x1xf32>
    %div3A_48 = arith.divf %broadcast_in_dim3A_45, %div3A_47 : vector<4000x1xf32>
    %sub3A_49 = vector.broadcast %div3A_39 : vector<4000x1xf32> to vector<4000x128xf32>
    %sub3A_50 = arith.subf %add3A_30, %sub3A_49 : vector<4000x128xf32>
    %add3A_51 = arith.constant 9.99999974E-6 : f32
    %add3A_52 = vector.broadcast %add3A_51 : f32 to vector<4000x1xf32>
    %add3A_53 = arith.addf %div3A_48, %add3A_52 : vector<4000x1xf32>
    %rsqrt3A = math.rsqrt %add3A_53 : vector<4000x1xf32>
    %mul3A_54 = vector.broadcast %rsqrt3A : vector<4000x1xf32> to vector<4000x128xf32>
    %mul3A_55 = arith.mulf %sub3A_50, %mul3A_54 : vector<4000x128xf32>
    %mul3A_56 = vector.broadcast %get3A_33 : vector<1x128xf32> to vector<4000x128xf32>
    %mul3A_57 = arith.mulf %mul3A_55, %mul3A_56 : vector<4000x128xf32>
    %add3A_58 = vector.broadcast %get3A_36 : vector<1x128xf32> to vector<4000x128xf32>
    %add3A_59 = arith.addf %mul3A_57, %add3A_58 : vector<4000x128xf32>
    %add3A_60 = arith.addf %get3A_9, %add3A_59 : vector<4000x128xf32>
    %swap3A = arith.constant 0 : index
    %swap3A_61 = arith.constant 0 : index
    %swap3A_62 = vector.load %arg9[%swap3A, %swap3A_61] : memref<4000x128xf32, #tpu.memory_space<vmem>>, vector<4000x128xf32>
    tpu.vector_store %arg9[%swap3A, %swap3A_61], %add3A_60 {strides = array<i32>} : memref<4000x128xf32, #tpu.memory_space<vmem>>, vector<4000x128xf32>,
    return
  }
  func.func @transform_0(%arg0: i32) -> (i32, i32) {
    %c0_i32 = arith.constant 0 : i32
    %c0_i32_0 = arith.constant 0 : i32
    return %arg0, %c0_i32 : i32, i32
  }
  func.func @transform_1(%arg0: i32) -> (i32, i32) {
    %c0_i32 = arith.constant 0 : i32
    %c0_i32_0 = arith.constant 0 : i32
    return %arg0, %c0_i32 : i32, i32
  }
  func.func @transform_2(%arg0: i32) -> (i32, i32) {
    %c0_i32 = arith.constant 0 : i32
    %c0_i32_0 = arith.constant 0 : i32
    %c0_i32_1 = arith.constant 0 : i32
    return %c0_i32, %c0_i32_0 : i32, i32
  }
  func.func @transform_3(%arg0: i32) -> (i32, i32) {
    %c0_i32 = arith.constant 0 : i32
    %c0_i32_0 = arith.constant 0 : i32
    %c0_i32_1 = arith.constant 0 : i32
    return %c0_i32, %c0_i32_0 : i32, i32
  }
  func.func @transform_4(%arg0: i32) -> (i32, i32) {
    %c0_i32 = arith.constant 0 : i32
    %c0_i32_0 = arith.constant 0 : i32
    %c0_i32_1 = arith.constant 0 : i32
    return %c0_i32, %c0_i32_0 : i32, i32
  }
  func.func @transform_5(%arg0: i32) -> (i32, i32) {
    %c0_i32 = arith.constant 0 : i32
    %c0_i32_0 = arith.constant 0 : i32
    %c0_i32_1 = arith.constant 0 : i32
    return %c0_i32, %c0_i32_0 : i32, i32
  }
  func.func @transform_6(%arg0: i32) -> (i32, i32) {
    %c0_i32 = arith.constant 0 : i32
    %c0_i32_0 = arith.constant 0 : i32
    %c0_i32_1 = arith.constant 0 : i32
    return %c0_i32, %c0_i32_0 : i32, i32
  }
  func.func @transform_7(%arg0: i32) -> (i32, i32) {
    %c0_i32 = arith.constant 0 : i32
    %c0_i32_0 = arith.constant 0 : i32
    %c0_i32_1 = arith.constant 0 : i32
    return %c0_i32, %c0_i32_0 : i32, i32
  }
  func.func @transform_8(%arg0: i32) -> (i32, i32) {
    %c0_i32 = arith.constant 0 : i32
    %c0_i32_0 = arith.constant 0 : i32
    return %arg0, %c0_i32 : i32, i32
  }
}

module attributes {stable_mosaic.version = 14 : i64} {
  func.func @_node_body(%arg0: memref<10000x128xf32, #tpu.memory_space<vmem>>, %arg1: memref<2x10240x128xf32, #tpu.memory_space<vmem>>, %arg2: memref<128x128xf32, #tpu.memory_space<vmem>>, %arg3: memref<128x128xf32, #tpu.memory_space<vmem>>, %arg4: memref<1x128xf32, #tpu.memory_space<vmem>>, %arg5: memref<128x128xf32, #tpu.memory_space<vmem>>, %arg6: memref<1x128xf32, #tpu.memory_space<vmem>>, %arg7: memref<1x128xf32, #tpu.memory_space<vmem>>, %arg8: memref<1x128xf32, #tpu.memory_space<vmem>>, %arg9: memref<10000x128xf32, #tpu.memory_space<vmem>>) attributes {dimension_semantics = [], scalar_prefetch = 0 : i64, scratch_operands = 0 : i64, tpu.core_type = #tpu.core_type<tc>} {
    %get3A = arith.constant 0 : index
    %get3A_0 = arith.constant 0 : index
    %get3A_1 = vector.load %arg0[%get3A, %get3A_0] : memref<10000x128xf32, #tpu.memory_space<vmem>>, vector<10000x128xf32>
    %get3A_2 = arith.constant 0 : index
    %get3A_3 = arith.constant 0 : index
    %get3A_4 = arith.constant 0 : index
    %get3A_5 = vector.load %arg1[%get3A_2, %get3A_3, %get3A_4] : memref<2x10240x128xf32, #tpu.memory_space<vmem>>, vector<1x10240x128xf32>
    %get3A_6 = vector.shape_cast %get3A_5 : vector<1x10240x128xf32> to vector<10240x128xf32>
    %get3A_7 = arith.constant 1 : index
    %get3A_8 = arith.constant 0 : index
    %get3A_9 = arith.constant 0 : index
    %get3A_10 = vector.load %arg1[%get3A_7, %get3A_8, %get3A_9] : memref<2x10240x128xf32, #tpu.memory_space<vmem>>, vector<1x10240x128xf32>
    %get3A_11 = vector.shape_cast %get3A_10 : vector<1x10240x128xf32> to vector<10240x128xf32>
    %add3A = arith.addf %get3A_6, %get3A_11 : vector<10240x128xf32>
    %slice3A = vector.extract_strided_slice %add3A {offsets = [0, 0], sizes = [10000, 128], strides = [1, 1]} : vector<10240x128xf32> to vector<10000x128xf32>
    %get3A_12 = arith.constant 0 : index
    %get3A_13 = arith.constant 0 : index
    %get3A_14 = vector.load %arg2[%get3A_12, %get3A_13] : memref<128x128xf32, #tpu.memory_space<vmem>>, vector<128x128xf32>
    %dot_general3A = arith.constant dense<0.000000e+00> : vector<10000x128xf32>
    %dot_general3A_15 = tpu.matmul %get3A_1, %get3A_14, %dot_general3A {dimension_numbers = #tpu.dot_dimension_numbers<[1], [0], [0], [1], [0, 0, 1, 1], [], []>, transpose_lhs_hint = false} : vector<10000x128xf32>, vector<128x128xf32>, vector<10000x128xf32> -> vector<10000x128xf32>
    %get3A_16 = arith.constant 0 : index
    %get3A_17 = arith.constant 0 : index
    %get3A_18 = vector.load %arg3[%get3A_16, %get3A_17] : memref<128x128xf32, #tpu.memory_space<vmem>>, vector<128x128xf32>
    %dot_general3A_19 = arith.constant dense<0.000000e+00> : vector<10000x128xf32>
    %dot_general3A_20 = tpu.matmul %slice3A, %get3A_18, %dot_general3A_19 {dimension_numbers = #tpu.dot_dimension_numbers<[1], [0], [0], [1], [0, 0, 1, 1], [], []>, transpose_lhs_hint = false} : vector<10000x128xf32>, vector<128x128xf32>, vector<10000x128xf32> -> vector<10000x128xf32>
    %add3A_21 = arith.addf %dot_general3A_15, %dot_general3A_20 : vector<10000x128xf32>
    %get3A_22 = arith.constant 0 : index
    %get3A_23 = arith.constant 0 : index
    %get3A_24 = vector.load %arg4[%get3A_22, %get3A_23] : memref<1x128xf32, #tpu.memory_space<vmem>>, vector<1x128xf32>
    %add3A_25 = vector.broadcast %get3A_24 : vector<1x128xf32> to vector<10000x128xf32>
    %add3A_26 = arith.addf %add3A_21, %add3A_25 : vector<10000x128xf32>
    %max3A = arith.constant 0.000000e+00 : f32
    %max3A_27 = vector.broadcast %max3A : f32 to vector<10000x128xf32>
    %max3A_28 = arith.maximumf %add3A_26, %max3A_27 : vector<10000x128xf32>
    %get3A_29 = arith.constant 0 : index
    %get3A_30 = arith.constant 0 : index
    %get3A_31 = vector.load %arg5[%get3A_29, %get3A_30] : memref<128x128xf32, #tpu.memory_space<vmem>>, vector<128x128xf32>
    %dot_general3A_32 = arith.constant dense<0.000000e+00> : vector<10000x128xf32>
    %dot_general3A_33 = tpu.matmul %max3A_28, %get3A_31, %dot_general3A_32 {dimension_numbers = #tpu.dot_dimension_numbers<[1], [0], [0], [1], [0, 0, 1, 1], [], []>, transpose_lhs_hint = false} : vector<10000x128xf32>, vector<128x128xf32>, vector<10000x128xf32> -> vector<10000x128xf32>
    %get3A_34 = arith.constant 0 : index
    %get3A_35 = arith.constant 0 : index
    %get3A_36 = vector.load %arg6[%get3A_34, %get3A_35] : memref<1x128xf32, #tpu.memory_space<vmem>>, vector<1x128xf32>
    %add3A_37 = vector.broadcast %get3A_36 : vector<1x128xf32> to vector<10000x128xf32>
    %add3A_38 = arith.addf %dot_general3A_33, %add3A_37 : vector<10000x128xf32>
    %get3A_39 = arith.constant 0 : index
    %get3A_40 = arith.constant 0 : index
    %get3A_41 = vector.load %arg7[%get3A_39, %get3A_40] : memref<1x128xf32, #tpu.memory_space<vmem>>, vector<1x128xf32>
    %get3A_42 = arith.constant 0 : index
    %get3A_43 = arith.constant 0 : index
    %get3A_44 = vector.load %arg8[%get3A_42, %get3A_43] : memref<1x128xf32, #tpu.memory_space<vmem>>, vector<1x128xf32>
    %reduce_sum3A = arith.constant dense<0.000000e+00> : vector<10000xf32>
    %reduce_sum3A_45 = vector.multi_reduction <add>, %add3A_38, %reduce_sum3A [1] : vector<10000x128xf32> to vector<10000xf32>
    %broadcast_in_dim3A = vector.shape_cast %reduce_sum3A_45 : vector<10000xf32> to vector<10000x1xf32>
    %div3A = arith.constant 1.280000e+02 : f32
    %div3A_46 = vector.broadcast %div3A : f32 to vector<10000x1xf32>
    %div3A_47 = arith.divf %broadcast_in_dim3A, %div3A_46 : vector<10000x1xf32>
    %sub3A = vector.broadcast %div3A_47 : vector<10000x1xf32> to vector<10000x128xf32>
    %sub3A_48 = arith.subf %add3A_38, %sub3A : vector<10000x128xf32>
    %sub3A_49 = vector.broadcast %div3A_47 : vector<10000x1xf32> to vector<10000x128xf32>
    %sub3A_50 = arith.subf %add3A_38, %sub3A_49 : vector<10000x128xf32>
    %mul3A = arith.mulf %sub3A_48, %sub3A_50 : vector<10000x128xf32>
    %reduce_sum3A_51 = arith.constant dense<0.000000e+00> : vector<10000xf32>
    %reduce_sum3A_52 = vector.multi_reduction <add>, %mul3A, %reduce_sum3A_51 [1] : vector<10000x128xf32> to vector<10000xf32>
    %broadcast_in_dim3A_53 = vector.shape_cast %reduce_sum3A_52 : vector<10000xf32> to vector<10000x1xf32>
    %div3A_54 = arith.constant 1.280000e+02 : f32
    %div3A_55 = vector.broadcast %div3A_54 : f32 to vector<10000x1xf32>
    %div3A_56 = arith.divf %broadcast_in_dim3A_53, %div3A_55 : vector<10000x1xf32>
    %sub3A_57 = vector.broadcast %div3A_47 : vector<10000x1xf32> to vector<10000x128xf32>
    %sub3A_58 = arith.subf %add3A_38, %sub3A_57 : vector<10000x128xf32>
    %add3A_59 = arith.constant 9.99999974E-6 : f32
    %add3A_60 = vector.broadcast %add3A_59 : f32 to vector<10000x1xf32>
    %add3A_61 = arith.addf %div3A_56, %add3A_60 : vector<10000x1xf32>
    %rsqrt3A = math.rsqrt %add3A_61 : vector<10000x1xf32>
    %mul3A_62 = vector.broadcast %rsqrt3A : vector<10000x1xf32> to vector<10000x128xf32>
    %mul3A_63 = arith.mulf %sub3A_58, %mul3A_62 : vector<10000x128xf32>
    %mul3A_64 = vector.broadcast %get3A_41 : vector<1x128xf32> to vector<10000x128xf32>
    %mul3A_65 = arith.mulf %mul3A_63, %mul3A_64 : vector<10000x128xf32>
    %add3A_66 = vector.broadcast %get3A_44 : vector<1x128xf32> to vector<10000x128xf32>
    %add3A_67 = arith.addf %mul3A_65, %add3A_66 : vector<10000x128xf32>
    %add3A_68 = arith.addf %get3A_1, %add3A_67 : vector<10000x128xf32>
    %swap3A = arith.constant 0 : index
    %swap3A_69 = arith.constant 0 : index
    %swap3A_70 = vector.load %arg9[%swap3A, %swap3A_69] : memref<10000x128xf32, #tpu.memory_space<vmem>>, vector<10000x128xf32>
    tpu.vector_store %arg9[%swap3A, %swap3A_69], %add3A_68 {strides = array<i32>} : memref<10000x128xf32, #tpu.memory_space<vmem>>, vector<10000x128xf32>,
    return
  }
}

</mosaic_0001>

<sc_bundles>
// kernel: kernel.10.cloned.1.call-start
scs
__scs_entry_jumppad:
0x0: {  	(pc) =	sbr.rel $0x88, $3  }
0x1: {  	(tag) =	ssettag $0x0;
	lr =	simm.s32 $0x1  }
0x2: {  	[smem:$0x3F92] =	sst lr;
	_ =	strace $0xD0000000  }
0x3: {  	_ = 	snop  }
0x4: {  	_ = 	snop  }
0x5: {  	_ = 	snop  }
0x6: {  	_ = 	snop  }
0x7: {  	_ = 	snop  }
__scs_overlays_trampoline_lowered:
0x8: {  	[smem:$0x3FA1] =	sst s0  }
0x9: {  	[smem:$0x3FA2] =	sst s1  }
0xa: {  	[smem:$0x3FA3] =	sst s2  }
0xb: {  	[smem:$0x3FA4] =	sst s3  }
0xc: {  	[smem:$0x3FA5] =	sst s4  }
0xd: {  	[smem:$0x3FA6] =	sst s5  }
0xe: {  	[smem:$0x3FA7] =	sst s6  }
0xf: {  	[smem:$0x3FA8] =	sst s7  }
0x10: {  	[smem:$0x3FA9] =	sst s8  }
0x11: {  	[smem:$0x3FAA] =	sst s9;
	s0 =	simm.s32 @!p0 $0x0  }
0x12: {  	s1 =	sld [smem:$0x3F90];
	s0 =	simm.s32 @p0 $0x1  }
0x13: {  	[smem:$0x3FAB] =	sst s0;
	s0 =	simm.s32 @!p1 $0x0  }
0x14: {  	s2 =	sld [smem:$0x3F8F];
	s0 =	simm.s32 @p1 $0x1  }
0x15: {  	[smem:$0x3FAC] =	sst s0;
	s0 =	simm.s32 @!p2 $0x0  }
0x16: {  	s3 =	sld [smem:$0x3FDB];
	s0 =	simm.s32 @p2 $0x1  }
0x17: {  	s4 =	simm.s32 $0x1BF5;
	[smem:$0x3FAE] =	sst s0  }
0x18: {  	s0 =	sld [smem:$0x3F91];
	_ =	swait.ge [sflag:s4], $0x0  }
0x19: {  	s7 =	sld [smem:$0x3F92]  }
0x1a: {  	s8 =	sadd.s32 $0xFFFFE003, lr  }
0x1b: {  	s9 =	sadd.s32 $0xFFFFFEF7, lr;
	s5 =	simm.s32 $0xFFFFFFFF;
	p2 =	slt.u32 s8, $0xFFFFF086  }
0x1c: {  	p1 =	slt.u32 s9, $0xF7A;
	s5 =	simm.s32 @!p2 $0x0  }
0x1d: {  	s5 =	simm.s32 @p1 $0x1;
	p0 =	seq.s32 s7, s2  }
0x1e: {  	s7 =	smul.u32 @!p0 $0xF7A, s2;
	p2 =	seq.s32 @!p0 s5, $0x0  }
0x1f: {  	s9 =	smul.u32 $0xF7A, s1;
	s8 =	simm.s32 @!p0 $0x1BF5;
	p2 =	por !p2, p0  }
0x20: {  	[sflag:s8] =	ssyncset.s32 @!p0 $0xFFFFF086;
	s6 =	sadd.s32 @!p0 s3, s7;
	s7 =	simm.s32 @!p0 $0x108  }
0x21: {  	s3 =	sadd.s32 s3, s9;
	s6 =	sadd.s32 @!p0 $0x88, s6;
	s7 =	simm.s32 @p2 $0x1082  }
0x22: {  	[simem:s7], [sflag:s8] =	dma.local @!p0 [hbm:s6], $0xF7A  }
0x23: {  	s9 =	sor.u32 $0xD0000000, s2;
	s6 =	simm.s32 $0x108;
	_ =	swait.ge @!p0 [sflag:s8], $0x0  }
0x24: {  	s3 =	sadd.s32 $0x88, s3;
	s6 =	simm.s32 @!p1 $0x1082;
	[sflag:s4] =	ssyncset.s32 $0xFFFFF086  }
0x25: {  	[simem:s6], [sflag:s4] =	dma.local [hbm:s3], $0xF7A  }
0x26: {  	[smem:$0x3F92] =	sst s1;
	(tag) =	ssettag s2;
	_ =	strace s9  }
0x27: {  	s1 =	sld [smem:$0x3FA2]  }
0x28: {  	s2 =	sld [smem:$0x3FA3]  }
0x29: {  	s4 =	sld [smem:$0x3FA5]  }
0x2a: {  	p0 =	seq.s32 s5, $0x0;
	s5 =	sld [smem:$0x3FA6]  }
0x2b: {  	s6 =	sld [smem:$0x3FA7]  }
0x2c: {  	s7 =	sld [smem:$0x3FA8]  }
0x2d: {  	s3 =	simm.s32 $0x108;
	s8 =	sld [smem:$0x3FA9]  }
0x2e: {  	s3 =	simm.s32 @!p0 $0x1082;
	s9 =	sld [smem:$0x3FAA]  }
0x2f: {  	lr =	sadd.s32 s0, s3;
	s0 =	sld [smem:$0x3FA1]  }
0x30: {  	s3 =	sld [smem:$0x3FA4]  }
0x31: {  	[smem:$0x3FAD] =	sst s10  }
0x32: {  	s10 =	sld [smem:$0x3FAB];
	_ =	sdelay $0x3  }
0x33: {  	p0 =	seq.s32 s10, $0x1;
	s10 =	sld [smem:$0x3FAD];
	_ =	sdelay $0x3  }
0x34: {  	[smem:$0x3FAD] =	sst s10  }
0x35: {  	s10 =	sld [smem:$0x3FAC];
	_ =	sdelay $0x3  }
0x36: {  	p1 =	seq.s32 s10, $0x1;
	s10 =	sld [smem:$0x3FAD];
	_ =	sdelay $0x3  }
0x37: {  	[smem:$0x3FAD] =	sst s10  }
0x38: {  	s10 =	sld [smem:$0x3FAE]  }
0x39: {  	_ = 	snop;
	(pc) =	sbr.ind lr, $3  }
0x3a: {  	_ = 	snop  }
0x3b: {  	_ = 	snop  }
0x3c: {  	p2 =	seq.s32 s10, $0x1;
	s10 =	sld [smem:$0x3FAD]  }
0x3d: {  	_ =	shalt  }
0x3e: {  	_ =	shalt  }
0x3f: {  	_ =	shalt  }
0x40: {  	_ =	shalt  }
0x41: {  	_ =	shalt  }
0x42: {  	_ =	shalt  }
0x43: {  	_ =	shalt  }
0x44: {  	_ =	shalt  }
0x45: {  	_ =	shalt  }
0x46: {  	_ =	shalt  }
0x47: {  	_ =	shalt  }
0x48: {  	_ =	shalt  }
0x49: {  	_ =	shalt  }
0x4a: {  	_ =	shalt  }
0x4b: {  	_ =	shalt  }
0x4c: {  	_ =	shalt  }
0x4d: {  	_ =	shalt  }
0x4e: {  	_ =	shalt  }
0x4f: {  	_ =	shalt  }
0x50: {  	_ =	shalt  }
0x51: {  	_ =	shalt  }
0x52: {  	_ =	shalt  }
0x53: {  	_ =	shalt  }
0x54: {  	_ =	shalt  }
0x55: {  	_ =	shalt  }
0x56: {  	_ =	shalt  }
0x57: {  	_ =	shalt  }
0x58: {  	_ =	shalt  }
0x59: {  	_ =	shalt  }
0x5a: {  	_ =	shalt  }
0x5b: {  	_ =	shalt  }
0x5c: {  	_ =	shalt  }
0x5d: {  	_ =	shalt  }
0x5e: {  	_ =	shalt  }
0x5f: {  	_ =	shalt  }
0x60: {  	_ =	shalt  }
0x61: {  	_ =	shalt  }
0x62: {  	_ =	shalt  }
0x63: {  	_ =	shalt  }
0x64: {  	_ =	shalt  }
0x65: {  	_ =	shalt  }
0x66: {  	_ =	shalt  }
0x67: {  	_ =	shalt  }
0x68: {  	_ =	shalt  }
0x69: {  	_ =	shalt  }
0x6a: {  	_ =	shalt  }
0x6b: {  	_ =	shalt  }
0x6c: {  	_ =	shalt  }
0x6d: {  	_ =	shalt  }
0x6e: {  	_ =	shalt  }
0x6f: {  	_ =	shalt  }
0x70: {  	_ =	shalt  }
0x71: {  	_ =	shalt  }
0x72: {  	_ =	shalt  }
0x73: {  	_ =	shalt  }
0x74: {  	_ =	shalt  }
0x75: {  	_ =	shalt  }
0x76: {  	_ =	shalt  }
0x77: {  	_ =	shalt  }
0x78: {  	_ =	shalt  }
0x79: {  	_ =	shalt  }
0x7a: {  	_ =	shalt  }
0x7b: {  	_ =	shalt  }
0x7c: {  	_ =	shalt  }
0x7d: {  	_ =	shalt  }
0x7e: {  	_ =	shalt  }
0x7f: {  	_ =	shalt  }
0x80: {  	_ =	shalt  }
0x81: {  	_ =	shalt  }
0x82: {  	_ =	shalt  }
0x83: {  	_ =	shalt  }
0x84: {  	_ =	shalt  }
0x85: {  	_ =	shalt  }
0x86: {  	_ =	shalt  }
0x87: {  	_ =	shalt  }
.Lfunc_end0:
.L_simem_size_0:
called_computation.1_lowered:
.L_overlay_start_0:
0x88: {  	s2 =	sld [smem:$0x3FD9]  }
0x89: {  	s3 =	sld [smem:$0x3FFE];
	_ =	sdelay $0x1  }
0x8a: {  	s1 =	srdreg.scid  }
0x8b: {  	s0 =	sand.u32 $0x1, s1  }
0x8c: {  	s14 =	sshll.u32 s0, $0xA;
	s2 =	sadd.s32 s3, s2  }
0x8d: {  	s2 =	sadd.s32 s2, s14  }
0x8e: {  	[smem:$0x3FB9] =	sst s2  }
0x8f: {  	_ = 	snop  }
0x90: {  	s2 =	sld [smem:$0x3FD0];
	_ =	sdelay $0x2  }
0x91: {  	s15 =	simm.s32 $0xB;
	s4 =	simm.s32 $0x10  }
0x92: {  	[smem:s4], [sflag:s15] =	dma.local [hbm:s2], $0x1  }
0x93: {  	_ =	swait.eq [sflag:s15], $0x1  }
0x94: {  	[sflag:s15] =	ssyncset.done $0x0  }
0x95: {  	s16 =	sld [smem:$0x10];
	[sflag:s15] =	ssyncadd.s32 $0xFFFFFFFF  }
0x96: {  	s17 =	sld [smem:$0x11];
	(tm) =	ssettm $0x1  }
0x97: {  	s18 =	sld [smem:$0x3FFB];
	_ =	sdelay $0x3  }
0x98: {  	_ =	strace s18  }
0x99: {  	s4 =	sld [smem:$0x3FFC];
	_ =	sdelay $0x3  }
0x9a: {  	_ =	strace s4  }
0x9b: {  	s4 =	sld [smem:$0x3FFD];
	_ =	sdelay $0x3  }
0x9c: {  	_ =	strace s4  }
0x9d: {  	_ =	strace $0x8FFFFFFF  }
0x9e: {  	s19 =	sld [smem:$0x3FDB];
	_ =	sdelay $0x1  }
0x9f: {  	s5 =	simm.s32 $_scs_section_size  }
0xa0: {  	s6 =	simm.s32 $_size__tile_overlayer_lowered;
	s7 =	simm.s32 $_tile_overlayer_lowered  }
0xa1: {  	s22 =	simm.s32 $0x1BFF;
	s21 =	sshll.u32 s7, $0x1;
	s4 =	sadd.s32 s5, s19  }
0xa2: {  	s8 =	simm.s32 $0x0;
	s20 =	sshll.u32 s6, $0x1;
	s6 =	sadd.s32 s21, s4  }
0xa3: {  	[timem:s8], [sflag:s22] =	dma.local [hbm:s6], s20  }
0xa4: {  	_ =	swait.ge [sflag:s22], s20  }
0xa5: {  	s5 =	ssub.s32 $0x0, s20;
	[sflag:s22] =	ssyncset.done $0x0  }
0xa6: {  	[sflag:s22] =	ssyncadd.s32 s5;
	_ =	sdelay $0x1  }
0xa7: {  	s23 =	simm.s32 $0x1B8B  }
0xa8: {  	_ =	swait.ge [sflag:s23], $0x1  }
0xa9: {  	[sflag:s23] =	ssyncset.done $0x0  }
0xaa: {  	s25 =	simm.s32 $0x1B8E;
	s24 =	sld [smem:$0x3FFE];
	[sflag:s23] =	ssyncadd.s32 $0xFFFFFFFF  }
0xab: {  	s26 =	simm.s32 $execute0_lowered;
	[smem:$0x3FD2] =	sst s25  }
0xac: {  	s6 =	sshll.u32 s26, $0x1;
	_ =	strace $0x80000046;
	[dreg:$0x1] =	wrdreg $0xFFFFFFFF  }
0xad: {  	s28 =	simm.s32 $_size_execute0_lowered;
	s4 =	sadd.s32 s4, s6;
	[dreg:$0x0] =	wrdreg $0x0  }
0xae: {  	s6 =	sshll.u32 s28, $0x1;
	[dreg:$0x2] =	wrdreg s4  }
0xaf: {  	[dreg:$0x3] =	wrdreg s6  }
0xb0: {  	[dreg:$0x4] =	wrdreg $0xC0  }
0xb1: {  	_ =	task [dreg:s8], $0x5FFFF  }
0xb2: {  	[dreg:$0x1] =	wrdreg $0xFFFFFFFF  }
0xb3: {  	[dreg:$0x0] =	wrdreg $0x60  }
0xb4: {  	[dreg:$0x2] =	wrdreg s24  }
0xb5: {  	[dreg:$0x3] =	wrdreg s16  }
0xb6: {  	[dreg:$0x4] =	wrdreg s17  }
0xb7: {  	[dreg:$0x5] =	wrdreg $0xA  }
0xb8: {  	_ =	task.clear_ibuf [dreg:s8], $0x6FFFF;
	_ =	strace $0x90000046  }
0xb9: {  	s29 =	simm.s32 $0xA;
	_ =	strace $0x80000048  }
0xba: {  	_ =	swait.ge [sflag:s29], $0x1  }
0xbb: {  	[sflag:s29] =	ssyncadd.s32 $0xFFFFFFFF  }
0xbc: {  	_ =	strace $0x90000048  }
0xbd: {  	_ =	sfence  }
0xbe: {  	s30 =	sld [smem:$0x0];
	_ =	sdelay $0x2  }
0xbf: {  	s31 =	sshll.u32 s1, $0xD;
	s1 =	sshrl.u32 s1, $0x2  }
0xc0: {  	s3 =	sand.u32 $0x4000, s31;
	s1 =	sadd.s32 s1, s30  }
0xc1: {  	s0 =	sor.u32 s3, s0;
	s1 =	sshll.u32 s1, $0x11  }
0xc2: {  	s0 =	sor.u32 s1, s0  }
0xc3: {  	s0 =	sadd.s32 $0x8F2B, s0  }
0xc4: {  	[sflag:s0] =	ssyncadd.remote.s32 $0x1  }
0xc5: {  	_ =	sfence.sel $0xFFFF  }
0xc6: {  	[dreg:$0x0] =	wrdreg $0xFFFFFFFF;
	(pc) =	sbr.abs _section_cstart, $3  }
0xc7: {  	[dreg:$0x1] =	wrdreg $0xFFFFFFFF  }
0xc8: {  	_ =	task.clear_ibuf [dreg:s8], $0x2FFFF;
	_ =	strace $0x9FFFFFFF  }
0xc9: {  	(tm) =	ssettm $0x7FFFFFFF  }
tec
execute0_lowered:
.L_overlay_start_1:
0x0: {  	(tag) =	ssettag $0x1  }
0x1: {  	s0 =	rddreg [dreg:$0x0]  }
0x2: {  	s1 =	srdreg.scid;
	s2 =	rddreg [dreg:$0x1]  }
0x3: {  	s3 =	rddreg [dreg:$0x2];
	s6 =	stileid.u32  }
0x4: {  	s4 =	simm.s32 $0x0;
	s16 =	simm.s32 $0x400;
	s31 =	simm.s32 $0x50  }
0x5: {  	s28 =	simm.s32 $0x3;
	s12 =	simm.s32 $0x2;
	s1 =	sand.u32 $0x1, s1  }
0x6: {  	s13 =	simm.s32 $0x4;
	s14 =	simm.s32 $0x19800;
	s5 =	sshll.u32 s1, $0x4  }
0x7: {  	s15 =	simm.s32 $0x0;
	s1 =	ssub.s32 $0x2, s1;
	s5 =	sor.u32 s6, s5  }
0x8: {  	[smem:$0x7FF] =	sst s4;
	s9 =	sshrl.u32 s1, $0x1;
	s5 =	smul.u32 $0x2710, s5  }
0x9: {  	s7 =	sadd.s32 $0xCE00, s0;
	s8 =	sadd.s32 $0x16C00, s0;
	s17 =	ssub.s32 s1, s9  }
0xa: {  	s6 =	sadd.s32 $0x3000, s0;
	s0 =	smax.u32 s17, $0x1;
	s10 =	sshrl.u32 s5, $0x3  }
0xb: {  	_ =	strace $0x80000047;
	[dreg:$0xf] =	wrdreg s0;
	s18 =	sadd.s32 s6, s10  }
0xc: {  	s19 =	sadd.s32 s7, s10;
	s20 =	sadd.s32 $0xA, s10;
	[dreg:$0x4] =	wrdreg s18  }
0xd: {  	s9 =	simm.s32 $0x8000;
	[dreg:$0x5] =	wrdreg s19;
	s11 =	sadd.s32 s6, s20  }
0xe: {  	s21 =	sadd.s32 $0x14, s10;
	s1 =	sadd.s32 s7, s20;
	[dreg:$0x6] =	wrdreg s11  }
0xf: {  	s25 =	sadd.s32 $0x26C0, s5;
	s22 =	sadd.s32 s6, s21;
	[dreg:$0x7] =	wrdreg s1  }
0x10: {  	s24 =	sadd.s32 $0x1E, s10;
	s23 =	sadd.s32 s7, s21;
	[dreg:$0x8] =	wrdreg s22  }
0x11: {  	s26 =	sshrl.u32 s25, $0x3;
	s10 =	sadd.s32 s6, s24;
	[dreg:$0x9] =	wrdreg s23  }
0x12: {  	s30 =	sshll.u32 s25, $0x4;
	s29 =	sadd.s32 s6, s26;
	[dreg:$0xa] =	wrdreg s10  }
0x13: {  	s18 =	simm.s32 $0x800;
	s1 =	sadd.s32 s7, s24;
	[dreg:$0xc] =	wrdreg s29  }
0x14: {  	s19 =	simm.s32 $0xA800;
	[dreg:$0xb] =	wrdreg s1;
	s1 =	sadd.s32 s7, s26  }
0x15: {  	s10 =	simm.s32 $0x12000;
	[dreg:$0xd] =	wrdreg s1;
	s1 =	sadd.s32 s8, s30  }
0x16: {  	s11 =	simm.s32 $0x14800;
	s26 =	simm.s32 $0x1;
	[dreg:$0xe] =	wrdreg s1  }
.LBB2_1:
0x17: {  	[dreg:$0x10] =	wrdreg s15  }
0x18: {  	s0 =	rddreg [dreg:$0x4]  }
0x19: {  	[tilespmem:s4], [sflag:$0x7] =	stream.linear.gather [hbm4b:s0+s4], $0x50, $0x38;
	[tilespmem:$0x1E800] =	vst v63  }
0x1a: {  	s22 =	rddreg [dreg:$0x5]  }
0x1b: {  	[tilespmem:s16], [sflag:$0xB] =	stream.linear.gather [hbm4b:s22+s4], $0x50, $0x38;
	[tilespmem:$0x1E800] =	vst v63  }
0x1c: {  	s23 =	rddreg [dreg:$0x6];
	s1 =	simm.s32 $0x80  }
0x1d: {  	[tilespmem:s1], [sflag:$0x7] =	stream.linear.gather [hbm4b:s23+s4], $0x50, $0x38;
	[tilespmem:$0x1E800] =	vst v63  }
0x1e: {  	s24 =	rddreg [dreg:$0x7];
	s15 =	simm.s32 $0x480  }
0x1f: {  	[tilespmem:s15], [sflag:$0xB] =	stream.linear.gather [hbm4b:s24+s4], $0x50, $0x38;
	[tilespmem:$0x1E800] =	vst v63  }
0x20: {  	s25 =	rddreg [dreg:$0x8];
	s17 =	simm.s32 $0x100  }
0x21: {  	[tilespmem:s17], [sflag:$0x8] =	stream.linear.gather [hbm4b:s25+s4], $0x50, $0x38;
	[tilespmem:$0x1E800] =	vst v63  }
0x22: {  	s29 =	rddreg [dreg:$0x9];
	s30 =	simm.s32 $0x500  }
0x23: {  	[tilespmem:s30], [sflag:$0xC] =	stream.linear.gather [hbm4b:s29+s4], $0x50, $0x38;
	[tilespmem:$0x1E800] =	vst v63  }
0x24: {  	s20 =	rddreg [dreg:$0xa];
	s21 =	simm.s32 $0x180  }
0x25: {  	[tilespmem:s21], [sflag:$0x8] =	stream.linear.gather [hbm4b:s20+s4], $0x50, $0x38;
	[tilespmem:$0x1E800] =	vst v63  }
0x26: {  	s22 =	rddreg [dreg:$0xb];
	s23 =	simm.s32 $0x580;
	s24 =	simm.s32 $0x7  }
0x27: {  	[tilespmem:s23], [sflag:$0xC] =	stream.linear.gather [hbm4b:s22+s4], $0x50, $0x38;
	[tilespmem:$0x1E800] =	vst v63  }
0x28: {  	_ =	swait.ge [sflag:s24], $0x50  }
0x29: {  	[sflag:s24] =	ssyncset.done $0x0  }
0x2a: {  	s25 =	simm.s32 $0xB;
	[sflag:s24] =	ssyncadd.s32 $0xFFFFFFB0  }
0x2b: {  	_ =	swait.ge [sflag:s25], $0x50  }
0x2c: {  	[sflag:s25] =	ssyncset.done $0x0  }
0x2d: {  	[sflag:s25] =	ssyncadd.s32 $0xFFFFFFB0  }
0x2e: {  	_ =	swait.ge [sflag:s24], $0x50  }
0x2f: {  	[sflag:s24] =	ssyncset.done $0x0  }
0x30: {  	[sflag:s24] =	ssyncadd.s32 $0xFFFFFFB0  }
0x31: {  	_ =	swait.ge [sflag:s25], $0x50  }
0x32: {  	[sflag:s25] =	ssyncset.done $0x0  }
0x33: {  	[sflag:s25] =	ssyncadd.s32 $0xFFFFFFB0  }
0x34: {  	[tilespmem:s18], [sflag:$0x1] =	stream.indirect.gather [hbm4b:s2+s31], $0x80, s4, s31, $0xb8;
	[tilespmem:$0x1E800] =	vst v63  }
0x35: {  	_ = 	snop  }
0x36: {  	[tilespmem:s19], [sflag:$0x3] =	stream.indirect.gather [hbm4b:s3+s31], $0x80, s16, s31, $0xb8;
	[tilespmem:$0x1E800] =	vst v63  }
0x37: {  	s29 =	simm.s32 $0x3000  }
0x38: {  	[tilespmem:s29], [sflag:$0x1] =	stream.indirect.gather [hbm4b:s2+s31], $0x80, s1, s31, $0xb8;
	[tilespmem:$0x1E800] =	vst v63  }
0x39: {  	s17 =	simm.s32 $0x0;
	s30 =	simm.s32 $0xD000  }
0x3a: {  	[tilespmem:s30], [sflag:$0x3] =	stream.indirect.gather [hbm4b:s3+s31], $0x80, s15, s31, $0xb8;
	[tilespmem:$0x1E800] =	vst v63  }
.LBB2_2:
0x3b: {  	_ =	swait.ge [sflag:s26], $0x2800  }
0x3c: {  	[sflag:s26] =	ssyncset.done $0x0  }
0x3d: {  	[sflag:s26] =	ssyncadd.s32 $0xFFFFD800  }
0x3e: {  	_ =	swait.ge [sflag:s28], $0x2800  }
0x3f: {  	s21 =	sshll.u32 s17, $0x1;
	[sflag:s28] =	ssyncset.done $0x0  }
0x40: {  	p0 =	seq.s32 s17, $0x1E;
	s0 =	sadd.s32 $0x2, s21;
	[sflag:s28] =	ssyncadd.s32 $0xFFFFD800  }
0x41: {  	s1 =	smul.u32 @!p0 $0xA0, s0;
	_ =	swait.ge [sflag:s26], $0x2800  }
0x42: {  	s23 =	simm.s32 @!p0 $0x0;
	[sflag:s26] =	ssyncset.done $0x0  }
0x43: {  	s0 =	sand.u32 $0x2, s0;
	s15 =	sadd.s32 @!p0 s5, s1;
	[sflag:s26] =	ssyncadd.s32 $0xFFFFD800  }
0x44: {  	s19 =	sshll.u32 @!p0 s0, $0x8;
	s18 =	sshrl.u32 @!p0 s15, $0x3;
	_ =	swait.ge [sflag:s28], $0x2800  }
0x45: {  	s1 =	sadd.s32 @!p0 $0x7, s0;
	s15 =	sadd.s32 @!p0 s6, s18;
	[sflag:s28] =	ssyncset.done $0x0  }
0x46: {  	s20 =	sadd.s32 @!p0 s7, s18;
	s29 =	sadd.s32 @!p0 $0xA, s18;
	[sflag:s28] =	ssyncadd.s32 $0xFFFFD800  }
0x47: {  	[tilespmem:s19], [sflag:s1] =	stream.linear.gather @!p0 [hbm4b:s15+s23], $0x50, $0x38;
	[tilespmem:$0x1E800] =	vst v63  }
0x48: {  	s18 =	sshllo.u32 s17, $0x1;
	s15 =	sadd.s32 @!p0 $0xB, s0;
	s0 =	sor.u32 @!p0 $0x400, s19  }
0x49: {  	[tilespmem:s0], [sflag:s15] =	stream.linear.gather @!p0 [hbm4b:s20+s23], $0x50, $0x38;
	[tilespmem:$0x1E800] =	vst v63  }
0x4a: {  	s22 =	sadd.s32 @!p0 s6, s29;
	s30 =	sand.u32 $0x3, s18;
	s20 =	sor.u32 @!p0 $0x80, s19  }
0x4b: {  	[tilespmem:s20], [sflag:s1] =	stream.linear.gather @!p0 [hbm4b:s22+s23], $0x50, $0x38;
	[tilespmem:$0x1E800] =	vst v63  }
0x4c: {  	s29 =	sadd.s32 @!p0 s7, s29;
	s16 =	sadd.s32 $0x7, s30;
	s22 =	sor.u32 @!p0 $0x480, s19  }
0x4d: {  	[tilespmem:s22], [sflag:s15] =	stream.linear.gather @!p0 [hbm4b:s29+s23], $0x50, $0x38;
	[tilespmem:$0x1E800] =	vst v63  }
0x4e: {  	_ =	swait.ge [sflag:s16], $0x50  }
0x4f: {  	[sflag:s16] =	ssyncset.done $0x0  }
0x50: {  	s29 =	sadd.s32 $0xB, s30;
	[sflag:s16] =	ssyncadd.s32 $0xFFFFFFB0  }
0x51: {  	_ =	swait.ge [sflag:s29], $0x50  }
0x52: {  	[sflag:s29] =	ssyncset.done $0x0  }
0x53: {  	[sflag:s29] =	ssyncadd.s32 $0xFFFFFFB0  }
0x54: {  	_ =	swait.ge [sflag:s16], $0x50  }
0x55: {  	[sflag:s16] =	ssyncset.done $0x0  }
0x56: {  	[sflag:s16] =	ssyncadd.s32 $0xFFFFFFB0  }
0x57: {  	_ =	swait.ge [sflag:s29], $0x50  }
0x58: {  	p1 =	seq.s32 s17, $0x0;
	[sflag:s29] =	ssyncset.done $0x0  }
0x59: {  	s23 =	simm.s32 @!p1 $0x6;
	[sflag:s29] =	ssyncadd.s32 $0xFFFFFFB0  }
0x5a: {  	_ =	swait.ge @!p1 [sflag:s23], $0x5000  }
0x5b: {  	[sflag:s23] =	ssyncset.done @!p1 $0x0  }
0x5c: {  	s16 =	simm.s32 $0x5800;
	s29 =	sshll.u32 s30, $0x8;
	[sflag:s23] =	ssyncadd.s32 @!p1 $0xFFFFB000  }
0x5d: {  	[tilespmem:s16], [sflag:$0x2] =	stream.indirect.gather [hbm4b:s2+s31], $0x80, s29, s31, $0xb8;
	[tilespmem:$0x1E800] =	vst v63  }
0x5e: {  	s25 =	simm.s32 $0xF800;
	s24 =	sor.u32 $0x400, s29  }
0x5f: {  	[tilespmem:s25], [sflag:$0x4] =	stream.indirect.gather [hbm4b:s3+s31], $0x80, s24, s31, $0xb8;
	[tilespmem:$0x1E800] =	vst v63  }
0x60: {  	s24 =	sor.u32 $0x80, s29  }
0x61: {  	[tilespmem:s9], [sflag:$0x2] =	stream.indirect.gather [hbm4b:s2+s31], $0x80, s24, s31, $0xb8;
	[tilespmem:$0x1E800] =	vst v63  }
0x62: {  	s25 =	sor.u32 $0x480, s29;
	s29 =	simm.s32 $0x0  }
0x63: {  	[tilespmem:s10], [sflag:$0x4] =	stream.indirect.gather [hbm4b:s3+s31], $0x80, s25, s31, $0xb8;
	[tilespmem:$0x1E800] =	vst v63  }
0x64: {  	v0 =	vld [tilespmem:s29+$0x830]  }
0x65: {  	v1 =	vld [tilespmem:s29+$0xA830]  }
0x66: {  	v2 =	vld [tilespmem:s29+$0x870]  }
0x67: {  	v3 =	vld [tilespmem:s29+$0xA870]  }
0x68: {  	v4 =	vld [tilespmem:s29+$0x800]  }
0x69: {  	v5 =	vld [tilespmem:s29+$0xA800]  }
0x6a: {  	v6 =	vld [tilespmem:s29+$0x840]  }
0x6b: {  	v7 =	vld [tilespmem:s29+$0xA840]  }
0x6c: {  	v8 =	vld [tilespmem:s29+$0x810];
	v0 =	vadd.f32 v1, v0;
	v1 =	vadd.f32 v3, v2  }
0x6d: {  	v9 =	vld [tilespmem:s29+$0x850]  }
0x6e: {  	v3 =	vld [tilespmem:s29+$0xA810];
	v0 =	vadd.s32 $0x8000, v0;
	v1 =	vadd.s32 $0x8000, v1  }
0x6f: {  	v10 =	vld [tilespmem:s29+$0xA850];
	v0 =	vshrl.u32 v0, $0x10;
	v1 =	vand.u32 $0xFFFF0000, v1  }
0x70: {  	v11 =	vld [tilespmem:s29+$0x820];
	v0 =	vor.u32 v0, v1;
	v1 =	vadd.f32 v5, v4;
	v4 =	vadd.f32 v7, v6  }
0x71: {  	v12 =	vld [tilespmem:s29+$0xA820]  }
0x72: {  	v2 =	vld [tilespmem:s29+$0x860];
	[tilespmem:s29+$0x14830] =	vst v0;
	v0 =	vadd.s32 $0x8000, v1;
	v1 =	vadd.s32 $0x8000, v4  }
0x73: {  	s30 =	simm.s32 $0x80;
	v3 =	vadd.f32 v3, v8;
	v4 =	vld [tilespmem:s29+$0xA860];
	v5 =	vshrl.u32 v0, $0x10;
	v1 =	vand.u32 $0xFFFF0000, v1  }
0x74: {  	v6 =	vadd.f32 v10, v9;
	v0 =	vld [tilespmem:s30+$0x830];
	v5 =	vor.u32 v5, v1  }
0x75: {  	v3 =	vadd.s32 $0x8000, v3;
	v1 =	vld [tilespmem:s30+$0xA830];
	[tilespmem:s29+$0x14800] =	vst v5  }
0x76: {  	s23 =	simm.s32 $0x400;
	v7 =	vadd.s32 $0x8000, v6;
	v6 =	vadd.f32 v12, v11;
	v5 =	vshrl.u32 v3, $0x10;
	v3 =	vld [tilespmem:s30+$0x870]  }
.LBB2_3:
0x77: {  	p1 =	sne.s32 s23, $0x13E00;
	v8 =	vld [tilespmem:s30+$0xA870];
	v7 =	vand.u32 $0xFFFF0000, v7  }
0x78: {  	v9 =	vld [tilespmem:s30+$0x800];
	v5 =	vor.u32 v5, v7;
	v2 =	vadd.f32 v4, v2;
	v4 =	vadd.s32 $0x8000, v6  }
0x79: {  	v6 =	vld [tilespmem:s30+$0xA800];
	[tilespmem:s29+$0x14810] =	vst v5;
	v4 =	vshrl.u32 v4, $0x10  }
0x7a: {  	v5 =	vld [tilespmem:s30+$0x840];
	v2 =	vadd.s32 $0x8000, v2  }
0x7b: {  	v7 =	vld [tilespmem:s30+$0xA840];
	v2 =	vand.u32 $0xFFFF0000, v2  }
0x7c: {  	v0 =	vadd.f32 v1, v0;
	v10 =	vld [tilespmem:s30+$0x810];
	v1 =	vadd.f32 v8, v3;
	v2 =	vor.u32 v4, v2  }
0x7d: {  	v3 =	vld [tilespmem:s30+$0xA810];
	[tilespmem:s29+$0x14820] =	vst v2;
	s29 =	smov.u32 s30  }
0x7e: {  	v0 =	vadd.s32 $0x8000, v0;
	v2 =	vadd.f32 v6, v9;
	v6 =	vld [tilespmem:s29+$0x850];
	v1 =	vadd.s32 $0x8000, v1  }
0x7f: {  	v0 =	vshrl.u32 v0, $0x10;
	v8 =	vld [tilespmem:s29+$0xA850];
	v1 =	vand.u32 $0xFFFF0000, v1  }
0x80: {  	v4 =	vadd.f32 v7, v5;
	v2 =	vadd.s32 $0x8000, v2;
	v9 =	vld [tilespmem:s29+$0x820];
	v0 =	vor.u32 v0, v1  }
0x81: {  	v1 =	vshrl.u32 v2, $0x10;
	v11 =	vld [tilespmem:s29+$0xA820];
	[tilespmem:s29+$0x14830] =	vst v0  }
.Ltmp0:
0x82: {  	v0 =	vadd.s32 $0x8000, v4;
	v3 =	vadd.f32 v3, v10;
	v2 =	vld [tilespmem:s29+$0x860];
	(pc) =	sbr.rel @p1 .LBB2_3-.Ltmp0, $4  }
0x83: {  	s30 =	sshra.s32 s23, $0x2;
	v5 =	vand.u32 $0xFFFF0000, v0;
	v4 =	vld [tilespmem:s29+$0xA860]  }
0x84: {  	v0 =	vld [tilespmem:s30+$0x830];
	v5 =	vor.u32 v1, v5;
	v6 =	vadd.f32 v8, v6;
	v3 =	vadd.s32 $0x8000, v3  }
0x85: {  	v1 =	vld [tilespmem:s30+$0xA830];
	[tilespmem:s29+$0x14800] =	vst v5;
	v5 =	vshrl.u32 v3, $0x10  }
0x86: {  	s23 =	sadd.s32 $0x200, s23;
	v3 =	vld [tilespmem:s30+$0x870];
	v7 =	vadd.s32 $0x8000, v6;
	v6 =	vadd.f32 v11, v9  }
0x87: {  	v8 =	vld [tilespmem:s30+$0xA870];
	v7 =	vand.u32 $0xFFFF0000, v7  }
0x88: {  	v9 =	vld [tilespmem:s30+$0x800];
	v5 =	vor.u32 v5, v7;
	v2 =	vadd.f32 v4, v2  }
0x89: {  	v7 =	vld [tilespmem:s30+$0xA800];
	[tilespmem:s29+$0x14810] =	vst v5  }
0x8a: {  	v5 =	vadd.s32 $0x8000, v6;
	v4 =	vld [tilespmem:s30+$0x840];
	v2 =	vadd.s32 $0x8000, v2  }
0x8b: {  	v6 =	vld [tilespmem:s30+$0xA840];
	v5 =	vshrl.u32 v5, $0x10;
	v2 =	vand.u32 $0xFFFF0000, v2  }
0x8c: {  	v10 =	vld [tilespmem:s30+$0x810];
	v2 =	vor.u32 v5, v2  }
0x8d: {  	v5 =	vld [tilespmem:s30+$0xA810];
	[tilespmem:s29+$0x14820] =	vst v2  }
0x8e: {  	v0 =	vadd.f32 v1, v0;
	v1 =	vadd.f32 v8, v3;
	v2 =	vld [tilespmem:s30+$0x850]  }
0x8f: {  	v3 =	vld [tilespmem:s30+$0xA850]  }
0x90: {  	v0 =	vadd.s32 $0x8000, v0;
	v1 =	vadd.s32 $0x8000, v1;
	v8 =	vld [tilespmem:s30+$0x820]  }
0x91: {  	v0 =	vshrl.u32 v0, $0x10;
	v11 =	vld [tilespmem:s30+$0xA860];
	v1 =	vand.u32 $0xFFFF0000, v1  }
0x92: {  	v0 =	vor.u32 v0, v1;
	v1 =	vld [tilespmem:s30+$0xA820]  }
0x93: {  	[tilespmem:s30+$0x14830] =	vst v0;
	v0 =	vld [tilespmem:s30+$0x860]  }
0x94: {  	v7 =	vadd.f32 v7, v9;
	v4 =	vadd.f32 v6, v4;
	_ =	sdelay $0x1  }
0x95: {  	v6 =	vadd.s32 $0x8000, v7;
	v4 =	vadd.s32 $0x8000, v4;
	v5 =	vadd.f32 v5, v10  }
0x96: {  	v6 =	vshrl.u32 v6, $0x10;
	v4 =	vand.u32 $0xFFFF0000, v4;
	v2 =	vadd.f32 v3, v2  }
0x97: {  	v3 =	vadd.s32 $0x8000, v5;
	v1 =	vadd.f32 v1, v8;
	v0 =	vadd.f32 v11, v0  }
0x98: {  	s23 =	smul.u32 $0x140, s17;
	v4 =	vor.u32 v6, v4;
	v3 =	vshrl.u32 v3, $0x10;
	v2 =	vadd.s32 $0x8000, v2  }
0x99: {  	v2 =	vand.u32 $0xFFFF0000, v2;
	v1 =	vadd.s32 $0x8000, v1;
	v0 =	vadd.s32 $0x8000, v0  }
0x9a: {  	s23 =	sadd.s32 s5, s23;
	[tilespmem:s30+$0x14800] =	vst v4;
	v2 =	vor.u32 v3, v2;
	v1 =	vshrl.u32 v1, $0x10;
	v0 =	vand.u32 $0xFFFF0000, v0  }
0x9b: {  	s23 =	sshll.u32 s23, $0x4;
	[tilespmem:s30+$0x14810] =	vst v2;
	v0 =	vor.u32 v1, v0  }
0x9c: {  	s23 =	sadd.s32 s8, s23;
	[tilespmem:s30+$0x14820] =	vst v0  }
0x9d: {  	[hbm4b:s23+s4] =	stream.linear.scatter [tilespmem:s11], [sflag:$0x5], $0x5000, $0x38;
	[tilespmem:$0x1E800] =	vst v63  }
0x9e: {  	_ =	swait.ge [sflag:s12], $0x2800  }
0x9f: {  	[sflag:s12] =	ssyncset.done $0x0  }
0xa0: {  	[sflag:s12] =	ssyncadd.s32 $0xFFFFD800  }
0xa1: {  	_ =	swait.ge [sflag:s13], $0x2800  }
0xa2: {  	[sflag:s13] =	ssyncset.done $0x0  }
0xa3: {  	[sflag:s13] =	ssyncadd.s32 $0xFFFFD800  }
0xa4: {  	s21 =	sadd.s32 @!p0 $0x3, s21;
	_ =	swait.ge [sflag:s12], $0x2800  }
0xa5: {  	s23 =	smul.u32 @!p0 $0xA0, s21;
	[sflag:s12] =	ssyncset.done $0x0  }
0xa6: {  	s24 =	simm.s32 @!p0 $0x0;
	[sflag:s12] =	ssyncadd.s32 $0xFFFFD800  }
0xa7: {  	s21 =	sand.u32 @!p0 $0x3, s21;
	s23 =	sadd.s32 @!p0 s5, s23;
	_ =	swait.ge [sflag:s13], $0x2800  }
0xa8: {  	s29 =	sadd.s32 @!p0 $0x7, s21;
	s23 =	sshrl.u32 @!p0 s23, $0x3;
	[sflag:s13] =	ssyncset.done $0x0  }
0xa9: {  	s30 =	sshll.u32 @!p0 s21, $0x8;
	s16 =	sadd.s32 @!p0 s6, s23;
	[sflag:s13] =	ssyncadd.s32 $0xFFFFD800  }
0xaa: {  	[tilespmem:s30], [sflag:s29] =	stream.linear.gather @!p0 [hbm4b:s16+s24], $0x50, $0x38;
	[tilespmem:$0x1E800] =	vst v63  }
0xab: {  	s25 =	sadd.s32 @!p0 s7, s23;
	s16 =	sadd.s32 @!p0 $0xB, s21;
	s21 =	sor.u32 @!p0 $0x400, s30  }
0xac: {  	[tilespmem:s21], [sflag:s16] =	stream.linear.gather @!p0 [hbm4b:s25+s24], $0x50, $0x38;
	[tilespmem:$0x1E800] =	vst v63  }
0xad: {  	s21 =	sadd.s32 @!p0 $0xA, s23  }
0xae: {  	s23 =	sor.u32 @!p0 $0x80, s30;
	s25 =	sadd.s32 @!p0 s6, s21  }
0xaf: {  	[tilespmem:s23], [sflag:s29] =	stream.linear.gather @!p0 [hbm4b:s25+s24], $0x50, $0x38;
	[tilespmem:$0x1E800] =	vst v63  }
0xb0: {  	s21 =	sadd.s32 @!p0 s7, s21;
	s23 =	sor.u32 @!p0 $0x480, s30  }
0xb1: {  	[tilespmem:s23], [sflag:s16] =	stream.linear.gather @!p0 [hbm4b:s21+s24], $0x50, $0x38;
	[tilespmem:$0x1E800] =	vst v63  }
0xb2: {  	_ =	swait.ge @!p0 [sflag:s1], $0x50  }
0xb3: {  	[sflag:s1] =	ssyncset.done @!p0 $0x0  }
0xb4: {  	[sflag:s1] =	ssyncadd.s32 @!p0 $0xFFFFFFB0  }
0xb5: {  	_ =	swait.ge @!p0 [sflag:s15], $0x50  }
0xb6: {  	[sflag:s15] =	ssyncset.done @!p0 $0x0  }
0xb7: {  	[sflag:s15] =	ssyncadd.s32 @!p0 $0xFFFFFFB0  }
0xb8: {  	_ =	swait.ge @!p0 [sflag:s1], $0x50  }
0xb9: {  	[sflag:s1] =	ssyncset.done @!p0 $0x0  }
0xba: {  	[sflag:s1] =	ssyncadd.s32 @!p0 $0xFFFFFFB0  }
0xbb: {  	_ =	swait.ge @!p0 [sflag:s15], $0x50  }
0xbc: {  	[sflag:s15] =	ssyncset.done @!p0 $0x0  }
0xbd: {  	s1 =	simm.s32 @!p0 $0x5;
	[sflag:s15] =	ssyncadd.s32 @!p0 $0xFFFFFFB0  }
0xbe: {  	_ =	swait.ge @!p0 [sflag:s1], $0x5000  }
0xbf: {  	[sflag:s1] =	ssyncset.done @!p0 $0x0  }
0xc0: {  	s15 =	simm.s32 @!p0 $0x800;
	[sflag:s1] =	ssyncadd.s32 @!p0 $0xFFFFB000;
	s1 =	simm.s32 @!p0 $0x50  }
0xc1: {  	[tilespmem:s15], [sflag:$0x1] =	stream.indirect.gather @!p0 [hbm4b:s2+s1], $0x80, s19, s1, $0xb8;
	[tilespmem:$0x1E800] =	vst v63  }
0xc2: {  	s15 =	simm.s32 @!p0 $0xA800  }
0xc3: {  	[tilespmem:s15], [sflag:$0x3] =	stream.indirect.gather @!p0 [hbm4b:s3+s1], $0x80, s0, s1, $0xb8;
	[tilespmem:$0x1E800] =	vst v63  }
0xc4: {  	s0 =	simm.s32 @!p0 $0x3000  }
0xc5: {  	[tilespmem:s0], [sflag:$0x1] =	stream.indirect.gather @!p0 [hbm4b:s2+s1], $0x80, s20, s1, $0xb8;
	[tilespmem:$0x1E800] =	vst v63  }
0xc6: {  	s0 =	simm.s32 @!p0 $0xD000  }
0xc7: {  	[tilespmem:s0], [sflag:$0x3] =	stream.indirect.gather @!p0 [hbm4b:s3+s1], $0x80, s22, s1, $0xb8;
	[tilespmem:$0x1E800] =	vst v63  }
0xc8: {  	s0 =	simm.s32 $0x0  }
0xc9: {  	v0 =	vld [tilespmem:s0+$0x5830]  }
0xca: {  	v1 =	vld [tilespmem:s0+$0xF830]  }
0xcb: {  	v2 =	vld [tilespmem:s0+$0x5870]  }
0xcc: {  	v3 =	vld [tilespmem:s0+$0xF870]  }
0xcd: {  	v4 =	vld [tilespmem:s0+$0x5800]  }
0xce: {  	v5 =	vld [tilespmem:s0+$0xF800]  }
0xcf: {  	v6 =	vld [tilespmem:s0+$0x5840]  }
0xd0: {  	v7 =	vld [tilespmem:s0+$0xF840]  }
0xd1: {  	v8 =	vld [tilespmem:s0+$0x5810];
	v0 =	vadd.f32 v1, v0;
	v1 =	vadd.f32 v3, v2  }
0xd2: {  	v61 =	vld [tilespmem:s0+$0x5850]  }
0xd3: {  	v3 =	vld [tilespmem:s0+$0xF810];
	v0 =	vadd.s32 $0x8000, v0;
	v1 =	vadd.s32 $0x8000, v1  }
0xd4: {  	v62 =	vld [tilespmem:s0+$0xF850];
	v0 =	vshrl.u32 v0, $0x10;
	v1 =	vand.u32 $0xFFFF0000, v1  }
0xd5: {  	v63 =	vld [tilespmem:s0+$0x5820];
	v0 =	vor.u32 v0, v1;
	v1 =	vadd.f32 v5, v4;
	v4 =	vadd.f32 v7, v6  }
0xd6: {  	v12 =	vld [tilespmem:s0+$0xF820]  }
0xd7: {  	v2 =	vld [tilespmem:s0+$0x5860];
	[tilespmem:s0+$0x19830] =	vst v0;
	v0 =	vadd.s32 $0x8000, v1;
	v1 =	vadd.s32 $0x8000, v4  }
0xd8: {  	s1 =	simm.s32 $0x80;
	v3 =	vadd.f32 v3, v8;
	v4 =	vld [tilespmem:s0+$0xF860];
	v5 =	vshrl.u32 v0, $0x10;
	v1 =	vand.u32 $0xFFFF0000, v1  }
0xd9: {  	v6 =	vadd.f32 v62, v61;
	v0 =	vld [tilespmem:s1+$0x5830];
	v5 =	vor.u32 v5, v1  }
0xda: {  	v3 =	vadd.s32 $0x8000, v3;
	v1 =	vld [tilespmem:s1+$0xF830];
	[tilespmem:s0+$0x19800] =	vst v5  }
0xdb: {  	s15 =	simm.s32 $0x400;
	v7 =	vadd.s32 $0x8000, v6;
	v6 =	vadd.f32 v12, v63;
	v5 =	vshrl.u32 v3, $0x10;
	v3 =	vld [tilespmem:s1+$0x5870]  }
.LBB2_5:
0xdc: {  	p0 =	sne.s32 s15, $0x13E00;
	v8 =	vld [tilespmem:s1+$0xF870];
	v7 =	vand.u32 $0xFFFF0000, v7  }
0xdd: {  	v9 =	vld [tilespmem:s1+$0x5800];
	v5 =	vor.u32 v5, v7;
	v2 =	vadd.f32 v4, v2;
	v4 =	vadd.s32 $0x8000, v6  }
0xde: {  	v6 =	vld [tilespmem:s1+$0xF800];
	[tilespmem:s0+$0x19810] =	vst v5;
	v4 =	vshrl.u32 v4, $0x10  }
0xdf: {  	v5 =	vld [tilespmem:s1+$0x5840];
	v2 =	vadd.s32 $0x8000, v2  }
0xe0: {  	v7 =	vld [tilespmem:s1+$0xF840];
	v2 =	vand.u32 $0xFFFF0000, v2  }
0xe1: {  	v0 =	vadd.f32 v1, v0;
	v10 =	vld [tilespmem:s1+$0x5810];
	v1 =	vadd.f32 v8, v3;
	v2 =	vor.u32 v4, v2  }
0xe2: {  	v3 =	vld [tilespmem:s1+$0xF810];
	[tilespmem:s0+$0x19820] =	vst v2;
	s0 =	smov.u32 s1  }
0xe3: {  	v0 =	vadd.s32 $0x8000, v0;
	v2 =	vadd.f32 v6, v9;
	v6 =	vld [tilespmem:s0+$0x5850];
	v1 =	vadd.s32 $0x8000, v1  }
0xe4: {  	v0 =	vshrl.u32 v0, $0x10;
	v8 =	vld [tilespmem:s0+$0xF850];
	v1 =	vand.u32 $0xFFFF0000, v1  }
0xe5: {  	v4 =	vadd.f32 v7, v5;
	v2 =	vadd.s32 $0x8000, v2;
	v9 =	vld [tilespmem:s0+$0x5820];
	v0 =	vor.u32 v0, v1  }
0xe6: {  	v1 =	vshrl.u32 v2, $0x10;
	v11 =	vld [tilespmem:s0+$0xF820];
	[tilespmem:s0+$0x19830] =	vst v0  }
.Ltmp1:
0xe7: {  	v0 =	vadd.s32 $0x8000, v4;
	v3 =	vadd.f32 v3, v10;
	v2 =	vld [tilespmem:s0+$0x5860];
	(pc) =	sbr.rel @p0 .LBB2_5-.Ltmp1, $4  }
0xe8: {  	s1 =	sshra.s32 s15, $0x2;
	v5 =	vand.u32 $0xFFFF0000, v0;
	v4 =	vld [tilespmem:s0+$0xF860]  }
0xe9: {  	v0 =	vld [tilespmem:s1+$0x5830];
	v5 =	vor.u32 v1, v5;
	v6 =	vadd.f32 v8, v6;
	v3 =	vadd.s32 $0x8000, v3  }
0xea: {  	v1 =	vld [tilespmem:s1+$0xF830];
	[tilespmem:s0+$0x19800] =	vst v5;
	v5 =	vshrl.u32 v3, $0x10  }
0xeb: {  	s15 =	sadd.s32 $0x200, s15;
	v3 =	vld [tilespmem:s1+$0x5870];
	v7 =	vadd.s32 $0x8000, v6;
	v6 =	vadd.f32 v11, v9  }
0xec: {  	v8 =	vld [tilespmem:s1+$0xF870];
	v7 =	vand.u32 $0xFFFF0000, v7  }
0xed: {  	v9 =	vld [tilespmem:s1+$0x5800];
	v5 =	vor.u32 v5, v7;
	v2 =	vadd.f32 v4, v2  }
0xee: {  	v52 =	vld [tilespmem:s1+$0xF800];
	[tilespmem:s0+$0x19810] =	vst v5  }
0xef: {  	v54 =	vadd.s32 $0x8000, v6;
	v53 =	vld [tilespmem:s1+$0x5840];
	v2 =	vadd.s32 $0x8000, v2  }
0xf0: {  	v5 =	vshrl.u32 v54, $0x10;
	v55 =	vld [tilespmem:s1+$0xF840];
	v2 =	vand.u32 $0xFFFF0000, v2  }
0xf1: {  	v10 =	vld [tilespmem:s1+$0x5810];
	v2 =	vor.u32 v5, v2  }
0xf2: {  	v56 =	vld [tilespmem:s1+$0xF810];
	[tilespmem:s0+$0x19820] =	vst v2  }
0xf3: {  	v2 =	vld [tilespmem:s1+$0x5850]  }
0xf4: {  	v58 =	vld [tilespmem:s1+$0xF850]  }
0xf5: {  	v59 =	vld [tilespmem:s1+$0x5820]  }
0xf6: {  	v0 =	vadd.f32 v1, v0;
	v60 =	vld [tilespmem:s1+$0xF820]  }
0xf7: {  	v57 =	vadd.f32 v8, v3;
	v7 =	vadd.f32 v52, v9;
	v61 =	vld [tilespmem:s1+$0x5860]  }
0xf8: {  	v0 =	vadd.s32 $0x8000, v0;
	v11 =	vld [tilespmem:s1+$0xF860]  }
0xf9: {  	v0 =	vshrl.u32 v0, $0x10;
	v1 =	vadd.s32 $0x8000, v57;
	v62 =	vadd.s32 $0x8000, v7  }
0xfa: {  	v1 =	vand.u32 $0xFFFF0000, v1;
	v4 =	vadd.f32 v55, v53;
	v5 =	vadd.f32 v56, v10  }
0xfb: {  	v6 =	vshrl.u32 v62, $0x10;
	v0 =	vor.u32 v0, v1  }
0xfc: {  	v4 =	vadd.s32 $0x8000, v4;
	v63 =	vadd.s32 $0x8000, v5;
	v2 =	vadd.f32 v58, v2  }
0xfd: {  	s17 =	sadd.s32 $0x1, s17;
	[tilespmem:s1+$0x19830] =	vst v0;
	v4 =	vand.u32 $0xFFFF0000, v4;
	v1 =	vadd.f32 v60, v59;
	v0 =	vadd.f32 v11, v61  }
0xfe: {  	s30 =	smul.u32 $0xA0, s18;
	p0 =	sne.s32 s17, $0x1F;
	v3 =	vshrl.u32 v63, $0x10;
	v4 =	vor.u32 v6, v4;
	v2 =	vadd.s32 $0x8000, v2  }
.Ltmp2:
0xff: {  	v1 =	vadd.s32 $0x8000, v1;
	v0 =	vadd.s32 $0x8000, v0;
	v2 =	vand.u32 $0xFFFF0000, v2;
	(pc) =	sbr.rel @p0 .LBB2_2-.Ltmp2, $4  }
0x100: {  	s0 =	sadd.s32 s5, s30;
	[tilespmem:s1+$0x19800] =	vst v4;
	v1 =	vshrl.u32 v1, $0x10;
	v0 =	vand.u32 $0xFFFF0000, v0;
	v2 =	vor.u32 v3, v2  }
0x101: {  	s0 =	sshll.u32 s0, $0x4;
	v0 =	vor.u32 v1, v0;
	[tilespmem:s1+$0x19810] =	vst v2  }
0x102: {  	s0 =	sadd.s32 s8, s0;
	[tilespmem:s1+$0x19820] =	vst v0  }
0x103: {  	[hbm4b:s0+s4] =	stream.linear.scatter [tilespmem:s14], [sflag:$0x6], $0x5000, $0x38;
	[tilespmem:$0x1E800] =	vst v63  }
0x104: {  	s0 =	simm.s32 $0x5  }
0x105: {  	_ =	swait.ge [sflag:s0], $0x5000  }
0x106: {  	s29 =	simm.s32 $0x0;
	[sflag:s0] =	ssyncset.done $0x0  }
0x107: {  	s17 =	simm.s32 $0xF;
	s1 =	rddreg [dreg:$0xc];
	[sflag:s0] =	ssyncadd.s32 $0xFFFFB000  }
0x108: {  	[tilespmem:s29], [sflag:$0xF] =	stream.linear.gather [hbm4b:s1+s29], $0x50, $0x38;
	[tilespmem:$0x1E800] =	vst v63  }
0x109: {  	_ =	swait.ge [sflag:s17], $0x50  }
0x10a: {  	[sflag:s17] =	ssyncset.done $0x0  }
0x10b: {  	s16 =	simm.s32 $0x400;
	s30 =	rddreg [dreg:$0xd];
	[sflag:s17] =	ssyncadd.s32 $0xFFFFFFB0  }
0x10c: {  	[tilespmem:s16], [sflag:$0xF] =	stream.linear.gather [hbm4b:s30+s29], $0x50, $0x38;
	[tilespmem:$0x1E800] =	vst v63  }
0x10d: {  	_ =	swait.ge [sflag:s17], $0x50  }
0x10e: {  	[sflag:s17] =	ssyncset.done $0x0  }
0x10f: {  	s18 =	simm.s32 $0x800;
	[sflag:s17] =	ssyncadd.s32 $0xFFFFFFB0  }
0x110: {  	[tilespmem:s18], [sflag:$0x1] =	stream.indirect.gather [hbm4b:s2+s31], $0x80, s29, s31, $0xb8;
	[tilespmem:$0x1E800] =	vst v63  }
0x111: {  	s19 =	simm.s32 $0xA800  }
0x112: {  	[tilespmem:s19], [sflag:$0x3] =	stream.indirect.gather [hbm4b:s3+s31], $0x80, s16, s31, $0xb8;
	[tilespmem:$0x1E800] =	vst v63  }
0x113: {  	_ =	swait.ge [sflag:s26], $0x2800  }
0x114: {  	[sflag:s26] =	ssyncset.done $0x0  }
0x115: {  	[sflag:s26] =	ssyncadd.s32 $0xFFFFD800  }
0x116: {  	_ =	swait.ge [sflag:s28], $0x2800  }
0x117: {  	[sflag:s28] =	ssyncset.done $0x0  }
0x118: {  	s0 =	simm.s32 $0x0;
	[sflag:s28] =	ssyncadd.s32 $0xFFFFD800  }
0x119: {  	v0 =	vld [tilespmem:s0+$0x830]  }
0x11a: {  	v1 =	vld [tilespmem:s0+$0xA830]  }
0x11b: {  	v2 =	vld [tilespmem:s0+$0x870]  }
0x11c: {  	v3 =	vld [tilespmem:s0+$0xA870]  }
0x11d: {  	v4 =	vld [tilespmem:s0+$0x800]  }
0x11e: {  	v5 =	vld [tilespmem:s0+$0xA800]  }
0x11f: {  	v6 =	vld [tilespmem:s0+$0x840]  }
0x120: {  	v7 =	vld [tilespmem:s0+$0xA840]  }
0x121: {  	v8 =	vld [tilespmem:s0+$0x810];
	v0 =	vadd.f32 v1, v0;
	v1 =	vadd.f32 v3, v2  }
0x122: {  	v9 =	vld [tilespmem:s0+$0x850]  }
0x123: {  	v3 =	vld [tilespmem:s0+$0xA810];
	v0 =	vadd.s32 $0x8000, v0;
	v1 =	vadd.s32 $0x8000, v1  }
0x124: {  	v10 =	vld [tilespmem:s0+$0xA850];
	v0 =	vshrl.u32 v0, $0x10;
	v1 =	vand.u32 $0xFFFF0000, v1  }
0x125: {  	v11 =	vld [tilespmem:s0+$0x820];
	v0 =	vor.u32 v0, v1;
	v1 =	vadd.f32 v5, v4;
	v4 =	vadd.f32 v7, v6  }
0x126: {  	v12 =	vld [tilespmem:s0+$0xA820]  }
0x127: {  	v2 =	vld [tilespmem:s0+$0x860];
	[tilespmem:s0+$0x14830] =	vst v0;
	v0 =	vadd.s32 $0x8000, v1;
	v1 =	vadd.s32 $0x8000, v4  }
0x128: {  	s1 =	simm.s32 $0x80;
	v3 =	vadd.f32 v3, v8;
	v4 =	vld [tilespmem:s0+$0xA860];
	v5 =	vshrl.u32 v0, $0x10;
	v1 =	vand.u32 $0xFFFF0000, v1  }
0x129: {  	v6 =	vadd.f32 v10, v9;
	v0 =	vld [tilespmem:s1+$0x830];
	v5 =	vor.u32 v5, v1  }
0x12a: {  	v3 =	vadd.s32 $0x8000, v3;
	v1 =	vld [tilespmem:s1+$0xA830];
	[tilespmem:s0+$0x14800] =	vst v5  }
0x12b: {  	s15 =	simm.s32 $0x400;
	v7 =	vadd.s32 $0x8000, v6;
	v6 =	vadd.f32 v12, v11;
	v5 =	vshrl.u32 v3, $0x10;
	v3 =	vld [tilespmem:s1+$0x870]  }
.LBB2_8:
0x12c: {  	p0 =	sne.s32 s15, $0x9E00;
	v8 =	vld [tilespmem:s1+$0xA870];
	v7 =	vand.u32 $0xFFFF0000, v7  }
0x12d: {  	v9 =	vld [tilespmem:s1+$0x800];
	v5 =	vor.u32 v5, v7;
	v2 =	vadd.f32 v4, v2;
	v4 =	vadd.s32 $0x8000, v6  }
0x12e: {  	v6 =	vld [tilespmem:s1+$0xA800];
	[tilespmem:s0+$0x14810] =	vst v5;
	v4 =	vshrl.u32 v4, $0x10  }
0x12f: {  	v5 =	vld [tilespmem:s1+$0x840];
	v2 =	vadd.s32 $0x8000, v2  }
0x130: {  	v7 =	vld [tilespmem:s1+$0xA840];
	v2 =	vand.u32 $0xFFFF0000, v2  }
0x131: {  	v0 =	vadd.f32 v1, v0;
	v10 =	vld [tilespmem:s1+$0x810];
	v1 =	vadd.f32 v8, v3;
	v2 =	vor.u32 v4, v2  }
0x132: {  	v3 =	vld [tilespmem:s1+$0xA810];
	[tilespmem:s0+$0x14820] =	vst v2;
	s0 =	smov.u32 s1  }
0x133: {  	v0 =	vadd.s32 $0x8000, v0;
	v2 =	vadd.f32 v6, v9;
	v6 =	vld [tilespmem:s0+$0x850];
	v1 =	vadd.s32 $0x8000, v1  }
0x134: {  	v0 =	vshrl.u32 v0, $0x10;
	v8 =	vld [tilespmem:s0+$0xA850];
	v1 =	vand.u32 $0xFFFF0000, v1  }
0x135: {  	v4 =	vadd.f32 v7, v5;
	v2 =	vadd.s32 $0x8000, v2;
	v9 =	vld [tilespmem:s0+$0x820];
	v0 =	vor.u32 v0, v1  }
0x136: {  	v1 =	vshrl.u32 v2, $0x10;
	v11 =	vld [tilespmem:s0+$0xA820];
	[tilespmem:s0+$0x14830] =	vst v0  }
.Ltmp3:
0x137: {  	v0 =	vadd.s32 $0x8000, v4;
	v3 =	vadd.f32 v3, v10;
	v2 =	vld [tilespmem:s0+$0x860];
	(pc) =	sbr.rel @p0 .LBB2_8-.Ltmp3, $4  }
0x138: {  	s1 =	sshra.s32 s15, $0x2;
	v5 =	vand.u32 $0xFFFF0000, v0;
	v4 =	vld [tilespmem:s0+$0xA860]  }
0x139: {  	v0 =	vld [tilespmem:s1+$0x830];
	v5 =	vor.u32 v1, v5;
	v6 =	vadd.f32 v8, v6;
	v3 =	vadd.s32 $0x8000, v3  }
0x13a: {  	v1 =	vld [tilespmem:s1+$0xA830];
	[tilespmem:s0+$0x14800] =	vst v5;
	v5 =	vshrl.u32 v3, $0x10  }
0x13b: {  	s15 =	sadd.s32 $0x200, s15;
	v3 =	vld [tilespmem:s1+$0x870];
	v7 =	vadd.s32 $0x8000, v6;
	v6 =	vadd.f32 v11, v9  }
0x13c: {  	v8 =	vld [tilespmem:s1+$0xA870];
	v7 =	vand.u32 $0xFFFF0000, v7  }
0x13d: {  	v9 =	vld [tilespmem:s1+$0x800];
	v5 =	vor.u32 v5, v7;
	v2 =	vadd.f32 v4, v2  }
0x13e: {  	v52 =	vld [tilespmem:s1+$0xA800];
	[tilespmem:s0+$0x14810] =	vst v5  }
0x13f: {  	v54 =	vadd.s32 $0x8000, v6;
	v53 =	vld [tilespmem:s1+$0x840];
	v2 =	vadd.s32 $0x8000, v2  }
0x140: {  	v5 =	vshrl.u32 v54, $0x10;
	v55 =	vld [tilespmem:s1+$0xA840];
	v2 =	vand.u32 $0xFFFF0000, v2  }
0x141: {  	v10 =	vld [tilespmem:s1+$0x810];
	v2 =	vor.u32 v5, v2  }
0x142: {  	v56 =	vld [tilespmem:s1+$0xA810];
	[tilespmem:s0+$0x14820] =	vst v2  }
0x143: {  	v2 =	vld [tilespmem:s1+$0x850]  }
0x144: {  	v58 =	vld [tilespmem:s1+$0xA850]  }
0x145: {  	v59 =	vld [tilespmem:s1+$0x820]  }
0x146: {  	v0 =	vadd.f32 v1, v0;
	v60 =	vld [tilespmem:s1+$0xA820]  }
0x147: {  	v57 =	vadd.f32 v8, v3;
	v7 =	vadd.f32 v52, v9;
	v61 =	vld [tilespmem:s1+$0x860]  }
0x148: {  	v0 =	vadd.s32 $0x8000, v0;
	v11 =	vld [tilespmem:s1+$0xA860]  }
0x149: {  	v0 =	vshrl.u32 v0, $0x10;
	v1 =	vadd.s32 $0x8000, v57;
	v62 =	vadd.s32 $0x8000, v7  }
0x14a: {  	v1 =	vand.u32 $0xFFFF0000, v1;
	v4 =	vadd.f32 v55, v53;
	v5 =	vadd.f32 v56, v10  }
0x14b: {  	v6 =	vshrl.u32 v62, $0x10;
	v0 =	vor.u32 v0, v1  }
0x14c: {  	v4 =	vadd.s32 $0x8000, v4;
	v63 =	vadd.s32 $0x8000, v5;
	v2 =	vadd.f32 v58, v2  }
0x14d: {  	[tilespmem:s1+$0x14830] =	vst v0;
	v4 =	vand.u32 $0xFFFF0000, v4;
	v1 =	vadd.f32 v60, v59;
	v0 =	vadd.f32 v11, v61  }
0x14e: {  	v3 =	vshrl.u32 v63, $0x10;
	v4 =	vor.u32 v6, v4;
	v2 =	vadd.s32 $0x8000, v2  }
0x14f: {  	v1 =	vadd.s32 $0x8000, v1;
	v0 =	vadd.s32 $0x8000, v0;
	v2 =	vand.u32 $0xFFFF0000, v2  }
0x150: {  	[tilespmem:s1+$0x14800] =	vst v4;
	v1 =	vshrl.u32 v1, $0x10;
	v0 =	vand.u32 $0xFFFF0000, v0;
	v2 =	vor.u32 v3, v2  }
0x151: {  	v0 =	vor.u32 v1, v0;
	[tilespmem:s1+$0x14810] =	vst v2  }
0x152: {  	s25 =	rddreg [dreg:$0xe];
	[tilespmem:s1+$0x14820] =	vst v0  }
0x153: {  	[hbm4b:s25+s4] =	stream.linear.scatter [tilespmem:s11], [sflag:$0xF], $0x2800, $0x38;
	[tilespmem:$0x1E800] =	vst v63  }
0x154: {  	_ =	swait.ge [sflag:s17], $0x2800  }
0x155: {  	[sflag:s17] =	ssyncset.done $0x0  }
0x156: {  	s29 =	simm.s32 $0x6;
	[sflag:s17] =	ssyncadd.s32 $0xFFFFD800  }
0x157: {  	_ =	swait.ge [sflag:s29], $0x5000  }
0x158: {  	s15 =	rddreg [dreg:$0x10]  }
0x159: {  	s30 =	rddreg [dreg:$0xf];
	s15 =	sadd.s32 $0x1, s15  }
0x15a: {  	p0 =	sne.s32 s15, s30  }
.Ltmp4:
0x15b: {  	_ = 	snop;
	(pc) =	sbr.rel @p0 .LBB2_1-.Ltmp4, $3  }
0x15c: {  	_ =	sdelay $0x1  }
0x15d: {  	[sflag:s29] =	ssyncset.done $0x0  }
0x15e: {  	[sflag:s29] =	ssyncadd.s32 $0xFFFFB000  }
0x15f: {  	_ =	sfence.sel $0x180000  }
0x160: {  	[bflag:$0x0] =	sbarrier.arrive $0xFFFF  }
0x161: {  	_ =	strace $0x90000047  }
0x162: {  	s0 =	stileid.u32;
	[bflag:$0x2] =	sbarrier.arrive $0xFFFF  }
0x163: {  	p0 =	sne.s32 s0, $0x0;
	s0 =	rddreg [dreg:$0x3]  }
0x164: {  	s0 =	sadd.s32 @!p0 $0x100000, s0  }
0x165: {  	[sflag:s0] =	ssyncadd.tile.s32 @!p0 $0x1;
	_ =	shalt  }
.Lfunc_end2:
_tile_overlayer_lowered:
.L_overlay_start_2:
0x166: {  	(tag) =	ssettag $0x2  }
0x167: {  	s0 =	rddreg [dreg:$0x0];
	s2 =	stileid.u32  }
0x168: {  	s1 =	rddreg [dreg:$0x1];
	p0 =	sne.s32 s2, $0x0  }
0x169: {  	s3 =	rddreg [dreg:$0x2];
	[bflag:$0x3] =	sbarrier.arrive $0xFFFF;
	s2 =	simm.s32 @!p0 $0x1C0F  }
0x16a: {  	[timem:s3], [sflag:s2] =	dma.local @!p0 [hbm:s0], s1  }
0x16b: {  	s0 =	simm.s32 @!p0 $0xF  }
0x16c: {  	_ =	swait.ge @!p0 [sflag:s0], s1  }
0x16d: {  	s1 =	ssub.s32 @!p0 $0x0, s1;
	[sflag:s0] =	ssyncset.done @!p0 $0x0  }
0x16e: {  	[sflag:s0] =	ssyncadd.s32 @!p0 s1  }
0x16f: {  	[bflag:$0x3] =	sbarrier.arrive $0xFFFF  }
0x170: {  	_ =	shalt  }

// kernel: kernel.7.cloned.1.call-start
scs
__scs_entry_jumppad:
0x0: {  	(pc) =	sbr.rel $0x88, $3  }
0x1: {  	(tag) =	ssettag $0x0;
	lr =	simm.s32 $0x1  }
0x2: {  	[smem:$0x3F92] =	sst lr;
	_ =	strace $0xD0000000  }
0x3: {  	_ = 	snop  }
0x4: {  	_ = 	snop  }
0x5: {  	_ = 	snop  }
0x6: {  	_ = 	snop  }
0x7: {  	_ = 	snop  }
__scs_overlays_trampoline_lowered:
0x8: {  	[smem:$0x3FA1] =	sst s0  }
0x9: {  	[smem:$0x3FA2] =	sst s1  }
0xa: {  	[smem:$0x3FA3] =	sst s2  }
0xb: {  	[smem:$0x3FA4] =	sst s3  }
0xc: {  	[smem:$0x3FA5] =	sst s4  }
0xd: {  	[smem:$0x3FA6] =	sst s5  }
0xe: {  	[smem:$0x3FA7] =	sst s6  }
0xf: {  	[smem:$0x3FA8] =	sst s7  }
0x10: {  	[smem:$0x3FA9] =	sst s8  }
0x11: {  	[smem:$0x3FAA] =	sst s9;
	s0 =	simm.s32 @!p0 $0x0  }
0x12: {  	s1 =	sld [smem:$0x3F90];
	s0 =	simm.s32 @p0 $0x1  }
0x13: {  	[smem:$0x3FAB] =	sst s0;
	s0 =	simm.s32 @!p1 $0x0  }
0x14: {  	s2 =	sld [smem:$0x3F8F];
	s0 =	simm.s32 @p1 $0x1  }
0x15: {  	[smem:$0x3FAC] =	sst s0;
	s0 =	simm.s32 @!p2 $0x0  }
0x16: {  	s3 =	sld [smem:$0x3FDB];
	s0 =	simm.s32 @p2 $0x1  }
0x17: {  	s4 =	simm.s32 $0x1BF5;
	[smem:$0x3FAE] =	sst s0  }
0x18: {  	s0 =	sld [smem:$0x3F91];
	_ =	swait.ge [sflag:s4], $0x0  }
0x19: {  	s7 =	sld [smem:$0x3F92]  }
0x1a: {  	s8 =	sadd.s32 $0xFFFFE003, lr  }
0x1b: {  	s9 =	sadd.s32 $0xFFFFFEF7, lr;
	s5 =	simm.s32 $0xFFFFFFFF;
	p2 =	slt.u32 s8, $0xFFFFF086  }
0x1c: {  	p1 =	slt.u32 s9, $0xF7A;
	s5 =	simm.s32 @!p2 $0x0  }
0x1d: {  	s5 =	simm.s32 @p1 $0x1;
	p0 =	seq.s32 s7, s2  }
0x1e: {  	s7 =	smul.u32 @!p0 $0xF7A, s2;
	p2 =	seq.s32 @!p0 s5, $0x0  }
0x1f: {  	s9 =	smul.u32 $0xF7A, s1;
	s8 =	simm.s32 @!p0 $0x1BF5;
	p2 =	por !p2, p0  }
0x20: {  	[sflag:s8] =	ssyncset.s32 @!p0 $0xFFFFF086;
	s6 =	sadd.s32 @!p0 s3, s7;
	s7 =	simm.s32 @!p0 $0x108  }
0x21: {  	s3 =	sadd.s32 s3, s9;
	s6 =	sadd.s32 @!p0 $0x88, s6;
	s7 =	simm.s32 @p2 $0x1082  }
0x22: {  	[simem:s7], [sflag:s8] =	dma.local @!p0 [hbm:s6], $0xF7A  }
0x23: {  	s9 =	sor.u32 $0xD0000000, s2;
	s6 =	simm.s32 $0x108;
	_ =	swait.ge @!p0 [sflag:s8], $0x0  }
0x24: {  	s3 =	sadd.s32 $0x88, s3;
	s6 =	simm.s32 @!p1 $0x1082;
	[sflag:s4] =	ssyncset.s32 $0xFFFFF086  }
0x25: {  	[simem:s6], [sflag:s4] =	dma.local [hbm:s3], $0xF7A  }
0x26: {  	[smem:$0x3F92] =	sst s1;
	(tag) =	ssettag s2;
	_ =	strace s9  }
0x27: {  	s1 =	sld [smem:$0x3FA2]  }
0x28: {  	s2 =	sld [smem:$0x3FA3]  }
0x29: {  	s4 =	sld [smem:$0x3FA5]  }
0x2a: {  	p0 =	seq.s32 s5, $0x0;
	s5 =	sld [smem:$0x3FA6]  }
0x2b: {  	s6 =	sld [smem:$0x3FA7]  }
0x2c: {  	s7 =	sld [smem:$0x3FA8]  }
0x2d: {  	s3 =	simm.s32 $0x108;
	s8 =	sld [smem:$0x3FA9]  }
0x2e: {  	s3 =	simm.s32 @!p0 $0x1082;
	s9 =	sld [smem:$0x3FAA]  }
0x2f: {  	lr =	sadd.s32 s0, s3;
	s0 =	sld [smem:$0x3FA1]  }
0x30: {  	s3 =	sld [smem:$0x3FA4]  }
0x31: {  	[smem:$0x3FAD] =	sst s10  }
0x32: {  	s10 =	sld [smem:$0x3FAB];
	_ =	sdelay $0x3  }
0x33: {  	p0 =	seq.s32 s10, $0x1;
	s10 =	sld [smem:$0x3FAD];
	_ =	sdelay $0x3  }
0x34: {  	[smem:$0x3FAD] =	sst s10  }
0x35: {  	s10 =	sld [smem:$0x3FAC];
	_ =	sdelay $0x3  }
0x36: {  	p1 =	seq.s32 s10, $0x1;
	s10 =	sld [smem:$0x3FAD];
	_ =	sdelay $0x3  }
0x37: {  	[smem:$0x3FAD] =	sst s10  }
0x38: {  	s10 =	sld [smem:$0x3FAE]  }
0x39: {  	_ = 	snop;
	(pc) =	sbr.ind lr, $3  }
0x3a: {  	_ = 	snop  }
0x3b: {  	_ = 	snop  }
0x3c: {  	p2 =	seq.s32 s10, $0x1;
	s10 =	sld [smem:$0x3FAD]  }
0x3d: {  	_ =	shalt  }
0x3e: {  	_ =	shalt  }
0x3f: {  	_ =	shalt  }
0x40: {  	_ =	shalt  }
0x41: {  	_ =	shalt  }
0x42: {  	_ =	shalt  }
0x43: {  	_ =	shalt  }
0x44: {  	_ =	shalt  }
0x45: {  	_ =	shalt  }
0x46: {  	_ =	shalt  }
0x47: {  	_ =	shalt  }
0x48: {  	_ =	shalt  }
0x49: {  	_ =	shalt  }
0x4a: {  	_ =	shalt  }
0x4b: {  	_ =	shalt  }
0x4c: {  	_ =	shalt  }
0x4d: {  	_ =	shalt  }
0x4e: {  	_ =	shalt  }
0x4f: {  	_ =	shalt  }
0x50: {  	_ =	shalt  }
0x51: {  	_ =	shalt  }
0x52: {  	_ =	shalt  }
0x53: {  	_ =	shalt  }
0x54: {  	_ =	shalt  }
0x55: {  	_ =	shalt  }
0x56: {  	_ =	shalt  }
0x57: {  	_ =	shalt  }
0x58: {  	_ =	shalt  }
0x59: {  	_ =	shalt  }
0x5a: {  	_ =	shalt  }
0x5b: {  	_ =	shalt  }
0x5c: {  	_ =	shalt  }
0x5d: {  	_ =	shalt  }
0x5e: {  	_ =	shalt  }
0x5f: {  	_ =	shalt  }
0x60: {  	_ =	shalt  }
0x61: {  	_ =	shalt  }
0x62: {  	_ =	shalt  }
0x63: {  	_ =	shalt  }
0x64: {  	_ =	shalt  }
0x65: {  	_ =	shalt  }
0x66: {  	_ =	shalt  }
0x67: {  	_ =	shalt  }
0x68: {  	_ =	shalt  }
0x69: {  	_ =	shalt  }
0x6a: {  	_ =	shalt  }
0x6b: {  	_ =	shalt  }
0x6c: {  	_ =	shalt  }
0x6d: {  	_ =	shalt  }
0x6e: {  	_ =	shalt  }
0x6f: {  	_ =	shalt  }
0x70: {  	_ =	shalt  }
0x71: {  	_ =	shalt  }
0x72: {  	_ =	shalt  }
0x73: {  	_ =	shalt  }
0x74: {  	_ =	shalt  }
0x75: {  	_ =	shalt  }
0x76: {  	_ =	shalt  }
0x77: {  	_ =	shalt  }
0x78: {  	_ =	shalt  }
0x79: {  	_ =	shalt  }
0x7a: {  	_ =	shalt  }
0x7b: {  	_ =	shalt  }
0x7c: {  	_ =	shalt  }
0x7d: {  	_ =	shalt  }
0x7e: {  	_ =	shalt  }
0x7f: {  	_ =	shalt  }
0x80: {  	_ =	shalt  }
0x81: {  	_ =	shalt  }
0x82: {  	_ =	shalt  }
0x83: {  	_ =	shalt  }
0x84: {  	_ =	shalt  }
0x85: {  	_ =	shalt  }
0x86: {  	_ =	shalt  }
0x87: {  	_ =	shalt  }
.Lfunc_end0:
.L_simem_size_0:
called_computation_lowered:
.L_overlay_start_0:
0x88: {  	s2 =	sld [smem:$0x3FD9]  }
0x89: {  	s3 =	sld [smem:$0x3FFE];
	_ =	sdelay $0x1  }
0x8a: {  	s1 =	srdreg.scid  }
0x8b: {  	s0 =	sand.u32 $0x1, s1  }
0x8c: {  	s17 =	sshll.u32 s0, $0xA;
	s2 =	sadd.s32 s3, s2  }
0x8d: {  	s2 =	sadd.s32 s2, s17  }
0x8e: {  	[smem:$0x3FB9] =	sst s2  }
0x8f: {  	_ = 	snop  }
0x90: {  	s18 =	sld [smem:$0x3FC7];
	(tm) =	ssettm $0x1  }
0x91: {  	s19 =	sld [smem:$0x3FFB];
	_ =	sdelay $0x3  }
0x92: {  	_ =	strace s19  }
0x93: {  	s2 =	sld [smem:$0x3FFC];
	_ =	sdelay $0x3  }
0x94: {  	_ =	strace s2  }
0x95: {  	s2 =	sld [smem:$0x3FFD];
	_ =	sdelay $0x3  }
0x96: {  	_ =	strace s2  }
0x97: {  	_ =	strace $0x8FFFFFFF  }
0x98: {  	s20 =	sld [smem:$0x3FDB];
	_ =	sdelay $0x1  }
0x99: {  	s4 =	simm.s32 $_scs_section_size  }
0x9a: {  	s5 =	simm.s32 $_size__tile_overlayer_lowered;
	s6 =	simm.s32 $_tile_overlayer_lowered  }
0x9b: {  	s7 =	simm.s32 $0x1BFF;
	s21 =	sshll.u32 s6, $0x1;
	s4 =	sadd.s32 s4, s20  }
0x9c: {  	s22 =	simm.s32 $0x0;
	s5 =	sshll.u32 s5, $0x1;
	s6 =	sadd.s32 s21, s4  }
0x9d: {  	[timem:s22], [sflag:s7] =	dma.local [hbm:s6], s5  }
0x9e: {  	_ =	swait.ge [sflag:s7], s5  }
0x9f: {  	s5 =	ssub.s32 $0x0, s5;
	[sflag:s7] =	ssyncset.done $0x0  }
0xa0: {  	[sflag:s7] =	ssyncadd.s32 s5;
	_ =	sdelay $0x1  }
0xa1: {  	s23 =	simm.s32 $0x1B8B  }
0xa2: {  	_ =	swait.ge [sflag:s23], $0x1  }
0xa3: {  	[sflag:s23] =	ssyncset.done $0x0  }
0xa4: {  	[sflag:s23] =	ssyncadd.s32 $0xFFFFFFFF  }
0xa5: {  	s5 =	sld [smem:$0x0]  }
0xa6: {  	s6 =	sand.u32 $0xFFFFFFFE, s1  }
0xa7: {  	p0 =	sne.s32 s1, s6  }
0xa8: {  	s6 =	sshll.u32 @p0 s6, $0xE  }
0xa9: {  	s6 =	sadd.s32 @p0 $0x11B8D, s6;
	s7 =	sshll.u32 @p0 s5, $0x11  }
0xaa: {  	s6 =	sor.u32 @p0 s7, s6  }
0xab: {  	[sflag:s6] =	ssyncadd.remote.s32 @p0 $0x1;
	_ =	sdelay $0x1  }
0xac: {  	s6 =	simm.s32 @p0 $0x1B8D  }
0xad: {  	_ =	swait.eq @p0 [sflag:s6], $0x1  }
0xae: {  	[sflag:s6] =	ssyncadd.s32 @p0 $0xFFFFFFFF  }
0xaf: {  	s7 =	sshll.u32 @!p0 s1, $0xE  }
0xb0: {  	s7 =	sor.u32 @!p0 $0x4000, s7;
	s6 =	simm.s32 @!p0 $0x1B8D  }
0xb1: {  	s5 =	sshll.u32 @!p0 s5, $0x11;
	s7 =	sadd.s32 @!p0 $0x11B8D, s7;
	_ =	swait.eq @!p0 [sflag:s6], $0x1  }
0xb2: {  	s5 =	sor.u32 @!p0 s5, s7;
	[sflag:s6] =	ssyncadd.s32 @!p0 $0xFFFFFFFF  }
0xb3: {  	s25 =	simm.s32 $0x1B8E;
	s24 =	sld [smem:$0x3FFE];
	[sflag:s5] =	ssyncadd.remote.s32 @!p0 $0x1  }
0xb4: {  	s26 =	simm.s32 $execute0_lowered;
	[smem:$0x3FD2] =	sst s25  }
0xb5: {  	s6 =	sshll.u32 s26, $0x1;
	_ =	strace $0x80000049;
	[dreg:$0x1] =	wrdreg $0xFFFFFFFF  }
0xb6: {  	s28 =	simm.s32 $_size_execute0_lowered;
	s4 =	sadd.s32 s4, s6;
	[dreg:$0x0] =	wrdreg $0x0  }
0xb7: {  	s6 =	sshll.u32 s28, $0x1;
	[dreg:$0x2] =	wrdreg s4  }
0xb8: {  	[dreg:$0x3] =	wrdreg s6  }
0xb9: {  	[dreg:$0x4] =	wrdreg $0xC0  }
0xba: {  	_ =	task [dreg:s22], $0x5FFFF  }
0xbb: {  	[dreg:$0x1] =	wrdreg $0xFFFFFFFF  }
0xbc: {  	[dreg:$0x0] =	wrdreg $0x60  }
0xbd: {  	[dreg:$0x2] =	wrdreg s24  }
0xbe: {  	[dreg:$0x3] =	wrdreg s18  }
0xbf: {  	[dreg:$0x4] =	wrdreg $0xA4000  }
0xc0: {  	[dreg:$0x5] =	wrdreg $0x9  }
0xc1: {  	_ =	task.clear_ibuf [dreg:s22], $0x6FFFF;
	_ =	strace $0x90000049  }
0xc2: {  	s29 =	simm.s32 $0x9;
	_ =	strace $0x8000004B  }
0xc3: {  	_ =	swait.ge [sflag:s29], $0x1  }
0xc4: {  	[sflag:s29] =	ssyncadd.s32 $0xFFFFFFFF  }
0xc5: {  	_ =	strace $0x9000004B  }
0xc6: {  	_ =	sfence  }
0xc7: {  	s30 =	sld [smem:$0x0];
	_ =	sdelay $0x2  }
0xc8: {  	s31 =	sshll.u32 s1, $0xD;
	s1 =	sshrl.u32 s1, $0x2  }
0xc9: {  	s4 =	sand.u32 $0x4000, s31;
	s1 =	sadd.s32 s1, s30  }
0xca: {  	s0 =	sor.u32 s4, s0;
	s1 =	sshll.u32 s1, $0x11  }
0xcb: {  	s0 =	sor.u32 s1, s0  }
0xcc: {  	s0 =	sadd.s32 $0x8F2B, s0  }
0xcd: {  	[sflag:s0] =	ssyncadd.remote.s32 $0x1  }
0xce: {  	_ =	sfence.sel $0xFFFF  }
0xcf: {  	[dreg:$0x0] =	wrdreg $0xFFFFFFFF;
	(pc) =	sbr.abs _section_cstart, $3  }
0xd0: {  	[dreg:$0x1] =	wrdreg $0xFFFFFFFF  }
0xd1: {  	_ =	task.clear_ibuf [dreg:s22], $0x2FFFF;
	_ =	strace $0x9FFFFFFF  }
0xd2: {  	(tm) =	ssettm $0x7FFFFFFF  }
0xd3: {  	_ =	shalt  }
tec
execute0_lowered:
.L_overlay_start_1:
0x0: {  	(tag) =	ssettag $0x1  }
0x1: {  	s0 =	rddreg [dreg:$0x0]  }
0x2: {  	s2 =	rddreg [dreg:$0x1]  }
0x3: {  	s3 =	rddreg [dreg:$0x2];
	s13 =	stileid.u32  }
0x4: {  	s1 =	srdreg.scid;
	s6 =	smul.u32 $0x14000, s13  }
0x5: {  	s4 =	simm.s32 $0x0;
	s28 =	simm.s32 $0x400;
	s12 =	smul.u32 $0x50000, s13  }
0x6: {  	s29 =	simm.s32 $0x9;
	s30 =	simm.s32 $0x1;
	s20 =	smul.u32 $0x27100, s13  }
0x7: {  	s31 =	simm.s32 $0x50;
	s1 =	sand.u32 $0x1, s1;
	s22 =	smul.u32 $0x2710, s13  }
0x8: {  	[smem:$0x7FF] =	sst s4;
	s5 =	sadd.s32 $0xCE00, s0;
	s7 =	smul.u32 $0x140000, s1  }
0x9: {  	s18 =	sshll.u32 s13, $0x6;
	_ =	strace $0x8000004A;
	s17 =	smul.u32 $0x271000, s1  }
0xa: {  	s8 =	sshll.u32 s1, $0x4;
	s24 =	ssub.s32 $0x2, s1;
	s1 =	smul.u32 $0x27100, s1  }
0xb: {  	s8 =	sor.u32 s13, s8;
	s9 =	sshrl.u32 s6, $0x3;
	s10 =	sshrl.u32 s24, $0x1  }
0xc: {  	s12 =	sshrl.u32 s12, $0x2;
	s7 =	sadd.s32 s6, s7;
	s6 =	smul.u32 $0x2710, s8  }
0xd: {  	s9 =	sadd.s32 s9, s0;
	s8 =	smul.u32 $0x27100, s8;
	s14 =	sadd.s32 s12, s3  }
0xe: {  	s7 =	sshrl.u32 s7, $0x3;
	[dreg:$0x9] =	wrdreg s14;
	s15 =	sadd.s32 $0x4F8C00, s9  }
0xf: {  	s11 =	sshrl.u32 s6, $0x3;
	s8 =	sadd.s32 s2, s8;
	[dreg:$0xa] =	wrdreg s15  }
0x10: {  	s0 =	sadd.s32 s7, s0;
	s11 =	sadd.s32 s5, s11;
	[dreg:$0x8] =	wrdreg s8  }
0x11: {  	s7 =	ssub.s32 s24, s10;
	s0 =	sadd.s32 $0x520C00, s0;
	[dreg:$0x4] =	wrdreg s11  }
0x12: {  	s24 =	sadd.s32 s22, s1;
	s7 =	smax.u32 s7, $0x1;
	[dreg:$0xd] =	wrdreg s0  }
0x13: {  	s14 =	sor.u32 $0x1C09, s18;
	s1 =	sadd.s32 $0x140, s24;
	[dreg:$0xe] =	wrdreg s7  }
0x14: {  	s9 =	sadd.s32 s17, s2;
	s25 =	sadd.s32 $0xA, s11;
	[dreg:$0x10] =	wrdreg s1  }
0x15: {  	s16 =	sadd.s32 $0x26C0, s6;
	s26 =	sadd.s32 $0x14, s11;
	[dreg:$0x5] =	wrdreg s25  }
0x16: {  	s19 =	sshrl.u32 s16, $0x3;
	s11 =	sadd.s32 $0x1E, s11;
	[dreg:$0x6] =	wrdreg s26  }
0x17: {  	s8 =	sshll.u32 s16, $0x4;
	s21 =	sadd.s32 s5, s19;
	[dreg:$0x7] =	wrdreg s11  }
0x18: {  	s23 =	sadd.s32 s20, s9;
	s8 =	sadd.s32 s2, s8;
	[dreg:$0xb] =	wrdreg s21  }
0x19: {  	s9 =	simm.s32 $0x0;
	s0 =	sadd.s32 $0x1400, s23;
	[dreg:$0xc] =	wrdreg s8  }
0x1a: {  	[dreg:$0xf] =	wrdreg s0;
	s25 =	sadd.s32 $0x190, s24;
	s26 =	sadd.s32 $0x1E0, s24  }
.Ltmp0:
0x1b: {  	s0 =	sadd.s32 $0x230, s24;
	s24 =	simm.s32 $0x2;
	(pc) =	sbr.rel .LBB2_1-.Ltmp0, $4  }
0x1c: {  	s1 =	sshrl.u32 s25, $0x3;
	s8 =	sshrl.u32 s26, $0x3;
	s0 =	sshrl.u32 s0, $0x3  }
0x1d: {  	s25 =	simm.s32 $0x7C00;
	s26 =	simm.s32 $0x7;
	s1 =	sadd.s32 s1, s5  }
0x1e: {  	s12 =	sadd.s32 s8, s5;
	s11 =	sadd.s32 s0, s5;
	s0 =	simm.s32 $0x2C00  }
0x1f: {  	s8 =	simm.s32 $0x8;
	[dreg:$0x11] =	wrdreg s1;
	s1 =	simm.s32 $0x5400  }
.LBB2_6:
0x20: {  	_ =	swait.ge [sflag:s26], $0x2800  }
0x21: {  	[sflag:s26] =	ssyncset.done $0x0  }
0x22: {  	[sflag:s26] =	ssyncadd.s32 $0xFFFFD800  }
0x23: {  	_ =	swait.ge [sflag:s26], $0x2800  }
0x24: {  	[sflag:s26] =	ssyncset.done $0x0  }
0x25: {  	s7 =	rddreg [dreg:$0xb];
	[sflag:s26] =	ssyncadd.s32 $0xFFFFD800  }
0x26: {  	[tilespmem:s4], [sflag:$0x9] =	stream.linear.gather [hbm4b:s7+s4], $0x50, $0x38;
	[tilespmem:$0x1E400] =	vst v63  }
0x27: {  	_ =	swait.ge [sflag:s29], $0x50  }
0x28: {  	[sflag:s29] =	ssyncset.done $0x0  }
0x29: {  	s21 =	rddreg [dreg:$0xc];
	[sflag:s29] =	ssyncadd.s32 $0xFFFFFFB0  }
0x2a: {  	[tilespmem:s28], [sflag:$0x9] =	stream.linear.gather [hbm4b:s21+s4], $0x2800, $0x38;
	[tilespmem:$0x1E400] =	vst v63  }
0x2b: {  	_ =	swait.ge [sflag:s29], $0x2800  }
0x2c: {  	[sflag:s29] =	ssyncset.done $0x0  }
0x2d: {  	[sflag:s29] =	ssyncadd.s32 $0xFFFFD800  }
0x2e: {  	[spmem:s3] =	stream.indirect.scatter.add.f32 [tilespmem:s28], [sflag:$0x9], $0x80, s4, s31, $0xb8;
	[tilespmem:$0x1E400] =	vst v63  }
0x2f: {  	_ =	swait.ge [sflag:s29], $0x2800  }
0x30: {  	[sflag:s29] =	ssyncset.done $0x0  }
0x31: {  	[sflag:s29] =	ssyncadd.s32 $0xFFFFD800  }
0x32: {  	_ =	swait.ge [sflag:s8], $0x2800  }
0x33: {  	[sflag:s8] =	ssyncset.done $0x0  }
0x34: {  	[sflag:s8] =	ssyncadd.s32 $0xFFFFD800  }
0x35: {  	_ =	swait.ge [sflag:s8], $0x2800  }
0x36: {  	[sflag:s8] =	ssyncset.done $0x0  }
0x37: {  	[sflag:s8] =	ssyncadd.s32 $0xFFFFD800  }
0x38: {  	[bflag:$0x0] =	sbarrier.arrive $0xFFFF  }
0x39: {  	s22 =	rddreg [dreg:$0xd]  }
0x3a: {  	[hbm:s22], [sflag:s14] =	dma.local [spmem:s10], $0x2800  }
0x3b: {  	_ =	swait.ge [sflag:s29], $0x2800  }
0x3c: {  	s9 =	sadd.s32 $0x1, s9;
	s23 =	rddreg [dreg:$0xe]  }
0x3d: {  	p0 =	sne.s32 s9, s23  }
.Ltmp1:
0x3e: {  	_ = 	snop;
	(pc) =	sbr.rel @!p0 .LBB2_7-.Ltmp1, $3  }
0x3f: {  	_ =	sdelay $0x1  }
0x40: {  	[sflag:s29] =	ssyncset.done $0x0  }
0x41: {  	[sflag:s29] =	ssyncadd.s32 $0xFFFFD800  }
.LBB2_1:
0x42: {  	s7 =	rddreg [dreg:$0x4]  }
0x43: {  	s16 =	rddreg [dreg:$0x5]  }
0x44: {  	s17 =	rddreg [dreg:$0x6]  }
0x45: {  	[tilespmem:s4], [sflag:$0x3] =	stream.linear.gather [hbm4b:s7+s4], $0x50, $0x38;
	[tilespmem:$0x1E400] =	vst v63  }
0x46: {  	s10 =	simm.s32 $0x80;
	s19 =	rddreg [dreg:$0x7]  }
0x47: {  	[tilespmem:s10], [sflag:$0x3] =	stream.linear.gather [hbm4b:s16+s4], $0x50, $0x38;
	[tilespmem:$0x1E400] =	vst v63  }
0x48: {  	s18 =	simm.s32 $0x100;
	s21 =	rddreg [dreg:$0x8]  }
0x49: {  	[tilespmem:s18], [sflag:$0x4] =	stream.linear.gather [hbm4b:s17+s4], $0x50, $0x38;
	[tilespmem:$0x1E400] =	vst v63  }
0x4a: {  	s20 =	simm.s32 $0x180;
	s22 =	rddreg [dreg:$0x9]  }
0x4b: {  	[tilespmem:s20], [sflag:$0x4] =	stream.linear.gather [hbm4b:s19+s4], $0x50, $0x38;
	[tilespmem:$0x1E400] =	vst v63  }
0x4c: {  	s23 =	rddreg [dreg:$0xa];
	s10 =	sshrl.u32 s22, $0x3  }
0x4d: {  	[tilespmem:s28], [sflag:$0x1] =	stream.linear.gather [hbm4b:s21+s4], $0x5000, $0x38;
	[tilespmem:$0x1E400] =	vst v63  }
0x4e: {  	[spmem:s10], [sflag:s14] =	dma.local [hbm:s23], $0x2800  }
0x4f: {  	_ =	swait.ge [sflag:s29], $0x2800  }
0x50: {  	[sflag:s29] =	ssyncset.done $0x0  }
0x51: {  	[sflag:s29] =	ssyncadd.s32 $0xFFFFD800  }
0x52: {  	[bflag:$0x0] =	sbarrier.arrive $0xFFFF  }
0x53: {  	s21 =	rddreg [dreg:$0x11]  }
0x54: {  	s22 =	smov.u32 s12;
	s20 =	rddreg [dreg:$0x10]  }
0x55: {  	s16 =	simm.s32 $0x0;
	s23 =	smov.u32 s11;
	s19 =	rddreg [dreg:$0xf]  }
.LBB2_2:
0x56: {  	_ =	swait.ge [sflag:s30], $0x5000  }
0x57: {  	s17 =	sand.u32 $0x2, s16;
	[sflag:s30] =	ssyncset.done $0x0  }
0x58: {  	s18 =	sadd.s32 $0x3, s17;
	[sflag:s30] =	ssyncadd.s32 $0xFFFFB000  }
0x59: {  	_ =	swait.ge [sflag:s18], $0x50  }
0x5a: {  	[sflag:s18] =	ssyncset.done $0x0  }
0x5b: {  	[sflag:s18] =	ssyncadd.s32 $0xFFFFFFB0  }
0x5c: {  	_ =	swait.ge [sflag:s18], $0x50  }
0x5d: {  	[sflag:s18] =	ssyncset.done $0x0  }
0x5e: {  	p0 =	seq.s32 s16, $0x3C;
	s17 =	sshll.u32 s17, $0x8;
	[sflag:s18] =	ssyncadd.s32 $0xFFFFFFB0  }
0x5f: {  	[spmem:s3] =	stream.indirect.scatter.add.f32 [tilespmem:s28], [sflag:$0x7], $0x80, s17, s31, $0xb8;
	[tilespmem:$0x1E400] =	vst v63  }
0x60: {  	p1 =	seq.s32 @!p0 s16, $0x0;
	s17 =	sor.u32 $0x80, s17  }
0x61: {  	[spmem:s3] =	stream.indirect.scatter.add.f32 [tilespmem:s0], [sflag:$0x7], $0x80, s17, s31, $0xb8;
	[tilespmem:$0x1E400] =	vst v63  }
0x62: {  	s15 =	sshrl.u32 @!p0 s20, $0x3;
	p1 =	por p0, !p1;
	s17 =	sadd.s32 $0x2, s16  }
.Ltmp2:
0x63: {  	s13 =	simm.s32 @!p0 $0x0;
	s18 =	sand.u32 @!p0 $0x2, s17;
	(pc) =	sbr.rel @!p1 .LBB2_4-.Ltmp2, $4  }
0x64: {  	s15 =	sadd.s32 @!p0 s5, s15;
	s7 =	sadd.s32 @!p0 $0x3, s18;
	s18 =	sshll.u32 @!p0 s18, $0x8  }
0x65: {  	[tilespmem:s18], [sflag:s7] =	stream.linear.gather @!p0 [hbm4b:s15+s13], $0x50, $0x38;
	[tilespmem:$0x1E400] =	vst v63  }
0x66: {  	s15 =	sor.u32 @!p0 $0x80, s18;
	s18 =	sadd.s32 @!p0 $0x1, s16  }
0x67: {  	[tilespmem:s15], [sflag:s7] =	stream.linear.gather @!p0 [hbm4b:s21+s13], $0x50, $0x38;
	[tilespmem:$0x1E400] =	vst v63  }
0x68: {  	_ =	swait.ge [sflag:s8], $0x2800  }
0x69: {  	[sflag:s8] =	ssyncset.done $0x0  }
0x6a: {  	[sflag:s8] =	ssyncadd.s32 $0xFFFFD800  }
0x6b: {  	_ =	swait.ge [sflag:s8], $0x2800  }
0x6c: {  	[sflag:s8] =	ssyncset.done $0x0  }
0x6d: {  	s18 =	simm.s32 @p0 $0x3D;
	[sflag:s8] =	ssyncadd.s32 $0xFFFFD800  }
.LBB2_4:
0x6e: {  	s7 =	smul.u32 $0xA0, s18;
	_ =	sdelay $0x1  }
0x6f: {  	s7 =	sadd.s32 s6, s7  }
0x70: {  	s7 =	sshll.u32 s7, $0x4  }
0x71: {  	s7 =	sadd.s32 s2, s7  }
0x72: {  	[tilespmem:s1], [sflag:$0x2] =	stream.linear.gather [hbm4b:s7+s4], $0x5000, $0x38;
	[tilespmem:$0x1E400] =	vst v63  }
0x73: {  	_ =	swait.ge [sflag:s24], $0x5000  }
0x74: {  	s18 =	sand.u32 $0x3, s18;
	[sflag:s24] =	ssyncset.done $0x0  }
0x75: {  	s13 =	sadd.s32 $0x3, s18;
	[sflag:s24] =	ssyncadd.s32 $0xFFFFB000  }
0x76: {  	_ =	swait.ge [sflag:s13], $0x50  }
0x77: {  	[sflag:s13] =	ssyncset.done $0x0  }
0x78: {  	[sflag:s13] =	ssyncadd.s32 $0xFFFFFFB0  }
0x79: {  	_ =	swait.ge [sflag:s13], $0x50  }
.Ltmp3:
0x7a: {  	[sflag:s13] =	ssyncset.done $0x0;
	(pc) =	sbr.rel @p0 .LBB2_6-.Ltmp3, $4  }
0x7b: {  	s7 =	sshll.u32 s18, $0x8;
	[sflag:s13] =	ssyncadd.s32 $0xFFFFFFB0  }
0x7c: {  	[spmem:s3] =	stream.indirect.scatter.add.f32 [tilespmem:s1], [sflag:$0x8], $0x80, s7, s31, $0xb8;
	[tilespmem:$0x1E400] =	vst v63  }
0x7d: {  	s7 =	sor.u32 $0x80, s7  }
0x7e: {  	[spmem:s3] =	stream.indirect.scatter.add.f32 [tilespmem:s25], [sflag:$0x8], $0x80, s7, s31, $0xb8;
	[tilespmem:$0x1E400] =	vst v63  }
0x7f: {  	s7 =	sadd.s32 $0xFFFFFFFF, s16  }
0x80: {  	s7 =	sand.u32 $0x3, s7  }
0x81: {  	s13 =	sadd.s32 $0x3, s7;
	s7 =	sshll.u32 s7, $0x8  }
0x82: {  	[tilespmem:s7], [sflag:s13] =	stream.linear.gather [hbm4b:s22+s4], $0x50, $0x38;
	[tilespmem:$0x1E400] =	vst v63  }
0x83: {  	s7 =	sor.u32 $0x80, s7  }
0x84: {  	[tilespmem:s7], [sflag:s13] =	stream.linear.gather [hbm4b:s23+s4], $0x50, $0x38;
	[tilespmem:$0x1E400] =	vst v63  }
0x85: {  	_ =	swait.ge [sflag:s26], $0x2800  }
0x86: {  	[sflag:s26] =	ssyncset.done $0x0  }
0x87: {  	[sflag:s26] =	ssyncadd.s32 $0xFFFFD800  }
.Ltmp4:
0x88: {  	_ =	swait.ge [sflag:s26], $0x2800;
	(pc) =	sbr.rel .LBB2_2-.Ltmp4, $4  }
0x89: {  	s20 =	sadd.s32 $0x140, s20;
	[sflag:s26] =	ssyncset.done $0x0  }
0x8a: {  	s21 =	sadd.s32 $0x28, s21;
	s16 =	smov.u32 s17;
	[sflag:s26] =	ssyncadd.s32 $0xFFFFD800  }
0x8b: {  	[tilespmem:s28], [sflag:$0x1] =	stream.linear.gather [hbm4b:s19+s4], $0x5000, $0x38;
	[tilespmem:$0x1E400] =	vst v63  }
0x8c: {  	s22 =	sadd.s32 $0x28, s22;
	s23 =	sadd.s32 $0x28, s23;
	s19 =	sadd.s32 $0x1400, s19  }
.LBB2_7:
0x8d: {  	_ =	sfence.sel $0x180000  }
0x8e: {  	[bflag:$0x0] =	sbarrier.arrive $0xFFFF  }
0x8f: {  	_ =	strace $0x9000004A  }
0x90: {  	s0 =	stileid.u32;
	[bflag:$0x2] =	sbarrier.arrive $0xFFFF  }
0x91: {  	p0 =	sne.s32 s0, $0x0;
	s0 =	rddreg [dreg:$0x3]  }
0x92: {  	s0 =	sadd.s32 @!p0 $0x100000, s0  }
0x93: {  	[sflag:s0] =	ssyncadd.tile.s32 @!p0 $0x1;
	_ =	shalt  }
.Lfunc_end2:
_tile_overlayer_lowered:
.L_overlay_start_2:
0x94: {  	(tag) =	ssettag $0x2  }
0x95: {  	s0 =	rddreg [dreg:$0x0];
	s2 =	stileid.u32  }
0x96: {  	s1 =	rddreg [dreg:$0x1];
	p0 =	sne.s32 s2, $0x0  }
0x97: {  	s3 =	rddreg [dreg:$0x2];
	[bflag:$0x3] =	sbarrier.arrive $0xFFFF;
	s2 =	simm.s32 @!p0 $0x1C09  }
0x98: {  	[timem:s3], [sflag:s2] =	dma.local @!p0 [hbm:s0], s1  }
0x99: {  	s0 =	simm.s32 @!p0 $0x9  }
0x9a: {  	_ =	swait.ge @!p0 [sflag:s0], s1  }
0x9b: {  	s1 =	ssub.s32 @!p0 $0x0, s1;
	[sflag:s0] =	ssyncset.done @!p0 $0x0  }
0x9c: {  	[sflag:s0] =	ssyncadd.s32 @!p0 s1  }
0x9d: {  	[bflag:$0x3] =	sbarrier.arrive $0xFFFF  }
0x9e: {  	_ =	shalt  }

</sc_bundles>
